<compile_context>
chip_gen: v7x
topology: tpu7x:2x2x1
jax: 0.10.2.dev20260603
libtpu: 0.0.44.dev20260713+nightly
codegen_flags: <defaults>
</compile_context>

<pallas_src>
import functools

import jax
import jax.numpy as jnp
from jax import lax
from jax.experimental import pallas as pl
from jax.experimental.pallas import tpu as pltpu
from jax.experimental.pallas import tpu_sc as plsc

L = 16
NW = 32
NIN = 3
NOUT = 2


def _sc_spike(dv, bins, table, *, chunk):
    n, ssize = dv.shape
    nbins = table.shape[0]
    groups = ssize // L
    nchunks = n // chunk
    step = NIN * NOUT
    niter = -(-nchunks // NW)
    niter = -(-niter // step) * step
    mesh = plsc.VectorSubcoreMesh(core_axis_name="c", subcore_axis_name="s")

    @functools.partial(
        pl.kernel,
        mesh=mesh,
        out_type=jax.ShapeDtypeStruct((n, ssize), jnp.float32),
        compiler_params=pltpu.CompilerParams(
            needs_layout_passes=False,
            disable_bounds_checks=True,
        ),
        scratch_types=(
            [pltpu.VMEM((chunk, ssize), jnp.float32)] * NIN
            + [pltpu.VMEM((chunk,), jnp.int32)] * NIN
            + [pltpu.VMEM((chunk, ssize), jnp.float32)] * NOUT
            + [pltpu.VMEM((nbins, ssize), jnp.float32)]
            + [pltpu.SemaphoreType.DMA] * (NIN + NOUT + 1)
        ),
    )
    def run(dv_hbm, bin_hbm, table_hbm, out_hbm, *bufs):
        dv_bufs = bufs[:NIN]
        idx_bufs = bufs[NIN:2 * NIN]
        out_bufs = bufs[2 * NIN:2 * NIN + NOUT]
        tab_v = bufs[2 * NIN + NOUT]
        sin = bufs[2 * NIN + NOUT + 1:2 * NIN + NOUT + 1 + NIN]
        sout = bufs[2 * NIN + NOUT + 1 + NIN:2 * NIN + NOUT + 1 + NIN + NOUT]
        stab = bufs[-1]

        wid = lax.axis_index("s") * 2 + lax.axis_index("c")
        tab_copy = pltpu.make_async_copy(table_hbm, tab_v, stab)
        tab_copy.start()

        def in_copies(c, b):
            base = c * chunk
            return (
                pltpu.make_async_copy(
                    dv_hbm.at[pl.ds(base, chunk)], dv_bufs[b], sin[b]),
                pltpu.make_async_copy(
                    bin_hbm.at[pl.ds(base, chunk)], idx_bufs[b], sin[b]),
            )

        def out_copy(c, b):
            return pltpu.make_async_copy(
                out_bufs[b], out_hbm.at[pl.ds(c * chunk, chunk)], sout[b])

        def start_in(c, b):
            for cp in in_copies(c, b):
                cp.start()

        for t in range(NIN):
            c0 = wid + t * NW

            @pl.when(c0 < nchunks)
            def _():
                start_in(c0, t)

        tab_copy.wait()

        def body(tb, _):
            for j in range(step):
                t = tb * step + j
                ib = j % NIN
                ob = j % NOUT
                c = wid + t * NW

                @pl.when(jnp.logical_and(t >= NOUT, c - NOUT * NW < nchunks))
                def _():
                    out_copy(c - NOUT * NW, ob).wait()

                @pl.when(c < nchunks)
                def _():
                    dv_v, idx_v, out_v = dv_bufs[ib], idx_bufs[ib], out_bufs[ob]
                    for cp in in_copies(c, ib):
                        cp.wait()

                    @plsc.parallel_loop(0, chunk, unroll=4)
                    def _(r):
                        rsplat = jnp.full((L,), r, jnp.int32)
                        binv = plsc.load_gather(idx_v, [rsplat])
                        for g in range(groups):
                            col = lax.iota(jnp.int32, 16) + g * L
                            th = plsc.load_gather(tab_v, [binv, col])
                            x = dv_v[r, pl.ds(g * L, L)]
                            out_v[r, pl.ds(g * L, L)] = jnp.where(
                                x > th, 1.0, 0.0
                            ).astype(jnp.float32)

                    out_copy(c, ob).start()

                    @pl.when(c + NIN * NW < nchunks)
                    def _():
                        start_in(c + NIN * NW, ib)

            return 0

        lax.fori_loop(0, niter // step, body, 0)

        for dt in range(NOUT):
            t = niter - NOUT + dt
            c = wid + t * NW

            @pl.when(c < nchunks)
            def _():
                out_copy(c, t % NOUT).wait()

    return run(dv, bins, table)


def kernel(dv, binned_degree, v_threshold, tau):
    table = (v_threshold * tau).astype(jnp.float32)
    bins = binned_degree.astype(jnp.int32)
    return _sc_spike(dv, bins, table, chunk=160)

# --- scband reference (transcript-rebuilt; emitter-appended) ---
"""Pipeline reference for scband-base-neuron-degree-feat-31026843747084 (READ-ONLY COPY).

The authoritative reference and input builder live on the scoring server;
editing this copy changes nothing except your own understanding.
"""

import jax, jax.numpy as jnp
import numpy as np

ALPHA = 1.0

@jax.custom_vjp
def spike_fn(x):
    # Heaviside forward (SigmoidSpike.forward: x.gt(0).float())
    return (x > 0).astype(jnp.float32)

def _spike_fwd(x):
    return spike_fn(x), x

def _spike_bwd(x, g):
    # SigmoidSpike.backward: sg = (1 - sigmoid(x*alpha)) * sigmoid(x*alpha) * alpha
    s = jax.nn.sigmoid(x * ALPHA)
    return (g * (1.0 - s) * s * ALPHA,)

spike_fn.defvjp(_spike_fwd, _spike_bwd)

N = 100000
SSIZE = 128
BINS = 20

def setup_inputs(seed: int = 0) -> dict:
    key = jax.random.key(seed)
    k1, k2 = jax.random.split(key)
    dv = jax.random.normal(k1, (N, SSIZE), dtype=jnp.float32)
    binned_degree = jax.random.randint(k2, (N,), 0, BINS, dtype=jnp.int64 if jax.config.jax_enable_x64 else jnp.int32)
    # learned parameters per __init__: v_threshold is [bins, ssize] filled with 0.25; tau is a scalar parameter
    v_threshold = jnp.full((BINS, SSIZE), 0.25, dtype=jnp.float32)
    tau = jnp.asarray(1.0, dtype=jnp.float32)
    return {"dv": dv, "binned_degree": binned_degree, "v_threshold": v_threshold, "tau": tau}

def reference(dv, binned_degree, v_threshold, tau):
    # time_step == 0, self.v starts at 0.0 after reset(), v_reset = 0.0:
    # v = 0 + (dv - (0 - 0)) / tau = dv / tau
    v = dv / tau
    # per-degree-bin thresholding: the torch loop over unique bins with boolean masks
    # is equivalent to a row gather of the per-bin threshold table
    thresh = jnp.take(v_threshold, binned_degree, axis=0)  # [N, SSIZE]
    spike = spike_fn(v - thresh)
    # (state updates to self.v and self.v_th are side effects under no_grad; forward returns spike)
    return spike

if __name__ == "__main__":
    import jax
    _d = setup_inputs()
    print(jax.jit(kernel)(*tuple(_d.values())))

</pallas_src>

<mosaic_0001>
#map = affine_map<(d0, d1) -> (0, 0)>
#map1 = affine_map<(d0, d1) -> (0)>
module attributes {stable_mosaic.version = 14 : i64} {
  func.func @run(%arg0: i32, %arg1: i32, %arg2: memref<100000x128xf32, #tpu.memory_space<hbm>>, %arg3: memref<100000xi32, #tpu.memory_space<hbm>>, %arg4: memref<20x128xf32, #tpu.memory_space<hbm>>, %arg5: memref<100000x128xf32, #tpu.memory_space<hbm>>, %arg6: memref<160x128xf32, #tpu.memory_space<vmem>>, %arg7: memref<160x128xf32, #tpu.memory_space<vmem>>, %arg8: memref<160x128xf32, #tpu.memory_space<vmem>>, %arg9: memref<160xi32, #tpu.memory_space<vmem>>, %arg10: memref<160xi32, #tpu.memory_space<vmem>>, %arg11: memref<160xi32, #tpu.memory_space<vmem>>, %arg12: memref<160x128xf32, #tpu.memory_space<vmem>>, %arg13: memref<160x128xf32, #tpu.memory_space<vmem>>, %arg14: memref<20x128xf32, #tpu.memory_space<vmem>>, %arg15: memref<!tpu.dma_semaphore, #tpu.memory_space<semaphore_mem>>, %arg16: memref<!tpu.dma_semaphore, #tpu.memory_space<semaphore_mem>>, %arg17: memref<!tpu.dma_semaphore, #tpu.memory_space<semaphore_mem>>, %arg18: memref<!tpu.dma_semaphore, #tpu.memory_space<semaphore_mem>>, %arg19: memref<!tpu.dma_semaphore, #tpu.memory_space<semaphore_mem>>, %arg20: memref<!tpu.dma_semaphore, #tpu.memory_space<semaphore_mem>>) attributes {dimension_semantics = [#tpu.dimension_semantics<core_parallel>, #tpu.dimension_semantics<subcore_parallel>], iteration_bounds = array<i64: 2, 16>, scalar_prefetch = 0 : i64, scratch_operands = 15 : i64, tpu.core_type = #tpu.core_type<sc_vector_subcore>, window_params = [{transform_indices = #map}, {transform_indices = #map1}, {transform_indices = #map}, {transform_indices = #map}]} {
    %mul3A = arith.constant 2 : i32
    %mul3A_0 = arith.muli %arg1, %mul3A : i32
    %add3A = arith.addi %mul3A_0, %arg0 : i32
    tpu.enqueue_dma source(%arg4 : memref<20x128xf32, #tpu.memory_space<hbm>>) target(%arg14 : memref<20x128xf32, #tpu.memory_space<vmem>>) target_semaphore(%arg20 : memref<!tpu.dma_semaphore, #tpu.memory_space<semaphore_mem>>)
    %add3A_1 = arith.constant 0 : i32
    %add3A_2 = arith.addi %add3A, %add3A_1 : i32
    %lt3A = arith.constant 625 : i32
    %lt3A_3 = arith.cmpi slt, %add3A_2, %lt3A : i32
    %convert_element_type3A = arith.extui %lt3A_3 : i1 to i32
    %cond3A = arith.constant 0 : i32
    %cond3A_4 = arith.cmpi ne, %convert_element_type3A, %cond3A : i32
    scf.if %cond3A_4 {
      %mul3A_39 = arith.constant 160 : i32
      %mul3A_40 = arith.muli %add3A_2, %mul3A_39 : i32
      %dma_start3A = arith.constant 0 : i32
      %dma_start3A_41 = tpu.memref_slice %arg2[%mul3A_40, %dma_start3A] : memref<100000x128xf32, #tpu.memory_space<hbm>> -> memref<160x128xf32, #tpu.memory_space<hbm>>
      %dma_start3A_42 = arith.constant 0 : i32
      %dma_start3A_43 = tpu.memref_slice %arg2[%mul3A_40, %dma_start3A_42] : memref<100000x128xf32, #tpu.memory_space<hbm>> -> memref<160x128xf32, #tpu.memory_space<hbm>>
      tpu.enqueue_dma source(%dma_start3A_43 : memref<160x128xf32, #tpu.memory_space<hbm>>) target(%arg6 : memref<160x128xf32, #tpu.memory_space<vmem>>) target_semaphore(%arg15 : memref<!tpu.dma_semaphore, #tpu.memory_space<semaphore_mem>>)
      %dma_start3A_44 = tpu.memref_slice %arg3[%mul3A_40] : memref<100000xi32, #tpu.memory_space<hbm>> -> memref<160xi32, #tpu.memory_space<hbm>>
      %dma_start3A_45 = tpu.memref_slice %arg3[%mul3A_40] : memref<100000xi32, #tpu.memory_space<hbm>> -> memref<160xi32, #tpu.memory_space<hbm>>
      tpu.enqueue_dma source(%dma_start3A_45 : memref<160xi32, #tpu.memory_space<hbm>>) target(%arg9 : memref<160xi32, #tpu.memory_space<vmem>>) target_semaphore(%arg15 : memref<!tpu.dma_semaphore, #tpu.memory_space<semaphore_mem>>)
    } else {
    }
    %add3A_5 = arith.constant 32 : i32
    %add3A_6 = arith.addi %add3A, %add3A_5 : i32
    %lt3A_7 = arith.constant 625 : i32
    %lt3A_8 = arith.cmpi slt, %add3A_6, %lt3A_7 : i32
    %convert_element_type3A_9 = arith.extui %lt3A_8 : i1 to i32
    %cond3A_10 = arith.constant 0 : i32
    %cond3A_11 = arith.cmpi ne, %convert_element_type3A_9, %cond3A_10 : i32
    scf.if %cond3A_11 {
      %mul3A_39 = arith.constant 160 : i32
      %mul3A_40 = arith.muli %add3A_6, %mul3A_39 : i32
      %dma_start3A = arith.constant 0 : i32
      %dma_start3A_41 = tpu.memref_slice %arg2[%mul3A_40, %dma_start3A] : memref<100000x128xf32, #tpu.memory_space<hbm>> -> memref<160x128xf32, #tpu.memory_space<hbm>>
      %dma_start3A_42 = arith.constant 0 : i32
      %dma_start3A_43 = tpu.memref_slice %arg2[%mul3A_40, %dma_start3A_42] : memref<100000x128xf32, #tpu.memory_space<hbm>> -> memref<160x128xf32, #tpu.memory_space<hbm>>
      tpu.enqueue_dma source(%dma_start3A_43 : memref<160x128xf32, #tpu.memory_space<hbm>>) target(%arg7 : memref<160x128xf32, #tpu.memory_space<vmem>>) target_semaphore(%arg16 : memref<!tpu.dma_semaphore, #tpu.memory_space<semaphore_mem>>)
      %dma_start3A_44 = tpu.memref_slice %arg3[%mul3A_40] : memref<100000xi32, #tpu.memory_space<hbm>> -> memref<160xi32, #tpu.memory_space<hbm>>
      %dma_start3A_45 = tpu.memref_slice %arg3[%mul3A_40] : memref<100000xi32, #tpu.memory_space<hbm>> -> memref<160xi32, #tpu.memory_space<hbm>>
      tpu.enqueue_dma source(%dma_start3A_45 : memref<160xi32, #tpu.memory_space<hbm>>) target(%arg10 : memref<160xi32, #tpu.memory_space<vmem>>) target_semaphore(%arg16 : memref<!tpu.dma_semaphore, #tpu.memory_space<semaphore_mem>>)
    } else {
    }
    %add3A_12 = arith.constant 64 : i32
    %add3A_13 = arith.addi %add3A, %add3A_12 : i32
    %lt3A_14 = arith.constant 625 : i32
    %lt3A_15 = arith.cmpi slt, %add3A_13, %lt3A_14 : i32
    %convert_element_type3A_16 = arith.extui %lt3A_15 : i1 to i32
    %cond3A_17 = arith.constant 0 : i32
    %cond3A_18 = arith.cmpi ne, %convert_element_type3A_16, %cond3A_17 : i32
    scf.if %cond3A_18 {
      %mul3A_39 = arith.constant 160 : i32
      %mul3A_40 = arith.muli %add3A_13, %mul3A_39 : i32
      %dma_start3A = arith.constant 0 : i32
      %dma_start3A_41 = tpu.memref_slice %arg2[%mul3A_40, %dma_start3A] : memref<100000x128xf32, #tpu.memory_space<hbm>> -> memref<160x128xf32, #tpu.memory_space<hbm>>
      %dma_start3A_42 = arith.constant 0 : i32
      %dma_start3A_43 = tpu.memref_slice %arg2[%mul3A_40, %dma_start3A_42] : memref<100000x128xf32, #tpu.memory_space<hbm>> -> memref<160x128xf32, #tpu.memory_space<hbm>>
      tpu.enqueue_dma source(%dma_start3A_43 : memref<160x128xf32, #tpu.memory_space<hbm>>) target(%arg8 : memref<160x128xf32, #tpu.memory_space<vmem>>) target_semaphore(%arg17 : memref<!tpu.dma_semaphore, #tpu.memory_space<semaphore_mem>>)
      %dma_start3A_44 = tpu.memref_slice %arg3[%mul3A_40] : memref<100000xi32, #tpu.memory_space<hbm>> -> memref<160xi32, #tpu.memory_space<hbm>>
      %dma_start3A_45 = tpu.memref_slice %arg3[%mul3A_40] : memref<100000xi32, #tpu.memory_space<hbm>> -> memref<160xi32, #tpu.memory_space<hbm>>
      tpu.enqueue_dma source(%dma_start3A_45 : memref<160xi32, #tpu.memory_space<hbm>>) target(%arg11 : memref<160xi32, #tpu.memory_space<vmem>>) target_semaphore(%arg17 : memref<!tpu.dma_semaphore, #tpu.memory_space<semaphore_mem>>)
    } else {
    }
    tpu.wait_dma2 semaphore(%arg20 : memref<!tpu.dma_semaphore, #tpu.memory_space<semaphore_mem>>) src(%arg4 : memref<20x128xf32, #tpu.memory_space<hbm>>) dst(%arg14 : memref<20x128xf32, #tpu.memory_space<vmem>>)
    %scan3A = arith.constant 0 : i32
    %scan3A_19 = arith.constant 0 : i32
    %scan3A_20 = arith.constant 4 : i32
    %scan3A_21 = arith.addi %scan3A_19, %scan3A_20 : i32
    %scan3A_22 = arith.constant 1 : i32
    %scan3A_23 = scf.for %scan3A_39 = %scan3A_19 to %scan3A_21 step %scan3A_22 iter_args(%scan3A_40 = %scan3A) -> (i32)  : i32 {
      %mul3A_41 = arith.constant 6 : i32
      %mul3A_42 = arith.muli %scan3A_39, %mul3A_41 : i32
      %add3A_43 = arith.constant 0 : i32
      %add3A_44 = arith.addi %mul3A_42, %add3A_43 : i32
      %mul3A_45 = arith.constant 32 : i32
      %mul3A_46 = arith.muli %add3A_44, %mul3A_45 : i32
      %add3A_47 = arith.addi %add3A, %mul3A_46 : i32
      %ge3A = arith.constant 2 : i32
      %ge3A_48 = arith.cmpi sge, %add3A_44, %ge3A : i32
      %sub3A = arith.constant 64 : i32
      %sub3A_49 = arith.subi %add3A_47, %sub3A : i32
      %lt3A_50 = arith.constant 625 : i32
      %lt3A_51 = arith.cmpi slt, %sub3A_49, %lt3A_50 : i32
      %and3A = arith.andi %ge3A_48, %lt3A_51 : i1
      %convert_element_type3A_52 = arith.extui %and3A : i1 to i32
      %cond3A_53 = arith.constant 0 : i32
      %cond3A_54 = arith.cmpi ne, %convert_element_type3A_52, %cond3A_53 : i32
      scf.if %cond3A_54 {
        %sub3A_171 = arith.constant 64 : i32
        %sub3A_172 = arith.subi %add3A_47, %sub3A_171 : i32
        %mul3A_173 = arith.constant 160 : i32
        %mul3A_174 = arith.muli %sub3A_172, %mul3A_173 : i32
        %dma_wait3A = arith.constant 0 : i32
        %dma_wait3A_175 = tpu.memref_slice %arg5[%mul3A_174, %dma_wait3A] : memref<100000x128xf32, #tpu.memory_space<hbm>> -> memref<160x128xf32, #tpu.memory_space<hbm>>
        %dma_wait3A_176 = arith.constant 0 : i32
        %dma_wait3A_177 = tpu.memref_slice %arg5[%mul3A_174, %dma_wait3A_176] : memref<100000x128xf32, #tpu.memory_space<hbm>> -> memref<160x128xf32, #tpu.memory_space<hbm>>
        tpu.wait_dma2 semaphore(%arg18 : memref<!tpu.dma_semaphore, #tpu.memory_space<semaphore_mem>>) src(%arg12 : memref<160x128xf32, #tpu.memory_space<vmem>>) dst(%dma_wait3A_177 : memref<160x128xf32, #tpu.memory_space<hbm>>)
      } else {
      }
      %lt3A_55 = arith.constant 625 : i32
      %lt3A_56 = arith.cmpi slt, %add3A_47, %lt3A_55 : i32
      %convert_element_type3A_57 = arith.extui %lt3A_56 : i1 to i32
      %cond3A_58 = arith.constant 0 : i32
      %cond3A_59 = arith.cmpi ne, %convert_element_type3A_57, %cond3A_58 : i32
      scf.if %cond3A_59 {
        %mul3A_171 = arith.constant 160 : i32
        %mul3A_172 = arith.muli %add3A_47, %mul3A_171 : i32
        %dma_wait3A = arith.constant 0 : i32
        %dma_wait3A_173 = tpu.memref_slice %arg2[%mul3A_172, %dma_wait3A] : memref<100000x128xf32, #tpu.memory_space<hbm>> -> memref<160x128xf32, #tpu.memory_space<hbm>>
        %dma_wait3A_174 = arith.constant 0 : i32
        %dma_wait3A_175 = tpu.memref_slice %arg2[%mul3A_172, %dma_wait3A_174] : memref<100000x128xf32, #tpu.memory_space<hbm>> -> memref<160x128xf32, #tpu.memory_space<hbm>>
        tpu.wait_dma2 semaphore(%arg15 : memref<!tpu.dma_semaphore, #tpu.memory_space<semaphore_mem>>) src(%dma_wait3A_175 : memref<160x128xf32, #tpu.memory_space<hbm>>) dst(%arg6 : memref<160x128xf32, #tpu.memory_space<vmem>>)
        %dma_wait3A_176 = tpu.memref_slice %arg3[%mul3A_172] : memref<100000xi32, #tpu.memory_space<hbm>> -> memref<160xi32, #tpu.memory_space<hbm>>
        %dma_wait3A_177 = tpu.memref_slice %arg3[%mul3A_172] : memref<100000xi32, #tpu.memory_space<hbm>> -> memref<160xi32, #tpu.memory_space<hbm>>
        tpu.wait_dma2 semaphore(%arg15 : memref<!tpu.dma_semaphore, #tpu.memory_space<semaphore_mem>>) src(%dma_wait3A_177 : memref<160xi32, #tpu.memory_space<hbm>>) dst(%arg9 : memref<160xi32, #tpu.memory_space<vmem>>)
        %parallel_loop3A = arith.constant 0 : i32
        %parallel_loop3A_178 = arith.constant 160 : i32
        %parallel_loop3A_179 = arith.constant 1 : i32
        scf.for %parallel_loop3A_192 = %parallel_loop3A to %parallel_loop3A_178 step %parallel_loop3A_179  : i32 {
          %parallel_loop3A_193 = vector.broadcast %parallel_loop3A_192 : i32 to vector<16xi32>
          %parallel_loop3A_194 = tpu.vector_load_idx %arg9[%parallel_loop3A_193] : memref<160xi32, #tpu.memory_space<vmem>>[vector<16xi32>], vector<16xi32>,
          %parallel_loop3A_195 = tpu.iota {dimensions = array<i32: 0>} : vector<16xi32>
          %parallel_loop3A_196 = arith.constant 0 : i32
          %parallel_loop3A_197 = vector.broadcast %parallel_loop3A_196 : i32 to vector<16xi32>
          %parallel_loop3A_198 = arith.addi %parallel_loop3A_195, %parallel_loop3A_197 : vector<16xi32>
          %parallel_loop3A_199 = tpu.vector_load_idx %arg14[%parallel_loop3A_194, %parallel_loop3A_198] : memref<20x128xf32, #tpu.memory_space<vmem>>[vector<16xi32>, vector<16xi32>], vector<16xf32>,
          %parallel_loop3A_200 = arith.index_cast %parallel_loop3A_192 : i32 to index
          %parallel_loop3A_201 = arith.constant 0 : index
          %parallel_loop3A_202 = tpu.vector_load %arg6[%parallel_loop3A_200, %parallel_loop3A_201] {strides = array<i32>} : memref<160x128xf32, #tpu.memory_space<vmem>>, vector<16xf32>,
          %parallel_loop3A_203 = arith.cmpf ogt, %parallel_loop3A_202, %parallel_loop3A_199 : vector<16xf32>
          %parallel_loop3A_204 = arith.constant 1.000000e+00 : f32
          %parallel_loop3A_205 = arith.constant 0.000000e+00 : f32
          %parallel_loop3A_206 = vector.broadcast %parallel_loop3A_204 : f32 to vector<16xf32>
          %parallel_loop3A_207 = vector.broadcast %parallel_loop3A_205 : f32 to vector<16xf32>
          %parallel_loop3A_208 = arith.select %parallel_loop3A_203, %parallel_loop3A_206, %parallel_loop3A_207 : vector<16xi1>, vector<16xf32>
          %parallel_loop3A_209 = arith.index_cast %parallel_loop3A_192 : i32 to index
          %parallel_loop3A_210 = arith.constant 0 : index
          %parallel_loop3A_211 = tpu.vector_load %arg12[%parallel_loop3A_209, %parallel_loop3A_210] {strides = array<i32>} : memref<160x128xf32, #tpu.memory_space<vmem>>, vector<16xf32>,
          tpu.vector_store %arg12[%parallel_loop3A_209, %parallel_loop3A_210], %parallel_loop3A_208 {strides = array<i32>} : memref<160x128xf32, #tpu.memory_space<vmem>>, vector<16xf32>,
          %parallel_loop3A_212 = tpu.iota {dimensions = array<i32: 0>} : vector<16xi32>
          %parallel_loop3A_213 = arith.constant 16 : i32
          %parallel_loop3A_214 = vector.broadcast %parallel_loop3A_213 : i32 to vector<16xi32>
          %parallel_loop3A_215 = arith.addi %parallel_loop3A_212, %parallel_loop3A_214 : vector<16xi32>
          %parallel_loop3A_216 = tpu.vector_load_idx %arg14[%parallel_loop3A_194, %parallel_loop3A_215] : memref<20x128xf32, #tpu.memory_space<vmem>>[vector<16xi32>, vector<16xi32>], vector<16xf32>,
          %parallel_loop3A_217 = arith.index_cast %parallel_loop3A_192 : i32 to index
          %parallel_loop3A_218 = arith.constant 16 : index
          %parallel_loop3A_219 = tpu.vector_load %arg6[%parallel_loop3A_217, %parallel_loop3A_218] {strides = array<i32>} : memref<160x128xf32, #tpu.memory_space<vmem>>, vector<16xf32>,
          %parallel_loop3A_220 = arith.cmpf ogt, %parallel_loop3A_219, %parallel_loop3A_216 : vector<16xf32>
          %parallel_loop3A_221 = arith.constant 1.000000e+00 : f32
          %parallel_loop3A_222 = arith.constant 0.000000e+00 : f32
          %parallel_loop3A_223 = vector.broadcast %parallel_loop3A_221 : f32 to vector<16xf32>
          %parallel_loop3A_224 = vector.broadcast %parallel_loop3A_222 : f32 to vector<16xf32>
          %parallel_loop3A_225 = arith.select %parallel_loop3A_220, %parallel_loop3A_223, %parallel_loop3A_224 : vector<16xi1>, vector<16xf32>
          %parallel_loop3A_226 = arith.index_cast %parallel_loop3A_192 : i32 to index
          %parallel_loop3A_227 = arith.constant 16 : index
          %parallel_loop3A_228 = tpu.vector_load %arg12[%parallel_loop3A_226, %parallel_loop3A_227] {strides = array<i32>} : memref<160x128xf32, #tpu.memory_space<vmem>>, vector<16xf32>,
          tpu.vector_store %arg12[%parallel_loop3A_226, %parallel_loop3A_227], %parallel_loop3A_225 {strides = array<i32>} : memref<160x128xf32, #tpu.memory_space<vmem>>, vector<16xf32>,
          %parallel_loop3A_229 = tpu.iota {dimensions = array<i32: 0>} : vector<16xi32>
          %parallel_loop3A_230 = arith.constant 32 : i32
          %parallel_loop3A_231 = vector.broadcast %parallel_loop3A_230 : i32 to vector<16xi32>
          %parallel_loop3A_232 = arith.addi %parallel_loop3A_229, %parallel_loop3A_231 : vector<16xi32>
          %parallel_loop3A_233 = tpu.vector_load_idx %arg14[%parallel_loop3A_194, %parallel_loop3A_232] : memref<20x128xf32, #tpu.memory_space<vmem>>[vector<16xi32>, vector<16xi32>], vector<16xf32>,
          %parallel_loop3A_234 = arith.index_cast %parallel_loop3A_192 : i32 to index
          %parallel_loop3A_235 = arith.constant 32 : index
          %parallel_loop3A_236 = tpu.vector_load %arg6[%parallel_loop3A_234, %parallel_loop3A_235] {strides = array<i32>} : memref<160x128xf32, #tpu.memory_space<vmem>>, vector<16xf32>,
          %parallel_loop3A_237 = arith.cmpf ogt, %parallel_loop3A_236, %parallel_loop3A_233 : vector<16xf32>
          %parallel_loop3A_238 = arith.constant 1.000000e+00 : f32
          %parallel_loop3A_239 = arith.constant 0.000000e+00 : f32
          %parallel_loop3A_240 = vector.broadcast %parallel_loop3A_238 : f32 to vector<16xf32>
          %parallel_loop3A_241 = vector.broadcast %parallel_loop3A_239 : f32 to vector<16xf32>
          %parallel_loop3A_242 = arith.select %parallel_loop3A_237, %parallel_loop3A_240, %parallel_loop3A_241 : vector<16xi1>, vector<16xf32>
          %parallel_loop3A_243 = arith.index_cast %parallel_loop3A_192 : i32 to index
          %parallel_loop3A_244 = arith.constant 32 : index
          %parallel_loop3A_245 = tpu.vector_load %arg12[%parallel_loop3A_243, %parallel_loop3A_244] {strides = array<i32>} : memref<160x128xf32, #tpu.memory_space<vmem>>, vector<16xf32>,
          tpu.vector_store %arg12[%parallel_loop3A_243, %parallel_loop3A_244], %parallel_loop3A_242 {strides = array<i32>} : memref<160x128xf32, #tpu.memory_space<vmem>>, vector<16xf32>,
          %parallel_loop3A_246 = tpu.iota {dimensions = array<i32: 0>} : vector<16xi32>
          %parallel_loop3A_247 = arith.constant 48 : i32
          %parallel_loop3A_248 = vector.broadcast %parallel_loop3A_247 : i32 to vector<16xi32>
          %parallel_loop3A_249 = arith.addi %parallel_loop3A_246, %parallel_loop3A_248 : vector<16xi32>
          %parallel_loop3A_250 = tpu.vector_load_idx %arg14[%parallel_loop3A_194, %parallel_loop3A_249] : memref<20x128xf32, #tpu.memory_space<vmem>>[vector<16xi32>, vector<16xi32>], vector<16xf32>,
          %parallel_loop3A_251 = arith.index_cast %parallel_loop3A_192 : i32 to index
          %parallel_loop3A_252 = arith.constant 48 : index
          %parallel_loop3A_253 = tpu.vector_load %arg6[%parallel_loop3A_251, %parallel_loop3A_252] {strides = array<i32>} : memref<160x128xf32, #tpu.memory_space<vmem>>, vector<16xf32>,
          %parallel_loop3A_254 = arith.cmpf ogt, %parallel_loop3A_253, %parallel_loop3A_250 : vector<16xf32>
          %parallel_loop3A_255 = arith.constant 1.000000e+00 : f32
          %parallel_loop3A_256 = arith.constant 0.000000e+00 : f32
          %parallel_loop3A_257 = vector.broadcast %parallel_loop3A_255 : f32 to vector<16xf32>
          %parallel_loop3A_258 = vector.broadcast %parallel_loop3A_256 : f32 to vector<16xf32>
          %parallel_loop3A_259 = arith.select %parallel_loop3A_254, %parallel_loop3A_257, %parallel_loop3A_258 : vector<16xi1>, vector<16xf32>
          %parallel_loop3A_260 = arith.index_cast %parallel_loop3A_192 : i32 to index
          %parallel_loop3A_261 = arith.constant 48 : index
          %parallel_loop3A_262 = tpu.vector_load %arg12[%parallel_loop3A_260, %parallel_loop3A_261] {strides = array<i32>} : memref<160x128xf32, #tpu.memory_space<vmem>>, vector<16xf32>,
          tpu.vector_store %arg12[%parallel_loop3A_260, %parallel_loop3A_261], %parallel_loop3A_259 {strides = array<i32>} : memref<160x128xf32, #tpu.memory_space<vmem>>, vector<16xf32>,
          %parallel_loop3A_263 = tpu.iota {dimensions = array<i32: 0>} : vector<16xi32>
          %parallel_loop3A_264 = arith.constant 64 : i32
          %parallel_loop3A_265 = vector.broadcast %parallel_loop3A_264 : i32 to vector<16xi32>
          %parallel_loop3A_266 = arith.addi %parallel_loop3A_263, %parallel_loop3A_265 : vector<16xi32>
          %parallel_loop3A_267 = tpu.vector_load_idx %arg14[%parallel_loop3A_194, %parallel_loop3A_266] : memref<20x128xf32, #tpu.memory_space<vmem>>[vector<16xi32>, vector<16xi32>], vector<16xf32>,
          %parallel_loop3A_268 = arith.index_cast %parallel_loop3A_192 : i32 to index
          %parallel_loop3A_269 = arith.constant 64 : index
          %parallel_loop3A_270 = tpu.vector_load %arg6[%parallel_loop3A_268, %parallel_loop3A_269] {strides = array<i32>} : memref<160x128xf32, #tpu.memory_space<vmem>>, vector<16xf32>,
          %parallel_loop3A_271 = arith.cmpf ogt, %parallel_loop3A_270, %parallel_loop3A_267 : vector<16xf32>
          %parallel_loop3A_272 = arith.constant 1.000000e+00 : f32
          %parallel_loop3A_273 = arith.constant 0.000000e+00 : f32
          %parallel_loop3A_274 = vector.broadcast %parallel_loop3A_272 : f32 to vector<16xf32>
          %parallel_loop3A_275 = vector.broadcast %parallel_loop3A_273 : f32 to vector<16xf32>
          %parallel_loop3A_276 = arith.select %parallel_loop3A_271, %parallel_loop3A_274, %parallel_loop3A_275 : vector<16xi1>, vector<16xf32>
          %parallel_loop3A_277 = arith.index_cast %parallel_loop3A_192 : i32 to index
          %parallel_loop3A_278 = arith.constant 64 : index
          %parallel_loop3A_279 = tpu.vector_load %arg12[%parallel_loop3A_277, %parallel_loop3A_278] {strides = array<i32>} : memref<160x128xf32, #tpu.memory_space<vmem>>, vector<16xf32>,
          tpu.vector_store %arg12[%parallel_loop3A_277, %parallel_loop3A_278], %parallel_loop3A_276 {strides = array<i32>} : memref<160x128xf32, #tpu.memory_space<vmem>>, vector<16xf32>,
          %parallel_loop3A_280 = tpu.iota {dimensions = array<i32: 0>} : vector<16xi32>
          %parallel_loop3A_281 = arith.constant 80 : i32
          %parallel_loop3A_282 = vector.broadcast %parallel_loop3A_281 : i32 to vector<16xi32>
          %parallel_loop3A_283 = arith.addi %parallel_loop3A_280, %parallel_loop3A_282 : vector<16xi32>
          %parallel_loop3A_284 = tpu.vector_load_idx %arg14[%parallel_loop3A_194, %parallel_loop3A_283] : memref<20x128xf32, #tpu.memory_space<vmem>>[vector<16xi32>, vector<16xi32>], vector<16xf32>,
          %parallel_loop3A_285 = arith.index_cast %parallel_loop3A_192 : i32 to index
          %parallel_loop3A_286 = arith.constant 80 : index
          %parallel_loop3A_287 = tpu.vector_load %arg6[%parallel_loop3A_285, %parallel_loop3A_286] {strides = array<i32>} : memref<160x128xf32, #tpu.memory_space<vmem>>, vector<16xf32>,
          %parallel_loop3A_288 = arith.cmpf ogt, %parallel_loop3A_287, %parallel_loop3A_284 : vector<16xf32>
          %parallel_loop3A_289 = arith.constant 1.000000e+00 : f32
          %parallel_loop3A_290 = arith.constant 0.000000e+00 : f32
          %parallel_loop3A_291 = vector.broadcast %parallel_loop3A_289 : f32 to vector<16xf32>
          %parallel_loop3A_292 = vector.broadcast %parallel_loop3A_290 : f32 to vector<16xf32>
          %parallel_loop3A_293 = arith.select %parallel_loop3A_288, %parallel_loop3A_291, %parallel_loop3A_292 : vector<16xi1>, vector<16xf32>
          %parallel_loop3A_294 = arith.index_cast %parallel_loop3A_192 : i32 to index
          %parallel_loop3A_295 = arith.constant 80 : index
          %parallel_loop3A_296 = tpu.vector_load %arg12[%parallel_loop3A_294, %parallel_loop3A_295] {strides = array<i32>} : memref<160x128xf32, #tpu.memory_space<vmem>>, vector<16xf32>,
          tpu.vector_store %arg12[%parallel_loop3A_294, %parallel_loop3A_295], %parallel_loop3A_293 {strides = array<i32>} : memref<160x128xf32, #tpu.memory_space<vmem>>, vector<16xf32>,
          %parallel_loop3A_297 = tpu.iota {dimensions = array<i32: 0>} : vector<16xi32>
          %parallel_loop3A_298 = arith.constant 96 : i32
          %parallel_loop3A_299 = vector.broadcast %parallel_loop3A_298 : i32 to vector<16xi32>
          %parallel_loop3A_300 = arith.addi %parallel_loop3A_297, %parallel_loop3A_299 : vector<16xi32>
          %parallel_loop3A_301 = tpu.vector_load_idx %arg14[%parallel_loop3A_194, %parallel_loop3A_300] : memref<20x128xf32, #tpu.memory_space<vmem>>[vector<16xi32>, vector<16xi32>], vector<16xf32>,
          %parallel_loop3A_302 = arith.index_cast %parallel_loop3A_192 : i32 to index
          %parallel_loop3A_303 = arith.constant 96 : index
          %parallel_loop3A_304 = tpu.vector_load %arg6[%parallel_loop3A_302, %parallel_loop3A_303] {strides = array<i32>} : memref<160x128xf32, #tpu.memory_space<vmem>>, vector<16xf32>,
          %parallel_loop3A_305 = arith.cmpf ogt, %parallel_loop3A_304, %parallel_loop3A_301 : vector<16xf32>
          %parallel_loop3A_306 = arith.constant 1.000000e+00 : f32
          %parallel_loop3A_307 = arith.constant 0.000000e+00 : f32
          %parallel_loop3A_308 = vector.broadcast %parallel_loop3A_306 : f32 to vector<16xf32>
          %parallel_loop3A_309 = vector.broadcast %parallel_loop3A_307 : f32 to vector<16xf32>
          %parallel_loop3A_310 = arith.select %parallel_loop3A_305, %parallel_loop3A_308, %parallel_loop3A_309 : vector<16xi1>, vector<16xf32>
          %parallel_loop3A_311 = arith.index_cast %parallel_loop3A_192 : i32 to index
          %parallel_loop3A_312 = arith.constant 96 : index
          %parallel_loop3A_313 = tpu.vector_load %arg12[%parallel_loop3A_311, %parallel_loop3A_312] {strides = array<i32>} : memref<160x128xf32, #tpu.memory_space<vmem>>, vector<16xf32>,
          tpu.vector_store %arg12[%parallel_loop3A_311, %parallel_loop3A_312], %parallel_loop3A_310 {strides = array<i32>} : memref<160x128xf32, #tpu.memory_space<vmem>>, vector<16xf32>,
          %parallel_loop3A_314 = tpu.iota {dimensions = array<i32: 0>} : vector<16xi32>
          %parallel_loop3A_315 = arith.constant 112 : i32
          %parallel_loop3A_316 = vector.broadcast %parallel_loop3A_315 : i32 to vector<16xi32>
          %parallel_loop3A_317 = arith.addi %parallel_loop3A_314, %parallel_loop3A_316 : vector<16xi32>
          %parallel_loop3A_318 = tpu.vector_load_idx %arg14[%parallel_loop3A_194, %parallel_loop3A_317] : memref<20x128xf32, #tpu.memory_space<vmem>>[vector<16xi32>, vector<16xi32>], vector<16xf32>,
          %parallel_loop3A_319 = arith.index_cast %parallel_loop3A_192 : i32 to index
          %parallel_loop3A_320 = arith.constant 112 : index
          %parallel_loop3A_321 = tpu.vector_load %arg6[%parallel_loop3A_319, %parallel_loop3A_320] {strides = array<i32>} : memref<160x128xf32, #tpu.memory_space<vmem>>, vector<16xf32>,
          %parallel_loop3A_322 = arith.cmpf ogt, %parallel_loop3A_321, %parallel_loop3A_318 : vector<16xf32>
          %parallel_loop3A_323 = arith.constant 1.000000e+00 : f32
          %parallel_loop3A_324 = arith.constant 0.000000e+00 : f32
          %parallel_loop3A_325 = vector.broadcast %parallel_loop3A_323 : f32 to vector<16xf32>
          %parallel_loop3A_326 = vector.broadcast %parallel_loop3A_324 : f32 to vector<16xf32>
          %parallel_loop3A_327 = arith.select %parallel_loop3A_322, %parallel_loop3A_325, %parallel_loop3A_326 : vector<16xi1>, vector<16xf32>
          %parallel_loop3A_328 = arith.index_cast %parallel_loop3A_192 : i32 to index
          %parallel_loop3A_329 = arith.constant 112 : index
          %parallel_loop3A_330 = tpu.vector_load %arg12[%parallel_loop3A_328, %parallel_loop3A_329] {strides = array<i32>} : memref<160x128xf32, #tpu.memory_space<vmem>>, vector<16xf32>,
          tpu.vector_store %arg12[%parallel_loop3A_328, %parallel_loop3A_329], %parallel_loop3A_327 {strides = array<i32>} : memref<160x128xf32, #tpu.memory_space<vmem>>, vector<16xf32>,
        } {sc.loop_unroll_factor = 4 : i64, sc.parallel_access}
        %mul3A_180 = arith.constant 160 : i32
        %mul3A_181 = arith.muli %add3A_47, %mul3A_180 : i32
        %dma_start3A = arith.constant 0 : i32
        %dma_start3A_182 = tpu.memref_slice %arg5[%mul3A_181, %dma_start3A] : memref<100000x128xf32, #tpu.memory_space<hbm>> -> memref<160x128xf32, #tpu.memory_space<hbm>>
        %dma_start3A_183 = arith.constant 0 : i32
        %dma_start3A_184 = tpu.memref_slice %arg5[%mul3A_181, %dma_start3A_183] : memref<100000x128xf32, #tpu.memory_space<hbm>> -> memref<160x128xf32, #tpu.memory_space<hbm>>
        tpu.enqueue_dma source(%arg12 : memref<160x128xf32, #tpu.memory_space<vmem>>) target(%dma_start3A_184 : memref<160x128xf32, #tpu.memory_space<hbm>>) target_semaphore(%arg18 : memref<!tpu.dma_semaphore, #tpu.memory_space<semaphore_mem>>)
        %add3A_185 = arith.constant 96 : i32
        %add3A_186 = arith.addi %add3A_47, %add3A_185 : i32
        %lt3A_187 = arith.constant 625 : i32
        %lt3A_188 = arith.cmpi slt, %add3A_186, %lt3A_187 : i32
        %convert_element_type3A_189 = arith.extui %lt3A_188 : i1 to i32
        %cond3A_190 = arith.constant 0 : i32
        %cond3A_191 = arith.cmpi ne, %convert_element_type3A_189, %cond3A_190 : i32
        scf.if %cond3A_191 {
          %add3A_192 = arith.constant 96 : i32
          %add3A_193 = arith.addi %add3A_47, %add3A_192 : i32
          %mul3A_194 = arith.constant 160 : i32
          %mul3A_195 = arith.muli %add3A_193, %mul3A_194 : i32
          %dma_start3A_196 = arith.constant 0 : i32
          %dma_start3A_197 = tpu.memref_slice %arg2[%mul3A_195, %dma_start3A_196] : memref<100000x128xf32, #tpu.memory_space<hbm>> -> memref<160x128xf32, #tpu.memory_space<hbm>>
          %dma_start3A_198 = arith.constant 0 : i32
          %dma_start3A_199 = tpu.memref_slice %arg2[%mul3A_195, %dma_start3A_198] : memref<100000x128xf32, #tpu.memory_space<hbm>> -> memref<160x128xf32, #tpu.memory_space<hbm>>
          tpu.enqueue_dma source(%dma_start3A_199 : memref<160x128xf32, #tpu.memory_space<hbm>>) target(%arg6 : memref<160x128xf32, #tpu.memory_space<vmem>>) target_semaphore(%arg15 : memref<!tpu.dma_semaphore, #tpu.memory_space<semaphore_mem>>)
          %dma_start3A_200 = tpu.memref_slice %arg3[%mul3A_195] : memref<100000xi32, #tpu.memory_space<hbm>> -> memref<160xi32, #tpu.memory_space<hbm>>
          %dma_start3A_201 = tpu.memref_slice %arg3[%mul3A_195] : memref<100000xi32, #tpu.memory_space<hbm>> -> memref<160xi32, #tpu.memory_space<hbm>>
          tpu.enqueue_dma source(%dma_start3A_201 : memref<160xi32, #tpu.memory_space<hbm>>) target(%arg9 : memref<160xi32, #tpu.memory_space<vmem>>) target_semaphore(%arg15 : memref<!tpu.dma_semaphore, #tpu.memory_space<semaphore_mem>>)
        } else {
        }
      } else {
      }
      %mul3A_60 = arith.constant 6 : i32
      %mul3A_61 = arith.muli %scan3A_39, %mul3A_60 : i32
      %add3A_62 = arith.constant 1 : i32
      %add3A_63 = arith.addi %mul3A_61, %add3A_62 : i32
      %mul3A_64 = arith.constant 32 : i32
      %mul3A_65 = arith.muli %add3A_63, %mul3A_64 : i32
      %add3A_66 = arith.addi %add3A, %mul3A_65 : i32
      %ge3A_67 = arith.constant 2 : i32
      %ge3A_68 = arith.cmpi sge, %add3A_63, %ge3A_67 : i32
      %sub3A_69 = arith.constant 64 : i32
      %sub3A_70 = arith.subi %add3A_66, %sub3A_69 : i32
      %lt3A_71 = arith.constant 625 : i32
      %lt3A_72 = arith.cmpi slt, %sub3A_70, %lt3A_71 : i32
      %and3A_73 = arith.andi %ge3A_68, %lt3A_72 : i1
      %convert_element_type3A_74 = arith.extui %and3A_73 : i1 to i32
      %cond3A_75 = arith.constant 0 : i32
      %cond3A_76 = arith.cmpi ne, %convert_element_type3A_74, %cond3A_75 : i32
      scf.if %cond3A_76 {
        %sub3A_171 = arith.constant 64 : i32
        %sub3A_172 = arith.subi %add3A_66, %sub3A_171 : i32
        %mul3A_173 = arith.constant 160 : i32
        %mul3A_174 = arith.muli %sub3A_172, %mul3A_173 : i32
        %dma_wait3A = arith.constant 0 : i32
        %dma_wait3A_175 = tpu.memref_slice %arg5[%mul3A_174, %dma_wait3A] : memref<100000x128xf32, #tpu.memory_space<hbm>> -> memref<160x128xf32, #tpu.memory_space<hbm>>
        %dma_wait3A_176 = arith.constant 0 : i32
        %dma_wait3A_177 = tpu.memref_slice %arg5[%mul3A_174, %dma_wait3A_176] : memref<100000x128xf32, #tpu.memory_space<hbm>> -> memref<160x128xf32, #tpu.memory_space<hbm>>
        tpu.wait_dma2 semaphore(%arg19 : memref<!tpu.dma_semaphore, #tpu.memory_space<semaphore_mem>>) src(%arg13 : memref<160x128xf32, #tpu.memory_space<vmem>>) dst(%dma_wait3A_177 : memref<160x128xf32, #tpu.memory_space<hbm>>)
      } else {
      }
      %lt3A_77 = arith.constant 625 : i32
      %lt3A_78 = arith.cmpi slt, %add3A_66, %lt3A_77 : i32
      %convert_element_type3A_79 = arith.extui %lt3A_78 : i1 to i32
      %cond3A_80 = arith.constant 0 : i32
      %cond3A_81 = arith.cmpi ne, %convert_element_type3A_79, %cond3A_80 : i32
      scf.if %cond3A_81 {
        %mul3A_171 = arith.constant 160 : i32
        %mul3A_172 = arith.muli %add3A_66, %mul3A_171 : i32
        %dma_wait3A = arith.constant 0 : i32
        %dma_wait3A_173 = tpu.memref_slice %arg2[%mul3A_172, %dma_wait3A] : memref<100000x128xf32, #tpu.memory_space<hbm>> -> memref<160x128xf32, #tpu.memory_space<hbm>>
        %dma_wait3A_174 = arith.constant 0 : i32
        %dma_wait3A_175 = tpu.memref_slice %arg2[%mul3A_172, %dma_wait3A_174] : memref<100000x128xf32, #tpu.memory_space<hbm>> -> memref<160x128xf32, #tpu.memory_space<hbm>>
        tpu.wait_dma2 semaphore(%arg16 : memref<!tpu.dma_semaphore, #tpu.memory_space<semaphore_mem>>) src(%dma_wait3A_175 : memref<160x128xf32, #tpu.memory_space<hbm>>) dst(%arg7 : memref<160x128xf32, #tpu.memory_space<vmem>>)
        %dma_wait3A_176 = tpu.memref_slice %arg3[%mul3A_172] : memref<100000xi32, #tpu.memory_space<hbm>> -> memref<160xi32, #tpu.memory_space<hbm>>
        %dma_wait3A_177 = tpu.memref_slice %arg3[%mul3A_172] : memref<100000xi32, #tpu.memory_space<hbm>> -> memref<160xi32, #tpu.memory_space<hbm>>
        tpu.wait_dma2 semaphore(%arg16 : memref<!tpu.dma_semaphore, #tpu.memory_space<semaphore_mem>>) src(%dma_wait3A_177 : memref<160xi32, #tpu.memory_space<hbm>>) dst(%arg10 : memref<160xi32, #tpu.memory_space<vmem>>)
        %parallel_loop3A = arith.constant 0 : i32
        %parallel_loop3A_178 = arith.constant 160 : i32
        %parallel_loop3A_179 = arith.constant 1 : i32
        scf.for %parallel_loop3A_192 = %parallel_loop3A to %parallel_loop3A_178 step %parallel_loop3A_179  : i32 {
          %parallel_loop3A_193 = vector.broadcast %parallel_loop3A_192 : i32 to vector<16xi32>
          %parallel_loop3A_194 = tpu.vector_load_idx %arg10[%parallel_loop3A_193] : memref<160xi32, #tpu.memory_space<vmem>>[vector<16xi32>], vector<16xi32>,
          %parallel_loop3A_195 = tpu.iota {dimensions = array<i32: 0>} : vector<16xi32>
          %parallel_loop3A_196 = arith.constant 0 : i32
          %parallel_loop3A_197 = vector.broadcast %parallel_loop3A_196 : i32 to vector<16xi32>
          %parallel_loop3A_198 = arith.addi %parallel_loop3A_195, %parallel_loop3A_197 : vector<16xi32>
          %parallel_loop3A_199 = tpu.vector_load_idx %arg14[%parallel_loop3A_194, %parallel_loop3A_198] : memref<20x128xf32, #tpu.memory_space<vmem>>[vector<16xi32>, vector<16xi32>], vector<16xf32>,
          %parallel_loop3A_200 = arith.index_cast %parallel_loop3A_192 : i32 to index
          %parallel_loop3A_201 = arith.constant 0 : index
          %parallel_loop3A_202 = tpu.vector_load %arg7[%parallel_loop3A_200, %parallel_loop3A_201] {strides = array<i32>} : memref<160x128xf32, #tpu.memory_space<vmem>>, vector<16xf32>,
          %parallel_loop3A_203 = arith.cmpf ogt, %parallel_loop3A_202, %parallel_loop3A_199 : vector<16xf32>
          %parallel_loop3A_204 = arith.constant 1.000000e+00 : f32
          %parallel_loop3A_205 = arith.constant 0.000000e+00 : f32
          %parallel_loop3A_206 = vector.broadcast %parallel_loop3A_204 : f32 to vector<16xf32>
          %parallel_loop3A_207 = vector.broadcast %parallel_loop3A_205 : f32 to vector<16xf32>
          %parallel_loop3A_208 = arith.select %parallel_loop3A_203, %parallel_loop3A_206, %parallel_loop3A_207 : vector<16xi1>, vector<16xf32>
          %parallel_loop3A_209 = arith.index_cast %parallel_loop3A_192 : i32 to index
          %parallel_loop3A_210 = arith.constant 0 : index
          %parallel_loop3A_211 = tpu.vector_load %arg13[%parallel_loop3A_209, %parallel_loop3A_210] {strides = array<i32>} : memref<160x128xf32, #tpu.memory_space<vmem>>, vector<16xf32>,
          tpu.vector_store %arg13[%parallel_loop3A_209, %parallel_loop3A_210], %parallel_loop3A_208 {strides = array<i32>} : memref<160x128xf32, #tpu.memory_space<vmem>>, vector<16xf32>,
          %parallel_loop3A_212 = tpu.iota {dimensions = array<i32: 0>} : vector<16xi32>
          %parallel_loop3A_213 = arith.constant 16 : i32
          %parallel_loop3A_214 = vector.broadcast %parallel_loop3A_213 : i32 to vector<16xi32>
          %parallel_loop3A_215 = arith.addi %parallel_loop3A_212, %parallel_loop3A_214 : vector<16xi32>
          %parallel_loop3A_216 = tpu.vector_load_idx %arg14[%parallel_loop3A_194, %parallel_loop3A_215] : memref<20x128xf32, #tpu.memory_space<vmem>>[vector<16xi32>, vector<16xi32>], vector<16xf32>,
          %parallel_loop3A_217 = arith.index_cast %parallel_loop3A_192 : i32 to index
          %parallel_loop3A_218 = arith.constant 16 : index
          %parallel_loop3A_219 = tpu.vector_load %arg7[%parallel_loop3A_217, %parallel_loop3A_218] {strides = array<i32>} : memref<160x128xf32, #tpu.memory_space<vmem>>, vector<16xf32>,
          %parallel_loop3A_220 = arith.cmpf ogt, %parallel_loop3A_219, %parallel_loop3A_216 : vector<16xf32>
          %parallel_loop3A_221 = arith.constant 1.000000e+00 : f32
          %parallel_loop3A_222 = arith.constant 0.000000e+00 : f32
          %parallel_loop3A_223 = vector.broadcast %parallel_loop3A_221 : f32 to vector<16xf32>
          %parallel_loop3A_224 = vector.broadcast %parallel_loop3A_222 : f32 to vector<16xf32>
          %parallel_loop3A_225 = arith.select %parallel_loop3A_220, %parallel_loop3A_223, %parallel_loop3A_224 : vector<16xi1>, vector<16xf32>
          %parallel_loop3A_226 = arith.index_cast %parallel_loop3A_192 : i32 to index
          %parallel_loop3A_227 = arith.constant 16 : index
          %parallel_loop3A_228 = tpu.vector_load %arg13[%parallel_loop3A_226, %parallel_loop3A_227] {strides = array<i32>} : memref<160x128xf32, #tpu.memory_space<vmem>>, vector<16xf32>,
          tpu.vector_store %arg13[%parallel_loop3A_226, %parallel_loop3A_227], %parallel_loop3A_225 {strides = array<i32>} : memref<160x128xf32, #tpu.memory_space<vmem>>, vector<16xf32>,
          %parallel_loop3A_229 = tpu.iota {dimensions = array<i32: 0>} : vector<16xi32>
          %parallel_loop3A_230 = arith.constant 32 : i32
          %parallel_loop3A_231 = vector.broadcast %parallel_loop3A_230 : i32 to vector<16xi32>
          %parallel_loop3A_232 = arith.addi %parallel_loop3A_229, %parallel_loop3A_231 : vector<16xi32>
          %parallel_loop3A_233 = tpu.vector_load_idx %arg14[%parallel_loop3A_194, %parallel_loop3A_232] : memref<20x128xf32, #tpu.memory_space<vmem>>[vector<16xi32>, vector<16xi32>], vector<16xf32>,
          %parallel_loop3A_234 = arith.index_cast %parallel_loop3A_192 : i32 to index
          %parallel_loop3A_235 = arith.constant 32 : index
          %parallel_loop3A_236 = tpu.vector_load %arg7[%parallel_loop3A_234, %parallel_loop3A_235] {strides = array<i32>} : memref<160x128xf32, #tpu.memory_space<vmem>>, vector<16xf32>,
          %parallel_loop3A_237 = arith.cmpf ogt, %parallel_loop3A_236, %parallel_loop3A_233 : vector<16xf32>
          %parallel_loop3A_238 = arith.constant 1.000000e+00 : f32
          %parallel_loop3A_239 = arith.constant 0.000000e+00 : f32
          %parallel_loop3A_240 = vector.broadcast %parallel_loop3A_238 : f32 to vector<16xf32>
          %parallel_loop3A_241 = vector.broadcast %parallel_loop3A_239 : f32 to vector<16xf32>
          %parallel_loop3A_242 = arith.select %parallel_loop3A_237, %parallel_loop3A_240, %parallel_loop3A_241 : vector<16xi1>, vector<16xf32>
          %parallel_loop3A_243 = arith.index_cast %parallel_loop3A_192 : i32 to index
          %parallel_loop3A_244 = arith.constant 32 : index
          %parallel_loop3A_245 = tpu.vector_load %arg13[%parallel_loop3A_243, %parallel_loop3A_244] {strides = array<i32>} : memref<160x128xf32, #tpu.memory_space<vmem>>, vector<16xf32>,
          tpu.vector_store %arg13[%parallel_loop3A_243, %parallel_loop3A_244], %parallel_loop3A_242 {strides = array<i32>} : memref<160x128xf32, #tpu.memory_space<vmem>>, vector<16xf32>,
          %parallel_loop3A_246 = tpu.iota {dimensions = array<i32: 0>} : vector<16xi32>
          %parallel_loop3A_247 = arith.constant 48 : i32
          %parallel_loop3A_248 = vector.broadcast %parallel_loop3A_247 : i32 to vector<16xi32>
          %parallel_loop3A_249 = arith.addi %parallel_loop3A_246, %parallel_loop3A_248 : vector<16xi32>
          %parallel_loop3A_250 = tpu.vector_load_idx %arg14[%parallel_loop3A_194, %parallel_loop3A_249] : memref<20x128xf32, #tpu.memory_space<vmem>>[vector<16xi32>, vector<16xi32>], vector<16xf32>,
          %parallel_loop3A_251 = arith.index_cast %parallel_loop3A_192 : i32 to index
          %parallel_loop3A_252 = arith.constant 48 : index
          %parallel_loop3A_253 = tpu.vector_load %arg7[%parallel_loop3A_251, %parallel_loop3A_252] {strides = array<i32>} : memref<160x128xf32, #tpu.memory_space<vmem>>, vector<16xf32>,
          %parallel_loop3A_254 = arith.cmpf ogt, %parallel_loop3A_253, %parallel_loop3A_250 : vector<16xf32>
          %parallel_loop3A_255 = arith.constant 1.000000e+00 : f32
          %parallel_loop3A_256 = arith.constant 0.000000e+00 : f32
          %parallel_loop3A_257 = vector.broadcast %parallel_loop3A_255 : f32 to vector<16xf32>
          %parallel_loop3A_258 = vector.broadcast %parallel_loop3A_256 : f32 to vector<16xf32>
          %parallel_loop3A_259 = arith.select %parallel_loop3A_254, %parallel_loop3A_257, %parallel_loop3A_258 : vector<16xi1>, vector<16xf32>
          %parallel_loop3A_260 = arith.index_cast %parallel_loop3A_192 : i32 to index
          %parallel_loop3A_261 = arith.constant 48 : index
          %parallel_loop3A_262 = tpu.vector_load %arg13[%parallel_loop3A_260, %parallel_loop3A_261] {strides = array<i32>} : memref<160x128xf32, #tpu.memory_space<vmem>>, vector<16xf32>,
          tpu.vector_store %arg13[%parallel_loop3A_260, %parallel_loop3A_261], %parallel_loop3A_259 {strides = array<i32>} : memref<160x128xf32, #tpu.memory_space<vmem>>, vector<16xf32>,
          %parallel_loop3A_263 = tpu.iota {dimensions = array<i32: 0>} : vector<16xi32>
          %parallel_loop3A_264 = arith.constant 64 : i32
          %parallel_loop3A_265 = vector.broadcast %parallel_loop3A_264 : i32 to vector<16xi32>
          %parallel_loop3A_266 = arith.addi %parallel_loop3A_263, %parallel_loop3A_265 : vector<16xi32>
          %parallel_loop3A_267 = tpu.vector_load_idx %arg14[%parallel_loop3A_194, %parallel_loop3A_266] : memref<20x128xf32, #tpu.memory_space<vmem>>[vector<16xi32>, vector<16xi32>], vector<16xf32>,
          %parallel_loop3A_268 = arith.index_cast %parallel_loop3A_192 : i32 to index
          %parallel_loop3A_269 = arith.constant 64 : index
          %parallel_loop3A_270 = tpu.vector_load %arg7[%parallel_loop3A_268, %parallel_loop3A_269] {strides = array<i32>} : memref<160x128xf32, #tpu.memory_space<vmem>>, vector<16xf32>,
          %parallel_loop3A_271 = arith.cmpf ogt, %parallel_loop3A_270, %parallel_loop3A_267 : vector<16xf32>
          %parallel_loop3A_272 = arith.constant 1.000000e+00 : f32
          %parallel_loop3A_273 = arith.constant 0.000000e+00 : f32
          %parallel_loop3A_274 = vector.broadcast %parallel_loop3A_272 : f32 to vector<16xf32>
          %parallel_loop3A_275 = vector.broadcast %parallel_loop3A_273 : f32 to vector<16xf32>
          %parallel_loop3A_276 = arith.select %parallel_loop3A_271, %parallel_loop3A_274, %parallel_loop3A_275 : vector<16xi1>, vector<16xf32>
          %parallel_loop3A_277 = arith.index_cast %parallel_loop3A_192 : i32 to index
          %parallel_loop3A_278 = arith.constant 64 : index
          %parallel_loop3A_279 = tpu.vector_load %arg13[%parallel_loop3A_277, %parallel_loop3A_278] {strides = array<i32>} : memref<160x128xf32, #tpu.memory_space<vmem>>, vector<16xf32>,
          tpu.vector_store %arg13[%parallel_loop3A_277, %parallel_loop3A_278], %parallel_loop3A_276 {strides = array<i32>} : memref<160x128xf32, #tpu.memory_space<vmem>>, vector<16xf32>,
          %parallel_loop3A_280 = tpu.iota {dimensions = array<i32: 0>} : vector<16xi32>
          %parallel_loop3A_281 = arith.constant 80 : i32
          %parallel_loop3A_282 = vector.broadcast %parallel_loop3A_281 : i32 to vector<16xi32>
          %parallel_loop3A_283 = arith.addi %parallel_loop3A_280, %parallel_loop3A_282 : vector<16xi32>
          %parallel_loop3A_284 = tpu.vector_load_idx %arg14[%parallel_loop3A_194, %parallel_loop3A_283] : memref<20x128xf32, #tpu.memory_space<vmem>>[vector<16xi32>, vector<16xi32>], vector<16xf32>,
          %parallel_loop3A_285 = arith.index_cast %parallel_loop3A_192 : i32 to index
          %parallel_loop3A_286 = arith.constant 80 : index
          %parallel_loop3A_287 = tpu.vector_load %arg7[%parallel_loop3A_285, %parallel_loop3A_286] {strides = array<i32>} : memref<160x128xf32, #tpu.memory_space<vmem>>, vector<16xf32>,
          %parallel_loop3A_288 = arith.cmpf ogt, %parallel_loop3A_287, %parallel_loop3A_284 : vector<16xf32>
          %parallel_loop3A_289 = arith.constant 1.000000e+00 : f32
          %parallel_loop3A_290 = arith.constant 0.000000e+00 : f32
          %parallel_loop3A_291 = vector.broadcast %parallel_loop3A_289 : f32 to vector<16xf32>
          %parallel_loop3A_292 = vector.broadcast %parallel_loop3A_290 : f32 to vector<16xf32>
          %parallel_loop3A_293 = arith.select %parallel_loop3A_288, %parallel_loop3A_291, %parallel_loop3A_292 : vector<16xi1>, vector<16xf32>
          %parallel_loop3A_294 = arith.index_cast %parallel_loop3A_192 : i32 to index
          %parallel_loop3A_295 = arith.constant 80 : index
          %parallel_loop3A_296 = tpu.vector_load %arg13[%parallel_loop3A_294, %parallel_loop3A_295] {strides = array<i32>} : memref<160x128xf32, #tpu.memory_space<vmem>>, vector<16xf32>,
          tpu.vector_store %arg13[%parallel_loop3A_294, %parallel_loop3A_295], %parallel_loop3A_293 {strides = array<i32>} : memref<160x128xf32, #tpu.memory_space<vmem>>, vector<16xf32>,
          %parallel_loop3A_297 = tpu.iota {dimensions = array<i32: 0>} : vector<16xi32>
          %parallel_loop3A_298 = arith.constant 96 : i32
          %parallel_loop3A_299 = vector.broadcast %parallel_loop3A_298 : i32 to vector<16xi32>
          %parallel_loop3A_300 = arith.addi %parallel_loop3A_297, %parallel_loop3A_299 : vector<16xi32>
          %parallel_loop3A_301 = tpu.vector_load_idx %arg14[%parallel_loop3A_194, %parallel_loop3A_300] : memref<20x128xf32, #tpu.memory_space<vmem>>[vector<16xi32>, vector<16xi32>], vector<16xf32>,
          %parallel_loop3A_302 = arith.index_cast %parallel_loop3A_192 : i32 to index
          %parallel_loop3A_303 = arith.constant 96 : index
          %parallel_loop3A_304 = tpu.vector_load %arg7[%parallel_loop3A_302, %parallel_loop3A_303] {strides = array<i32>} : memref<160x128xf32, #tpu.memory_space<vmem>>, vector<16xf32>,
          %parallel_loop3A_305 = arith.cmpf ogt, %parallel_loop3A_304, %parallel_loop3A_301 : vector<16xf32>
          %parallel_loop3A_306 = arith.constant 1.000000e+00 : f32
          %parallel_loop3A_307 = arith.constant 0.000000e+00 : f32
          %parallel_loop3A_308 = vector.broadcast %parallel_loop3A_306 : f32 to vector<16xf32>
          %parallel_loop3A_309 = vector.broadcast %parallel_loop3A_307 : f32 to vector<16xf32>
          %parallel_loop3A_310 = arith.select %parallel_loop3A_305, %parallel_loop3A_308, %parallel_loop3A_309 : vector<16xi1>, vector<16xf32>
          %parallel_loop3A_311 = arith.index_cast %parallel_loop3A_192 : i32 to index
          %parallel_loop3A_312 = arith.constant 96 : index
          %parallel_loop3A_313 = tpu.vector_load %arg13[%parallel_loop3A_311, %parallel_loop3A_312] {strides = array<i32>} : memref<160x128xf32, #tpu.memory_space<vmem>>, vector<16xf32>,
          tpu.vector_store %arg13[%parallel_loop3A_311, %parallel_loop3A_312], %parallel_loop3A_310 {strides = array<i32>} : memref<160x128xf32, #tpu.memory_space<vmem>>, vector<16xf32>,
          %parallel_loop3A_314 = tpu.iota {dimensions = array<i32: 0>} : vector<16xi32>
          %parallel_loop3A_315 = arith.constant 112 : i32
          %parallel_loop3A_316 = vector.broadcast %parallel_loop3A_315 : i32 to vector<16xi32>
          %parallel_loop3A_317 = arith.addi %parallel_loop3A_314, %parallel_loop3A_316 : vector<16xi32>
          %parallel_loop3A_318 = tpu.vector_load_idx %arg14[%parallel_loop3A_194, %parallel_loop3A_317] : memref<20x128xf32, #tpu.memory_space<vmem>>[vector<16xi32>, vector<16xi32>], vector<16xf32>,
          %parallel_loop3A_319 = arith.index_cast %parallel_loop3A_192 : i32 to index
          %parallel_loop3A_320 = arith.constant 112 : index
          %parallel_loop3A_321 = tpu.vector_load %arg7[%parallel_loop3A_319, %parallel_loop3A_320] {strides = array<i32>} : memref<160x128xf32, #tpu.memory_space<vmem>>, vector<16xf32>,
          %parallel_loop3A_322 = arith.cmpf ogt, %parallel_loop3A_321, %parallel_loop3A_318 : vector<16xf32>
          %parallel_loop3A_323 = arith.constant 1.000000e+00 : f32
          %parallel_loop3A_324 = arith.constant 0.000000e+00 : f32
          %parallel_loop3A_325 = vector.broadcast %parallel_loop3A_323 : f32 to vector<16xf32>
          %parallel_loop3A_326 = vector.broadcast %parallel_loop3A_324 : f32 to vector<16xf32>
          %parallel_loop3A_327 = arith.select %parallel_loop3A_322, %parallel_loop3A_325, %parallel_loop3A_326 : vector<16xi1>, vector<16xf32>
          %parallel_loop3A_328 = arith.index_cast %parallel_loop3A_192 : i32 to index
          %parallel_loop3A_329 = arith.constant 112 : index
          %parallel_loop3A_330 = tpu.vector_load %arg13[%parallel_loop3A_328, %parallel_loop3A_329] {strides = array<i32>} : memref<160x128xf32, #tpu.memory_space<vmem>>, vector<16xf32>,
          tpu.vector_store %arg13[%parallel_loop3A_328, %parallel_loop3A_329], %parallel_loop3A_327 {strides = array<i32>} : memref<160x128xf32, #tpu.memory_space<vmem>>, vector<16xf32>,
        } {sc.loop_unroll_factor = 4 : i64, sc.parallel_access}
        %mul3A_180 = arith.constant 160 : i32
        %mul3A_181 = arith.muli %add3A_66, %mul3A_180 : i32
        %dma_start3A = arith.constant 0 : i32
        %dma_start3A_182 = tpu.memref_slice %arg5[%mul3A_181, %dma_start3A] : memref<100000x128xf32, #tpu.memory_space<hbm>> -> memref<160x128xf32, #tpu.memory_space<hbm>>
        %dma_start3A_183 = arith.constant 0 : i32
        %dma_start3A_184 = tpu.memref_slice %arg5[%mul3A_181, %dma_start3A_183] : memref<100000x128xf32, #tpu.memory_space<hbm>> -> memref<160x128xf32, #tpu.memory_space<hbm>>
        tpu.enqueue_dma source(%arg13 : memref<160x128xf32, #tpu.memory_space<vmem>>) target(%dma_start3A_184 : memref<160x128xf32, #tpu.memory_space<hbm>>) target_semaphore(%arg19 : memref<!tpu.dma_semaphore, #tpu.memory_space<semaphore_mem>>)
        %add3A_185 = arith.constant 96 : i32
        %add3A_186 = arith.addi %add3A_66, %add3A_185 : i32
        %lt3A_187 = arith.constant 625 : i32
        %lt3A_188 = arith.cmpi slt, %add3A_186, %lt3A_187 : i32
        %convert_element_type3A_189 = arith.extui %lt3A_188 : i1 to i32
        %cond3A_190 = arith.constant 0 : i32
        %cond3A_191 = arith.cmpi ne, %convert_element_type3A_189, %cond3A_190 : i32
        scf.if %cond3A_191 {
          %add3A_192 = arith.constant 96 : i32
          %add3A_193 = arith.addi %add3A_66, %add3A_192 : i32
          %mul3A_194 = arith.constant 160 : i32
          %mul3A_195 = arith.muli %add3A_193, %mul3A_194 : i32
          %dma_start3A_196 = arith.constant 0 : i32
          %dma_start3A_197 = tpu.memref_slice %arg2[%mul3A_195, %dma_start3A_196] : memref<100000x128xf32, #tpu.memory_space<hbm>> -> memref<160x128xf32, #tpu.memory_space<hbm>>
          %dma_start3A_198 = arith.constant 0 : i32
          %dma_start3A_199 = tpu.memref_slice %arg2[%mul3A_195, %dma_start3A_198] : memref<100000x128xf32, #tpu.memory_space<hbm>> -> memref<160x128xf32, #tpu.memory_space<hbm>>
          tpu.enqueue_dma source(%dma_start3A_199 : memref<160x128xf32, #tpu.memory_space<hbm>>) target(%arg7 : memref<160x128xf32, #tpu.memory_space<vmem>>) target_semaphore(%arg16 : memref<!tpu.dma_semaphore, #tpu.memory_space<semaphore_mem>>)
          %dma_start3A_200 = tpu.memref_slice %arg3[%mul3A_195] : memref<100000xi32, #tpu.memory_space<hbm>> -> memref<160xi32, #tpu.memory_space<hbm>>
          %dma_start3A_201 = tpu.memref_slice %arg3[%mul3A_195] : memref<100000xi32, #tpu.memory_space<hbm>> -> memref<160xi32, #tpu.memory_space<hbm>>
          tpu.enqueue_dma source(%dma_start3A_201 : memref<160xi32, #tpu.memory_space<hbm>>) target(%arg10 : memref<160xi32, #tpu.memory_space<vmem>>) target_semaphore(%arg16 : memref<!tpu.dma_semaphore, #tpu.memory_space<semaphore_mem>>)
        } else {
        }
      } else {
      }
      %mul3A_82 = arith.constant 6 : i32
      %mul3A_83 = arith.muli %scan3A_39, %mul3A_82 : i32
      %add3A_84 = arith.constant 2 : i32
      %add3A_85 = arith.addi %mul3A_83, %add3A_84 : i32
      %mul3A_86 = arith.constant 32 : i32
      %mul3A_87 = arith.muli %add3A_85, %mul3A_86 : i32
      %add3A_88 = arith.addi %add3A, %mul3A_87 : i32
      %ge3A_89 = arith.constant 2 : i32
      %ge3A_90 = arith.cmpi sge, %add3A_85, %ge3A_89 : i32
      %sub3A_91 = arith.constant 64 : i32
      %sub3A_92 = arith.subi %add3A_88, %sub3A_91 : i32
      %lt3A_93 = arith.constant 625 : i32
      %lt3A_94 = arith.cmpi slt, %sub3A_92, %lt3A_93 : i32
      %and3A_95 = arith.andi %ge3A_90, %lt3A_94 : i1
      %convert_element_type3A_96 = arith.extui %and3A_95 : i1 to i32
      %cond3A_97 = arith.constant 0 : i32
      %cond3A_98 = arith.cmpi ne, %convert_element_type3A_96, %cond3A_97 : i32
      scf.if %cond3A_98 {
        %sub3A_171 = arith.constant 64 : i32
        %sub3A_172 = arith.subi %add3A_88, %sub3A_171 : i32
        %mul3A_173 = arith.constant 160 : i32
        %mul3A_174 = arith.muli %sub3A_172, %mul3A_173 : i32
        %dma_wait3A = arith.constant 0 : i32
        %dma_wait3A_175 = tpu.memref_slice %arg5[%mul3A_174, %dma_wait3A] : memref<100000x128xf32, #tpu.memory_space<hbm>> -> memref<160x128xf32, #tpu.memory_space<hbm>>
        %dma_wait3A_176 = arith.constant 0 : i32
        %dma_wait3A_177 = tpu.memref_slice %arg5[%mul3A_174, %dma_wait3A_176] : memref<100000x128xf32, #tpu.memory_space<hbm>> -> memref<160x128xf32, #tpu.memory_space<hbm>>
        tpu.wait_dma2 semaphore(%arg18 : memref<!tpu.dma_semaphore, #tpu.memory_space<semaphore_mem>>) src(%arg12 : memref<160x128xf32, #tpu.memory_space<vmem>>) dst(%dma_wait3A_177 : memref<160x128xf32, #tpu.memory_space<hbm>>)
      } else {
      }
      %lt3A_99 = arith.constant 625 : i32
      %lt3A_100 = arith.cmpi slt, %add3A_88, %lt3A_99 : i32
      %convert_element_type3A_101 = arith.extui %lt3A_100 : i1 to i32
      %cond3A_102 = arith.constant 0 : i32
      %cond3A_103 = arith.cmpi ne, %convert_element_type3A_101, %cond3A_102 : i32
      scf.if %cond3A_103 {
        %mul3A_171 = arith.constant 160 : i32
        %mul3A_172 = arith.muli %add3A_88, %mul3A_171 : i32
        %dma_wait3A = arith.constant 0 : i32
        %dma_wait3A_173 = tpu.memref_slice %arg2[%mul3A_172, %dma_wait3A] : memref<100000x128xf32, #tpu.memory_space<hbm>> -> memref<160x128xf32, #tpu.memory_space<hbm>>
        %dma_wait3A_174 = arith.constant 0 : i32
        %dma_wait3A_175 = tpu.memref_slice %arg2[%mul3A_172, %dma_wait3A_174] : memref<100000x128xf32, #tpu.memory_space<hbm>> -> memref<160x128xf32, #tpu.memory_space<hbm>>
        tpu.wait_dma2 semaphore(%arg17 : memref<!tpu.dma_semaphore, #tpu.memory_space<semaphore_mem>>) src(%dma_wait3A_175 : memref<160x128xf32, #tpu.memory_space<hbm>>) dst(%arg8 : memref<160x128xf32, #tpu.memory_space<vmem>>)
        %dma_wait3A_176 = tpu.memref_slice %arg3[%mul3A_172] : memref<100000xi32, #tpu.memory_space<hbm>> -> memref<160xi32, #tpu.memory_space<hbm>>
        %dma_wait3A_177 = tpu.memref_slice %arg3[%mul3A_172] : memref<100000xi32, #tpu.memory_space<hbm>> -> memref<160xi32, #tpu.memory_space<hbm>>
        tpu.wait_dma2 semaphore(%arg17 : memref<!tpu.dma_semaphore, #tpu.memory_space<semaphore_mem>>) src(%dma_wait3A_177 : memref<160xi32, #tpu.memory_space<hbm>>) dst(%arg11 : memref<160xi32, #tpu.memory_space<vmem>>)
        %parallel_loop3A = arith.constant 0 : i32
        %parallel_loop3A_178 = arith.constant 160 : i32
        %parallel_loop3A_179 = arith.constant 1 : i32
        scf.for %parallel_loop3A_192 = %parallel_loop3A to %parallel_loop3A_178 step %parallel_loop3A_179  : i32 {
          %parallel_loop3A_193 = vector.broadcast %parallel_loop3A_192 : i32 to vector<16xi32>
          %parallel_loop3A_194 = tpu.vector_load_idx %arg11[%parallel_loop3A_193] : memref<160xi32, #tpu.memory_space<vmem>>[vector<16xi32>], vector<16xi32>,
          %parallel_loop3A_195 = tpu.iota {dimensions = array<i32: 0>} : vector<16xi32>
          %parallel_loop3A_196 = arith.constant 0 : i32
          %parallel_loop3A_197 = vector.broadcast %parallel_loop3A_196 : i32 to vector<16xi32>
          %parallel_loop3A_198 = arith.addi %parallel_loop3A_195, %parallel_loop3A_197 : vector<16xi32>
          %parallel_loop3A_199 = tpu.vector_load_idx %arg14[%parallel_loop3A_194, %parallel_loop3A_198] : memref<20x128xf32, #tpu.memory_space<vmem>>[vector<16xi32>, vector<16xi32>], vector<16xf32>,
          %parallel_loop3A_200 = arith.index_cast %parallel_loop3A_192 : i32 to index
          %parallel_loop3A_201 = arith.constant 0 : index
          %parallel_loop3A_202 = tpu.vector_load %arg8[%parallel_loop3A_200, %parallel_loop3A_201] {strides = array<i32>} : memref<160x128xf32, #tpu.memory_space<vmem>>, vector<16xf32>,
          %parallel_loop3A_203 = arith.cmpf ogt, %parallel_loop3A_202, %parallel_loop3A_199 : vector<16xf32>
          %parallel_loop3A_204 = arith.constant 1.000000e+00 : f32
          %parallel_loop3A_205 = arith.constant 0.000000e+00 : f32
          %parallel_loop3A_206 = vector.broadcast %parallel_loop3A_204 : f32 to vector<16xf32>
          %parallel_loop3A_207 = vector.broadcast %parallel_loop3A_205 : f32 to vector<16xf32>
          %parallel_loop3A_208 = arith.select %parallel_loop3A_203, %parallel_loop3A_206, %parallel_loop3A_207 : vector<16xi1>, vector<16xf32>
          %parallel_loop3A_209 = arith.index_cast %parallel_loop3A_192 : i32 to index
          %parallel_loop3A_210 = arith.constant 0 : index
          %parallel_loop3A_211 = tpu.vector_load %arg12[%parallel_loop3A_209, %parallel_loop3A_210] {strides = array<i32>} : memref<160x128xf32, #tpu.memory_space<vmem>>, vector<16xf32>,
          tpu.vector_store %arg12[%parallel_loop3A_209, %parallel_loop3A_210], %parallel_loop3A_208 {strides = array<i32>} : memref<160x128xf32, #tpu.memory_space<vmem>>, vector<16xf32>,
          %parallel_loop3A_212 = tpu.iota {dimensions = array<i32: 0>} : vector<16xi32>
          %parallel_loop3A_213 = arith.constant 16 : i32
          %parallel_loop3A_214 = vector.broadcast %parallel_loop3A_213 : i32 to vector<16xi32>
          %parallel_loop3A_215 = arith.addi %parallel_loop3A_212, %parallel_loop3A_214 : vector<16xi32>
          %parallel_loop3A_216 = tpu.vector_load_idx %arg14[%parallel_loop3A_194, %parallel_loop3A_215] : memref<20x128xf32, #tpu.memory_space<vmem>>[vector<16xi32>, vector<16xi32>], vector<16xf32>,
          %parallel_loop3A_217 = arith.index_cast %parallel_loop3A_192 : i32 to index
          %parallel_loop3A_218 = arith.constant 16 : index
          %parallel_loop3A_219 = tpu.vector_load %arg8[%parallel_loop3A_217, %parallel_loop3A_218] {strides = array<i32>} : memref<160x128xf32, #tpu.memory_space<vmem>>, vector<16xf32>,
          %parallel_loop3A_220 = arith.cmpf ogt, %parallel_loop3A_219, %parallel_loop3A_216 : vector<16xf32>
          %parallel_loop3A_221 = arith.constant 1.000000e+00 : f32
          %parallel_loop3A_222 = arith.constant 0.000000e+00 : f32
          %parallel_loop3A_223 = vector.broadcast %parallel_loop3A_221 : f32 to vector<16xf32>
          %parallel_loop3A_224 = vector.broadcast %parallel_loop3A_222 : f32 to vector<16xf32>
          %parallel_loop3A_225 = arith.select %parallel_loop3A_220, %parallel_loop3A_223, %parallel_loop3A_224 : vector<16xi1>, vector<16xf32>
          %parallel_loop3A_226 = arith.index_cast %parallel_loop3A_192 : i32 to index
          %parallel_loop3A_227 = arith.constant 16 : index
          %parallel_loop3A_228 = tpu.vector_load %arg12[%parallel_loop3A_226, %parallel_loop3A_227] {strides = array<i32>} : memref<160x128xf32, #tpu.memory_space<vmem>>, vector<16xf32>,
          tpu.vector_store %arg12[%parallel_loop3A_226, %parallel_loop3A_227], %parallel_loop3A_225 {strides = array<i32>} : memref<160x128xf32, #tpu.memory_space<vmem>>, vector<16xf32>,
          %parallel_loop3A_229 = tpu.iota {dimensions = array<i32: 0>} : vector<16xi32>
          %parallel_loop3A_230 = arith.constant 32 : i32
          %parallel_loop3A_231 = vector.broadcast %parallel_loop3A_230 : i32 to vector<16xi32>
          %parallel_loop3A_232 = arith.addi %parallel_loop3A_229, %parallel_loop3A_231 : vector<16xi32>
          %parallel_loop3A_233 = tpu.vector_load_idx %arg14[%parallel_loop3A_194, %parallel_loop3A_232] : memref<20x128xf32, #tpu.memory_space<vmem>>[vector<16xi32>, vector<16xi32>], vector<16xf32>,
          %parallel_loop3A_234 = arith.index_cast %parallel_loop3A_192 : i32 to index
          %parallel_loop3A_235 = arith.constant 32 : index
          %parallel_loop3A_236 = tpu.vector_load %arg8[%parallel_loop3A_234, %parallel_loop3A_235] {strides = array<i32>} : memref<160x128xf32, #tpu.memory_space<vmem>>, vector<16xf32>,
          %parallel_loop3A_237 = arith.cmpf ogt, %parallel_loop3A_236, %parallel_loop3A_233 : vector<16xf32>
          %parallel_loop3A_238 = arith.constant 1.000000e+00 : f32
          %parallel_loop3A_239 = arith.constant 0.000000e+00 : f32
          %parallel_loop3A_240 = vector.broadcast %parallel_loop3A_238 : f32 to vector<16xf32>
          %parallel_loop3A_241 = vector.broadcast %parallel_loop3A_239 : f32 to vector<16xf32>
          %parallel_loop3A_242 = arith.select %parallel_loop3A_237, %parallel_loop3A_240, %parallel_loop3A_241 : vector<16xi1>, vector<16xf32>
          %parallel_loop3A_243 = arith.index_cast %parallel_loop3A_192 : i32 to index
          %parallel_loop3A_244 = arith.constant 32 : index
          %parallel_loop3A_245 = tpu.vector_load %arg12[%parallel_loop3A_243, %parallel_loop3A_244] {strides = array<i32>} : memref<160x128xf32, #tpu.memory_space<vmem>>, vector<16xf32>,
          tpu.vector_store %arg12[%parallel_loop3A_243, %parallel_loop3A_244], %parallel_loop3A_242 {strides = array<i32>} : memref<160x128xf32, #tpu.memory_space<vmem>>, vector<16xf32>,
          %parallel_loop3A_246 = tpu.iota {dimensions = array<i32: 0>} : vector<16xi32>
          %parallel_loop3A_247 = arith.constant 48 : i32
          %parallel_loop3A_248 = vector.broadcast %parallel_loop3A_247 : i32 to vector<16xi32>
          %parallel_loop3A_249 = arith.addi %parallel_loop3A_246, %parallel_loop3A_248 : vector<16xi32>
          %parallel_loop3A_250 = tpu.vector_load_idx %arg14[%parallel_loop3A_194, %parallel_loop3A_249] : memref<20x128xf32, #tpu.memory_space<vmem>>[vector<16xi32>, vector<16xi32>], vector<16xf32>,
          %parallel_loop3A_251 = arith.index_cast %parallel_loop3A_192 : i32 to index
          %parallel_loop3A_252 = arith.constant 48 : index
          %parallel_loop3A_253 = tpu.vector_load %arg8[%parallel_loop3A_251, %parallel_loop3A_252] {strides = array<i32>} : memref<160x128xf32, #tpu.memory_space<vmem>>, vector<16xf32>,
          %parallel_loop3A_254 = arith.cmpf ogt, %parallel_loop3A_253, %parallel_loop3A_250 : vector<16xf32>
          %parallel_loop3A_255 = arith.constant 1.000000e+00 : f32
          %parallel_loop3A_256 = arith.constant 0.000000e+00 : f32
          %parallel_loop3A_257 = vector.broadcast %parallel_loop3A_255 : f32 to vector<16xf32>
          %parallel_loop3A_258 = vector.broadcast %parallel_loop3A_256 : f32 to vector<16xf32>
          %parallel_loop3A_259 = arith.select %parallel_loop3A_254, %parallel_loop3A_257, %parallel_loop3A_258 : vector<16xi1>, vector<16xf32>
          %parallel_loop3A_260 = arith.index_cast %parallel_loop3A_192 : i32 to index
          %parallel_loop3A_261 = arith.constant 48 : index
          %parallel_loop3A_262 = tpu.vector_load %arg12[%parallel_loop3A_260, %parallel_loop3A_261] {strides = array<i32>} : memref<160x128xf32, #tpu.memory_space<vmem>>, vector<16xf32>,
          tpu.vector_store %arg12[%parallel_loop3A_260, %parallel_loop3A_261], %parallel_loop3A_259 {strides = array<i32>} : memref<160x128xf32, #tpu.memory_space<vmem>>, vector<16xf32>,
          %parallel_loop3A_263 = tpu.iota {dimensions = array<i32: 0>} : vector<16xi32>
          %parallel_loop3A_264 = arith.constant 64 : i32
          %parallel_loop3A_265 = vector.broadcast %parallel_loop3A_264 : i32 to vector<16xi32>
          %parallel_loop3A_266 = arith.addi %parallel_loop3A_263, %parallel_loop3A_265 : vector<16xi32>
          %parallel_loop3A_267 = tpu.vector_load_idx %arg14[%parallel_loop3A_194, %parallel_loop3A_266] : memref<20x128xf32, #tpu.memory_space<vmem>>[vector<16xi32>, vector<16xi32>], vector<16xf32>,
          %parallel_loop3A_268 = arith.index_cast %parallel_loop3A_192 : i32 to index
          %parallel_loop3A_269 = arith.constant 64 : index
          %parallel_loop3A_270 = tpu.vector_load %arg8[%parallel_loop3A_268, %parallel_loop3A_269] {strides = array<i32>} : memref<160x128xf32, #tpu.memory_space<vmem>>, vector<16xf32>,
          %parallel_loop3A_271 = arith.cmpf ogt, %parallel_loop3A_270, %parallel_loop3A_267 : vector<16xf32>
          %parallel_loop3A_272 = arith.constant 1.000000e+00 : f32
          %parallel_loop3A_273 = arith.constant 0.000000e+00 : f32
          %parallel_loop3A_274 = vector.broadcast %parallel_loop3A_272 : f32 to vector<16xf32>
          %parallel_loop3A_275 = vector.broadcast %parallel_loop3A_273 : f32 to vector<16xf32>
          %parallel_loop3A_276 = arith.select %parallel_loop3A_271, %parallel_loop3A_274, %parallel_loop3A_275 : vector<16xi1>, vector<16xf32>
          %parallel_loop3A_277 = arith.index_cast %parallel_loop3A_192 : i32 to index
          %parallel_loop3A_278 = arith.constant 64 : index
          %parallel_loop3A_279 = tpu.vector_load %arg12[%parallel_loop3A_277, %parallel_loop3A_278] {strides = array<i32>} : memref<160x128xf32, #tpu.memory_space<vmem>>, vector<16xf32>,
          tpu.vector_store %arg12[%parallel_loop3A_277, %parallel_loop3A_278], %parallel_loop3A_276 {strides = array<i32>} : memref<160x128xf32, #tpu.memory_space<vmem>>, vector<16xf32>,
          %parallel_loop3A_280 = tpu.iota {dimensions = array<i32: 0>} : vector<16xi32>
          %parallel_loop3A_281 = arith.constant 80 : i32
          %parallel_loop3A_282 = vector.broadcast %parallel_loop3A_281 : i32 to vector<16xi32>
          %parallel_loop3A_283 = arith.addi %parallel_loop3A_280, %parallel_loop3A_282 : vector<16xi32>
          %parallel_loop3A_284 = tpu.vector_load_idx %arg14[%parallel_loop3A_194, %parallel_loop3A_283] : memref<20x128xf32, #tpu.memory_space<vmem>>[vector<16xi32>, vector<16xi32>], vector<16xf32>,
          %parallel_loop3A_285 = arith.index_cast %parallel_loop3A_192 : i32 to index
          %parallel_loop3A_286 = arith.constant 80 : index
          %parallel_loop3A_287 = tpu.vector_load %arg8[%parallel_loop3A_285, %parallel_loop3A_286] {strides = array<i32>} : memref<160x128xf32, #tpu.memory_space<vmem>>, vector<16xf32>,
          %parallel_loop3A_288 = arith.cmpf ogt, %parallel_loop3A_287, %parallel_loop3A_284 : vector<16xf32>
          %parallel_loop3A_289 = arith.constant 1.000000e+00 : f32
          %parallel_loop3A_290 = arith.constant 0.000000e+00 : f32
          %parallel_loop3A_291 = vector.broadcast %parallel_loop3A_289 : f32 to vector<16xf32>
          %parallel_loop3A_292 = vector.broadcast %parallel_loop3A_290 : f32 to vector<16xf32>
          %parallel_loop3A_293 = arith.select %parallel_loop3A_288, %parallel_loop3A_291, %parallel_loop3A_292 : vector<16xi1>, vector<16xf32>
          %parallel_loop3A_294 = arith.index_cast %parallel_loop3A_192 : i32 to index
          %parallel_loop3A_295 = arith.constant 80 : index
          %parallel_loop3A_296 = tpu.vector_load %arg12[%parallel_loop3A_294, %parallel_loop3A_295] {strides = array<i32>} : memref<160x128xf32, #tpu.memory_space<vmem>>, vector<16xf32>,
          tpu.vector_store %arg12[%parallel_loop3A_294, %parallel_loop3A_295], %parallel_loop3A_293 {strides = array<i32>} : memref<160x128xf32, #tpu.memory_space<vmem>>, vector<16xf32>,
          %parallel_loop3A_297 = tpu.iota {dimensions = array<i32: 0>} : vector<16xi32>
          %parallel_loop3A_298 = arith.constant 96 : i32
          %parallel_loop3A_299 = vector.broadcast %parallel_loop3A_298 : i32 to vector<16xi32>
          %parallel_loop3A_300 = arith.addi %parallel_loop3A_297, %parallel_loop3A_299 : vector<16xi32>
          %parallel_loop3A_301 = tpu.vector_load_idx %arg14[%parallel_loop3A_194, %parallel_loop3A_300] : memref<20x128xf32, #tpu.memory_space<vmem>>[vector<16xi32>, vector<16xi32>], vector<16xf32>,
          %parallel_loop3A_302 = arith.index_cast %parallel_loop3A_192 : i32 to index
          %parallel_loop3A_303 = arith.constant 96 : index
          %parallel_loop3A_304 = tpu.vector_load %arg8[%parallel_loop3A_302, %parallel_loop3A_303] {strides = array<i32>} : memref<160x128xf32, #tpu.memory_space<vmem>>, vector<16xf32>,
          %parallel_loop3A_305 = arith.cmpf ogt, %parallel_loop3A_304, %parallel_loop3A_301 : vector<16xf32>
          %parallel_loop3A_306 = arith.constant 1.000000e+00 : f32
          %parallel_loop3A_307 = arith.constant 0.000000e+00 : f32
          %parallel_loop3A_308 = vector.broadcast %parallel_loop3A_306 : f32 to vector<16xf32>
          %parallel_loop3A_309 = vector.broadcast %parallel_loop3A_307 : f32 to vector<16xf32>
          %parallel_loop3A_310 = arith.select %parallel_loop3A_305, %parallel_loop3A_308, %parallel_loop3A_309 : vector<16xi1>, vector<16xf32>
          %parallel_loop3A_311 = arith.index_cast %parallel_loop3A_192 : i32 to index
          %parallel_loop3A_312 = arith.constant 96 : index
          %parallel_loop3A_313 = tpu.vector_load %arg12[%parallel_loop3A_311, %parallel_loop3A_312] {strides = array<i32>} : memref<160x128xf32, #tpu.memory_space<vmem>>, vector<16xf32>,
          tpu.vector_store %arg12[%parallel_loop3A_311, %parallel_loop3A_312], %parallel_loop3A_310 {strides = array<i32>} : memref<160x128xf32, #tpu.memory_space<vmem>>, vector<16xf32>,
          %parallel_loop3A_314 = tpu.iota {dimensions = array<i32: 0>} : vector<16xi32>
          %parallel_loop3A_315 = arith.constant 112 : i32
          %parallel_loop3A_316 = vector.broadcast %parallel_loop3A_315 : i32 to vector<16xi32>
          %parallel_loop3A_317 = arith.addi %parallel_loop3A_314, %parallel_loop3A_316 : vector<16xi32>
          %parallel_loop3A_318 = tpu.vector_load_idx %arg14[%parallel_loop3A_194, %parallel_loop3A_317] : memref<20x128xf32, #tpu.memory_space<vmem>>[vector<16xi32>, vector<16xi32>], vector<16xf32>,
          %parallel_loop3A_319 = arith.index_cast %parallel_loop3A_192 : i32 to index
          %parallel_loop3A_320 = arith.constant 112 : index
          %parallel_loop3A_321 = tpu.vector_load %arg8[%parallel_loop3A_319, %parallel_loop3A_320] {strides = array<i32>} : memref<160x128xf32, #tpu.memory_space<vmem>>, vector<16xf32>,
          %parallel_loop3A_322 = arith.cmpf ogt, %parallel_loop3A_321, %parallel_loop3A_318 : vector<16xf32>
          %parallel_loop3A_323 = arith.constant 1.000000e+00 : f32
          %parallel_loop3A_324 = arith.constant 0.000000e+00 : f32
          %parallel_loop3A_325 = vector.broadcast %parallel_loop3A_323 : f32 to vector<16xf32>
          %parallel_loop3A_326 = vector.broadcast %parallel_loop3A_324 : f32 to vector<16xf32>
          %parallel_loop3A_327 = arith.select %parallel_loop3A_322, %parallel_loop3A_325, %parallel_loop3A_326 : vector<16xi1>, vector<16xf32>
          %parallel_loop3A_328 = arith.index_cast %parallel_loop3A_192 : i32 to index
          %parallel_loop3A_329 = arith.constant 112 : index
          %parallel_loop3A_330 = tpu.vector_load %arg12[%parallel_loop3A_328, %parallel_loop3A_329] {strides = array<i32>} : memref<160x128xf32, #tpu.memory_space<vmem>>, vector<16xf32>,
          tpu.vector_store %arg12[%parallel_loop3A_328, %parallel_loop3A_329], %parallel_loop3A_327 {strides = array<i32>} : memref<160x128xf32, #tpu.memory_space<vmem>>, vector<16xf32>,
        } {sc.loop_unroll_factor = 4 : i64, sc.parallel_access}
        %mul3A_180 = arith.constant 160 : i32
        %mul3A_181 = arith.muli %add3A_88, %mul3A_180 : i32
        %dma_start3A = arith.constant 0 : i32
        %dma_start3A_182 = tpu.memref_slice %arg5[%mul3A_181, %dma_start3A] : memref<100000x128xf32, #tpu.memory_space<hbm>> -> memref<160x128xf32, #tpu.memory_space<hbm>>
        %dma_start3A_183 = arith.constant 0 : i32
        %dma_start3A_184 = tpu.memref_slice %arg5[%mul3A_181, %dma_start3A_183] : memref<100000x128xf32, #tpu.memory_space<hbm>> -> memref<160x128xf32, #tpu.memory_space<hbm>>
        tpu.enqueue_dma source(%arg12 : memref<160x128xf32, #tpu.memory_space<vmem>>) target(%dma_start3A_184 : memref<160x128xf32, #tpu.memory_space<hbm>>) target_semaphore(%arg18 : memref<!tpu.dma_semaphore, #tpu.memory_space<semaphore_mem>>)
        %add3A_185 = arith.constant 96 : i32
        %add3A_186 = arith.addi %add3A_88, %add3A_185 : i32
        %lt3A_187 = arith.constant 625 : i32
        %lt3A_188 = arith.cmpi slt, %add3A_186, %lt3A_187 : i32
        %convert_element_type3A_189 = arith.extui %lt3A_188 : i1 to i32
        %cond3A_190 = arith.constant 0 : i32
        %cond3A_191 = arith.cmpi ne, %convert_element_type3A_189, %cond3A_190 : i32
        scf.if %cond3A_191 {
          %add3A_192 = arith.constant 96 : i32
          %add3A_193 = arith.addi %add3A_88, %add3A_192 : i32
          %mul3A_194 = arith.constant 160 : i32
          %mul3A_195 = arith.muli %add3A_193, %mul3A_194 : i32
          %dma_start3A_196 = arith.constant 0 : i32
          %dma_start3A_197 = tpu.memref_slice %arg2[%mul3A_195, %dma_start3A_196] : memref<100000x128xf32, #tpu.memory_space<hbm>> -> memref<160x128xf32, #tpu.memory_space<hbm>>
          %dma_start3A_198 = arith.constant 0 : i32
          %dma_start3A_199 = tpu.memref_slice %arg2[%mul3A_195, %dma_start3A_198] : memref<100000x128xf32, #tpu.memory_space<hbm>> -> memref<160x128xf32, #tpu.memory_space<hbm>>
          tpu.enqueue_dma source(%dma_start3A_199 : memref<160x128xf32, #tpu.memory_space<hbm>>) target(%arg8 : memref<160x128xf32, #tpu.memory_space<vmem>>) target_semaphore(%arg17 : memref<!tpu.dma_semaphore, #tpu.memory_space<semaphore_mem>>)
          %dma_start3A_200 = tpu.memref_slice %arg3[%mul3A_195] : memref<100000xi32, #tpu.memory_space<hbm>> -> memref<160xi32, #tpu.memory_space<hbm>>
          %dma_start3A_201 = tpu.memref_slice %arg3[%mul3A_195] : memref<100000xi32, #tpu.memory_space<hbm>> -> memref<160xi32, #tpu.memory_space<hbm>>
          tpu.enqueue_dma source(%dma_start3A_201 : memref<160xi32, #tpu.memory_space<hbm>>) target(%arg11 : memref<160xi32, #tpu.memory_space<vmem>>) target_semaphore(%arg17 : memref<!tpu.dma_semaphore, #tpu.memory_space<semaphore_mem>>)
        } else {
        }
      } else {
      }
      %mul3A_104 = arith.constant 6 : i32
      %mul3A_105 = arith.muli %scan3A_39, %mul3A_104 : i32
      %add3A_106 = arith.constant 3 : i32
      %add3A_107 = arith.addi %mul3A_105, %add3A_106 : i32
      %mul3A_108 = arith.constant 32 : i32
      %mul3A_109 = arith.muli %add3A_107, %mul3A_108 : i32
      %add3A_110 = arith.addi %add3A, %mul3A_109 : i32
      %ge3A_111 = arith.constant 2 : i32
      %ge3A_112 = arith.cmpi sge, %add3A_107, %ge3A_111 : i32
      %sub3A_113 = arith.constant 64 : i32
      %sub3A_114 = arith.subi %add3A_110, %sub3A_113 : i32
      %lt3A_115 = arith.constant 625 : i32
      %lt3A_116 = arith.cmpi slt, %sub3A_114, %lt3A_115 : i32
      %and3A_117 = arith.andi %ge3A_112, %lt3A_116 : i1
      %convert_element_type3A_118 = arith.extui %and3A_117 : i1 to i32
      %cond3A_119 = arith.constant 0 : i32
      %cond3A_120 = arith.cmpi ne, %convert_element_type3A_118, %cond3A_119 : i32
      scf.if %cond3A_120 {
        %sub3A_171 = arith.constant 64 : i32
        %sub3A_172 = arith.subi %add3A_110, %sub3A_171 : i32
        %mul3A_173 = arith.constant 160 : i32
        %mul3A_174 = arith.muli %sub3A_172, %mul3A_173 : i32
        %dma_wait3A = arith.constant 0 : i32
        %dma_wait3A_175 = tpu.memref_slice %arg5[%mul3A_174, %dma_wait3A] : memref<100000x128xf32, #tpu.memory_space<hbm>> -> memref<160x128xf32, #tpu.memory_space<hbm>>
        %dma_wait3A_176 = arith.constant 0 : i32
        %dma_wait3A_177 = tpu.memref_slice %arg5[%mul3A_174, %dma_wait3A_176] : memref<100000x128xf32, #tpu.memory_space<hbm>> -> memref<160x128xf32, #tpu.memory_space<hbm>>
        tpu.wait_dma2 semaphore(%arg19 : memref<!tpu.dma_semaphore, #tpu.memory_space<semaphore_mem>>) src(%arg13 : memref<160x128xf32, #tpu.memory_space<vmem>>) dst(%dma_wait3A_177 : memref<160x128xf32, #tpu.memory_space<hbm>>)
      } else {
      }
      %lt3A_121 = arith.constant 625 : i32
      %lt3A_122 = arith.cmpi slt, %add3A_110, %lt3A_121 : i32
      %convert_element_type3A_123 = arith.extui %lt3A_122 : i1 to i32
      %cond3A_124 = arith.constant 0 : i32
      %cond3A_125 = arith.cmpi ne, %convert_element_type3A_123, %cond3A_124 : i32
      scf.if %cond3A_125 {
        %mul3A_171 = arith.constant 160 : i32
        %mul3A_172 = arith.muli %add3A_110, %mul3A_171 : i32
        %dma_wait3A = arith.constant 0 : i32
        %dma_wait3A_173 = tpu.memref_slice %arg2[%mul3A_172, %dma_wait3A] : memref<100000x128xf32, #tpu.memory_space<hbm>> -> memref<160x128xf32, #tpu.memory_space<hbm>>
        %dma_wait3A_174 = arith.constant 0 : i32
        %dma_wait3A_175 = tpu.memref_slice %arg2[%mul3A_172, %dma_wait3A_174] : memref<100000x128xf32, #tpu.memory_space<hbm>> -> memref<160x128xf32, #tpu.memory_space<hbm>>
        tpu.wait_dma2 semaphore(%arg15 : memref<!tpu.dma_semaphore, #tpu.memory_space<semaphore_mem>>) src(%dma_wait3A_175 : memref<160x128xf32, #tpu.memory_space<hbm>>) dst(%arg6 : memref<160x128xf32, #tpu.memory_space<vmem>>)
        %dma_wait3A_176 = tpu.memref_slice %arg3[%mul3A_172] : memref<100000xi32, #tpu.memory_space<hbm>> -> memref<160xi32, #tpu.memory_space<hbm>>
        %dma_wait3A_177 = tpu.memref_slice %arg3[%mul3A_172] : memref<100000xi32, #tpu.memory_space<hbm>> -> memref<160xi32, #tpu.memory_space<hbm>>
        tpu.wait_dma2 semaphore(%arg15 : memref<!tpu.dma_semaphore, #tpu.memory_space<semaphore_mem>>) src(%dma_wait3A_177 : memref<160xi32, #tpu.memory_space<hbm>>) dst(%arg9 : memref<160xi32, #tpu.memory_space<vmem>>)
        %parallel_loop3A = arith.constant 0 : i32
        %parallel_loop3A_178 = arith.constant 160 : i32
        %parallel_loop3A_179 = arith.constant 1 : i32
        scf.for %parallel_loop3A_192 = %parallel_loop3A to %parallel_loop3A_178 step %parallel_loop3A_179  : i32 {
          %parallel_loop3A_193 = vector.broadcast %parallel_loop3A_192 : i32 to vector<16xi32>
          %parallel_loop3A_194 = tpu.vector_load_idx %arg9[%parallel_loop3A_193] : memref<160xi32, #tpu.memory_space<vmem>>[vector<16xi32>], vector<16xi32>,
          %parallel_loop3A_195 = tpu.iota {dimensions = array<i32: 0>} : vector<16xi32>
          %parallel_loop3A_196 = arith.constant 0 : i32
          %parallel_loop3A_197 = vector.broadcast %parallel_loop3A_196 : i32 to vector<16xi32>
          %parallel_loop3A_198 = arith.addi %parallel_loop3A_195, %parallel_loop3A_197 : vector<16xi32>
          %parallel_loop3A_199 = tpu.vector_load_idx %arg14[%parallel_loop3A_194, %parallel_loop3A_198] : memref<20x128xf32, #tpu.memory_space<vmem>>[vector<16xi32>, vector<16xi32>], vector<16xf32>,
          %parallel_loop3A_200 = arith.index_cast %parallel_loop3A_192 : i32 to index
          %parallel_loop3A_201 = arith.constant 0 : index
          %parallel_loop3A_202 = tpu.vector_load %arg6[%parallel_loop3A_200, %parallel_loop3A_201] {strides = array<i32>} : memref<160x128xf32, #tpu.memory_space<vmem>>, vector<16xf32>,
          %parallel_loop3A_203 = arith.cmpf ogt, %parallel_loop3A_202, %parallel_loop3A_199 : vector<16xf32>
          %parallel_loop3A_204 = arith.constant 1.000000e+00 : f32
          %parallel_loop3A_205 = arith.constant 0.000000e+00 : f32
          %parallel_loop3A_206 = vector.broadcast %parallel_loop3A_204 : f32 to vector<16xf32>
          %parallel_loop3A_207 = vector.broadcast %parallel_loop3A_205 : f32 to vector<16xf32>
          %parallel_loop3A_208 = arith.select %parallel_loop3A_203, %parallel_loop3A_206, %parallel_loop3A_207 : vector<16xi1>, vector<16xf32>
          %parallel_loop3A_209 = arith.index_cast %parallel_loop3A_192 : i32 to index
          %parallel_loop3A_210 = arith.constant 0 : index
          %parallel_loop3A_211 = tpu.vector_load %arg13[%parallel_loop3A_209, %parallel_loop3A_210] {strides = array<i32>} : memref<160x128xf32, #tpu.memory_space<vmem>>, vector<16xf32>,
          tpu.vector_store %arg13[%parallel_loop3A_209, %parallel_loop3A_210], %parallel_loop3A_208 {strides = array<i32>} : memref<160x128xf32, #tpu.memory_space<vmem>>, vector<16xf32>,
          %parallel_loop3A_212 = tpu.iota {dimensions = array<i32: 0>} : vector<16xi32>
          %parallel_loop3A_213 = arith.constant 16 : i32
          %parallel_loop3A_214 = vector.broadcast %parallel_loop3A_213 : i32 to vector<16xi32>
          %parallel_loop3A_215 = arith.addi %parallel_loop3A_212, %parallel_loop3A_214 : vector<16xi32>
          %parallel_loop3A_216 = tpu.vector_load_idx %arg14[%parallel_loop3A_194, %parallel_loop3A_215] : memref<20x128xf32, #tpu.memory_space<vmem>>[vector<16xi32>, vector<16xi32>], vector<16xf32>,
          %parallel_loop3A_217 = arith.index_cast %parallel_loop3A_192 : i32 to index
          %parallel_loop3A_218 = arith.constant 16 : index
          %parallel_loop3A_219 = tpu.vector_load %arg6[%parallel_loop3A_217, %parallel_loop3A_218] {strides = array<i32>} : memref<160x128xf32, #tpu.memory_space<vmem>>, vector<16xf32>,
          %parallel_loop3A_220 = arith.cmpf ogt, %parallel_loop3A_219, %parallel_loop3A_216 : vector<16xf32>
          %parallel_loop3A_221 = arith.constant 1.000000e+00 : f32
          %parallel_loop3A_222 = arith.constant 0.000000e+00 : f32
          %parallel_loop3A_223 = vector.broadcast %parallel_loop3A_221 : f32 to vector<16xf32>
          %parallel_loop3A_224 = vector.broadcast %parallel_loop3A_222 : f32 to vector<16xf32>
          %parallel_loop3A_225 = arith.select %parallel_loop3A_220, %parallel_loop3A_223, %parallel_loop3A_224 : vector<16xi1>, vector<16xf32>
          %parallel_loop3A_226 = arith.index_cast %parallel_loop3A_192 : i32 to index
          %parallel_loop3A_227 = arith.constant 16 : index
          %parallel_loop3A_228 = tpu.vector_load %arg13[%parallel_loop3A_226, %parallel_loop3A_227] {strides = array<i32>} : memref<160x128xf32, #tpu.memory_space<vmem>>, vector<16xf32>,
          tpu.vector_store %arg13[%parallel_loop3A_226, %parallel_loop3A_227], %parallel_loop3A_225 {strides = array<i32>} : memref<160x128xf32, #tpu.memory_space<vmem>>, vector<16xf32>,
          %parallel_loop3A_229 = tpu.iota {dimensions = array<i32: 0>} : vector<16xi32>
          %parallel_loop3A_230 = arith.constant 32 : i32
          %parallel_loop3A_231 = vector.broadcast %parallel_loop3A_230 : i32 to vector<16xi32>
          %parallel_loop3A_232 = arith.addi %parallel_loop3A_229, %parallel_loop3A_231 : vector<16xi32>
          %parallel_loop3A_233 = tpu.vector_load_idx %arg14[%parallel_loop3A_194, %parallel_loop3A_232] : memref<20x128xf32, #tpu.memory_space<vmem>>[vector<16xi32>, vector<16xi32>], vector<16xf32>,
          %parallel_loop3A_234 = arith.index_cast %parallel_loop3A_192 : i32 to index
          %parallel_loop3A_235 = arith.constant 32 : index
          %parallel_loop3A_236 = tpu.vector_load %arg6[%parallel_loop3A_234, %parallel_loop3A_235] {strides = array<i32>} : memref<160x128xf32, #tpu.memory_space<vmem>>, vector<16xf32>,
          %parallel_loop3A_237 = arith.cmpf ogt, %parallel_loop3A_236, %parallel_loop3A_233 : vector<16xf32>
          %parallel_loop3A_238 = arith.constant 1.000000e+00 : f32
          %parallel_loop3A_239 = arith.constant 0.000000e+00 : f32
          %parallel_loop3A_240 = vector.broadcast %parallel_loop3A_238 : f32 to vector<16xf32>
          %parallel_loop3A_241 = vector.broadcast %parallel_loop3A_239 : f32 to vector<16xf32>
          %parallel_loop3A_242 = arith.select %parallel_loop3A_237, %parallel_loop3A_240, %parallel_loop3A_241 : vector<16xi1>, vector<16xf32>
          %parallel_loop3A_243 = arith.index_cast %parallel_loop3A_192 : i32 to index
          %parallel_loop3A_244 = arith.constant 32 : index
          %parallel_loop3A_245 = tpu.vector_load %arg13[%parallel_loop3A_243, %parallel_loop3A_244] {strides = array<i32>} : memref<160x128xf32, #tpu.memory_space<vmem>>, vector<16xf32>,
          tpu.vector_store %arg13[%parallel_loop3A_243, %parallel_loop3A_244], %parallel_loop3A_242 {strides = array<i32>} : memref<160x128xf32, #tpu.memory_space<vmem>>, vector<16xf32>,
          %parallel_loop3A_246 = tpu.iota {dimensions = array<i32: 0>} : vector<16xi32>
          %parallel_loop3A_247 = arith.constant 48 : i32
          %parallel_loop3A_248 = vector.broadcast %parallel_loop3A_247 : i32 to vector<16xi32>
          %parallel_loop3A_249 = arith.addi %parallel_loop3A_246, %parallel_loop3A_248 : vector<16xi32>
          %parallel_loop3A_250 = tpu.vector_load_idx %arg14[%parallel_loop3A_194, %parallel_loop3A_249] : memref<20x128xf32, #tpu.memory_space<vmem>>[vector<16xi32>, vector<16xi32>], vector<16xf32>,
          %parallel_loop3A_251 = arith.index_cast %parallel_loop3A_192 : i32 to index
          %parallel_loop3A_252 = arith.constant 48 : index
          %parallel_loop3A_253 = tpu.vector_load %arg6[%parallel_loop3A_251, %parallel_loop3A_252] {strides = array<i32>} : memref<160x128xf32, #tpu.memory_space<vmem>>, vector<16xf32>,
          %parallel_loop3A_254 = arith.cmpf ogt, %parallel_loop3A_253, %parallel_loop3A_250 : vector<16xf32>
          %parallel_loop3A_255 = arith.constant 1.000000e+00 : f32
          %parallel_loop3A_256 = arith.constant 0.000000e+00 : f32
          %parallel_loop3A_257 = vector.broadcast %parallel_loop3A_255 : f32 to vector<16xf32>
          %parallel_loop3A_258 = vector.broadcast %parallel_loop3A_256 : f32 to vector<16xf32>
          %parallel_loop3A_259 = arith.select %parallel_loop3A_254, %parallel_loop3A_257, %parallel_loop3A_258 : vector<16xi1>, vector<16xf32>
          %parallel_loop3A_260 = arith.index_cast %parallel_loop3A_192 : i32 to index
          %parallel_loop3A_261 = arith.constant 48 : index
          %parallel_loop3A_262 = tpu.vector_load %arg13[%parallel_loop3A_260, %parallel_loop3A_261] {strides = array<i32>} : memref<160x128xf32, #tpu.memory_space<vmem>>, vector<16xf32>,
          tpu.vector_store %arg13[%parallel_loop3A_260, %parallel_loop3A_261], %parallel_loop3A_259 {strides = array<i32>} : memref<160x128xf32, #tpu.memory_space<vmem>>, vector<16xf32>,
          %parallel_loop3A_263 = tpu.iota {dimensions = array<i32: 0>} : vector<16xi32>
          %parallel_loop3A_264 = arith.constant 64 : i32
          %parallel_loop3A_265 = vector.broadcast %parallel_loop3A_264 : i32 to vector<16xi32>
          %parallel_loop3A_266 = arith.addi %parallel_loop3A_263, %parallel_loop3A_265 : vector<16xi32>
          %parallel_loop3A_267 = tpu.vector_load_idx %arg14[%parallel_loop3A_194, %parallel_loop3A_266] : memref<20x128xf32, #tpu.memory_space<vmem>>[vector<16xi32>, vector<16xi32>], vector<16xf32>,
          %parallel_loop3A_268 = arith.index_cast %parallel_loop3A_192 : i32 to index
          %parallel_loop3A_269 = arith.constant 64 : index
          %parallel_loop3A_270 = tpu.vector_load %arg6[%parallel_loop3A_268, %parallel_loop3A_269] {strides = array<i32>} : memref<160x128xf32, #tpu.memory_space<vmem>>, vector<16xf32>,
          %parallel_loop3A_271 = arith.cmpf ogt, %parallel_loop3A_270, %parallel_loop3A_267 : vector<16xf32>
          %parallel_loop3A_272 = arith.constant 1.000000e+00 : f32
          %parallel_loop3A_273 = arith.constant 0.000000e+00 : f32
          %parallel_loop3A_274 = vector.broadcast %parallel_loop3A_272 : f32 to vector<16xf32>
          %parallel_loop3A_275 = vector.broadcast %parallel_loop3A_273 : f32 to vector<16xf32>
          %parallel_loop3A_276 = arith.select %parallel_loop3A_271, %parallel_loop3A_274, %parallel_loop3A_275 : vector<16xi1>, vector<16xf32>
          %parallel_loop3A_277 = arith.index_cast %parallel_loop3A_192 : i32 to index
          %parallel_loop3A_278 = arith.constant 64 : index
          %parallel_loop3A_279 = tpu.vector_load %arg13[%parallel_loop3A_277, %parallel_loop3A_278] {strides = array<i32>} : memref<160x128xf32, #tpu.memory_space<vmem>>, vector<16xf32>,
          tpu.vector_store %arg13[%parallel_loop3A_277, %parallel_loop3A_278], %parallel_loop3A_276 {strides = array<i32>} : memref<160x128xf32, #tpu.memory_space<vmem>>, vector<16xf32>,
          %parallel_loop3A_280 = tpu.iota {dimensions = array<i32: 0>} : vector<16xi32>
          %parallel_loop3A_281 = arith.constant 80 : i32
          %parallel_loop3A_282 = vector.broadcast %parallel_loop3A_281 : i32 to vector<16xi32>
          %parallel_loop3A_283 = arith.addi %parallel_loop3A_280, %parallel_loop3A_282 : vector<16xi32>
          %parallel_loop3A_284 = tpu.vector_load_idx %arg14[%parallel_loop3A_194, %parallel_loop3A_283] : memref<20x128xf32, #tpu.memory_space<vmem>>[vector<16xi32>, vector<16xi32>], vector<16xf32>,
          %parallel_loop3A_285 = arith.index_cast %parallel_loop3A_192 : i32 to index
          %parallel_loop3A_286 = arith.constant 80 : index
          %parallel_loop3A_287 = tpu.vector_load %arg6[%parallel_loop3A_285, %parallel_loop3A_286] {strides = array<i32>} : memref<160x128xf32, #tpu.memory_space<vmem>>, vector<16xf32>,
          %parallel_loop3A_288 = arith.cmpf ogt, %parallel_loop3A_287, %parallel_loop3A_284 : vector<16xf32>
          %parallel_loop3A_289 = arith.constant 1.000000e+00 : f32
          %parallel_loop3A_290 = arith.constant 0.000000e+00 : f32
          %parallel_loop3A_291 = vector.broadcast %parallel_loop3A_289 : f32 to vector<16xf32>
          %parallel_loop3A_292 = vector.broadcast %parallel_loop3A_290 : f32 to vector<16xf32>
          %parallel_loop3A_293 = arith.select %parallel_loop3A_288, %parallel_loop3A_291, %parallel_loop3A_292 : vector<16xi1>, vector<16xf32>
          %parallel_loop3A_294 = arith.index_cast %parallel_loop3A_192 : i32 to index
          %parallel_loop3A_295 = arith.constant 80 : index
          %parallel_loop3A_296 = tpu.vector_load %arg13[%parallel_loop3A_294, %parallel_loop3A_295] {strides = array<i32>} : memref<160x128xf32, #tpu.memory_space<vmem>>, vector<16xf32>,
          tpu.vector_store %arg13[%parallel_loop3A_294, %parallel_loop3A_295], %parallel_loop3A_293 {strides = array<i32>} : memref<160x128xf32, #tpu.memory_space<vmem>>, vector<16xf32>,
          %parallel_loop3A_297 = tpu.iota {dimensions = array<i32: 0>} : vector<16xi32>
          %parallel_loop3A_298 = arith.constant 96 : i32
          %parallel_loop3A_299 = vector.broadcast %parallel_loop3A_298 : i32 to vector<16xi32>
          %parallel_loop3A_300 = arith.addi %parallel_loop3A_297, %parallel_loop3A_299 : vector<16xi32>
          %parallel_loop3A_301 = tpu.vector_load_idx %arg14[%parallel_loop3A_194, %parallel_loop3A_300] : memref<20x128xf32, #tpu.memory_space<vmem>>[vector<16xi32>, vector<16xi32>], vector<16xf32>,
          %parallel_loop3A_302 = arith.index_cast %parallel_loop3A_192 : i32 to index
          %parallel_loop3A_303 = arith.constant 96 : index
          %parallel_loop3A_304 = tpu.vector_load %arg6[%parallel_loop3A_302, %parallel_loop3A_303] {strides = array<i32>} : memref<160x128xf32, #tpu.memory_space<vmem>>, vector<16xf32>,
          %parallel_loop3A_305 = arith.cmpf ogt, %parallel_loop3A_304, %parallel_loop3A_301 : vector<16xf32>
          %parallel_loop3A_306 = arith.constant 1.000000e+00 : f32
          %parallel_loop3A_307 = arith.constant 0.000000e+00 : f32
          %parallel_loop3A_308 = vector.broadcast %parallel_loop3A_306 : f32 to vector<16xf32>
          %parallel_loop3A_309 = vector.broadcast %parallel_loop3A_307 : f32 to vector<16xf32>
          %parallel_loop3A_310 = arith.select %parallel_loop3A_305, %parallel_loop3A_308, %parallel_loop3A_309 : vector<16xi1>, vector<16xf32>
          %parallel_loop3A_311 = arith.index_cast %parallel_loop3A_192 : i32 to index
          %parallel_loop3A_312 = arith.constant 96 : index
          %parallel_loop3A_313 = tpu.vector_load %arg13[%parallel_loop3A_311, %parallel_loop3A_312] {strides = array<i32>} : memref<160x128xf32, #tpu.memory_space<vmem>>, vector<16xf32>,
          tpu.vector_store %arg13[%parallel_loop3A_311, %parallel_loop3A_312], %parallel_loop3A_310 {strides = array<i32>} : memref<160x128xf32, #tpu.memory_space<vmem>>, vector<16xf32>,
          %parallel_loop3A_314 = tpu.iota {dimensions = array<i32: 0>} : vector<16xi32>
          %parallel_loop3A_315 = arith.constant 112 : i32
          %parallel_loop3A_316 = vector.broadcast %parallel_loop3A_315 : i32 to vector<16xi32>
          %parallel_loop3A_317 = arith.addi %parallel_loop3A_314, %parallel_loop3A_316 : vector<16xi32>
          %parallel_loop3A_318 = tpu.vector_load_idx %arg14[%parallel_loop3A_194, %parallel_loop3A_317] : memref<20x128xf32, #tpu.memory_space<vmem>>[vector<16xi32>, vector<16xi32>], vector<16xf32>,
          %parallel_loop3A_319 = arith.index_cast %parallel_loop3A_192 : i32 to index
          %parallel_loop3A_320 = arith.constant 112 : index
          %parallel_loop3A_321 = tpu.vector_load %arg6[%parallel_loop3A_319, %parallel_loop3A_320] {strides = array<i32>} : memref<160x128xf32, #tpu.memory_space<vmem>>, vector<16xf32>,
          %parallel_loop3A_322 = arith.cmpf ogt, %parallel_loop3A_321, %parallel_loop3A_318 : vector<16xf32>
          %parallel_loop3A_323 = arith.constant 1.000000e+00 : f32
          %parallel_loop3A_324 = arith.constant 0.000000e+00 : f32
          %parallel_loop3A_325 = vector.broadcast %parallel_loop3A_323 : f32 to vector<16xf32>
          %parallel_loop3A_326 = vector.broadcast %parallel_loop3A_324 : f32 to vector<16xf32>
          %parallel_loop3A_327 = arith.select %parallel_loop3A_322, %parallel_loop3A_325, %parallel_loop3A_326 : vector<16xi1>, vector<16xf32>
          %parallel_loop3A_328 = arith.index_cast %parallel_loop3A_192 : i32 to index
          %parallel_loop3A_329 = arith.constant 112 : index
          %parallel_loop3A_330 = tpu.vector_load %arg13[%parallel_loop3A_328, %parallel_loop3A_329] {strides = array<i32>} : memref<160x128xf32, #tpu.memory_space<vmem>>, vector<16xf32>,
          tpu.vector_store %arg13[%parallel_loop3A_328, %parallel_loop3A_329], %parallel_loop3A_327 {strides = array<i32>} : memref<160x128xf32, #tpu.memory_space<vmem>>, vector<16xf32>,
        } {sc.loop_unroll_factor = 4 : i64, sc.parallel_access}
        %mul3A_180 = arith.constant 160 : i32
        %mul3A_181 = arith.muli %add3A_110, %mul3A_180 : i32
        %dma_start3A = arith.constant 0 : i32
        %dma_start3A_182 = tpu.memref_slice %arg5[%mul3A_181, %dma_start3A] : memref<100000x128xf32, #tpu.memory_space<hbm>> -> memref<160x128xf32, #tpu.memory_space<hbm>>
        %dma_start3A_183 = arith.constant 0 : i32
        %dma_start3A_184 = tpu.memref_slice %arg5[%mul3A_181, %dma_start3A_183] : memref<100000x128xf32, #tpu.memory_space<hbm>> -> memref<160x128xf32, #tpu.memory_space<hbm>>
        tpu.enqueue_dma source(%arg13 : memref<160x128xf32, #tpu.memory_space<vmem>>) target(%dma_start3A_184 : memref<160x128xf32, #tpu.memory_space<hbm>>) target_semaphore(%arg19 : memref<!tpu.dma_semaphore, #tpu.memory_space<semaphore_mem>>)
        %add3A_185 = arith.constant 96 : i32
        %add3A_186 = arith.addi %add3A_110, %add3A_185 : i32
        %lt3A_187 = arith.constant 625 : i32
        %lt3A_188 = arith.cmpi slt, %add3A_186, %lt3A_187 : i32
        %convert_element_type3A_189 = arith.extui %lt3A_188 : i1 to i32
        %cond3A_190 = arith.constant 0 : i32
        %cond3A_191 = arith.cmpi ne, %convert_element_type3A_189, %cond3A_190 : i32
        scf.if %cond3A_191 {
          %add3A_192 = arith.constant 96 : i32
          %add3A_193 = arith.addi %add3A_110, %add3A_192 : i32
          %mul3A_194 = arith.constant 160 : i32
          %mul3A_195 = arith.muli %add3A_193, %mul3A_194 : i32
          %dma_start3A_196 = arith.constant 0 : i32
          %dma_start3A_197 = tpu.memref_slice %arg2[%mul3A_195, %dma_start3A_196] : memref<100000x128xf32, #tpu.memory_space<hbm>> -> memref<160x128xf32, #tpu.memory_space<hbm>>
          %dma_start3A_198 = arith.constant 0 : i32
          %dma_start3A_199 = tpu.memref_slice %arg2[%mul3A_195, %dma_start3A_198] : memref<100000x128xf32, #tpu.memory_space<hbm>> -> memref<160x128xf32, #tpu.memory_space<hbm>>
          tpu.enqueue_dma source(%dma_start3A_199 : memref<160x128xf32, #tpu.memory_space<hbm>>) target(%arg6 : memref<160x128xf32, #tpu.memory_space<vmem>>) target_semaphore(%arg15 : memref<!tpu.dma_semaphore, #tpu.memory_space<semaphore_mem>>)
          %dma_start3A_200 = tpu.memref_slice %arg3[%mul3A_195] : memref<100000xi32, #tpu.memory_space<hbm>> -> memref<160xi32, #tpu.memory_space<hbm>>
          %dma_start3A_201 = tpu.memref_slice %arg3[%mul3A_195] : memref<100000xi32, #tpu.memory_space<hbm>> -> memref<160xi32, #tpu.memory_space<hbm>>
          tpu.enqueue_dma source(%dma_start3A_201 : memref<160xi32, #tpu.memory_space<hbm>>) target(%arg9 : memref<160xi32, #tpu.memory_space<vmem>>) target_semaphore(%arg15 : memref<!tpu.dma_semaphore, #tpu.memory_space<semaphore_mem>>)
        } else {
        }
      } else {
      }
      %mul3A_126 = arith.constant 6 : i32
      %mul3A_127 = arith.muli %scan3A_39, %mul3A_126 : i32
      %add3A_128 = arith.constant 4 : i32
      %add3A_129 = arith.addi %mul3A_127, %add3A_128 : i32
      %mul3A_130 = arith.constant 32 : i32
      %mul3A_131 = arith.muli %add3A_129, %mul3A_130 : i32
      %add3A_132 = arith.addi %add3A, %mul3A_131 : i32
      %ge3A_133 = arith.constant 2 : i32
      %ge3A_134 = arith.cmpi sge, %add3A_129, %ge3A_133 : i32
      %sub3A_135 = arith.constant 64 : i32
      %sub3A_136 = arith.subi %add3A_132, %sub3A_135 : i32
      %lt3A_137 = arith.constant 625 : i32
      %lt3A_138 = arith.cmpi slt, %sub3A_136, %lt3A_137 : i32
      %and3A_139 = arith.andi %ge3A_134, %lt3A_138 : i1
      %convert_element_type3A_140 = arith.extui %and3A_139 : i1 to i32
      %cond3A_141 = arith.constant 0 : i32
      %cond3A_142 = arith.cmpi ne, %convert_element_type3A_140, %cond3A_141 : i32
      scf.if %cond3A_142 {
        %sub3A_171 = arith.constant 64 : i32
        %sub3A_172 = arith.subi %add3A_132, %sub3A_171 : i32
        %mul3A_173 = arith.constant 160 : i32
        %mul3A_174 = arith.muli %sub3A_172, %mul3A_173 : i32
        %dma_wait3A = arith.constant 0 : i32
        %dma_wait3A_175 = tpu.memref_slice %arg5[%mul3A_174, %dma_wait3A] : memref<100000x128xf32, #tpu.memory_space<hbm>> -> memref<160x128xf32, #tpu.memory_space<hbm>>
        %dma_wait3A_176 = arith.constant 0 : i32
        %dma_wait3A_177 = tpu.memref_slice %arg5[%mul3A_174, %dma_wait3A_176] : memref<100000x128xf32, #tpu.memory_space<hbm>> -> memref<160x128xf32, #tpu.memory_space<hbm>>
        tpu.wait_dma2 semaphore(%arg18 : memref<!tpu.dma_semaphore, #tpu.memory_space<semaphore_mem>>) src(%arg12 : memref<160x128xf32, #tpu.memory_space<vmem>>) dst(%dma_wait3A_177 : memref<160x128xf32, #tpu.memory_space<hbm>>)
      } else {
      }
      %lt3A_143 = arith.constant 625 : i32
      %lt3A_144 = arith.cmpi slt, %add3A_132, %lt3A_143 : i32
      %convert_element_type3A_145 = arith.extui %lt3A_144 : i1 to i32
      %cond3A_146 = arith.constant 0 : i32
      %cond3A_147 = arith.cmpi ne, %convert_element_type3A_145, %cond3A_146 : i32
      scf.if %cond3A_147 {
        %mul3A_171 = arith.constant 160 : i32
        %mul3A_172 = arith.muli %add3A_132, %mul3A_171 : i32
        %dma_wait3A = arith.constant 0 : i32
        %dma_wait3A_173 = tpu.memref_slice %arg2[%mul3A_172, %dma_wait3A] : memref<100000x128xf32, #tpu.memory_space<hbm>> -> memref<160x128xf32, #tpu.memory_space<hbm>>
        %dma_wait3A_174 = arith.constant 0 : i32
        %dma_wait3A_175 = tpu.memref_slice %arg2[%mul3A_172, %dma_wait3A_174] : memref<100000x128xf32, #tpu.memory_space<hbm>> -> memref<160x128xf32, #tpu.memory_space<hbm>>
        tpu.wait_dma2 semaphore(%arg16 : memref<!tpu.dma_semaphore, #tpu.memory_space<semaphore_mem>>) src(%dma_wait3A_175 : memref<160x128xf32, #tpu.memory_space<hbm>>) dst(%arg7 : memref<160x128xf32, #tpu.memory_space<vmem>>)
        %dma_wait3A_176 = tpu.memref_slice %arg3[%mul3A_172] : memref<100000xi32, #tpu.memory_space<hbm>> -> memref<160xi32, #tpu.memory_space<hbm>>
        %dma_wait3A_177 = tpu.memref_slice %arg3[%mul3A_172] : memref<100000xi32, #tpu.memory_space<hbm>> -> memref<160xi32, #tpu.memory_space<hbm>>
        tpu.wait_dma2 semaphore(%arg16 : memref<!tpu.dma_semaphore, #tpu.memory_space<semaphore_mem>>) src(%dma_wait3A_177 : memref<160xi32, #tpu.memory_space<hbm>>) dst(%arg10 : memref<160xi32, #tpu.memory_space<vmem>>)
        %parallel_loop3A = arith.constant 0 : i32
        %parallel_loop3A_178 = arith.constant 160 : i32
        %parallel_loop3A_179 = arith.constant 1 : i32
        scf.for %parallel_loop3A_192 = %parallel_loop3A to %parallel_loop3A_178 step %parallel_loop3A_179  : i32 {
          %parallel_loop3A_193 = vector.broadcast %parallel_loop3A_192 : i32 to vector<16xi32>
          %parallel_loop3A_194 = tpu.vector_load_idx %arg10[%parallel_loop3A_193] : memref<160xi32, #tpu.memory_space<vmem>>[vector<16xi32>], vector<16xi32>,
          %parallel_loop3A_195 = tpu.iota {dimensions = array<i32: 0>} : vector<16xi32>
          %parallel_loop3A_196 = arith.constant 0 : i32
          %parallel_loop3A_197 = vector.broadcast %parallel_loop3A_196 : i32 to vector<16xi32>
          %parallel_loop3A_198 = arith.addi %parallel_loop3A_195, %parallel_loop3A_197 : vector<16xi32>
          %parallel_loop3A_199 = tpu.vector_load_idx %arg14[%parallel_loop3A_194, %parallel_loop3A_198] : memref<20x128xf32, #tpu.memory_space<vmem>>[vector<16xi32>, vector<16xi32>], vector<16xf32>,
          %parallel_loop3A_200 = arith.index_cast %parallel_loop3A_192 : i32 to index
          %parallel_loop3A_201 = arith.constant 0 : index
          %parallel_loop3A_202 = tpu.vector_load %arg7[%parallel_loop3A_200, %parallel_loop3A_201] {strides = array<i32>} : memref<160x128xf32, #tpu.memory_space<vmem>>, vector<16xf32>,
          %parallel_loop3A_203 = arith.cmpf ogt, %parallel_loop3A_202, %parallel_loop3A_199 : vector<16xf32>
          %parallel_loop3A_204 = arith.constant 1.000000e+00 : f32
          %parallel_loop3A_205 = arith.constant 0.000000e+00 : f32
          %parallel_loop3A_206 = vector.broadcast %parallel_loop3A_204 : f32 to vector<16xf32>
          %parallel_loop3A_207 = vector.broadcast %parallel_loop3A_205 : f32 to vector<16xf32>
          %parallel_loop3A_208 = arith.select %parallel_loop3A_203, %parallel_loop3A_206, %parallel_loop3A_207 : vector<16xi1>, vector<16xf32>
          %parallel_loop3A_209 = arith.index_cast %parallel_loop3A_192 : i32 to index
          %parallel_loop3A_210 = arith.constant 0 : index
          %parallel_loop3A_211 = tpu.vector_load %arg12[%parallel_loop3A_209, %parallel_loop3A_210] {strides = array<i32>} : memref<160x128xf32, #tpu.memory_space<vmem>>, vector<16xf32>,
          tpu.vector_store %arg12[%parallel_loop3A_209, %parallel_loop3A_210], %parallel_loop3A_208 {strides = array<i32>} : memref<160x128xf32, #tpu.memory_space<vmem>>, vector<16xf32>,
          %parallel_loop3A_212 = tpu.iota {dimensions = array<i32: 0>} : vector<16xi32>
          %parallel_loop3A_213 = arith.constant 16 : i32
          %parallel_loop3A_214 = vector.broadcast %parallel_loop3A_213 : i32 to vector<16xi32>
          %parallel_loop3A_215 = arith.addi %parallel_loop3A_212, %parallel_loop3A_214 : vector<16xi32>
          %parallel_loop3A_216 = tpu.vector_load_idx %arg14[%parallel_loop3A_194, %parallel_loop3A_215] : memref<20x128xf32, #tpu.memory_space<vmem>>[vector<16xi32>, vector<16xi32>], vector<16xf32>,
          %parallel_loop3A_217 = arith.index_cast %parallel_loop3A_192 : i32 to index
          %parallel_loop3A_218 = arith.constant 16 : index
          %parallel_loop3A_219 = tpu.vector_load %arg7[%parallel_loop3A_217, %parallel_loop3A_218] {strides = array<i32>} : memref<160x128xf32, #tpu.memory_space<vmem>>, vector<16xf32>,
          %parallel_loop3A_220 = arith.cmpf ogt, %parallel_loop3A_219, %parallel_loop3A_216 : vector<16xf32>
          %parallel_loop3A_221 = arith.constant 1.000000e+00 : f32
          %parallel_loop3A_222 = arith.constant 0.000000e+00 : f32
          %parallel_loop3A_223 = vector.broadcast %parallel_loop3A_221 : f32 to vector<16xf32>
          %parallel_loop3A_224 = vector.broadcast %parallel_loop3A_222 : f32 to vector<16xf32>
          %parallel_loop3A_225 = arith.select %parallel_loop3A_220, %parallel_loop3A_223, %parallel_loop3A_224 : vector<16xi1>, vector<16xf32>
          %parallel_loop3A_226 = arith.index_cast %parallel_loop3A_192 : i32 to index
          %parallel_loop3A_227 = arith.constant 16 : index
          %parallel_loop3A_228 = tpu.vector_load %arg12[%parallel_loop3A_226, %parallel_loop3A_227] {strides = array<i32>} : memref<160x128xf32, #tpu.memory_space<vmem>>, vector<16xf32>,
          tpu.vector_store %arg12[%parallel_loop3A_226, %parallel_loop3A_227], %parallel_loop3A_225 {strides = array<i32>} : memref<160x128xf32, #tpu.memory_space<vmem>>, vector<16xf32>,
          %parallel_loop3A_229 = tpu.iota {dimensions = array<i32: 0>} : vector<16xi32>
          %parallel_loop3A_230 = arith.constant 32 : i32
          %parallel_loop3A_231 = vector.broadcast %parallel_loop3A_230 : i32 to vector<16xi32>
          %parallel_loop3A_232 = arith.addi %parallel_loop3A_229, %parallel_loop3A_231 : vector<16xi32>
          %parallel_loop3A_233 = tpu.vector_load_idx %arg14[%parallel_loop3A_194, %parallel_loop3A_232] : memref<20x128xf32, #tpu.memory_space<vmem>>[vector<16xi32>, vector<16xi32>], vector<16xf32>,
          %parallel_loop3A_234 = arith.index_cast %parallel_loop3A_192 : i32 to index
          %parallel_loop3A_235 = arith.constant 32 : index
          %parallel_loop3A_236 = tpu.vector_load %arg7[%parallel_loop3A_234, %parallel_loop3A_235] {strides = array<i32>} : memref<160x128xf32, #tpu.memory_space<vmem>>, vector<16xf32>,
          %parallel_loop3A_237 = arith.cmpf ogt, %parallel_loop3A_236, %parallel_loop3A_233 : vector<16xf32>
          %parallel_loop3A_238 = arith.constant 1.000000e+00 : f32
          %parallel_loop3A_239 = arith.constant 0.000000e+00 : f32
          %parallel_loop3A_240 = vector.broadcast %parallel_loop3A_238 : f32 to vector<16xf32>
          %parallel_loop3A_241 = vector.broadcast %parallel_loop3A_239 : f32 to vector<16xf32>
          %parallel_loop3A_242 = arith.select %parallel_loop3A_237, %parallel_loop3A_240, %parallel_loop3A_241 : vector<16xi1>, vector<16xf32>
          %parallel_loop3A_243 = arith.index_cast %parallel_loop3A_192 : i32 to index
          %parallel_loop3A_244 = arith.constant 32 : index
          %parallel_loop3A_245 = tpu.vector_load %arg12[%parallel_loop3A_243, %parallel_loop3A_244] {strides = array<i32>} : memref<160x128xf32, #tpu.memory_space<vmem>>, vector<16xf32>,
          tpu.vector_store %arg12[%parallel_loop3A_243, %parallel_loop3A_244], %parallel_loop3A_242 {strides = array<i32>} : memref<160x128xf32, #tpu.memory_space<vmem>>, vector<16xf32>,
          %parallel_loop3A_246 = tpu.iota {dimensions = array<i32: 0>} : vector<16xi32>
          %parallel_loop3A_247 = arith.constant 48 : i32
          %parallel_loop3A_248 = vector.broadcast %parallel_loop3A_247 : i32 to vector<16xi32>
          %parallel_loop3A_249 = arith.addi %parallel_loop3A_246, %parallel_loop3A_248 : vector<16xi32>
          %parallel_loop3A_250 = tpu.vector_load_idx %arg14[%parallel_loop3A_194, %parallel_loop3A_249] : memref<20x128xf32, #tpu.memory_space<vmem>>[vector<16xi32>, vector<16xi32>], vector<16xf32>,
          %parallel_loop3A_251 = arith.index_cast %parallel_loop3A_192 : i32 to index
          %parallel_loop3A_252 = arith.constant 48 : index
          %parallel_loop3A_253 = tpu.vector_load %arg7[%parallel_loop3A_251, %parallel_loop3A_252] {strides = array<i32>} : memref<160x128xf32, #tpu.memory_space<vmem>>, vector<16xf32>,
          %parallel_loop3A_254 = arith.cmpf ogt, %parallel_loop3A_253, %parallel_loop3A_250 : vector<16xf32>
          %parallel_loop3A_255 = arith.constant 1.000000e+00 : f32
          %parallel_loop3A_256 = arith.constant 0.000000e+00 : f32
          %parallel_loop3A_257 = vector.broadcast %parallel_loop3A_255 : f32 to vector<16xf32>
          %parallel_loop3A_258 = vector.broadcast %parallel_loop3A_256 : f32 to vector<16xf32>
          %parallel_loop3A_259 = arith.select %parallel_loop3A_254, %parallel_loop3A_257, %parallel_loop3A_258 : vector<16xi1>, vector<16xf32>
          %parallel_loop3A_260 = arith.index_cast %parallel_loop3A_192 : i32 to index
          %parallel_loop3A_261 = arith.constant 48 : index
          %parallel_loop3A_262 = tpu.vector_load %arg12[%parallel_loop3A_260, %parallel_loop3A_261] {strides = array<i32>} : memref<160x128xf32, #tpu.memory_space<vmem>>, vector<16xf32>,
          tpu.vector_store %arg12[%parallel_loop3A_260, %parallel_loop3A_261], %parallel_loop3A_259 {strides = array<i32>} : memref<160x128xf32, #tpu.memory_space<vmem>>, vector<16xf32>,
          %parallel_loop3A_263 = tpu.iota {dimensions = array<i32: 0>} : vector<16xi32>
          %parallel_loop3A_264 = arith.constant 64 : i32
          %parallel_loop3A_265 = vector.broadcast %parallel_loop3A_264 : i32 to vector<16xi32>
          %parallel_loop3A_266 = arith.addi %parallel_loop3A_263, %parallel_loop3A_265 : vector<16xi32>
          %parallel_loop3A_267 = tpu.vector_load_idx %arg14[%parallel_loop3A_194, %parallel_loop3A_266] : memref<20x128xf32, #tpu.memory_space<vmem>>[vector<16xi32>, vector<16xi32>], vector<16xf32>,
          %parallel_loop3A_268 = arith.index_cast %parallel_loop3A_192 : i32 to index
          %parallel_loop3A_269 = arith.constant 64 : index
          %parallel_loop3A_270 = tpu.vector_load %arg7[%parallel_loop3A_268, %parallel_loop3A_269] {strides = array<i32>} : memref<160x128xf32, #tpu.memory_space<vmem>>, vector<16xf32>,
          %parallel_loop3A_271 = arith.cmpf ogt, %parallel_loop3A_270, %parallel_loop3A_267 : vector<16xf32>
          %parallel_loop3A_272 = arith.constant 1.000000e+00 : f32
          %parallel_loop3A_273 = arith.constant 0.000000e+00 : f32
          %parallel_loop3A_274 = vector.broadcast %parallel_loop3A_272 : f32 to vector<16xf32>
          %parallel_loop3A_275 = vector.broadcast %parallel_loop3A_273 : f32 to vector<16xf32>
          %parallel_loop3A_276 = arith.select %parallel_loop3A_271, %parallel_loop3A_274, %parallel_loop3A_275 : vector<16xi1>, vector<16xf32>
          %parallel_loop3A_277 = arith.index_cast %parallel_loop3A_192 : i32 to index
          %parallel_loop3A_278 = arith.constant 64 : index
          %parallel_loop3A_279 = tpu.vector_load %arg12[%parallel_loop3A_277, %parallel_loop3A_278] {strides = array<i32>} : memref<160x128xf32, #tpu.memory_space<vmem>>, vector<16xf32>,
          tpu.vector_store %arg12[%parallel_loop3A_277, %parallel_loop3A_278], %parallel_loop3A_276 {strides = array<i32>} : memref<160x128xf32, #tpu.memory_space<vmem>>, vector<16xf32>,
          %parallel_loop3A_280 = tpu.iota {dimensions = array<i32: 0>} : vector<16xi32>
          %parallel_loop3A_281 = arith.constant 80 : i32
          %parallel_loop3A_282 = vector.broadcast %parallel_loop3A_281 : i32 to vector<16xi32>
          %parallel_loop3A_283 = arith.addi %parallel_loop3A_280, %parallel_loop3A_282 : vector<16xi32>
          %parallel_loop3A_284 = tpu.vector_load_idx %arg14[%parallel_loop3A_194, %parallel_loop3A_283] : memref<20x128xf32, #tpu.memory_space<vmem>>[vector<16xi32>, vector<16xi32>], vector<16xf32>,
          %parallel_loop3A_285 = arith.index_cast %parallel_loop3A_192 : i32 to index
          %parallel_loop3A_286 = arith.constant 80 : index
          %parallel_loop3A_287 = tpu.vector_load %arg7[%parallel_loop3A_285, %parallel_loop3A_286] {strides = array<i32>} : memref<160x128xf32, #tpu.memory_space<vmem>>, vector<16xf32>,
          %parallel_loop3A_288 = arith.cmpf ogt, %parallel_loop3A_287, %parallel_loop3A_284 : vector<16xf32>
          %parallel_loop3A_289 = arith.constant 1.000000e+00 : f32
          %parallel_loop3A_290 = arith.constant 0.000000e+00 : f32
          %parallel_loop3A_291 = vector.broadcast %parallel_loop3A_289 : f32 to vector<16xf32>
          %parallel_loop3A_292 = vector.broadcast %parallel_loop3A_290 : f32 to vector<16xf32>
          %parallel_loop3A_293 = arith.select %parallel_loop3A_288, %parallel_loop3A_291, %parallel_loop3A_292 : vector<16xi1>, vector<16xf32>
          %parallel_loop3A_294 = arith.index_cast %parallel_loop3A_192 : i32 to index
          %parallel_loop3A_295 = arith.constant 80 : index
          %parallel_loop3A_296 = tpu.vector_load %arg12[%parallel_loop3A_294, %parallel_loop3A_295] {strides = array<i32>} : memref<160x128xf32, #tpu.memory_space<vmem>>, vector<16xf32>,
          tpu.vector_store %arg12[%parallel_loop3A_294, %parallel_loop3A_295], %parallel_loop3A_293 {strides = array<i32>} : memref<160x128xf32, #tpu.memory_space<vmem>>, vector<16xf32>,
          %parallel_loop3A_297 = tpu.iota {dimensions = array<i32: 0>} : vector<16xi32>
          %parallel_loop3A_298 = arith.constant 96 : i32
          %parallel_loop3A_299 = vector.broadcast %parallel_loop3A_298 : i32 to vector<16xi32>
          %parallel_loop3A_300 = arith.addi %parallel_loop3A_297, %parallel_loop3A_299 : vector<16xi32>
          %parallel_loop3A_301 = tpu.vector_load_idx %arg14[%parallel_loop3A_194, %parallel_loop3A_300] : memref<20x128xf32, #tpu.memory_space<vmem>>[vector<16xi32>, vector<16xi32>], vector<16xf32>,
          %parallel_loop3A_302 = arith.index_cast %parallel_loop3A_192 : i32 to index
          %parallel_loop3A_303 = arith.constant 96 : index
          %parallel_loop3A_304 = tpu.vector_load %arg7[%parallel_loop3A_302, %parallel_loop3A_303] {strides = array<i32>} : memref<160x128xf32, #tpu.memory_space<vmem>>, vector<16xf32>,
          %parallel_loop3A_305 = arith.cmpf ogt, %parallel_loop3A_304, %parallel_loop3A_301 : vector<16xf32>
          %parallel_loop3A_306 = arith.constant 1.000000e+00 : f32
          %parallel_loop3A_307 = arith.constant 0.000000e+00 : f32
          %parallel_loop3A_308 = vector.broadcast %parallel_loop3A_306 : f32 to vector<16xf32>
          %parallel_loop3A_309 = vector.broadcast %parallel_loop3A_307 : f32 to vector<16xf32>
          %parallel_loop3A_310 = arith.select %parallel_loop3A_305, %parallel_loop3A_308, %parallel_loop3A_309 : vector<16xi1>, vector<16xf32>
          %parallel_loop3A_311 = arith.index_cast %parallel_loop3A_192 : i32 to index
          %parallel_loop3A_312 = arith.constant 96 : index
          %parallel_loop3A_313 = tpu.vector_load %arg12[%parallel_loop3A_311, %parallel_loop3A_312] {strides = array<i32>} : memref<160x128xf32, #tpu.memory_space<vmem>>, vector<16xf32>,
          tpu.vector_store %arg12[%parallel_loop3A_311, %parallel_loop3A_312], %parallel_loop3A_310 {strides = array<i32>} : memref<160x128xf32, #tpu.memory_space<vmem>>, vector<16xf32>,
          %parallel_loop3A_314 = tpu.iota {dimensions = array<i32: 0>} : vector<16xi32>
          %parallel_loop3A_315 = arith.constant 112 : i32
          %parallel_loop3A_316 = vector.broadcast %parallel_loop3A_315 : i32 to vector<16xi32>
          %parallel_loop3A_317 = arith.addi %parallel_loop3A_314, %parallel_loop3A_316 : vector<16xi32>
          %parallel_loop3A_318 = tpu.vector_load_idx %arg14[%parallel_loop3A_194, %parallel_loop3A_317] : memref<20x128xf32, #tpu.memory_space<vmem>>[vector<16xi32>, vector<16xi32>], vector<16xf32>,
          %parallel_loop3A_319 = arith.index_cast %parallel_loop3A_192 : i32 to index
          %parallel_loop3A_320 = arith.constant 112 : index
          %parallel_loop3A_321 = tpu.vector_load %arg7[%parallel_loop3A_319, %parallel_loop3A_320] {strides = array<i32>} : memref<160x128xf32, #tpu.memory_space<vmem>>, vector<16xf32>,
          %parallel_loop3A_322 = arith.cmpf ogt, %parallel_loop3A_321, %parallel_loop3A_318 : vector<16xf32>
          %parallel_loop3A_323 = arith.constant 1.000000e+00 : f32
          %parallel_loop3A_324 = arith.constant 0.000000e+00 : f32
          %parallel_loop3A_325 = vector.broadcast %parallel_loop3A_323 : f32 to vector<16xf32>
          %parallel_loop3A_326 = vector.broadcast %parallel_loop3A_324 : f32 to vector<16xf32>
          %parallel_loop3A_327 = arith.select %parallel_loop3A_322, %parallel_loop3A_325, %parallel_loop3A_326 : vector<16xi1>, vector<16xf32>
          %parallel_loop3A_328 = arith.index_cast %parallel_loop3A_192 : i32 to index
          %parallel_loop3A_329 = arith.constant 112 : index
          %parallel_loop3A_330 = tpu.vector_load %arg12[%parallel_loop3A_328, %parallel_loop3A_329] {strides = array<i32>} : memref<160x128xf32, #tpu.memory_space<vmem>>, vector<16xf32>,
          tpu.vector_store %arg12[%parallel_loop3A_328, %parallel_loop3A_329], %parallel_loop3A_327 {strides = array<i32>} : memref<160x128xf32, #tpu.memory_space<vmem>>, vector<16xf32>,
        } {sc.loop_unroll_factor = 4 : i64, sc.parallel_access}
        %mul3A_180 = arith.constant 160 : i32
        %mul3A_181 = arith.muli %add3A_132, %mul3A_180 : i32
        %dma_start3A = arith.constant 0 : i32
        %dma_start3A_182 = tpu.memref_slice %arg5[%mul3A_181, %dma_start3A] : memref<100000x128xf32, #tpu.memory_space<hbm>> -> memref<160x128xf32, #tpu.memory_space<hbm>>
        %dma_start3A_183 = arith.constant 0 : i32
        %dma_start3A_184 = tpu.memref_slice %arg5[%mul3A_181, %dma_start3A_183] : memref<100000x128xf32, #tpu.memory_space<hbm>> -> memref<160x128xf32, #tpu.memory_space<hbm>>
        tpu.enqueue_dma source(%arg12 : memref<160x128xf32, #tpu.memory_space<vmem>>) target(%dma_start3A_184 : memref<160x128xf32, #tpu.memory_space<hbm>>) target_semaphore(%arg18 : memref<!tpu.dma_semaphore, #tpu.memory_space<semaphore_mem>>)
        %add3A_185 = arith.constant 96 : i32
        %add3A_186 = arith.addi %add3A_132, %add3A_185 : i32
        %lt3A_187 = arith.constant 625 : i32
        %lt3A_188 = arith.cmpi slt, %add3A_186, %lt3A_187 : i32
        %convert_element_type3A_189 = arith.extui %lt3A_188 : i1 to i32
        %cond3A_190 = arith.constant 0 : i32
        %cond3A_191 = arith.cmpi ne, %convert_element_type3A_189, %cond3A_190 : i32
        scf.if %cond3A_191 {
          %add3A_192 = arith.constant 96 : i32
          %add3A_193 = arith.addi %add3A_132, %add3A_192 : i32
          %mul3A_194 = arith.constant 160 : i32
          %mul3A_195 = arith.muli %add3A_193, %mul3A_194 : i32
          %dma_start3A_196 = arith.constant 0 : i32
          %dma_start3A_197 = tpu.memref_slice %arg2[%mul3A_195, %dma_start3A_196] : memref<100000x128xf32, #tpu.memory_space<hbm>> -> memref<160x128xf32, #tpu.memory_space<hbm>>
          %dma_start3A_198 = arith.constant 0 : i32
          %dma_start3A_199 = tpu.memref_slice %arg2[%mul3A_195, %dma_start3A_198] : memref<100000x128xf32, #tpu.memory_space<hbm>> -> memref<160x128xf32, #tpu.memory_space<hbm>>
          tpu.enqueue_dma source(%dma_start3A_199 : memref<160x128xf32, #tpu.memory_space<hbm>>) target(%arg7 : memref<160x128xf32, #tpu.memory_space<vmem>>) target_semaphore(%arg16 : memref<!tpu.dma_semaphore, #tpu.memory_space<semaphore_mem>>)
          %dma_start3A_200 = tpu.memref_slice %arg3[%mul3A_195] : memref<100000xi32, #tpu.memory_space<hbm>> -> memref<160xi32, #tpu.memory_space<hbm>>
          %dma_start3A_201 = tpu.memref_slice %arg3[%mul3A_195] : memref<100000xi32, #tpu.memory_space<hbm>> -> memref<160xi32, #tpu.memory_space<hbm>>
          tpu.enqueue_dma source(%dma_start3A_201 : memref<160xi32, #tpu.memory_space<hbm>>) target(%arg10 : memref<160xi32, #tpu.memory_space<vmem>>) target_semaphore(%arg16 : memref<!tpu.dma_semaphore, #tpu.memory_space<semaphore_mem>>)
        } else {
        }
      } else {
      }
      %mul3A_148 = arith.constant 6 : i32
      %mul3A_149 = arith.muli %scan3A_39, %mul3A_148 : i32
      %add3A_150 = arith.constant 5 : i32
      %add3A_151 = arith.addi %mul3A_149, %add3A_150 : i32
      %mul3A_152 = arith.constant 32 : i32
      %mul3A_153 = arith.muli %add3A_151, %mul3A_152 : i32
      %add3A_154 = arith.addi %add3A, %mul3A_153 : i32
      %ge3A_155 = arith.constant 2 : i32
      %ge3A_156 = arith.cmpi sge, %add3A_151, %ge3A_155 : i32
      %sub3A_157 = arith.constant 64 : i32
      %sub3A_158 = arith.subi %add3A_154, %sub3A_157 : i32
      %lt3A_159 = arith.constant 625 : i32
      %lt3A_160 = arith.cmpi slt, %sub3A_158, %lt3A_159 : i32
      %and3A_161 = arith.andi %ge3A_156, %lt3A_160 : i1
      %convert_element_type3A_162 = arith.extui %and3A_161 : i1 to i32
      %cond3A_163 = arith.constant 0 : i32
      %cond3A_164 = arith.cmpi ne, %convert_element_type3A_162, %cond3A_163 : i32
      scf.if %cond3A_164 {
        %sub3A_171 = arith.constant 64 : i32
        %sub3A_172 = arith.subi %add3A_154, %sub3A_171 : i32
        %mul3A_173 = arith.constant 160 : i32
        %mul3A_174 = arith.muli %sub3A_172, %mul3A_173 : i32
        %dma_wait3A = arith.constant 0 : i32
        %dma_wait3A_175 = tpu.memref_slice %arg5[%mul3A_174, %dma_wait3A] : memref<100000x128xf32, #tpu.memory_space<hbm>> -> memref<160x128xf32, #tpu.memory_space<hbm>>
        %dma_wait3A_176 = arith.constant 0 : i32
        %dma_wait3A_177 = tpu.memref_slice %arg5[%mul3A_174, %dma_wait3A_176] : memref<100000x128xf32, #tpu.memory_space<hbm>> -> memref<160x128xf32, #tpu.memory_space<hbm>>
        tpu.wait_dma2 semaphore(%arg19 : memref<!tpu.dma_semaphore, #tpu.memory_space<semaphore_mem>>) src(%arg13 : memref<160x128xf32, #tpu.memory_space<vmem>>) dst(%dma_wait3A_177 : memref<160x128xf32, #tpu.memory_space<hbm>>)
      } else {
      }
      %lt3A_165 = arith.constant 625 : i32
      %lt3A_166 = arith.cmpi slt, %add3A_154, %lt3A_165 : i32
      %convert_element_type3A_167 = arith.extui %lt3A_166 : i1 to i32
      %cond3A_168 = arith.constant 0 : i32
      %cond3A_169 = arith.cmpi ne, %convert_element_type3A_167, %cond3A_168 : i32
      scf.if %cond3A_169 {
        %mul3A_171 = arith.constant 160 : i32
        %mul3A_172 = arith.muli %add3A_154, %mul3A_171 : i32
        %dma_wait3A = arith.constant 0 : i32
        %dma_wait3A_173 = tpu.memref_slice %arg2[%mul3A_172, %dma_wait3A] : memref<100000x128xf32, #tpu.memory_space<hbm>> -> memref<160x128xf32, #tpu.memory_space<hbm>>
        %dma_wait3A_174 = arith.constant 0 : i32
        %dma_wait3A_175 = tpu.memref_slice %arg2[%mul3A_172, %dma_wait3A_174] : memref<100000x128xf32, #tpu.memory_space<hbm>> -> memref<160x128xf32, #tpu.memory_space<hbm>>
        tpu.wait_dma2 semaphore(%arg17 : memref<!tpu.dma_semaphore, #tpu.memory_space<semaphore_mem>>) src(%dma_wait3A_175 : memref<160x128xf32, #tpu.memory_space<hbm>>) dst(%arg8 : memref<160x128xf32, #tpu.memory_space<vmem>>)
        %dma_wait3A_176 = tpu.memref_slice %arg3[%mul3A_172] : memref<100000xi32, #tpu.memory_space<hbm>> -> memref<160xi32, #tpu.memory_space<hbm>>
        %dma_wait3A_177 = tpu.memref_slice %arg3[%mul3A_172] : memref<100000xi32, #tpu.memory_space<hbm>> -> memref<160xi32, #tpu.memory_space<hbm>>
        tpu.wait_dma2 semaphore(%arg17 : memref<!tpu.dma_semaphore, #tpu.memory_space<semaphore_mem>>) src(%dma_wait3A_177 : memref<160xi32, #tpu.memory_space<hbm>>) dst(%arg11 : memref<160xi32, #tpu.memory_space<vmem>>)
        %parallel_loop3A = arith.constant 0 : i32
        %parallel_loop3A_178 = arith.constant 160 : i32
        %parallel_loop3A_179 = arith.constant 1 : i32
        scf.for %parallel_loop3A_192 = %parallel_loop3A to %parallel_loop3A_178 step %parallel_loop3A_179  : i32 {
          %parallel_loop3A_193 = vector.broadcast %parallel_loop3A_192 : i32 to vector<16xi32>
          %parallel_loop3A_194 = tpu.vector_load_idx %arg11[%parallel_loop3A_193] : memref<160xi32, #tpu.memory_space<vmem>>[vector<16xi32>], vector<16xi32>,
          %parallel_loop3A_195 = tpu.iota {dimensions = array<i32: 0>} : vector<16xi32>
          %parallel_loop3A_196 = arith.constant 0 : i32
          %parallel_loop3A_197 = vector.broadcast %parallel_loop3A_196 : i32 to vector<16xi32>
          %parallel_loop3A_198 = arith.addi %parallel_loop3A_195, %parallel_loop3A_197 : vector<16xi32>
          %parallel_loop3A_199 = tpu.vector_load_idx %arg14[%parallel_loop3A_194, %parallel_loop3A_198] : memref<20x128xf32, #tpu.memory_space<vmem>>[vector<16xi32>, vector<16xi32>], vector<16xf32>,
          %parallel_loop3A_200 = arith.index_cast %parallel_loop3A_192 : i32 to index
          %parallel_loop3A_201 = arith.constant 0 : index
          %parallel_loop3A_202 = tpu.vector_load %arg8[%parallel_loop3A_200, %parallel_loop3A_201] {strides = array<i32>} : memref<160x128xf32, #tpu.memory_space<vmem>>, vector<16xf32>,
          %parallel_loop3A_203 = arith.cmpf ogt, %parallel_loop3A_202, %parallel_loop3A_199 : vector<16xf32>
          %parallel_loop3A_204 = arith.constant 1.000000e+00 : f32
          %parallel_loop3A_205 = arith.constant 0.000000e+00 : f32
          %parallel_loop3A_206 = vector.broadcast %parallel_loop3A_204 : f32 to vector<16xf32>
          %parallel_loop3A_207 = vector.broadcast %parallel_loop3A_205 : f32 to vector<16xf32>
          %parallel_loop3A_208 = arith.select %parallel_loop3A_203, %parallel_loop3A_206, %parallel_loop3A_207 : vector<16xi1>, vector<16xf32>
          %parallel_loop3A_209 = arith.index_cast %parallel_loop3A_192 : i32 to index
          %parallel_loop3A_210 = arith.constant 0 : index
          %parallel_loop3A_211 = tpu.vector_load %arg13[%parallel_loop3A_209, %parallel_loop3A_210] {strides = array<i32>} : memref<160x128xf32, #tpu.memory_space<vmem>>, vector<16xf32>,
          tpu.vector_store %arg13[%parallel_loop3A_209, %parallel_loop3A_210], %parallel_loop3A_208 {strides = array<i32>} : memref<160x128xf32, #tpu.memory_space<vmem>>, vector<16xf32>,
          %parallel_loop3A_212 = tpu.iota {dimensions = array<i32: 0>} : vector<16xi32>
          %parallel_loop3A_213 = arith.constant 16 : i32
          %parallel_loop3A_214 = vector.broadcast %parallel_loop3A_213 : i32 to vector<16xi32>
          %parallel_loop3A_215 = arith.addi %parallel_loop3A_212, %parallel_loop3A_214 : vector<16xi32>
          %parallel_loop3A_216 = tpu.vector_load_idx %arg14[%parallel_loop3A_194, %parallel_loop3A_215] : memref<20x128xf32, #tpu.memory_space<vmem>>[vector<16xi32>, vector<16xi32>], vector<16xf32>,
          %parallel_loop3A_217 = arith.index_cast %parallel_loop3A_192 : i32 to index
          %parallel_loop3A_218 = arith.constant 16 : index
          %parallel_loop3A_219 = tpu.vector_load %arg8[%parallel_loop3A_217, %parallel_loop3A_218] {strides = array<i32>} : memref<160x128xf32, #tpu.memory_space<vmem>>, vector<16xf32>,
          %parallel_loop3A_220 = arith.cmpf ogt, %parallel_loop3A_219, %parallel_loop3A_216 : vector<16xf32>
          %parallel_loop3A_221 = arith.constant 1.000000e+00 : f32
          %parallel_loop3A_222 = arith.constant 0.000000e+00 : f32
          %parallel_loop3A_223 = vector.broadcast %parallel_loop3A_221 : f32 to vector<16xf32>
          %parallel_loop3A_224 = vector.broadcast %parallel_loop3A_222 : f32 to vector<16xf32>
          %parallel_loop3A_225 = arith.select %parallel_loop3A_220, %parallel_loop3A_223, %parallel_loop3A_224 : vector<16xi1>, vector<16xf32>
          %parallel_loop3A_226 = arith.index_cast %parallel_loop3A_192 : i32 to index
          %parallel_loop3A_227 = arith.constant 16 : index
          %parallel_loop3A_228 = tpu.vector_load %arg13[%parallel_loop3A_226, %parallel_loop3A_227] {strides = array<i32>} : memref<160x128xf32, #tpu.memory_space<vmem>>, vector<16xf32>,
          tpu.vector_store %arg13[%parallel_loop3A_226, %parallel_loop3A_227], %parallel_loop3A_225 {strides = array<i32>} : memref<160x128xf32, #tpu.memory_space<vmem>>, vector<16xf32>,
          %parallel_loop3A_229 = tpu.iota {dimensions = array<i32: 0>} : vector<16xi32>
          %parallel_loop3A_230 = arith.constant 32 : i32
          %parallel_loop3A_231 = vector.broadcast %parallel_loop3A_230 : i32 to vector<16xi32>
          %parallel_loop3A_232 = arith.addi %parallel_loop3A_229, %parallel_loop3A_231 : vector<16xi32>
          %parallel_loop3A_233 = tpu.vector_load_idx %arg14[%parallel_loop3A_194, %parallel_loop3A_232] : memref<20x128xf32, #tpu.memory_space<vmem>>[vector<16xi32>, vector<16xi32>], vector<16xf32>,
          %parallel_loop3A_234 = arith.index_cast %parallel_loop3A_192 : i32 to index
          %parallel_loop3A_235 = arith.constant 32 : index
          %parallel_loop3A_236 = tpu.vector_load %arg8[%parallel_loop3A_234, %parallel_loop3A_235] {strides = array<i32>} : memref<160x128xf32, #tpu.memory_space<vmem>>, vector<16xf32>,
          %parallel_loop3A_237 = arith.cmpf ogt, %parallel_loop3A_236, %parallel_loop3A_233 : vector<16xf32>
          %parallel_loop3A_238 = arith.constant 1.000000e+00 : f32
          %parallel_loop3A_239 = arith.constant 0.000000e+00 : f32
          %parallel_loop3A_240 = vector.broadcast %parallel_loop3A_238 : f32 to vector<16xf32>
          %parallel_loop3A_241 = vector.broadcast %parallel_loop3A_239 : f32 to vector<16xf32>
          %parallel_loop3A_242 = arith.select %parallel_loop3A_237, %parallel_loop3A_240, %parallel_loop3A_241 : vector<16xi1>, vector<16xf32>
          %parallel_loop3A_243 = arith.index_cast %parallel_loop3A_192 : i32 to index
          %parallel_loop3A_244 = arith.constant 32 : index
          %parallel_loop3A_245 = tpu.vector_load %arg13[%parallel_loop3A_243, %parallel_loop3A_244] {strides = array<i32>} : memref<160x128xf32, #tpu.memory_space<vmem>>, vector<16xf32>,
          tpu.vector_store %arg13[%parallel_loop3A_243, %parallel_loop3A_244], %parallel_loop3A_242 {strides = array<i32>} : memref<160x128xf32, #tpu.memory_space<vmem>>, vector<16xf32>,
          %parallel_loop3A_246 = tpu.iota {dimensions = array<i32: 0>} : vector<16xi32>
          %parallel_loop3A_247 = arith.constant 48 : i32
          %parallel_loop3A_248 = vector.broadcast %parallel_loop3A_247 : i32 to vector<16xi32>
          %parallel_loop3A_249 = arith.addi %parallel_loop3A_246, %parallel_loop3A_248 : vector<16xi32>
          %parallel_loop3A_250 = tpu.vector_load_idx %arg14[%parallel_loop3A_194, %parallel_loop3A_249] : memref<20x128xf32, #tpu.memory_space<vmem>>[vector<16xi32>, vector<16xi32>], vector<16xf32>,
          %parallel_loop3A_251 = arith.index_cast %parallel_loop3A_192 : i32 to index
          %parallel_loop3A_252 = arith.constant 48 : index
          %parallel_loop3A_253 = tpu.vector_load %arg8[%parallel_loop3A_251, %parallel_loop3A_252] {strides = array<i32>} : memref<160x128xf32, #tpu.memory_space<vmem>>, vector<16xf32>,
          %parallel_loop3A_254 = arith.cmpf ogt, %parallel_loop3A_253, %parallel_loop3A_250 : vector<16xf32>
          %parallel_loop3A_255 = arith.constant 1.000000e+00 : f32
          %parallel_loop3A_256 = arith.constant 0.000000e+00 : f32
          %parallel_loop3A_257 = vector.broadcast %parallel_loop3A_255 : f32 to vector<16xf32>
          %parallel_loop3A_258 = vector.broadcast %parallel_loop3A_256 : f32 to vector<16xf32>
          %parallel_loop3A_259 = arith.select %parallel_loop3A_254, %parallel_loop3A_257, %parallel_loop3A_258 : vector<16xi1>, vector<16xf32>
          %parallel_loop3A_260 = arith.index_cast %parallel_loop3A_192 : i32 to index
          %parallel_loop3A_261 = arith.constant 48 : index
          %parallel_loop3A_262 = tpu.vector_load %arg13[%parallel_loop3A_260, %parallel_loop3A_261] {strides = array<i32>} : memref<160x128xf32, #tpu.memory_space<vmem>>, vector<16xf32>,
          tpu.vector_store %arg13[%parallel_loop3A_260, %parallel_loop3A_261], %parallel_loop3A_259 {strides = array<i32>} : memref<160x128xf32, #tpu.memory_space<vmem>>, vector<16xf32>,
          %parallel_loop3A_263 = tpu.iota {dimensions = array<i32: 0>} : vector<16xi32>
          %parallel_loop3A_264 = arith.constant 64 : i32
          %parallel_loop3A_265 = vector.broadcast %parallel_loop3A_264 : i32 to vector<16xi32>
          %parallel_loop3A_266 = arith.addi %parallel_loop3A_263, %parallel_loop3A_265 : vector<16xi32>
          %parallel_loop3A_267 = tpu.vector_load_idx %arg14[%parallel_loop3A_194, %parallel_loop3A_266] : memref<20x128xf32, #tpu.memory_space<vmem>>[vector<16xi32>, vector<16xi32>], vector<16xf32>,
          %parallel_loop3A_268 = arith.index_cast %parallel_loop3A_192 : i32 to index
          %parallel_loop3A_269 = arith.constant 64 : index
          %parallel_loop3A_270 = tpu.vector_load %arg8[%parallel_loop3A_268, %parallel_loop3A_269] {strides = array<i32>} : memref<160x128xf32, #tpu.memory_space<vmem>>, vector<16xf32>,
          %parallel_loop3A_271 = arith.cmpf ogt, %parallel_loop3A_270, %parallel_loop3A_267 : vector<16xf32>
          %parallel_loop3A_272 = arith.constant 1.000000e+00 : f32
          %parallel_loop3A_273 = arith.constant 0.000000e+00 : f32
          %parallel_loop3A_274 = vector.broadcast %parallel_loop3A_272 : f32 to vector<16xf32>
          %parallel_loop3A_275 = vector.broadcast %parallel_loop3A_273 : f32 to vector<16xf32>
          %parallel_loop3A_276 = arith.select %parallel_loop3A_271, %parallel_loop3A_274, %parallel_loop3A_275 : vector<16xi1>, vector<16xf32>
          %parallel_loop3A_277 = arith.index_cast %parallel_loop3A_192 : i32 to index
          %parallel_loop3A_278 = arith.constant 64 : index
          %parallel_loop3A_279 = tpu.vector_load %arg13[%parallel_loop3A_277, %parallel_loop3A_278] {strides = array<i32>} : memref<160x128xf32, #tpu.memory_space<vmem>>, vector<16xf32>,
          tpu.vector_store %arg13[%parallel_loop3A_277, %parallel_loop3A_278], %parallel_loop3A_276 {strides = array<i32>} : memref<160x128xf32, #tpu.memory_space<vmem>>, vector<16xf32>,
          %parallel_loop3A_280 = tpu.iota {dimensions = array<i32: 0>} : vector<16xi32>
          %parallel_loop3A_281 = arith.constant 80 : i32
          %parallel_loop3A_282 = vector.broadcast %parallel_loop3A_281 : i32 to vector<16xi32>
          %parallel_loop3A_283 = arith.addi %parallel_loop3A_280, %parallel_loop3A_282 : vector<16xi32>
          %parallel_loop3A_284 = tpu.vector_load_idx %arg14[%parallel_loop3A_194, %parallel_loop3A_283] : memref<20x128xf32, #tpu.memory_space<vmem>>[vector<16xi32>, vector<16xi32>], vector<16xf32>,
          %parallel_loop3A_285 = arith.index_cast %parallel_loop3A_192 : i32 to index
          %parallel_loop3A_286 = arith.constant 80 : index
          %parallel_loop3A_287 = tpu.vector_load %arg8[%parallel_loop3A_285, %parallel_loop3A_286] {strides = array<i32>} : memref<160x128xf32, #tpu.memory_space<vmem>>, vector<16xf32>,
          %parallel_loop3A_288 = arith.cmpf ogt, %parallel_loop3A_287, %parallel_loop3A_284 : vector<16xf32>
          %parallel_loop3A_289 = arith.constant 1.000000e+00 : f32
          %parallel_loop3A_290 = arith.constant 0.000000e+00 : f32
          %parallel_loop3A_291 = vector.broadcast %parallel_loop3A_289 : f32 to vector<16xf32>
          %parallel_loop3A_292 = vector.broadcast %parallel_loop3A_290 : f32 to vector<16xf32>
          %parallel_loop3A_293 = arith.select %parallel_loop3A_288, %parallel_loop3A_291, %parallel_loop3A_292 : vector<16xi1>, vector<16xf32>
          %parallel_loop3A_294 = arith.index_cast %parallel_loop3A_192 : i32 to index
          %parallel_loop3A_295 = arith.constant 80 : index
          %parallel_loop3A_296 = tpu.vector_load %arg13[%parallel_loop3A_294, %parallel_loop3A_295] {strides = array<i32>} : memref<160x128xf32, #tpu.memory_space<vmem>>, vector<16xf32>,
          tpu.vector_store %arg13[%parallel_loop3A_294, %parallel_loop3A_295], %parallel_loop3A_293 {strides = array<i32>} : memref<160x128xf32, #tpu.memory_space<vmem>>, vector<16xf32>,
          %parallel_loop3A_297 = tpu.iota {dimensions = array<i32: 0>} : vector<16xi32>
          %parallel_loop3A_298 = arith.constant 96 : i32
          %parallel_loop3A_299 = vector.broadcast %parallel_loop3A_298 : i32 to vector<16xi32>
          %parallel_loop3A_300 = arith.addi %parallel_loop3A_297, %parallel_loop3A_299 : vector<16xi32>
          %parallel_loop3A_301 = tpu.vector_load_idx %arg14[%parallel_loop3A_194, %parallel_loop3A_300] : memref<20x128xf32, #tpu.memory_space<vmem>>[vector<16xi32>, vector<16xi32>], vector<16xf32>,
          %parallel_loop3A_302 = arith.index_cast %parallel_loop3A_192 : i32 to index
          %parallel_loop3A_303 = arith.constant 96 : index
          %parallel_loop3A_304 = tpu.vector_load %arg8[%parallel_loop3A_302, %parallel_loop3A_303] {strides = array<i32>} : memref<160x128xf32, #tpu.memory_space<vmem>>, vector<16xf32>,
          %parallel_loop3A_305 = arith.cmpf ogt, %parallel_loop3A_304, %parallel_loop3A_301 : vector<16xf32>
          %parallel_loop3A_306 = arith.constant 1.000000e+00 : f32
          %parallel_loop3A_307 = arith.constant 0.000000e+00 : f32
          %parallel_loop3A_308 = vector.broadcast %parallel_loop3A_306 : f32 to vector<16xf32>
          %parallel_loop3A_309 = vector.broadcast %parallel_loop3A_307 : f32 to vector<16xf32>
          %parallel_loop3A_310 = arith.select %parallel_loop3A_305, %parallel_loop3A_308, %parallel_loop3A_309 : vector<16xi1>, vector<16xf32>
          %parallel_loop3A_311 = arith.index_cast %parallel_loop3A_192 : i32 to index
          %parallel_loop3A_312 = arith.constant 96 : index
          %parallel_loop3A_313 = tpu.vector_load %arg13[%parallel_loop3A_311, %parallel_loop3A_312] {strides = array<i32>} : memref<160x128xf32, #tpu.memory_space<vmem>>, vector<16xf32>,
          tpu.vector_store %arg13[%parallel_loop3A_311, %parallel_loop3A_312], %parallel_loop3A_310 {strides = array<i32>} : memref<160x128xf32, #tpu.memory_space<vmem>>, vector<16xf32>,
          %parallel_loop3A_314 = tpu.iota {dimensions = array<i32: 0>} : vector<16xi32>
          %parallel_loop3A_315 = arith.constant 112 : i32
          %parallel_loop3A_316 = vector.broadcast %parallel_loop3A_315 : i32 to vector<16xi32>
          %parallel_loop3A_317 = arith.addi %parallel_loop3A_314, %parallel_loop3A_316 : vector<16xi32>
          %parallel_loop3A_318 = tpu.vector_load_idx %arg14[%parallel_loop3A_194, %parallel_loop3A_317] : memref<20x128xf32, #tpu.memory_space<vmem>>[vector<16xi32>, vector<16xi32>], vector<16xf32>,
          %parallel_loop3A_319 = arith.index_cast %parallel_loop3A_192 : i32 to index
          %parallel_loop3A_320 = arith.constant 112 : index
          %parallel_loop3A_321 = tpu.vector_load %arg8[%parallel_loop3A_319, %parallel_loop3A_320] {strides = array<i32>} : memref<160x128xf32, #tpu.memory_space<vmem>>, vector<16xf32>,
          %parallel_loop3A_322 = arith.cmpf ogt, %parallel_loop3A_321, %parallel_loop3A_318 : vector<16xf32>
          %parallel_loop3A_323 = arith.constant 1.000000e+00 : f32
          %parallel_loop3A_324 = arith.constant 0.000000e+00 : f32
          %parallel_loop3A_325 = vector.broadcast %parallel_loop3A_323 : f32 to vector<16xf32>
          %parallel_loop3A_326 = vector.broadcast %parallel_loop3A_324 : f32 to vector<16xf32>
          %parallel_loop3A_327 = arith.select %parallel_loop3A_322, %parallel_loop3A_325, %parallel_loop3A_326 : vector<16xi1>, vector<16xf32>
          %parallel_loop3A_328 = arith.index_cast %parallel_loop3A_192 : i32 to index
          %parallel_loop3A_329 = arith.constant 112 : index
          %parallel_loop3A_330 = tpu.vector_load %arg13[%parallel_loop3A_328, %parallel_loop3A_329] {strides = array<i32>} : memref<160x128xf32, #tpu.memory_space<vmem>>, vector<16xf32>,
          tpu.vector_store %arg13[%parallel_loop3A_328, %parallel_loop3A_329], %parallel_loop3A_327 {strides = array<i32>} : memref<160x128xf32, #tpu.memory_space<vmem>>, vector<16xf32>,
        } {sc.loop_unroll_factor = 4 : i64, sc.parallel_access}
        %mul3A_180 = arith.constant 160 : i32
        %mul3A_181 = arith.muli %add3A_154, %mul3A_180 : i32
        %dma_start3A = arith.constant 0 : i32
        %dma_start3A_182 = tpu.memref_slice %arg5[%mul3A_181, %dma_start3A] : memref<100000x128xf32, #tpu.memory_space<hbm>> -> memref<160x128xf32, #tpu.memory_space<hbm>>
        %dma_start3A_183 = arith.constant 0 : i32
        %dma_start3A_184 = tpu.memref_slice %arg5[%mul3A_181, %dma_start3A_183] : memref<100000x128xf32, #tpu.memory_space<hbm>> -> memref<160x128xf32, #tpu.memory_space<hbm>>
        tpu.enqueue_dma source(%arg13 : memref<160x128xf32, #tpu.memory_space<vmem>>) target(%dma_start3A_184 : memref<160x128xf32, #tpu.memory_space<hbm>>) target_semaphore(%arg19 : memref<!tpu.dma_semaphore, #tpu.memory_space<semaphore_mem>>)
        %add3A_185 = arith.constant 96 : i32
        %add3A_186 = arith.addi %add3A_154, %add3A_185 : i32
        %lt3A_187 = arith.constant 625 : i32
        %lt3A_188 = arith.cmpi slt, %add3A_186, %lt3A_187 : i32
        %convert_element_type3A_189 = arith.extui %lt3A_188 : i1 to i32
        %cond3A_190 = arith.constant 0 : i32
        %cond3A_191 = arith.cmpi ne, %convert_element_type3A_189, %cond3A_190 : i32
        scf.if %cond3A_191 {
          %add3A_192 = arith.constant 96 : i32
          %add3A_193 = arith.addi %add3A_154, %add3A_192 : i32
          %mul3A_194 = arith.constant 160 : i32
          %mul3A_195 = arith.muli %add3A_193, %mul3A_194 : i32
          %dma_start3A_196 = arith.constant 0 : i32
          %dma_start3A_197 = tpu.memref_slice %arg2[%mul3A_195, %dma_start3A_196] : memref<100000x128xf32, #tpu.memory_space<hbm>> -> memref<160x128xf32, #tpu.memory_space<hbm>>
          %dma_start3A_198 = arith.constant 0 : i32
          %dma_start3A_199 = tpu.memref_slice %arg2[%mul3A_195, %dma_start3A_198] : memref<100000x128xf32, #tpu.memory_space<hbm>> -> memref<160x128xf32, #tpu.memory_space<hbm>>
          tpu.enqueue_dma source(%dma_start3A_199 : memref<160x128xf32, #tpu.memory_space<hbm>>) target(%arg8 : memref<160x128xf32, #tpu.memory_space<vmem>>) target_semaphore(%arg17 : memref<!tpu.dma_semaphore, #tpu.memory_space<semaphore_mem>>)
          %dma_start3A_200 = tpu.memref_slice %arg3[%mul3A_195] : memref<100000xi32, #tpu.memory_space<hbm>> -> memref<160xi32, #tpu.memory_space<hbm>>
          %dma_start3A_201 = tpu.memref_slice %arg3[%mul3A_195] : memref<100000xi32, #tpu.memory_space<hbm>> -> memref<160xi32, #tpu.memory_space<hbm>>
          tpu.enqueue_dma source(%dma_start3A_201 : memref<160xi32, #tpu.memory_space<hbm>>) target(%arg11 : memref<160xi32, #tpu.memory_space<vmem>>) target_semaphore(%arg17 : memref<!tpu.dma_semaphore, #tpu.memory_space<semaphore_mem>>)
        } else {
        }
      } else {
      }
      %scan3A_170 = arith.constant 0 : i32
      scf.yield %scan3A_170 : i32
    }
    %scan3A_24 = arith.constant 4 : i32
    %add3A_25 = arith.constant 704 : i32
    %add3A_26 = arith.addi %add3A, %add3A_25 : i32
    %lt3A_27 = arith.constant 625 : i32
    %lt3A_28 = arith.cmpi slt, %add3A_26, %lt3A_27 : i32
    %convert_element_type3A_29 = arith.extui %lt3A_28 : i1 to i32
    %cond3A_30 = arith.constant 0 : i32
    %cond3A_31 = arith.cmpi ne, %convert_element_type3A_29, %cond3A_30 : i32
    scf.if %cond3A_31 {
      %mul3A_39 = arith.constant 160 : i32
      %mul3A_40 = arith.muli %add3A_26, %mul3A_39 : i32
      %dma_wait3A = arith.constant 0 : i32
      %dma_wait3A_41 = tpu.memref_slice %arg5[%mul3A_40, %dma_wait3A] : memref<100000x128xf32, #tpu.memory_space<hbm>> -> memref<160x128xf32, #tpu.memory_space<hbm>>
      %dma_wait3A_42 = arith.constant 0 : i32
      %dma_wait3A_43 = tpu.memref_slice %arg5[%mul3A_40, %dma_wait3A_42] : memref<100000x128xf32, #tpu.memory_space<hbm>> -> memref<160x128xf32, #tpu.memory_space<hbm>>
      tpu.wait_dma2 semaphore(%arg18 : memref<!tpu.dma_semaphore, #tpu.memory_space<semaphore_mem>>) src(%arg12 : memref<160x128xf32, #tpu.memory_space<vmem>>) dst(%dma_wait3A_43 : memref<160x128xf32, #tpu.memory_space<hbm>>)
    } else {
    }
    %add3A_32 = arith.constant 736 : i32
    %add3A_33 = arith.addi %add3A, %add3A_32 : i32
    %lt3A_34 = arith.constant 625 : i32
    %lt3A_35 = arith.cmpi slt, %add3A_33, %lt3A_34 : i32
    %convert_element_type3A_36 = arith.extui %lt3A_35 : i1 to i32
    %cond3A_37 = arith.constant 0 : i32
    %cond3A_38 = arith.cmpi ne, %convert_element_type3A_36, %cond3A_37 : i32
    scf.if %cond3A_38 {
      %mul3A_39 = arith.constant 160 : i32
      %mul3A_40 = arith.muli %add3A_33, %mul3A_39 : i32
      %dma_wait3A = arith.constant 0 : i32
      %dma_wait3A_41 = tpu.memref_slice %arg5[%mul3A_40, %dma_wait3A] : memref<100000x128xf32, #tpu.memory_space<hbm>> -> memref<160x128xf32, #tpu.memory_space<hbm>>
      %dma_wait3A_42 = arith.constant 0 : i32
      %dma_wait3A_43 = tpu.memref_slice %arg5[%mul3A_40, %dma_wait3A_42] : memref<100000x128xf32, #tpu.memory_space<hbm>> -> memref<160x128xf32, #tpu.memory_space<hbm>>
      tpu.wait_dma2 semaphore(%arg19 : memref<!tpu.dma_semaphore, #tpu.memory_space<semaphore_mem>>) src(%arg13 : memref<160x128xf32, #tpu.memory_space<vmem>>) dst(%dma_wait3A_43 : memref<160x128xf32, #tpu.memory_space<hbm>>)
    } else {
    }
    return
  }
}

</mosaic_0001>

<sc_bundles>
// kernel: kernel.3.cloned.1.call-start
scs
__scs_entry_jumppad:
0x0: {  	(pc) =	sbr.rel $0x88, $3  }
0x1: {  	(tag) =	ssettag $0x0;
	lr =	simm.s32 $0x1  }
0x2: {  	[smem:$0x3F9D] =	sst lr;
	_ =	strace $0xD0000000  }
0x3: {  	_ = 	snop  }
0x4: {  	_ = 	snop  }
0x5: {  	_ = 	snop  }
0x6: {  	_ = 	snop  }
0x7: {  	_ = 	snop  }
__scs_overlays_trampoline_lowered:
0x8: {  	[smem:$0x3FAC] =	sst s0  }
0x9: {  	[smem:$0x3FAD] =	sst s1  }
0xa: {  	[smem:$0x3FAE] =	sst s2  }
0xb: {  	[smem:$0x3FAF] =	sst s3  }
0xc: {  	[smem:$0x3FB0] =	sst s4  }
0xd: {  	[smem:$0x3FB1] =	sst s5  }
0xe: {  	[smem:$0x3FB2] =	sst s6  }
0xf: {  	[smem:$0x3FB3] =	sst s7  }
0x10: {  	[smem:$0x3FB4] =	sst s8  }
0x11: {  	[smem:$0x3FB5] =	sst s9;
	s0 =	simm.s32 @!p0 $0x0  }
0x12: {  	s1 =	sld [smem:$0x3F9B];
	s0 =	simm.s32 @p0 $0x1  }
0x13: {  	[smem:$0x3FB6] =	sst s0;
	s0 =	simm.s32 @!p1 $0x0  }
0x14: {  	s2 =	sld [smem:$0x3F9A];
	s0 =	simm.s32 @p1 $0x1  }
0x15: {  	[smem:$0x3FB7] =	sst s0;
	s0 =	simm.s32 @!p2 $0x0  }
0x16: {  	s3 =	sld [smem:$0x3FDB];
	s0 =	simm.s32 @p2 $0x1  }
0x17: {  	s4 =	simm.s32 $0x1BF5;
	[smem:$0x3FB9] =	sst s0  }
0x18: {  	s0 =	sld [smem:$0x3F9C];
	_ =	swait.ge [sflag:s4], $0x0  }
0x19: {  	s7 =	sld [smem:$0x3F9D]  }
0x1a: {  	s8 =	sadd.s32 $0xFFFFE003, lr  }
0x1b: {  	s9 =	sadd.s32 $0xFFFFFEF7, lr;
	s5 =	simm.s32 $0xFFFFFFFF;
	p2 =	slt.u32 s8, $0xFFFFF086  }
0x1c: {  	p1 =	slt.u32 s9, $0xF7A;
	s5 =	simm.s32 @!p2 $0x0  }
0x1d: {  	s5 =	simm.s32 @p1 $0x1;
	p0 =	seq.s32 s7, s2  }
0x1e: {  	s7 =	smul.u32 @!p0 $0xF7A, s2;
	p2 =	seq.s32 @!p0 s5, $0x0  }
0x1f: {  	s9 =	smul.u32 $0xF7A, s1;
	s8 =	simm.s32 @!p0 $0x1BF5;
	p2 =	por !p2, p0  }
0x20: {  	[sflag:s8] =	ssyncset.s32 @!p0 $0xFFFFF086;
	s6 =	sadd.s32 @!p0 s3, s7;
	s7 =	simm.s32 @!p0 $0x108  }
0x21: {  	s3 =	sadd.s32 s3, s9;
	s6 =	sadd.s32 @!p0 $0x88, s6;
	s7 =	simm.s32 @p2 $0x1082  }
0x22: {  	[simem:s7], [sflag:s8] =	dma.local @!p0 [hbm:s6], $0xF7A  }
0x23: {  	s9 =	sor.u32 $0xD0000000, s2;
	s6 =	simm.s32 $0x108;
	_ =	swait.ge @!p0 [sflag:s8], $0x0  }
0x24: {  	s3 =	sadd.s32 $0x88, s3;
	s6 =	simm.s32 @!p1 $0x1082;
	[sflag:s4] =	ssyncset.s32 $0xFFFFF086  }
0x25: {  	[simem:s6], [sflag:s4] =	dma.local [hbm:s3], $0xF7A  }
0x26: {  	[smem:$0x3F9D] =	sst s1;
	(tag) =	ssettag s2;
	_ =	strace s9  }
0x27: {  	s1 =	sld [smem:$0x3FAD]  }
0x28: {  	s2 =	sld [smem:$0x3FAE]  }
0x29: {  	s4 =	sld [smem:$0x3FB0]  }
0x2a: {  	p0 =	seq.s32 s5, $0x0;
	s5 =	sld [smem:$0x3FB1]  }
0x2b: {  	s6 =	sld [smem:$0x3FB2]  }
0x2c: {  	s7 =	sld [smem:$0x3FB3]  }
0x2d: {  	s3 =	simm.s32 $0x108;
	s8 =	sld [smem:$0x3FB4]  }
0x2e: {  	s3 =	simm.s32 @!p0 $0x1082;
	s9 =	sld [smem:$0x3FB5]  }
0x2f: {  	lr =	sadd.s32 s0, s3;
	s0 =	sld [smem:$0x3FAC]  }
0x30: {  	s3 =	sld [smem:$0x3FAF]  }
0x31: {  	[smem:$0x3FB8] =	sst s10  }
0x32: {  	s10 =	sld [smem:$0x3FB6];
	_ =	sdelay $0x3  }
0x33: {  	p0 =	seq.s32 s10, $0x1;
	s10 =	sld [smem:$0x3FB8];
	_ =	sdelay $0x3  }
0x34: {  	[smem:$0x3FB8] =	sst s10  }
0x35: {  	s10 =	sld [smem:$0x3FB7];
	_ =	sdelay $0x3  }
0x36: {  	p1 =	seq.s32 s10, $0x1;
	s10 =	sld [smem:$0x3FB8];
	_ =	sdelay $0x3  }
0x37: {  	[smem:$0x3FB8] =	sst s10  }
0x38: {  	s10 =	sld [smem:$0x3FB9]  }
0x39: {  	_ = 	snop;
	(pc) =	sbr.ind lr, $3  }
0x3a: {  	_ = 	snop  }
0x3b: {  	_ = 	snop  }
0x3c: {  	p2 =	seq.s32 s10, $0x1;
	s10 =	sld [smem:$0x3FB8]  }
0x3d: {  	_ =	shalt  }
0x3e: {  	_ =	shalt  }
0x3f: {  	_ =	shalt  }
0x40: {  	_ =	shalt  }
0x41: {  	_ =	shalt  }
0x42: {  	_ =	shalt  }
0x43: {  	_ =	shalt  }
0x44: {  	_ =	shalt  }
0x45: {  	_ =	shalt  }
0x46: {  	_ =	shalt  }
0x47: {  	_ =	shalt  }
0x48: {  	_ =	shalt  }
0x49: {  	_ =	shalt  }
0x4a: {  	_ =	shalt  }
0x4b: {  	_ =	shalt  }
0x4c: {  	_ =	shalt  }
0x4d: {  	_ =	shalt  }
0x4e: {  	_ =	shalt  }
0x4f: {  	_ =	shalt  }
0x50: {  	_ =	shalt  }
0x51: {  	_ =	shalt  }
0x52: {  	_ =	shalt  }
0x53: {  	_ =	shalt  }
0x54: {  	_ =	shalt  }
0x55: {  	_ =	shalt  }
0x56: {  	_ =	shalt  }
0x57: {  	_ =	shalt  }
0x58: {  	_ =	shalt  }
0x59: {  	_ =	shalt  }
0x5a: {  	_ =	shalt  }
0x5b: {  	_ =	shalt  }
0x5c: {  	_ =	shalt  }
0x5d: {  	_ =	shalt  }
0x5e: {  	_ =	shalt  }
0x5f: {  	_ =	shalt  }
0x60: {  	_ =	shalt  }
0x61: {  	_ =	shalt  }
0x62: {  	_ =	shalt  }
0x63: {  	_ =	shalt  }
0x64: {  	_ =	shalt  }
0x65: {  	_ =	shalt  }
0x66: {  	_ =	shalt  }
0x67: {  	_ =	shalt  }
0x68: {  	_ =	shalt  }
0x69: {  	_ =	shalt  }
0x6a: {  	_ =	shalt  }
0x6b: {  	_ =	shalt  }
0x6c: {  	_ =	shalt  }
0x6d: {  	_ =	shalt  }
0x6e: {  	_ =	shalt  }
0x6f: {  	_ =	shalt  }
0x70: {  	_ =	shalt  }
0x71: {  	_ =	shalt  }
0x72: {  	_ =	shalt  }
0x73: {  	_ =	shalt  }
0x74: {  	_ =	shalt  }
0x75: {  	_ =	shalt  }
0x76: {  	_ =	shalt  }
0x77: {  	_ =	shalt  }
0x78: {  	_ =	shalt  }
0x79: {  	_ =	shalt  }
0x7a: {  	_ =	shalt  }
0x7b: {  	_ =	shalt  }
0x7c: {  	_ =	shalt  }
0x7d: {  	_ =	shalt  }
0x7e: {  	_ =	shalt  }
0x7f: {  	_ =	shalt  }
0x80: {  	_ =	shalt  }
0x81: {  	_ =	shalt  }
0x82: {  	_ =	shalt  }
0x83: {  	_ =	shalt  }
0x84: {  	_ =	shalt  }
0x85: {  	_ =	shalt  }
0x86: {  	_ =	shalt  }
0x87: {  	_ =	shalt  }
.Lfunc_end0:
.L_simem_size_0:
called_computation_lowered:
.L_overlay_start_0:
0x88: {  	s2 =	sld [smem:$0x3FD9]  }
0x89: {  	s3 =	sld [smem:$0x3FFE];
	_ =	sdelay $0x1  }
0x8a: {  	s1 =	srdreg.scid  }
0x8b: {  	s0 =	sand.u32 $0x1, s1  }
0x8c: {  	s17 =	sshll.u32 s0, $0xA;
	s2 =	sadd.s32 s3, s2  }
0x8d: {  	s2 =	sadd.s32 s2, s17  }
0x8e: {  	[smem:$0x3FC4] =	sst s2  }
0x8f: {  	_ = 	snop  }
0x90: {  	s2 =	sld [smem:$0x3FC9]  }
0x91: {  	s18 =	sld [smem:$0x3FC8]  }
0x92: {  	s4 =	sld [smem:$0x3FD0];
	(tm) =	ssettm $0x1  }
0x93: {  	s5 =	sld [smem:$0x3FFB];
	_ =	sdelay $0x3  }
0x94: {  	_ =	strace s5  }
0x95: {  	s5 =	sld [smem:$0x3FFC];
	_ =	sdelay $0x3  }
0x96: {  	_ =	strace s5  }
0x97: {  	s5 =	sld [smem:$0x3FFD];
	_ =	sdelay $0x3  }
0x98: {  	_ =	strace s5  }
0x99: {  	_ =	strace $0x8FFFFFFF  }
0x9a: {  	s19 =	sld [smem:$0x3FDB];
	_ =	sdelay $0x1  }
0x9b: {  	s6 =	simm.s32 $_scs_section_size  }
0x9c: {  	s7 =	simm.s32 $_size__tile_overlayer_lowered;
	s8 =	simm.s32 $_tile_overlayer_lowered  }
0x9d: {  	s22 =	simm.s32 $0x1BFF;
	s21 =	sshll.u32 s8, $0x1;
	s5 =	sadd.s32 s6, s19  }
0x9e: {  	s9 =	simm.s32 $0x0;
	s20 =	sshll.u32 s7, $0x1;
	s7 =	sadd.s32 s21, s5  }
0x9f: {  	[timem:s9], [sflag:s22] =	dma.local [hbm:s7], s20  }
0xa0: {  	_ =	swait.ge [sflag:s22], s20  }
0xa1: {  	s6 =	ssub.s32 $0x0, s20;
	[sflag:s22] =	ssyncset.done $0x0  }
0xa2: {  	[sflag:s22] =	ssyncadd.s32 s6;
	_ =	sdelay $0x1  }
0xa3: {  	s23 =	simm.s32 $0x1B8B  }
0xa4: {  	_ =	swait.ge [sflag:s23], $0x1  }
0xa5: {  	[sflag:s23] =	ssyncset.done $0x0  }
0xa6: {  	s25 =	simm.s32 $0x1B8E;
	s24 =	sld [smem:$0x3FFE];
	[sflag:s23] =	ssyncadd.s32 $0xFFFFFFFF  }
0xa7: {  	s26 =	simm.s32 $execute0_lowered;
	[smem:$0x3FD2] =	sst s25  }
0xa8: {  	s7 =	sshll.u32 s26, $0x1;
	_ =	strace $0x80000046;
	[dreg:$0x1] =	wrdreg $0xFFFFFFFF  }
0xa9: {  	s28 =	simm.s32 $_size_execute0_lowered;
	s5 =	sadd.s32 s5, s7;
	[dreg:$0x0] =	wrdreg $0x0  }
0xaa: {  	s7 =	sshll.u32 s28, $0x1;
	[dreg:$0x2] =	wrdreg s5  }
0xab: {  	[dreg:$0x3] =	wrdreg s7  }
0xac: {  	[dreg:$0x4] =	wrdreg $0xC0  }
0xad: {  	_ =	task [dreg:s9], $0x5FFFF  }
0xae: {  	[dreg:$0x1] =	wrdreg $0xFFFFFFFF  }
0xaf: {  	[dreg:$0x0] =	wrdreg $0x60  }
0xb0: {  	[dreg:$0x2] =	wrdreg s2  }
0xb1: {  	[dreg:$0x3] =	wrdreg s18  }
0xb2: {  	[dreg:$0x4] =	wrdreg s24  }
0xb3: {  	[dreg:$0x5] =	wrdreg s4  }
0xb4: {  	[dreg:$0x6] =	wrdreg $0x9  }
0xb5: {  	_ =	task.clear_ibuf [dreg:s9], $0x7FFFF;
	_ =	strace $0x90000046  }
0xb6: {  	s29 =	simm.s32 $0x9;
	_ =	strace $0x80000048  }
0xb7: {  	_ =	swait.ge [sflag:s29], $0x1  }
0xb8: {  	[sflag:s29] =	ssyncadd.s32 $0xFFFFFFFF  }
0xb9: {  	_ =	strace $0x90000048  }
0xba: {  	_ =	sfence  }
0xbb: {  	s30 =	sld [smem:$0x0];
	_ =	sdelay $0x2  }
0xbc: {  	s31 =	sshll.u32 s1, $0xD;
	s1 =	sshrl.u32 s1, $0x2  }
0xbd: {  	s3 =	sand.u32 $0x4000, s31;
	s1 =	sadd.s32 s1, s30  }
0xbe: {  	s0 =	sor.u32 s3, s0;
	s1 =	sshll.u32 s1, $0x11  }
0xbf: {  	s0 =	sor.u32 s1, s0  }
0xc0: {  	s0 =	sadd.s32 $0x8F2B, s0  }
0xc1: {  	[sflag:s0] =	ssyncadd.remote.s32 $0x1  }
0xc2: {  	_ =	sfence.sel $0xFFFF  }
0xc3: {  	[dreg:$0x0] =	wrdreg $0xFFFFFFFF;
	(pc) =	sbr.abs _section_cstart, $3  }
0xc4: {  	[dreg:$0x1] =	wrdreg $0xFFFFFFFF  }
0xc5: {  	_ =	task.clear_ibuf [dreg:s9], $0x2FFFF;
	_ =	strace $0x9FFFFFFF  }
0xc6: {  	(tm) =	ssettm $0x7FFFFFFF  }
0xc7: {  	_ =	shalt  }
tec
execute0_lowered:
.L_overlay_start_1:
0x0: {  	(tag) =	ssettag $0x1  }
0x1: {  	s1 =	rddreg [dreg:$0x0]  }
0x2: {  	s2 =	rddreg [dreg:$0x1]  }
0x3: {  	s0 =	srdreg.scid;
	s4 =	stileid.u32  }
0x4: {  	s3 =	rddreg [dreg:$0x2];
	s6 =	simm.s32 $0x0;
	s19 =	simm.s32 $0x19300  }
0x5: {  	s28 =	simm.s32 $0xF300;
	s29 =	simm.s32 $0x2;
	s31 =	simm.s32 $0x4  }
0x6: {  	s0 =	sand.u32 $0x1, s0;
	s5 =	sshll.u32 s4, $0x1;
	s4 =	rddreg [dreg:$0x3]  }
0x7: {  	[smem:$0x7FF] =	sst s6;
	s3 =	sadd.s32 $0x400, s3;
	s5 =	sor.u32 s0, s5  }
0x8: {  	s0 =	ssub.s32 $0x2, s0;
	_ =	strace $0x80000047;
	s8 =	smul.u32 $0xA00, s5  }
0x9: {  	[dreg:$0x5] =	wrdreg s3;
	s9 =	smul.u32 $0x14, s5;
	s7 =	sor.u32 $0x20, s5  }
0xa: {  	s20 =	sor.u32 $0x40, s5;
	s12 =	sshrl.u32 s0, $0x1;
	s30 =	sor.u32 $0x60, s5  }
0xb: {  	s16 =	sor.u32 $0x80, s5;
	s17 =	sor.u32 $0xA0, s5;
	s10 =	smul.u32 $0xA00, s7  }
0xc: {  	s11 =	smul.u32 $0x14, s7;
	[dreg:$0xc] =	wrdreg s30;
	s22 =	sadd.s32 s1, s8  }
0xd: {  	s0 =	ssub.s32 s0, s12;
	s23 =	sadd.s32 s2, s9;
	[dreg:$0x6] =	wrdreg s22  }
0xe: {  	s13 =	smul.u32 $0xA00, s20;
	s0 =	smax.u32 s0, $0x1;
	[dreg:$0x7] =	wrdreg s23  }
0xf: {  	s21 =	smul.u32 $0x14, s20;
	s24 =	sadd.s32 s1, s10;
	[dreg:$0xd] =	wrdreg s0  }
.Ltmp0:
0x10: {  	s25 =	sadd.s32 s2, s11;
	[dreg:$0x8] =	wrdreg s24;
	(pc) =	sbr.rel .LBB2_1-.Ltmp0, $4  }
0x11: {  	v0 =	vlaneseq.u32;
	s15 =	smov.u32 s20;
	s26 =	sadd.s32 s1, s13;
	[dreg:$0x9] =	wrdreg s25  }
0x12: {  	v1 =	vimm.f32 $0.0e+00;
	v2 =	vor.u32 $0x10, v0;
	s20 =	simm.s32 $0xF000;
	s3 =	sadd.s32 s2, s21;
	[dreg:$0xa] =	wrdreg s26  }
0x13: {  	v3 =	vor.u32 $0x20, v0;
	v4 =	vor.u32 $0x30, v0;
	v5 =	vor.u32 $0x40, v0;
	s7 =	simm.s32 $0x0;
	s22 =	simm.s32 $0xF100;
	[dreg:$0xb] =	wrdreg s3  }
0x14: {  	v6 =	vor.u32 $0x50, v0;
	v7 =	vor.u32 $0x60, v0;
	v8 =	vor.u32 $0x70, v0;
	s24 =	simm.s32 $0xF200;
	s26 =	simm.s32 $0x1;
	s3 =	simm.s32 $0x3  }
.LBB2_25:
0x15: {  	s7 =	rddreg [dreg:$0xe]  }
0x16: {  	s0 =	rddreg [dreg:$0xd];
	s7 =	sadd.s32 $0x1, s7  }
0x17: {  	p0 =	sne.s32 s7, s0  }
.Ltmp1:
0x18: {  	_ = 	snop;
	(pc) =	sbr.rel @!p0 .LBB2_26-.Ltmp1, $1  }
0x19: {  	_ =	sdelay $0x3  }
.LBB2_1:
0x1a: {  	[dreg:$0xe] =	wrdreg s7  }
0x1b: {  	s0 =	rddreg [dreg:$0x5]  }
0x1c: {  	[tilespmem:s19], [sflag:$0x6] =	stream.linear.gather [hbm4b:s0+s6], $0xA00, $0x38;
	[tilespmem:$0x19F00] =	vst v63  }
0x1d: {  	s11 =	rddreg [dreg:$0x6]  }
0x1e: {  	[tilespmem:s6], [sflag:$0x1] =	stream.linear.gather [hbm4b:s11+s6], $0x5000, $0x38;
	[tilespmem:$0x19F00] =	vst v63  }
0x1f: {  	s12 =	rddreg [dreg:$0x7]  }
0x20: {  	[tilespmem:s20], [sflag:$0x1] =	stream.linear.gather [hbm4b:s12+s6], $0xA0, $0x38;
	[tilespmem:$0x19F00] =	vst v63  }
0x21: {  	s13 =	rddreg [dreg:$0x8];
	s14 =	simm.s32 $0x5000  }
0x22: {  	[tilespmem:s14], [sflag:$0x2] =	stream.linear.gather [hbm4b:s13+s6], $0x5000, $0x38;
	[tilespmem:$0x19F00] =	vst v63  }
0x23: {  	s18 =	rddreg [dreg:$0x9]  }
0x24: {  	[tilespmem:s22], [sflag:$0x2] =	stream.linear.gather [hbm4b:s18+s6], $0xA0, $0x38;
	[tilespmem:$0x19F00] =	vst v63  }
0x25: {  	s21 =	rddreg [dreg:$0xa];
	s23 =	simm.s32 $0xA000  }
0x26: {  	[tilespmem:s23], [sflag:$0x3] =	stream.linear.gather [hbm4b:s21+s6], $0x5000, $0x38;
	[tilespmem:$0x19F00] =	vst v63  }
.Ltmp2:
0x27: {  	s25 =	rddreg [dreg:$0xb];
	s30 =	simm.s32 $0x6;
	(pc) =	sbr.rel .LBB2_2-.Ltmp2, $4  }
0x28: {  	[tilespmem:s24], [sflag:$0x3] =	stream.linear.gather [hbm4b:s25+s6], $0xA0, $0x38;
	[tilespmem:$0x19F00] =	vst v63  }
0x29: {  	_ =	swait.ge [sflag:s30], $0xA00  }
0x2a: {  	[sflag:s30] =	ssyncset.done $0x0  }
0x2b: {  	s21 =	simm.s32 $0x0;
	[sflag:s30] =	ssyncadd.s32 $0xFFFFF600  }
.LBB2_24:
0x2c: {  	s21 =	sadd.s32 $0x1, s21  }
0x2d: {  	p0 =	sne.s32 s21, $0x4  }
.Ltmp3:
0x2e: {  	_ = 	snop;
	(pc) =	sbr.rel @!p0 .LBB2_25-.Ltmp3, $1  }
0x2f: {  	_ =	sdelay $0x3  }
.LBB2_2:
0x30: {  	p0 =	seq.s32 s21, $0x0  }
0x31: {  	s0 =	simm.s32 @!p0 $0x4  }
0x32: {  	s8 =	simm.s32 $0x1;
	_ =	swait.ge @!p0 [sflag:s0], $0x5000  }
0x33: {  	v9 =	vmov s8;
	[sflag:s0] =	ssyncset.done @!p0 $0x0  }
0x34: {  	v9 =	vand.u32 $0xFFFFFFFD, v9;
	[sflag:s0] =	ssyncadd.s32 @!p0 $0xFFFFB000  }
0x35: {  	s12 =	simm.s32 $0x0;
	v9 =	vbroadcast v9, $0x0;
	_ =	swait.ge [sflag:s26], $0x5000  }
0x36: {  	v10 =	vmov s12;
	[sflag:s26] =	ssyncset.done $0x0  }
0x37: {  	s13 =	simm.s32 $0x3;
	v10 =	vand.u32 $0xFFFFFFFC, v10;
	[sflag:s26] =	ssyncadd.s32 $0xFFFFB000  }
0x38: {  	v11 =	vmov s13;
	v10 =	vbroadcast v10, $0x0;
	_ =	swait.ge [sflag:s26], $0xA0  }
0x39: {  	[sflag:s26] =	ssyncset.done $0x0  }
0x3a: {  	[sflag:s26] =	ssyncadd.s32 $0xFFFFFF60  }
0x3b: {  	v9 =	vld.idx.msk [tilespmem:v9+s20+$0x0], $0xffff;
	_ =	sdelay $0x1  }
0x3c: {  	v11 =	vld.idx.msk [tilespmem:v11+s20+$0x0], $0xffff  }
0x3d: {  	v12 =	vld.idx.msk [tilespmem:v10+s20+$0x0], $0xffff;
	_ =	sdelay $0x1  }
0x3e: {  	v10 =	vshll.u32 v9, $0x7  }
0x3f: {  	s14 =	simm.s32 $0x2;
	v9 =	vor.u32 v0, v10  }
0x40: {  	v16 =	vshll.u32 v11, $0x7;
	v11 =	vmov s14  }
0x41: {  	s10 =	simm.s32 $0x100;
	v13 =	vor.u32 v0, v16;
	v14 =	vand.u32 $0xFFFFFFFE, v11;
	v11 =	vshll.u32 v12, $0x7  }
0x42: {  	v15 =	vld [tilespmem:s10+$0xFFFFFF80];
	v12 =	vbroadcast v14, $0x0;
	v14 =	vor.u32 v0, v11  }
0x43: {  	v17 =	vld [tilespmem:s10+$0x80]  }
0x44: {  	v9 =	vld.idx.msk [tilespmem:v9+s19+$0x0], $0xffff  }
0x45: {  	v18 =	vld [tilespmem:s10+$0xFFFFFF00]  }
0x46: {  	v13 =	vld.idx.msk [tilespmem:v13+s19+$0x0], $0xffff  }
0x47: {  	v14 =	vld.idx.msk [tilespmem:v14+s19+$0x0], $0xffff  }
0x48: {  	v19 =	vor.u32 v2, v10;
	v12 =	vld.idx.msk [tilespmem:v12+s20+$0x0], $0xffff  }
0x49: {  	vm0 =	vgt.f32 v15, v9;
	v15 =	vor.u32 v2, v16  }
0x4a: {  	s9 =	simm.s32 $0xF400;
	v9 =	vsel vm0, $0x3F800000, v1  }
0x4b: {  	vm7 =	vgt.f32 v17, v13;
	[tilespmem:s9+$0xFFFFFF80] =	vst v9  }
0x4c: {  	v13 =	vor.u32 v2, v11;
	v9 =	vsel vm7, $0x3F800000, v1;
	v17 =	vld [tilespmem:s10+$0xFFFFFF90]  }
0x4d: {  	vm8 =	vgt.f32 v18, v14;
	v19 =	vld.idx.msk [tilespmem:v19+s19+$0x0], $0xffff;
	[tilespmem:s9+$0x80] =	vst v9;
	v9 =	vshll.u32 v12, $0x7  }
0x4e: {  	v14 =	vsel vm8, $0x3F800000, v1;
	v12 =	vld.idx.msk [tilespmem:v15+s19+$0x0], $0xffff;
	v15 =	vor.u32 v0, v9  }
0x4f: {  	[tilespmem:s9+$0xFFFFFF00] =	vst v14;
	v18 =	vld [tilespmem:s10+$0x90]  }
0x50: {  	v14 =	vor.u32 v3, v10;
	v20 =	vld [tilespmem:s10+$0xFFFFFF10]  }
0x51: {  	v13 =	vld.idx.msk [tilespmem:v13+s19+$0x0], $0xffff  }
0x52: {  	v21 =	vld [tilespmem:s10+$0x0];
	vm9 =	vgt.f32 v17, v19  }
0x53: {  	v17 =	vor.u32 v3, v16;
	v19 =	vsel vm9, $0x3F800000, v1;
	v15 =	vld.idx.msk [tilespmem:v15+s19+$0x0], $0xffff  }
0x54: {  	vm10 =	vgt.f32 v18, v12;
	[tilespmem:s9+$0xFFFFFF90] =	vst v19  }
0x55: {  	v12 =	vor.u32 v3, v11;
	v18 =	vsel vm10, $0x3F800000, v1;
	v14 =	vld.idx.msk [tilespmem:v14+s19+$0x0], $0xffff  }
0x56: {  	vm11 =	vgt.f32 v20, v13;
	v13 =	vor.u32 v2, v9;
	v20 =	vld [tilespmem:s10+$0xFFFFFFA0];
	[tilespmem:s9+$0x90] =	vst v18  }
0x57: {  	v19 =	vsel vm11, $0x3F800000, v1;
	v18 =	vld [tilespmem:s10+$0xA0]  }
0x58: {  	[tilespmem:s9+$0xFFFFFF10] =	vst v19;
	v17 =	vld.idx.msk [tilespmem:v17+s19+$0x0], $0xffff;
	vm12 =	vgt.f32 v21, v15  }
0x59: {  	v19 =	vld [tilespmem:s10+$0xFFFFFF20];
	v15 =	vsel vm12, $0x3F800000, v1  }
0x5a: {  	v12 =	vld.idx.msk [tilespmem:v12+s19+$0x0], $0xffff;
	[tilespmem:s9+$0x0] =	vst v15  }
0x5b: {  	v15 =	vor.u32 v4, v16;
	v13 =	vld.idx.msk [tilespmem:v13+s19+$0x0], $0xffff  }
0x5c: {  	vm1 =	vgt.f32 v20, v14;
	v22 =	vld [tilespmem:s10+$0x10]  }
0x5d: {  	s18 =	simm.s32 $0x4;
	s11 =	simm.s32 $0x300;
	v21 =	vor.u32 v4, v11;
	vm13 =	vgt.f32 v18, v17;
	v18 =	vsel vm1, $0x3F800000, v1  }
0x5e: {  	v28 =	vld [tilespmem:s11+$0xFFFFFF00];
	v17 =	vmov s18;
	v14 =	vsel vm13, $0x3F800000, v1;
	[tilespmem:s9+$0xFFFFFFA0] =	vst v18  }
0x5f: {  	s23 =	simm.s32 $0x5;
	v24 =	vor.u32 v3, v9;
	[tilespmem:s9+$0xA0] =	vst v14;
	v14 =	vand.u32 $0xFFFFFFFC, v17;
	vm14 =	vgt.f32 v19, v12;
	v19 =	vld [tilespmem:s10+$0xFFFFFFB0]  }
0x60: {  	v14 =	vbroadcast v14, $0x0;
	v17 =	vsel vm14, $0x3F800000, v1;
	v12 =	vld.idx.msk [tilespmem:v15+s19+$0x0], $0xffff;
	v15 =	vmov s23  }
0x61: {  	v18 =	vld [tilespmem:s10+$0xB0];
	[tilespmem:s9+$0xFFFFFF20] =	vst v17;
	v15 =	vand.u32 $0xFFFFFFFD, v15;
	vm15 =	vgt.f32 v22, v13  }
0x62: {  	v17 =	vld.idx.msk [tilespmem:v21+s19+$0x0], $0xffff;
	v13 =	vbroadcast v15, $0x0;
	v15 =	vsel vm15, $0x3F800000, v1  }
0x63: {  	v22 =	vor.u32 v4, v10;
	[tilespmem:s9+$0x10] =	vst v15;
	v15 =	vld [tilespmem:s10+$0xFFFFFF30]  }
0x64: {  	v21 =	vld [tilespmem:s10+$0x20]  }
0x65: {  	v20 =	vor.u32 v5, v16;
	v24 =	vld.idx.msk [tilespmem:v24+s19+$0x0], $0xffff  }
0x66: {  	s25 =	simm.s32 $0x7;
	vm4 =	vgt.f32 v18, v12;
	v12 =	vld.idx.msk [tilespmem:v14+s20+$0x0], $0xffff  }
0x67: {  	v14 =	vmov s25;
	v18 =	vld [tilespmem:s11+$0x80]  }
0x68: {  	v23 =	vsel vm4, $0x3F800000, v1;
	v22 =	vld.idx.msk [tilespmem:v22+s19+$0x0], $0xffff  }
0x69: {  	[tilespmem:s9+$0xB0] =	vst v23;
	v13 =	vld.idx.msk [tilespmem:v13+s20+$0x0], $0xffff  }
0x6a: {  	v23 =	vor.u32 v5, v11;
	vm5 =	vgt.f32 v15, v17;
	v15 =	vld.idx.msk [tilespmem:v20+s19+$0x0], $0xffff  }
0x6b: {  	v26 =	vld [tilespmem:s10+$0xC0];
	v20 =	vsel vm5, $0x3F800000, v1  }
0x6c: {  	v31 =	vor.u32 v5, v10;
	[tilespmem:s9+$0xFFFFFF30] =	vst v20;
	v14 =	vld.idx.msk [tilespmem:v14+s20+$0x0], $0xffff  }
0x6d: {  	vm8 =	vgt.f32 v21, v24;
	v20 =	vld [tilespmem:s10+$0xFFFFFF40]  }
0x6e: {  	v24 =	vsel vm8, $0x3F800000, v1;
	vm7 =	vgt.f32 v19, v22;
	v19 =	vld [tilespmem:s11+$0xFFFFFF80]  }
0x6f: {  	s30 =	simm.s32 $0x6;
	v22 =	vor.u32 v4, v9;
	[tilespmem:s9+$0x20] =	vst v24;
	v23 =	vld.idx.msk [tilespmem:v23+s19+$0x0], $0xffff;
	v32 =	vsel vm7, $0x3F800000, v1;
	v13 =	vshll.u32 v13, $0x7  }
0x70: {  	v17 =	vmov s30;
	v12 =	vshll.u32 v12, $0x7;
	v49 =	vld [tilespmem:s10+$0x30];
	[tilespmem:s9+$0xFFFFFFB0] =	vst v32;
	v27 =	vor.u32 v0, v13  }
0x71: {  	v17 =	vand.u32 $0xFFFFFFFE, v17;
	v25 =	vor.u32 v0, v12;
	v46 =	vld.idx.msk [tilespmem:v31+s19+$0x0], $0xffff;
	v14 =	vshll.u32 v14, $0x7  }
0x72: {  	v17 =	vbroadcast v17, $0x0;
	v24 =	vld [tilespmem:s10+$0xFFFFFFC0];
	v29 =	vor.u32 v0, v14  }
0x73: {  	vm6 =	vgt.f32 v26, v15;
	v26 =	vld [tilespmem:s11+$0x0]  }
0x74: {  	v30 =	vor.u32 v6, v16;
	v22 =	vld.idx.msk [tilespmem:v22+s19+$0x0], $0xffff  }
0x75: {  	v50 =	vor.u32 v6, v10;
	v27 =	vld.idx.msk [tilespmem:v27+s19+$0x0], $0xffff  }
0x76: {  	v15 =	vsel vm6, $0x3F800000, v1;
	v25 =	vld.idx.msk [tilespmem:v25+s19+$0x0], $0xffff  }
0x77: {  	[tilespmem:s9+$0xC0] =	vst v15;
	vm12 =	vgt.f32 v24, v46;
	v15 =	vld.idx.msk [tilespmem:v29+s19+$0x0], $0xffff  }
0x78: {  	v17 =	vld.idx.msk [tilespmem:v17+s20+$0x0], $0xffff;
	v51 =	vsel vm12, $0x3F800000, v1  }
0x79: {  	v47 =	vor.u32 v2, v13;
	v21 =	vld.idx.msk [tilespmem:v30+s19+$0x0], $0xffff;
	[tilespmem:s9+$0xFFFFFFC0] =	vst v51  }
0x7a: {  	vm14 =	vgt.f32 v49, v22;
	v22 =	vld.idx.msk [tilespmem:v50+s19+$0x0], $0xffff;
	vm9 =	vgt.f32 v19, v27;
	v19 =	vor.u32 v2, v14  }
0x7b: {  	s12 =	simm.s32 $0xF600;
	v62 =	vld [tilespmem:s10+$0xFFFFFFD0];
	v27 =	vor.u32 v2, v12;
	v48 =	vsel vm9, $0x3F800000, v1  }
0x7c: {  	[tilespmem:s12+$0xFFFFFF80] =	vst v48;
	vm10 =	vgt.f32 v18, v15;
	v18 =	vld [tilespmem:s10+$0xD0]  }
0x7d: {  	vm11 =	vgt.f32 v28, v25;
	v25 =	vld [tilespmem:s11+$0xFFFFFF90];
	v15 =	vsel vm10, $0x3F800000, v1  }
0x7e: {  	v28 =	vsel vm11, $0x3F800000, v1;
	v30 =	vld.idx.msk [tilespmem:v47+s19+$0x0], $0xffff;
	[tilespmem:s12+$0x80] =	vst v15  }
0x7f: {  	[tilespmem:s12+$0xFFFFFF00] =	vst v28;
	v15 =	vshll.u32 v17, $0x7;
	v17 =	vld.idx.msk [tilespmem:v19+s19+$0x0], $0xffff;
	v19 =	vor.u32 v7, v16  }
0x80: {  	v24 =	vld.idx.msk [tilespmem:v27+s19+$0x0], $0xffff;
	v27 =	vor.u32 v0, v15  }
0x81: {  	v55 =	vor.u32 v3, v13;
	v54 =	vsel vm14, $0x3F800000, v1;
	v52 =	vld [tilespmem:s11+$0xFFFFFF10];
	vm13 =	vgt.f32 v18, v21  }
0x82: {  	[tilespmem:s9+$0x30] =	vst v54;
	v21 =	vld [tilespmem:s11+$0x90];
	v53 =	vsel vm13, $0x3F800000, v1  }
0x83: {  	v57 =	vld [tilespmem:s10+$0x40];
	v18 =	vor.u32 v5, v9;
	vm15 =	vgt.f32 v25, v30;
	[tilespmem:s9+$0xD0] =	vst v53  }
0x84: {  	v25 =	vsel vm15, $0x3F800000, v1;
	v19 =	vld.idx.msk [tilespmem:v19+s19+$0x0], $0xffff  }
0x85: {  	v27 =	vld.idx.msk [tilespmem:v27+s19+$0x0], $0xffff;
	[tilespmem:s12+$0xFFFFFF90] =	vst v25  }
0x86: {  	v56 =	vor.u32 v3, v12;
	v25 =	vld.idx.msk [tilespmem:v55+s19+$0x0], $0xffff  }
0x87: {  	v59 =	vld [tilespmem:s11+$0xFFFFFFA0];
	vm4 =	vgt.f32 v21, v17  }
0x88: {  	vm5 =	vgt.f32 v52, v24;
	v18 =	vld.idx.msk [tilespmem:v18+s19+$0x0], $0xffff;
	v17 =	vor.u32 v3, v14;
	v24 =	vsel vm4, $0x3F800000, v1  }
0x89: {  	v58 =	vor.u32 v2, v15;
	v21 =	vld [tilespmem:s10+$0xE0];
	[tilespmem:s12+$0x90] =	vst v24;
	v24 =	vsel vm5, $0x3F800000, v1  }
0x8a: {  	[tilespmem:s12+$0xFFFFFF10] =	vst v24;
	v24 =	vld [tilespmem:s11+$0xA0]  }
0x8b: {  	vm6 =	vgt.f32 v26, v27;
	v26 =	vor.u32 v6, v9;
	v27 =	vld.idx.msk [tilespmem:v56+s19+$0x0], $0xffff  }
0x8c: {  	v60 =	vsel vm6, $0x3F800000, v1;
	vm8 =	vgt.f32 v59, v25;
	v25 =	vld [tilespmem:s11+$0xFFFFFF20]  }
0x8d: {  	vm7 =	vgt.f32 v57, v18;
	[tilespmem:s12+$0x0] =	vst v60;
	v17 =	vld.idx.msk [tilespmem:v17+s19+$0x0], $0xffff  }
0x8e: {  	v16 =	vor.u32 v8, v16;
	v18 =	vsel vm7, $0x3F800000, v1;
	v28 =	vld.idx.msk [tilespmem:v58+s19+$0x0], $0xffff  }
0x8f: {  	vm10 =	vgt.f32 v20, v23;
	v61 =	vld [tilespmem:s11+$0x10];
	[tilespmem:s9+$0x40] =	vst v18  }
0x90: {  	v23 =	vsel vm10, $0x3F800000, v1;
	vm9 =	vgt.f32 v21, v19;
	v19 =	vor.u32 v6, v11;
	v26 =	vld.idx.msk [tilespmem:v26+s19+$0x0], $0xffff  }
0x91: {  	v20 =	vor.u32 v4, v14;
	[tilespmem:s9+$0xFFFFFF40] =	vst v23;
	v21 =	vsel vm9, $0x3F800000, v1;
	v63 =	vld [tilespmem:s10+$0x50]  }
0x92: {  	v18 =	vsel vm8, $0x3F800000, v1;
	[tilespmem:s9+$0xE0] =	vst v21;
	v21 =	vld [tilespmem:s10+$0xFFFFFF50]  }
0x93: {  	[tilespmem:s12+$0xFFFFFFA0] =	vst v18;
	v16 =	vld.idx.msk [tilespmem:v16+s19+$0x0], $0xffff;
	vm11 =	vgt.f32 v24, v17  }
0x94: {  	v18 =	vld [tilespmem:s11+$0xFFFFFFB0];
	vm12 =	vgt.f32 v61, v28;
	v23 =	vsel vm11, $0x3F800000, v1  }
0x95: {  	s23 =	smul.u32 $0xC0, s21;
	vm13 =	vgt.f32 v62, v22;
	vm14 =	vgt.f32 v25, v27;
	v24 =	vsel vm12, $0x3F800000, v1;
	[tilespmem:s12+$0xA0] =	vst v23;
	v23 =	vld.idx.msk [tilespmem:v19+s19+$0x0], $0xffff  }
0x96: {  	s13 =	simm.s32 $0xF600;
	v25 =	vor.u32 v7, v9;
	[tilespmem:s12+$0x10] =	vst v24;
	v22 =	vld.idx.msk [tilespmem:v20+s19+$0x0], $0xffff;
	v20 =	vsel vm13, $0x3F800000, v1;
	vm15 =	vgt.f32 v63, v26  }
0x97: {  	s14 =	simm.s32 $0x300;
	s8 =	sor.u32 s5, s23;
	s25 =	simm.s32 $0x8;
	v17 =	vor.u32 v4, v12;
	v24 =	vsel vm14, $0x3F800000, v1;
	v19 =	vld [tilespmem:s11+$0x20];
	[tilespmem:s9+$0xFFFFFFD0] =	vst v20;
	v26 =	vsel vm15, $0x3F800000, v1  }
.LBB2_3:
0x98: {  	s0 =	sadd.s32 $0x1, s25  }
0x99: {  	v20 =	vmov s25;
	v27 =	vld [tilespmem:s11+$0xB0];
	s14 =	sadd.s32 $0x200, s14;
	s30 =	smov.u32 s25;
	s18 =	sadd.s32 $0x4, s25  }
0x9a: {  	p1 =	slt.u32 s25, $0x9C;
	v28 =	vand.u32 $0xFFFFFFFC, v20;
	v29 =	vmov s0;
	s0 =	sadd.s32 $0x2, s30;
	s30 =	sadd.s32 $0x3, s30;
	v20 =	vld [tilespmem:s14+$0x80];
	[tilespmem:s9+$0x50] =	vst v26  }
0x9b: {  	v26 =	vbroadcast v28, $0x0;
	v28 =	vand.u32 $0xFFFFFFFD, v29;
	v29 =	vor.u32 v7, v11;
	v25 =	vld.idx.msk [tilespmem:v25+s19+$0x0], $0xffff  }
0x9c: {  	v30 =	vmov s0;
	vm0 =	vgt.f32 v21, v23;
	v28 =	vbroadcast v28, $0x0;
	v21 =	vld [tilespmem:s10+$0xFFFFFFE0]  }
0x9d: {  	v23 =	vand.u32 $0xFFFFFFFE, v30;
	[tilespmem:s12+$0xFFFFFF20] =	vst v24;
	v24 =	vsel vm0, $0x3F800000, v1;
	v30 =	vld [tilespmem:s10+$0x60]  }
0x9e: {  	v17 =	vld.idx.msk [tilespmem:v17+s19+$0x0], $0xffff;
	vm0 =	vgt.f32 v27, v22;
	[tilespmem:s9+$0xFFFFFF50] =	vst v24  }
0x9f: {  	v27 =	vor.u32 v5, v14;
	v22 =	vld [tilespmem:s11+$0xFFFFFF30];
	v24 =	vsel vm0, $0x3F800000, v1  }
0xa0: {  	v31 =	vor.u32 v7, v10;
	[tilespmem:s12+$0xB0] =	vst v24;
	v24 =	vld [tilespmem:s10+$0xFFFFFF60]  }
0xa1: {  	v32 =	vor.u32 v4, v13;
	v29 =	vld.idx.msk [tilespmem:v29+s19+$0x0], $0xffff  }
0xa2: {  	v28 =	vld.idx.msk [tilespmem:v28+s20+$0x0], $0xffff;
	vm0 =	vgt.f32 v30, v25  }
0xa3: {  	v30 =	vor.u32 v5, v12;
	v25 =	vld.idx.msk [tilespmem:v26+s20+$0x0], $0xffff;
	v26 =	vmov s30;
	v33 =	vsel vm0, $0x3F800000, v1  }
0xa4: {  	v23 =	vbroadcast v23, $0x0;
	vm0 =	vgt.f32 v22, v17;
	v22 =	vld.idx.msk [tilespmem:v27+s19+$0x0], $0xffff;
	[tilespmem:s9+$0x60] =	vst v33  }
0xa5: {  	v17 =	vsel vm0, $0x3F800000, v1;
	v27 =	vld.idx.msk [tilespmem:v31+s19+$0x0], $0xffff  }
0xa6: {  	[tilespmem:s12+$0xFFFFFF30] =	vst v17;
	v31 =	vld.idx.msk [tilespmem:v32+s19+$0x0], $0xffff;
	v32 =	vor.u32 v8, v11;
	v11 =	vmov v12  }
0xa7: {  	vm0 =	vgt.f32 v24, v29;
	v33 =	vld [tilespmem:s11+$0xFFFFFF40]  }
0xa8: {  	v17 =	vsel vm0, $0x3F800000, v1;
	v24 =	vld.idx.msk [tilespmem:v30+s19+$0x0], $0xffff  }
0xa9: {  	v12 =	vshll.u32 v25, $0x7;
	v25 =	vld.idx.msk [tilespmem:v26+s20+$0x0], $0xffff;
	[tilespmem:s9+$0xFFFFFF60] =	vst v17;
	v26 =	vor.u32 v8, v10;
	v10 =	vmov v13  }
0xaa: {  	v17 =	vor.u32 v4, v12;
	v29 =	vld [tilespmem:s10+$0xFFFFFF70]  }
0xab: {  	v30 =	vor.u32 v0, v12;
	vm0 =	vgt.f32 v21, v27;
	v32 =	vld.idx.msk [tilespmem:v32+s19+$0x0], $0xffff  }
0xac: {  	vm1 =	vgt.f32 v18, v31;
	v18 =	vor.u32 v3, v15;
	v21 =	vsel vm0, $0x3F800000, v1;
	v27 =	vld [tilespmem:s10+$0xF0]  }
0xad: {  	v13 =	vshll.u32 v28, $0x7;
	v28 =	vsel vm1, $0x3F800000, v1;
	v31 =	vld [tilespmem:s11+$0xC0];
	[tilespmem:s9+$0xFFFFFFE0] =	vst v21;
	v21 =	vor.u32 v8, v9;
	v9 =	vmovc v15  }
0xae: {  	v15 =	vor.u32 v0, v13;
	vm0 =	vgt.f32 v33, v24;
	[tilespmem:s12+$0xFFFFFFB0] =	vst v28;
	v24 =	vld.idx.msk [tilespmem:v26+s19+$0x0], $0xffff  }
0xaf: {  	v26 =	vsel vm0, $0x3F800000, v1;
	v28 =	vld [tilespmem:s10+$0xFFFFFFF0]  }
0xb0: {  	[tilespmem:s12+$0xFFFFFF40] =	vst v26;
	v26 =	vld [tilespmem:s10+$0x70];
	s10 =	smov.u32 s11;
	s11 =	smov.u32 s14  }
0xb1: {  	v18 =	vld.idx.msk [tilespmem:v18+s19+$0x0], $0xffff;
	vm0 =	vgt.f32 v27, v16  }
0xb2: {  	v27 =	vld [tilespmem:s14+$0xFFFFFF00];
	vm1 =	vgt.f32 v31, v22;
	v22 =	vsel vm0, $0x3F800000, v1  }
0xb3: {  	v16 =	vshll.u32 v25, $0x7;
	v30 =	vld.idx.msk [tilespmem:v30+s19+$0x0], $0xffff;
	v25 =	vsel vm1, $0x3F800000, v1;
	[tilespmem:s9+$0xF0] =	vst v22  }
0xb4: {  	s12 =	sadd.s32 $0x200, s12;
	vm0 =	vgt.f32 v29, v32;
	v22 =	vor.u32 v0, v16;
	[tilespmem:s13+$0xC0] =	vst v25;
	v21 =	vld.idx.msk [tilespmem:v21+s19+$0x0], $0xffff  }
0xb5: {  	v29 =	vsel vm0, $0x3F800000, v1;
	v25 =	vor.u32 v6, v14;
	vm0 =	vgt.f32 v28, v24;
	v23 =	vld.idx.msk [tilespmem:v23+s20+$0x0], $0xffff  }
0xb6: {  	v28 =	vor.u32 v5, v10;
	v24 =	vld.idx.msk [tilespmem:v15+s19+$0x0], $0xffff;
	[tilespmem:s9+$0xFFFFFF70] =	vst v29;
	v15 =	vsel vm0, $0x3F800000, v1  }
0xb7: {  	vm0 =	vgt.f32 v19, v18;
	v29 =	vld [tilespmem:s14+$0x0];
	[tilespmem:s9+$0xFFFFFFF0] =	vst v15  }
0xb8: {  	v32 =	vor.u32 v4, v9;
	v19 =	vor.u32 v2, v13;
	v31 =	vsel vm0, $0x3F800000, v1;
	v18 =	vld [tilespmem:s14+$0xFFFFFF80]  }
0xb9: {  	v22 =	vld.idx.msk [tilespmem:v22+s19+$0x0], $0xffff  }
0xba: {  	vm0 =	vgt.f32 v27, v30;
	vm1 =	vgt.f32 v26, v21;
	v25 =	vld.idx.msk [tilespmem:v25+s19+$0x0], $0xffff  }
0xbb: {  	v21 =	vsel vm0, $0x3F800000, v1;
	v15 =	vshll.u32 v23, $0x7;
	v26 =	vsel vm1, $0x3F800000, v1;
	v23 =	vld.idx.msk [tilespmem:v28+s19+$0x0], $0xffff;
	[tilespmem:s13+$0x20] =	vst v31  }
0xbc: {  	v27 =	vld [tilespmem:s10+$0xFFFFFFC0];
	[tilespmem:s9+$0x70] =	vst v26;
	s9 =	smov.u32 s13;
	s13 =	smov.u32 s12  }
0xbd: {  	vm0 =	vgt.f32 v18, v24;
	v18 =	vor.u32 v2, v16;
	v24 =	vld.idx.msk [tilespmem:v32+s19+$0x0], $0xffff  }
0xbe: {  	v26 =	vor.u32 v2, v12;
	v28 =	vsel vm0, $0x3F800000, v1;
	v30 =	vld [tilespmem:s10+$0x30]  }
0xbf: {  	vm0 =	vgt.f32 v20, v22;
	[tilespmem:s12+$0xFFFFFF80] =	vst v28;
	v20 =	vld [tilespmem:s10+$0xD0]  }
0xc0: {  	v28 =	vsel vm0, $0x3F800000, v1;
	v22 =	vld [tilespmem:s14+$0xFFFFFF90]  }
0xc1: {  	v19 =	vld.idx.msk [tilespmem:v19+s19+$0x0], $0xffff;
	[tilespmem:s12+$0x80] =	vst v28;
	vm0 =	vgt.f32 v27, v23;
	v23 =	vor.u32 v6, v10  }
0xc2: {  	v27 =	vor.u32 v7, v14;
	[tilespmem:s12+$0xFFFFFF00] =	vst v21;
	v18 =	vld.idx.msk [tilespmem:v18+s19+$0x0], $0xffff;
	v21 =	vsel vm0, $0x3F800000, v1  }
0xc3: {  	v28 =	vor.u32 v0, v15;
	v26 =	vld.idx.msk [tilespmem:v26+s19+$0x0], $0xffff;
	[tilespmem:s9+$0xFFFFFFC0] =	vst v21;
	vm0 =	vgt.f32 v30, v24  }
0xc4: {  	v30 =	vor.u32 v5, v9;
	v21 =	vld [tilespmem:s14+$0xFFFFFF10];
	v24 =	vsel vm0, $0x3F800000, v1;
	vm0 =	vgt.f32 v20, v25  }
0xc5: {  	v20 =	vor.u32 v3, v13;
	v25 =	vld [tilespmem:s14+$0x90];
	[tilespmem:s9+$0x30] =	vst v24;
	v24 =	vsel vm0, $0x3F800000, v1  }
0xc6: {  	v31 =	vld.idx.msk [tilespmem:v23+s19+$0x0], $0xffff;
	[tilespmem:s9+$0xD0] =	vst v24  }
0xc7: {  	vm0 =	vgt.f32 v22, v19;
	v19 =	vld.idx.msk [tilespmem:v27+s19+$0x0], $0xffff  }
0xc8: {  	v24 =	vor.u32 v3, v16;
	v22 =	vsel vm0, $0x3F800000, v1;
	v23 =	vld.idx.msk [tilespmem:v28+s19+$0x0], $0xffff  }
0xc9: {  	vm0 =	vgt.f32 v21, v26;
	v21 =	vld.idx.msk [tilespmem:v30+s19+$0x0], $0xffff  }
0xca: {  	v26 =	vor.u32 v3, v12;
	vm1 =	vgt.f32 v25, v18;
	v18 =	vld [tilespmem:s10+$0x40]  }
0xcb: {  	[tilespmem:s12+$0xFFFFFF90] =	vst v22;
	v22 =	vsel vm1, $0x3F800000, v1;
	v25 =	vld [tilespmem:s10+$0xE0]  }
0xcc: {  	v27 =	vor.u32 v2, v15;
	v20 =	vld.idx.msk [tilespmem:v20+s19+$0x0], $0xffff;
	[tilespmem:s12+$0x90] =	vst v22  }
0xcd: {  	v22 =	vsel vm0, $0x3F800000, v1;
	v28 =	vld [tilespmem:s14+$0xFFFFFFA0]  }
0xce: {  	vm0 =	vgt.f32 v29, v23;
	v23 =	vor.u32 v6, v9;
	[tilespmem:s12+$0xFFFFFF10] =	vst v22;
	v22 =	vld [tilespmem:s14+$0xA0]  }
0xcf: {  	v29 =	vsel vm0, $0x3F800000, v1;
	v26 =	vld.idx.msk [tilespmem:v26+s19+$0x0], $0xffff;
	vm0 =	vgt.f32 v18, v21  }
0xd0: {  	[tilespmem:s12+$0x0] =	vst v29;
	v18 =	vld.idx.msk [tilespmem:v24+s19+$0x0], $0xffff;
	v21 =	vsel vm0, $0x3F800000, v1;
	vm0 =	vgt.f32 v25, v19  }
0xd1: {  	v19 =	vld.idx.msk [tilespmem:v27+s19+$0x0], $0xffff;
	v27 =	vor.u32 v4, v16;
	[tilespmem:s9+$0x40] =	vst v21;
	v21 =	vsel vm0, $0x3F800000, v1  }
0xd2: {  	vm0 =	vgt.f32 v28, v20;
	v20 =	vld [tilespmem:s14+$0x10];
	[tilespmem:s9+$0xE0] =	vst v21  }
0xd3: {  	v21 =	vsel vm0, $0x3F800000, v1;
	v28 =	vld.idx.msk [tilespmem:v23+s19+$0x0], $0xffff;
	v23 =	vor.u32 v8, v14;
	v14 =	vmov v16  }
0xd4: {  	v24 =	vld [tilespmem:s14+$0xFFFFFF20];
	[tilespmem:s12+$0xFFFFFFA0] =	vst v21  }
0xd5: {  	v25 =	vor.u32 v6, v11;
	v29 =	vld [tilespmem:s10+$0xFFFFFFD0]  }
0xd6: {  	vm0 =	vgt.f32 v22, v18;
	v30 =	vld [tilespmem:s10+$0x50]  }
0xd7: {  	v18 =	vld [tilespmem:s14+$0xFFFFFFB0];
	vm1 =	vgt.f32 v20, v19;
	v19 =	vsel vm0, $0x3F800000, v1  }
.Ltmp4:
0xd8: {  	v20 =	vsel vm1, $0x3F800000, v1;
	v16 =	vld.idx.msk [tilespmem:v23+s19+$0x0], $0xffff;
	(pc) =	sbr.rel @p1 .LBB2_3-.Ltmp4, $4  }
0xd9: {  	vm0 =	vgt.f32 v24, v26;
	v21 =	vld [tilespmem:s10+$0xFFFFFF50]  }
0xda: {  	v24 =	vsel vm0, $0x3F800000, v1;
	[tilespmem:s12+$0xA0] =	vst v19;
	v23 =	vld.idx.msk [tilespmem:v25+s19+$0x0], $0xffff;
	vm0 =	vgt.f32 v29, v31;
	v25 =	vor.u32 v7, v9  }
0xdb: {  	[tilespmem:s12+$0x10] =	vst v20;
	v22 =	vld.idx.msk [tilespmem:v27+s19+$0x0], $0xffff;
	v20 =	vsel vm0, $0x3F800000, v1;
	vm0 =	vgt.f32 v30, v28  }
0xdc: {  	s25 =	smov.u32 s18;
	v19 =	vld [tilespmem:s14+$0x20];
	[tilespmem:s9+$0xFFFFFFD0] =	vst v20;
	v26 =	vsel vm0, $0x3F800000, v1  }
0xdd: {  	_ =	sdelay $0x1  }
0xde: {  	v20 =	vld [tilespmem:s11+$0xB0]  }
0xdf: {  	[tilespmem:s9+$0x50] =	vst v26;
	v35 =	vor.u32 v3, v15;
	v27 =	vld [tilespmem:s10+$0xFFFFFFE0]  }
0xe0: {  	[tilespmem:s12+$0xFFFFFF20] =	vst v24;
	v25 =	vld.idx.msk [tilespmem:v25+s19+$0x0], $0xffff  }
0xe1: {  	v36 =	vor.u32 v7, v11;
	v17 =	vld.idx.msk [tilespmem:v17+s19+$0x0], $0xffff  }
0xe2: {  	v30 =	vor.u32 v7, v10;
	v37 =	vld [tilespmem:s11+$0xFFFFFF30];
	vm0 =	vgt.f32 v21, v23  }
0xe3: {  	v39 =	vor.u32 v4, v13;
	v29 =	vld [tilespmem:s10+$0x60];
	v28 =	vsel vm0, $0x3F800000, v1  }
0xe4: {  	v38 =	vor.u32 v5, v14;
	[tilespmem:s9+$0xFFFFFF50] =	vst v28;
	v40 =	vld.idx.msk [tilespmem:v35+s19+$0x0], $0xffff  }
0xe5: {  	v28 =	vld [tilespmem:s10+$0xFFFFFF60]  }
0xe6: {  	vm13 =	vgt.f32 v20, v22;
	v24 =	vld.idx.msk [tilespmem:v36+s19+$0x0], $0xffff  }
0xe7: {  	v44 =	vor.u32 v4, v15;
	v30 =	vld.idx.msk [tilespmem:v30+s19+$0x0], $0xffff;
	v41 =	vsel vm13, $0x3F800000, v1  }
0xe8: {  	v20 =	vld.idx.msk [tilespmem:v39+s19+$0x0], $0xffff;
	vm14 =	vgt.f32 v37, v17;
	[tilespmem:s12+$0xB0] =	vst v41  }
0xe9: {  	v42 =	vor.u32 v5, v12;
	v45 =	vsel vm14, $0x3F800000, v1;
	v43 =	vld.idx.msk [tilespmem:v38+s19+$0x0], $0xffff;
	vm15 =	vgt.f32 v19, v40  }
0xea: {  	[tilespmem:s12+$0xFFFFFF30] =	vst v45;
	v50 =	vld [tilespmem:s11+$0xC0];
	v22 =	vsel vm15, $0x3F800000, v1  }
0xeb: {  	v9 =	vor.u32 v8, v9;
	v46 =	vld [tilespmem:s11+$0xFFFFFF40];
	[tilespmem:s13+$0x20] =	vst v22  }
0xec: {  	v21 =	vld.idx.msk [tilespmem:v44+s19+$0x0], $0xffff  }
0xed: {  	v11 =	vor.u32 v8, v11;
	vm13 =	vgt.f32 v29, v25;
	v48 =	vld [tilespmem:s11+$0x30]  }
0xee: {  	v49 =	vor.u32 v5, v13;
	v45 =	vsel vm13, $0x3F800000, v1;
	v23 =	vld.idx.msk [tilespmem:v42+s19+$0x0], $0xffff;
	vm4 =	vgt.f32 v28, v24  }
0xef: {  	[tilespmem:s9+$0x60] =	vst v45;
	vm1 =	vgt.f32 v18, v20;
	v18 =	vld [tilespmem:s10+$0xF0];
	v47 =	vsel vm4, $0x3F800000, v1  }
0xf0: {  	v52 =	vor.u32 v5, v15;
	v9 =	vld.idx.msk [tilespmem:v9+s19+$0x0], $0xffff;
	[tilespmem:s9+$0xFFFFFF60] =	vst v47  }
0xf1: {  	v53 =	vsel vm1, $0x3F800000, v1;
	v24 =	vld [tilespmem:s10+$0xFFFFFF70]  }
0xf2: {  	v10 =	vor.u32 v8, v10;
	[tilespmem:s12+$0xFFFFFFB0] =	vst v53;
	v11 =	vld.idx.msk [tilespmem:v11+s19+$0x0], $0xffff;
	vm6 =	vgt.f32 v48, v21  }
0xf3: {  	v54 =	vor.u32 v6, v14;
	v55 =	vld.idx.msk [tilespmem:v49+s19+$0x0], $0xffff;
	v22 =	vsel vm6, $0x3F800000, v1  }
0xf4: {  	vm5 =	vgt.f32 v27, v30;
	v56 =	vld [tilespmem:s11+$0xFFFFFFC0];
	[tilespmem:s13+$0x30] =	vst v22  }
0xf5: {  	v51 =	vsel vm5, $0x3F800000, v1;
	vm7 =	vgt.f32 v50, v43;
	v20 =	vld.idx.msk [tilespmem:v52+s19+$0x0], $0xffff  }
0xf6: {  	v58 =	vor.u32 v6, v12;
	[tilespmem:s9+$0xFFFFFFE0] =	vst v51;
	v57 =	vsel vm7, $0x3F800000, v1;
	v59 =	vld [tilespmem:s11+$0x40]  }
0xf7: {  	v62 =	vor.u32 v6, v13;
	v10 =	vld.idx.msk [tilespmem:v10+s19+$0x0], $0xffff;
	vm8 =	vgt.f32 v46, v23;
	[tilespmem:s13+$0xC0] =	vst v57  }
0xf8: {  	v60 =	vsel vm8, $0x3F800000, v1;
	v61 =	vld.idx.msk [tilespmem:v54+s19+$0x0], $0xffff  }
0xf9: {  	v32 =	vor.u32 v6, v15;
	[tilespmem:s12+$0xFFFFFF40] =	vst v60;
	v63 =	vld [tilespmem:s11+$0xD0];
	vm9 =	vgt.f32 v56, v55  }
0xfa: {  	v33 =	vld [tilespmem:s11+$0xFFFFFF50];
	v34 =	vsel vm9, $0x3F800000, v1  }
0xfb: {  	v26 =	vld.idx.msk [tilespmem:v58+s19+$0x0], $0xffff;
	[tilespmem:s13+$0xFFFFFFC0] =	vst v34;
	vm10 =	vgt.f32 v59, v20  }
0xfc: {  	v36 =	vor.u32 v7, v14;
	v37 =	vld.idx.msk [tilespmem:v62+s19+$0x0], $0xffff;
	v38 =	vsel vm10, $0x3F800000, v1  }
0xfd: {  	v39 =	vld [tilespmem:s11+$0xFFFFFFD0];
	[tilespmem:s13+$0x40] =	vst v38  }
0xfe: {  	vm11 =	vgt.f32 v63, v61;
	v17 =	vld.idx.msk [tilespmem:v32+s19+$0x0], $0xffff  }
0xff: {  	v40 =	vor.u32 v7, v12;
	v23 =	vsel vm11, $0x3F800000, v1;
	v41 =	vld [tilespmem:s11+$0x50]  }
0x100: {  	v35 =	vld [tilespmem:s10+$0xFFFFFFF0];
	vm12 =	vgt.f32 v33, v26;
	[tilespmem:s13+$0xD0] =	vst v23  }
0x101: {  	v44 =	vor.u32 v7, v13;
	v42 =	vsel vm12, $0x3F800000, v1;
	v19 =	vld.idx.msk [tilespmem:v36+s19+$0x0], $0xffff  }
0x102: {  	v46 =	vor.u32 v7, v15;
	v43 =	vld [tilespmem:s11+$0xE0];
	[tilespmem:s13+$0xFFFFFF50] =	vst v42;
	vm14 =	vgt.f32 v39, v37  }
0x103: {  	v47 =	vld [tilespmem:s11+$0xFFFFFF60];
	v48 =	vsel vm14, $0x3F800000, v1  }
0x104: {  	v27 =	vld.idx.msk [tilespmem:v40+s19+$0x0], $0xffff;
	[tilespmem:s13+$0xFFFFFFD0] =	vst v48;
	vm15 =	vgt.f32 v41, v17  }
0x105: {  	v50 =	vor.u32 v8, v14;
	v26 =	vld [tilespmem:s11+$0xFFFFFFE0];
	v21 =	vsel vm15, $0x3F800000, v1  }
0x106: {  	v51 =	vld.idx.msk [tilespmem:v44+s19+$0x0], $0xffff;
	[tilespmem:s13+$0x50] =	vst v21  }
0x107: {  	vm4 =	vgt.f32 v43, v19;
	v52 =	vld.idx.msk [tilespmem:v46+s19+$0x0], $0xffff  }
0x108: {  	v53 =	vor.u32 v8, v12;
	v54 =	vsel vm4, $0x3F800000, v1;
	v55 =	vld [tilespmem:s11+$0x60]  }
0x109: {  	v49 =	vld [tilespmem:s10+$0x70];
	v57 =	vor.u32 v8, v13;
	vm5 =	vgt.f32 v47, v27;
	[tilespmem:s13+$0xE0] =	vst v54  }
0x10a: {  	v56 =	vsel vm5, $0x3F800000, v1;
	v14 =	vld.idx.msk [tilespmem:v50+s19+$0x0], $0xffff  }
0x10b: {  	[tilespmem:s13+$0xFFFFFF60] =	vst v56;
	v59 =	vld [tilespmem:s11+$0xF0];
	vm6 =	vgt.f32 v26, v51  }
0x10c: {  	v58 =	vor.u32 v8, v15;
	v20 =	vld [tilespmem:s11+$0xFFFFFF70];
	v21 =	vsel vm6, $0x3F800000, v1  }
0x10d: {  	v12 =	vld.idx.msk [tilespmem:v53+s19+$0x0], $0xffff;
	[tilespmem:s13+$0xFFFFFFE0] =	vst v21;
	vm7 =	vgt.f32 v55, v52  }
0x10e: {  	v13 =	vld.idx.msk [tilespmem:v57+s19+$0x0], $0xffff;
	v60 =	vsel vm7, $0x3F800000, v1  }
0x10f: {  	vm8 =	vgt.f32 v18, v16;
	v61 =	vld [tilespmem:s11+$0xFFFFFFF0];
	[tilespmem:s13+$0x60] =	vst v60  }
0x110: {  	v18 =	vsel vm8, $0x3F800000, v1;
	vm9 =	vgt.f32 v24, v11;
	v11 =	vld [tilespmem:s11+$0x70]  }
0x111: {  	[tilespmem:s9+$0xF0] =	vst v18;
	v62 =	vsel vm9, $0x3F800000, v1;
	vm11 =	vgt.f32 v49, v9;
	vm10 =	vgt.f32 v35, v10;
	v10 =	vld.idx.msk [tilespmem:v58+s19+$0x0], $0xffff  }
0x112: {  	[tilespmem:s9+$0xFFFFFF70] =	vst v62;
	v9 =	vsel vm11, $0x3F800000, v1  }
0x113: {  	[tilespmem:s9+$0x70] =	vst v9;
	v63 =	vsel vm10, $0x3F800000, v1;
	vm12 =	vgt.f32 v59, v14  }
0x114: {  	[tilespmem:s9+$0xFFFFFFF0] =	vst v63;
	v9 =	vsel vm12, $0x3F800000, v1;
	vm13 =	vgt.f32 v20, v12  }
0x115: {  	[tilespmem:s13+$0xF0] =	vst v9;
	v9 =	vsel vm13, $0x3F800000, v1;
	vm14 =	vgt.f32 v61, v13  }
0x116: {  	s0 =	smul.u32 $0xA00, s8;
	p1 =	sgt.u32 s8, $0x210;
	[tilespmem:s13+$0xFFFFFF70] =	vst v9;
	v9 =	vsel vm14, $0x3F800000, v1;
	vm15 =	vgt.f32 v11, v10  }
0x117: {  	s9 =	sadd.s32 @!p1 $0x60, s8;
	[tilespmem:s13+$0xFFFFFFF0] =	vst v9;
	v9 =	vsel vm15, $0x3F800000, v1  }
0x118: {  	s0 =	sadd.s32 s4, s0;
	s10 =	smul.u32 @!p1 $0xA00, s9;
	[tilespmem:s13+$0x70] =	vst v9  }
0x119: {  	[hbm4b:s0+s6] =	stream.linear.scatter [tilespmem:s28], [sflag:$0x4], $0x5000, $0x38;
	[tilespmem:$0x19F00] =	vst v63  }
0x11a: {  	s9 =	smul.u32 @!p1 $0x14, s9;
	s0 =	sadd.s32 @!p1 s1, s10;
	s10 =	simm.s32 @!p1 $0x0  }
0x11b: {  	[tilespmem:s10], [sflag:$0x1] =	stream.linear.gather @!p1 [hbm4b:s0+s10], $0x5000, $0x38;
	[tilespmem:$0x19F00] =	vst v63  }
0x11c: {  	s0 =	sadd.s32 @!p1 s2, s9;
	s9 =	simm.s32 @!p1 $0xF000  }
0x11d: {  	[tilespmem:s9], [sflag:$0x1] =	stream.linear.gather @!p1 [hbm4b:s0+s10], $0xA0, $0x38;
	[tilespmem:$0x19F00] =	vst v63  }
0x11e: {  	s9 =	sor.u32 $0x20, s8  }
0x11f: {  	p1 =	sgt.u32 s9, $0x270  }
.Ltmp5:
0x120: {  	_ = 	snop;
	(pc) =	sbr.rel @p1 .LBB2_8-.Ltmp5, $4  }
0x121: {  	s0 =	simm.s32 @!p0 $0x5  }
0x122: {  	_ =	swait.ge @!p0 [sflag:s0], $0x5000  }
0x123: {  	[sflag:s0] =	ssyncset.done @!p0 $0x0  }
0x124: {  	[sflag:s0] =	ssyncadd.s32 @!p0 $0xFFFFB000  }
0x125: {  	s0 =	simm.s32 $0x1  }
0x126: {  	v9 =	vmov s0  }
0x127: {  	v9 =	vand.u32 $0xFFFFFFFD, v9  }
0x128: {  	_ =	swait.ge [sflag:s29], $0x5000;
	s11 =	simm.s32 $0x0;
	v9 =	vbroadcast v9, $0x0  }
0x129: {  	[sflag:s29] =	ssyncset.done $0x0;
	v10 =	vmov s11  }
0x12a: {  	s12 =	simm.s32 $0x3;
	[sflag:s29] =	ssyncadd.s32 $0xFFFFB000;
	v10 =	vand.u32 $0xFFFFFFFC, v10  }
0x12b: {  	v11 =	vmov s12;
	_ =	swait.ge [sflag:s29], $0xA0;
	v10 =	vbroadcast v10, $0x0  }
0x12c: {  	[sflag:s29] =	ssyncset.done $0x0  }
0x12d: {  	[sflag:s29] =	ssyncadd.s32 $0xFFFFFF60  }
0x12e: {  	v9 =	vld.idx.msk [tilespmem:v9+s22+$0x0], $0xffff;
	_ =	sdelay $0x1  }
0x12f: {  	v11 =	vld.idx.msk [tilespmem:v11+s22+$0x0], $0xffff  }
0x130: {  	v12 =	vld.idx.msk [tilespmem:v10+s22+$0x0], $0xffff;
	_ =	sdelay $0x1  }
0x131: {  	v10 =	vshll.u32 v9, $0x7  }
0x132: {  	s13 =	simm.s32 $0x2;
	v9 =	vor.u32 v0, v10  }
0x133: {  	v16 =	vshll.u32 v11, $0x7;
	v11 =	vmov s13  }
0x134: {  	s11 =	simm.s32 $0x5100;
	v13 =	vor.u32 v0, v16;
	v14 =	vand.u32 $0xFFFFFFFE, v11;
	v11 =	vshll.u32 v12, $0x7  }
0x135: {  	v15 =	vld [tilespmem:s11+$0xFFFFFF80];
	v12 =	vbroadcast v14, $0x0;
	v14 =	vor.u32 v0, v11  }
0x136: {  	v17 =	vld [tilespmem:s11+$0x80]  }
0x137: {  	v9 =	vld.idx.msk [tilespmem:v9+s19+$0x0], $0xffff  }
0x138: {  	v18 =	vld [tilespmem:s11+$0xFFFFFF00]  }
0x139: {  	v13 =	vld.idx.msk [tilespmem:v13+s19+$0x0], $0xffff  }
0x13a: {  	v14 =	vld.idx.msk [tilespmem:v14+s19+$0x0], $0xffff  }
0x13b: {  	v19 =	vor.u32 v2, v10;
	v12 =	vld.idx.msk [tilespmem:v12+s22+$0x0], $0xffff  }
0x13c: {  	vm0 =	vgt.f32 v15, v9;
	v15 =	vor.u32 v2, v16  }
0x13d: {  	s10 =	simm.s32 $0x14400;
	v9 =	vsel vm0, $0x3F800000, v1  }
0x13e: {  	vm7 =	vgt.f32 v17, v13;
	v13 =	vor.u32 v2, v11;
	[tilespmem:s10+$0xFFFFFF80] =	vst v9  }
0x13f: {  	v9 =	vsel vm7, $0x3F800000, v1;
	v17 =	vld [tilespmem:s11+$0xFFFFFF90]  }
0x140: {  	vm8 =	vgt.f32 v18, v14;
	v19 =	vld.idx.msk [tilespmem:v19+s19+$0x0], $0xffff;
	[tilespmem:s10+$0x80] =	vst v9;
	v9 =	vshll.u32 v12, $0x7  }
0x141: {  	v14 =	vsel vm8, $0x3F800000, v1;
	v12 =	vld.idx.msk [tilespmem:v15+s19+$0x0], $0xffff;
	v15 =	vor.u32 v0, v9  }
0x142: {  	[tilespmem:s10+$0xFFFFFF00] =	vst v14;
	v18 =	vld [tilespmem:s11+$0x90]  }
0x143: {  	v14 =	vor.u32 v3, v10;
	v13 =	vld.idx.msk [tilespmem:v13+s19+$0x0], $0xffff  }
0x144: {  	v20 =	vld [tilespmem:s11+$0xFFFFFF10]  }
0x145: {  	v21 =	vld [tilespmem:s11+$0x0];
	vm9 =	vgt.f32 v17, v19  }
0x146: {  	v17 =	vor.u32 v3, v16;
	v19 =	vsel vm9, $0x3F800000, v1;
	v15 =	vld.idx.msk [tilespmem:v15+s19+$0x0], $0xffff  }
0x147: {  	vm10 =	vgt.f32 v18, v12;
	[tilespmem:s10+$0xFFFFFF90] =	vst v19  }
0x148: {  	v12 =	vor.u32 v3, v11;
	v18 =	vsel vm10, $0x3F800000, v1;
	v14 =	vld.idx.msk [tilespmem:v14+s19+$0x0], $0xffff  }
0x149: {  	vm11 =	vgt.f32 v20, v13;
	v13 =	vor.u32 v2, v9;
	v20 =	vld [tilespmem:s11+$0xFFFFFFA0];
	[tilespmem:s10+$0x90] =	vst v18  }
0x14a: {  	v19 =	vsel vm11, $0x3F800000, v1;
	v18 =	vld [tilespmem:s11+$0xA0]  }
0x14b: {  	[tilespmem:s10+$0xFFFFFF10] =	vst v19;
	v17 =	vld.idx.msk [tilespmem:v17+s19+$0x0], $0xffff;
	vm12 =	vgt.f32 v21, v15  }
0x14c: {  	v19 =	vld [tilespmem:s11+$0xFFFFFF20];
	v15 =	vsel vm12, $0x3F800000, v1  }
0x14d: {  	v12 =	vld.idx.msk [tilespmem:v12+s19+$0x0], $0xffff;
	[tilespmem:s10+$0x0] =	vst v15  }
0x14e: {  	v15 =	vor.u32 v4, v16;
	v13 =	vld.idx.msk [tilespmem:v13+s19+$0x0], $0xffff  }
0x14f: {  	vm1 =	vgt.f32 v20, v14;
	v22 =	vld [tilespmem:s11+$0x10]  }
0x150: {  	s14 =	simm.s32 $0x4;
	s12 =	simm.s32 $0x5300;
	v21 =	vor.u32 v4, v11;
	vm13 =	vgt.f32 v18, v17;
	v18 =	vsel vm1, $0x3F800000, v1  }
0x151: {  	v28 =	vld [tilespmem:s12+$0xFFFFFF00];
	v17 =	vmov s14;
	v14 =	vsel vm13, $0x3F800000, v1;
	[tilespmem:s10+$0xFFFFFFA0] =	vst v18  }
0x152: {  	s18 =	simm.s32 $0x5;
	v24 =	vor.u32 v3, v9;
	[tilespmem:s10+$0xA0] =	vst v14;
	v14 =	vand.u32 $0xFFFFFFFC, v17;
	vm14 =	vgt.f32 v19, v12;
	v19 =	vld [tilespmem:s11+$0xFFFFFFB0]  }
0x153: {  	v14 =	vbroadcast v14, $0x0;
	v17 =	vsel vm14, $0x3F800000, v1;
	v12 =	vld.idx.msk [tilespmem:v15+s19+$0x0], $0xffff;
	v15 =	vmov s18  }
0x154: {  	v18 =	vld [tilespmem:s11+$0xB0];
	[tilespmem:s10+$0xFFFFFF20] =	vst v17;
	v15 =	vand.u32 $0xFFFFFFFD, v15;
	vm15 =	vgt.f32 v22, v13  }
0x155: {  	v17 =	vld.idx.msk [tilespmem:v21+s19+$0x0], $0xffff;
	v13 =	vbroadcast v15, $0x0;
	v15 =	vsel vm15, $0x3F800000, v1  }
0x156: {  	v22 =	vor.u32 v4, v10;
	[tilespmem:s10+$0x10] =	vst v15;
	v15 =	vld [tilespmem:s11+$0xFFFFFF30]  }
0x157: {  	v21 =	vld [tilespmem:s11+$0x20]  }
0x158: {  	v20 =	vor.u32 v5, v16;
	v24 =	vld.idx.msk [tilespmem:v24+s19+$0x0], $0xffff  }
0x159: {  	s25 =	simm.s32 $0x7;
	vm4 =	vgt.f32 v18, v12;
	v12 =	vld.idx.msk [tilespmem:v14+s22+$0x0], $0xffff  }
0x15a: {  	v14 =	vmov s25;
	v18 =	vld [tilespmem:s12+$0x80]  }
0x15b: {  	v23 =	vsel vm4, $0x3F800000, v1;
	v22 =	vld.idx.msk [tilespmem:v22+s19+$0x0], $0xffff  }
0x15c: {  	[tilespmem:s10+$0xB0] =	vst v23;
	v13 =	vld.idx.msk [tilespmem:v13+s22+$0x0], $0xffff  }
0x15d: {  	v23 =	vor.u32 v5, v11;
	vm5 =	vgt.f32 v15, v17;
	v15 =	vld.idx.msk [tilespmem:v20+s19+$0x0], $0xffff  }
0x15e: {  	v26 =	vld [tilespmem:s11+$0xC0];
	v20 =	vsel vm5, $0x3F800000, v1  }
0x15f: {  	v31 =	vor.u32 v5, v10;
	[tilespmem:s10+$0xFFFFFF30] =	vst v20;
	v14 =	vld.idx.msk [tilespmem:v14+s22+$0x0], $0xffff  }
0x160: {  	vm8 =	vgt.f32 v21, v24;
	v20 =	vld [tilespmem:s11+$0xFFFFFF40]  }
0x161: {  	v24 =	vsel vm8, $0x3F800000, v1;
	vm7 =	vgt.f32 v19, v22;
	v19 =	vld [tilespmem:s12+$0xFFFFFF80]  }
0x162: {  	s30 =	simm.s32 $0x6;
	v22 =	vor.u32 v4, v9;
	[tilespmem:s10+$0x20] =	vst v24;
	v23 =	vld.idx.msk [tilespmem:v23+s19+$0x0], $0xffff;
	v32 =	vsel vm7, $0x3F800000, v1;
	v13 =	vshll.u32 v13, $0x7  }
0x163: {  	v17 =	vmov s30;
	v12 =	vshll.u32 v12, $0x7;
	v49 =	vld [tilespmem:s11+$0x30];
	[tilespmem:s10+$0xFFFFFFB0] =	vst v32;
	v27 =	vor.u32 v0, v13  }
0x164: {  	v17 =	vand.u32 $0xFFFFFFFE, v17;
	v25 =	vor.u32 v0, v12;
	v46 =	vld.idx.msk [tilespmem:v31+s19+$0x0], $0xffff;
	v14 =	vshll.u32 v14, $0x7  }
0x165: {  	v17 =	vbroadcast v17, $0x0;
	v24 =	vld [tilespmem:s11+$0xFFFFFFC0];
	v29 =	vor.u32 v0, v14  }
0x166: {  	vm6 =	vgt.f32 v26, v15;
	v26 =	vld [tilespmem:s12+$0x0]  }
0x167: {  	v30 =	vor.u32 v6, v16;
	v22 =	vld.idx.msk [tilespmem:v22+s19+$0x0], $0xffff  }
0x168: {  	v50 =	vor.u32 v6, v10;
	v27 =	vld.idx.msk [tilespmem:v27+s19+$0x0], $0xffff  }
0x169: {  	v15 =	vsel vm6, $0x3F800000, v1;
	v25 =	vld.idx.msk [tilespmem:v25+s19+$0x0], $0xffff  }
0x16a: {  	[tilespmem:s10+$0xC0] =	vst v15;
	vm12 =	vgt.f32 v24, v46;
	v15 =	vld.idx.msk [tilespmem:v29+s19+$0x0], $0xffff  }
0x16b: {  	v17 =	vld.idx.msk [tilespmem:v17+s22+$0x0], $0xffff;
	v51 =	vsel vm12, $0x3F800000, v1  }
0x16c: {  	v47 =	vor.u32 v2, v13;
	v21 =	vld.idx.msk [tilespmem:v30+s19+$0x0], $0xffff;
	[tilespmem:s10+$0xFFFFFFC0] =	vst v51  }
0x16d: {  	vm14 =	vgt.f32 v49, v22;
	v22 =	vld.idx.msk [tilespmem:v50+s19+$0x0], $0xffff;
	vm9 =	vgt.f32 v19, v27;
	v19 =	vor.u32 v2, v14  }
0x16e: {  	s13 =	simm.s32 $0x14600;
	v62 =	vld [tilespmem:s11+$0xFFFFFFD0];
	v27 =	vor.u32 v2, v12;
	v48 =	vsel vm9, $0x3F800000, v1  }
0x16f: {  	[tilespmem:s13+$0xFFFFFF80] =	vst v48;
	vm10 =	vgt.f32 v18, v15;
	v18 =	vld [tilespmem:s11+$0xD0]  }
0x170: {  	vm11 =	vgt.f32 v28, v25;
	v25 =	vld [tilespmem:s12+$0xFFFFFF90];
	v15 =	vsel vm10, $0x3F800000, v1  }
0x171: {  	v28 =	vsel vm11, $0x3F800000, v1;
	v30 =	vld.idx.msk [tilespmem:v47+s19+$0x0], $0xffff;
	[tilespmem:s13+$0x80] =	vst v15  }
0x172: {  	[tilespmem:s13+$0xFFFFFF00] =	vst v28;
	v15 =	vshll.u32 v17, $0x7;
	v17 =	vld.idx.msk [tilespmem:v19+s19+$0x0], $0xffff;
	v19 =	vor.u32 v7, v16  }
0x173: {  	v24 =	vld.idx.msk [tilespmem:v27+s19+$0x0], $0xffff;
	v27 =	vor.u32 v0, v15  }
0x174: {  	v55 =	vor.u32 v3, v13;
	v54 =	vsel vm14, $0x3F800000, v1;
	v52 =	vld [tilespmem:s12+$0xFFFFFF10];
	vm13 =	vgt.f32 v18, v21  }
0x175: {  	[tilespmem:s10+$0x30] =	vst v54;
	v21 =	vld [tilespmem:s12+$0x90];
	v53 =	vsel vm13, $0x3F800000, v1  }
0x176: {  	v57 =	vld [tilespmem:s11+$0x40];
	v18 =	vor.u32 v5, v9;
	vm15 =	vgt.f32 v25, v30;
	[tilespmem:s10+$0xD0] =	vst v53  }
0x177: {  	v25 =	vsel vm15, $0x3F800000, v1;
	v19 =	vld.idx.msk [tilespmem:v19+s19+$0x0], $0xffff  }
0x178: {  	v27 =	vld.idx.msk [tilespmem:v27+s19+$0x0], $0xffff;
	[tilespmem:s13+$0xFFFFFF90] =	vst v25  }
0x179: {  	v56 =	vor.u32 v3, v12;
	v25 =	vld.idx.msk [tilespmem:v55+s19+$0x0], $0xffff  }
0x17a: {  	v59 =	vld [tilespmem:s12+$0xFFFFFFA0];
	vm4 =	vgt.f32 v21, v17  }
0x17b: {  	vm5 =	vgt.f32 v52, v24;
	v18 =	vld.idx.msk [tilespmem:v18+s19+$0x0], $0xffff;
	v17 =	vor.u32 v3, v14;
	v24 =	vsel vm4, $0x3F800000, v1  }
0x17c: {  	v58 =	vor.u32 v2, v15;
	v21 =	vld [tilespmem:s11+$0xE0];
	[tilespmem:s13+$0x90] =	vst v24;
	v24 =	vsel vm5, $0x3F800000, v1  }
0x17d: {  	[tilespmem:s13+$0xFFFFFF10] =	vst v24;
	v24 =	vld [tilespmem:s12+$0xA0]  }
0x17e: {  	vm6 =	vgt.f32 v26, v27;
	v26 =	vor.u32 v6, v9;
	v27 =	vld.idx.msk [tilespmem:v56+s19+$0x0], $0xffff  }
0x17f: {  	v60 =	vsel vm6, $0x3F800000, v1;
	vm8 =	vgt.f32 v59, v25;
	v25 =	vld [tilespmem:s12+$0xFFFFFF20]  }
0x180: {  	vm7 =	vgt.f32 v57, v18;
	[tilespmem:s13+$0x0] =	vst v60;
	v17 =	vld.idx.msk [tilespmem:v17+s19+$0x0], $0xffff  }
0x181: {  	v16 =	vor.u32 v8, v16;
	v18 =	vsel vm7, $0x3F800000, v1;
	v28 =	vld.idx.msk [tilespmem:v58+s19+$0x0], $0xffff  }
0x182: {  	vm10 =	vgt.f32 v20, v23;
	v61 =	vld [tilespmem:s12+$0x10];
	[tilespmem:s10+$0x40] =	vst v18  }
0x183: {  	v23 =	vsel vm10, $0x3F800000, v1;
	vm9 =	vgt.f32 v21, v19;
	v19 =	vor.u32 v6, v11;
	v26 =	vld.idx.msk [tilespmem:v26+s19+$0x0], $0xffff  }
0x184: {  	v20 =	vor.u32 v4, v14;
	[tilespmem:s10+$0xFFFFFF40] =	vst v23;
	v21 =	vsel vm9, $0x3F800000, v1;
	v63 =	vld [tilespmem:s11+$0x50]  }
0x185: {  	v18 =	vsel vm8, $0x3F800000, v1;
	[tilespmem:s10+$0xE0] =	vst v21;
	v21 =	vld [tilespmem:s11+$0xFFFFFF50]  }
0x186: {  	[tilespmem:s13+$0xFFFFFFA0] =	vst v18;
	v16 =	vld.idx.msk [tilespmem:v16+s19+$0x0], $0xffff;
	vm11 =	vgt.f32 v24, v17  }
0x187: {  	v18 =	vld [tilespmem:s12+$0xFFFFFFB0];
	vm12 =	vgt.f32 v61, v28;
	v23 =	vsel vm11, $0x3F800000, v1  }
0x188: {  	vm13 =	vgt.f32 v62, v22;
	vm14 =	vgt.f32 v25, v27;
	v24 =	vsel vm12, $0x3F800000, v1;
	[tilespmem:s13+$0xA0] =	vst v23;
	v23 =	vld.idx.msk [tilespmem:v19+s19+$0x0], $0xffff  }
0x189: {  	v25 =	vor.u32 v7, v9;
	[tilespmem:s13+$0x10] =	vst v24;
	v22 =	vld.idx.msk [tilespmem:v20+s19+$0x0], $0xffff;
	v20 =	vsel vm13, $0x3F800000, v1;
	vm15 =	vgt.f32 v63, v26  }
0x18a: {  	s14 =	simm.s32 $0x14600;
	s18 =	simm.s32 $0x5300;
	s25 =	simm.s32 $0x8;
	v17 =	vor.u32 v4, v12;
	v24 =	vsel vm14, $0x3F800000, v1;
	v19 =	vld [tilespmem:s12+$0x20];
	[tilespmem:s10+$0xFFFFFFD0] =	vst v20;
	v26 =	vsel vm15, $0x3F800000, v1  }
.LBB2_6:
0x18b: {  	s30 =	sadd.s32 $0x1, s25  }
0x18c: {  	v20 =	vmov s25;
	v27 =	vld [tilespmem:s12+$0xB0];
	s18 =	sadd.s32 $0x200, s18;
	s7 =	smov.u32 s25;
	s0 =	sadd.s32 $0x4, s25  }
0x18d: {  	p0 =	slt.u32 s25, $0x9C;
	v28 =	vand.u32 $0xFFFFFFFC, v20;
	v29 =	vmov s30;
	s30 =	sadd.s32 $0x2, s7;
	s7 =	sadd.s32 $0x3, s7;
	v20 =	vld [tilespmem:s18+$0x80];
	[tilespmem:s10+$0x50] =	vst v26  }
0x18e: {  	v26 =	vbroadcast v28, $0x0;
	v28 =	vand.u32 $0xFFFFFFFD, v29;
	v29 =	vor.u32 v7, v11;
	v25 =	vld.idx.msk [tilespmem:v25+s19+$0x0], $0xffff  }
0x18f: {  	v30 =	vmov s30;
	vm0 =	vgt.f32 v21, v23;
	v28 =	vbroadcast v28, $0x0;
	v21 =	vld [tilespmem:s11+$0xFFFFFFE0]  }
0x190: {  	v23 =	vand.u32 $0xFFFFFFFE, v30;
	[tilespmem:s13+$0xFFFFFF20] =	vst v24;
	v24 =	vsel vm0, $0x3F800000, v1;
	v30 =	vld [tilespmem:s11+$0x60]  }
0x191: {  	v17 =	vld.idx.msk [tilespmem:v17+s19+$0x0], $0xffff;
	vm0 =	vgt.f32 v27, v22;
	[tilespmem:s10+$0xFFFFFF50] =	vst v24  }
0x192: {  	v27 =	vor.u32 v5, v14;
	v22 =	vld [tilespmem:s12+$0xFFFFFF30];
	v24 =	vsel vm0, $0x3F800000, v1  }
0x193: {  	v31 =	vor.u32 v7, v10;
	[tilespmem:s13+$0xB0] =	vst v24;
	v24 =	vld [tilespmem:s11+$0xFFFFFF60]  }
0x194: {  	v32 =	vor.u32 v4, v13;
	v29 =	vld.idx.msk [tilespmem:v29+s19+$0x0], $0xffff  }
0x195: {  	v28 =	vld.idx.msk [tilespmem:v28+s22+$0x0], $0xffff;
	vm0 =	vgt.f32 v30, v25  }
0x196: {  	v30 =	vor.u32 v5, v12;
	v25 =	vld.idx.msk [tilespmem:v26+s22+$0x0], $0xffff;
	v26 =	vmov s7;
	v33 =	vsel vm0, $0x3F800000, v1  }
0x197: {  	v23 =	vbroadcast v23, $0x0;
	vm0 =	vgt.f32 v22, v17;
	v22 =	vld.idx.msk [tilespmem:v27+s19+$0x0], $0xffff;
	[tilespmem:s10+$0x60] =	vst v33  }
0x198: {  	v17 =	vsel vm0, $0x3F800000, v1;
	v27 =	vld.idx.msk [tilespmem:v31+s19+$0x0], $0xffff  }
0x199: {  	[tilespmem:s13+$0xFFFFFF30] =	vst v17;
	v31 =	vld.idx.msk [tilespmem:v32+s19+$0x0], $0xffff;
	v32 =	vor.u32 v8, v11;
	v11 =	vmov v12  }
0x19a: {  	vm0 =	vgt.f32 v24, v29;
	v33 =	vld [tilespmem:s12+$0xFFFFFF40]  }
0x19b: {  	v17 =	vsel vm0, $0x3F800000, v1;
	v24 =	vld.idx.msk [tilespmem:v30+s19+$0x0], $0xffff  }
0x19c: {  	v12 =	vshll.u32 v25, $0x7;
	v25 =	vld.idx.msk [tilespmem:v26+s22+$0x0], $0xffff;
	[tilespmem:s10+$0xFFFFFF60] =	vst v17;
	v26 =	vor.u32 v8, v10;
	v10 =	vmov v13  }
0x19d: {  	v17 =	vor.u32 v4, v12;
	v29 =	vld [tilespmem:s11+$0xFFFFFF70]  }
0x19e: {  	v30 =	vor.u32 v0, v12;
	vm0 =	vgt.f32 v21, v27;
	v32 =	vld.idx.msk [tilespmem:v32+s19+$0x0], $0xffff  }
0x19f: {  	vm1 =	vgt.f32 v18, v31;
	v18 =	vor.u32 v3, v15;
	v21 =	vsel vm0, $0x3F800000, v1;
	v27 =	vld [tilespmem:s11+$0xF0]  }
0x1a0: {  	v13 =	vshll.u32 v28, $0x7;
	v28 =	vsel vm1, $0x3F800000, v1;
	v31 =	vld [tilespmem:s12+$0xC0];
	[tilespmem:s10+$0xFFFFFFE0] =	vst v21;
	v21 =	vor.u32 v8, v9;
	v9 =	vmovc v15  }
0x1a1: {  	v15 =	vor.u32 v0, v13;
	vm0 =	vgt.f32 v33, v24;
	[tilespmem:s13+$0xFFFFFFB0] =	vst v28;
	v24 =	vld.idx.msk [tilespmem:v26+s19+$0x0], $0xffff  }
0x1a2: {  	v26 =	vsel vm0, $0x3F800000, v1;
	v28 =	vld [tilespmem:s11+$0xFFFFFFF0]  }
0x1a3: {  	[tilespmem:s13+$0xFFFFFF40] =	vst v26;
	v26 =	vld [tilespmem:s11+$0x70];
	s11 =	smov.u32 s12;
	s12 =	smov.u32 s18  }
0x1a4: {  	v18 =	vld.idx.msk [tilespmem:v18+s19+$0x0], $0xffff;
	vm0 =	vgt.f32 v27, v16  }
0x1a5: {  	v27 =	vld [tilespmem:s18+$0xFFFFFF00];
	vm1 =	vgt.f32 v31, v22;
	v22 =	vsel vm0, $0x3F800000, v1  }
0x1a6: {  	v16 =	vshll.u32 v25, $0x7;
	v30 =	vld.idx.msk [tilespmem:v30+s19+$0x0], $0xffff;
	v25 =	vsel vm1, $0x3F800000, v1;
	[tilespmem:s10+$0xF0] =	vst v22  }
0x1a7: {  	s13 =	sadd.s32 $0x200, s13;
	vm0 =	vgt.f32 v29, v32;
	v22 =	vor.u32 v0, v16;
	[tilespmem:s14+$0xC0] =	vst v25;
	v21 =	vld.idx.msk [tilespmem:v21+s19+$0x0], $0xffff  }
0x1a8: {  	v29 =	vsel vm0, $0x3F800000, v1;
	v25 =	vor.u32 v6, v14;
	vm0 =	vgt.f32 v28, v24;
	v23 =	vld.idx.msk [tilespmem:v23+s22+$0x0], $0xffff  }
0x1a9: {  	v28 =	vor.u32 v5, v10;
	v24 =	vld.idx.msk [tilespmem:v15+s19+$0x0], $0xffff;
	[tilespmem:s10+$0xFFFFFF70] =	vst v29;
	v15 =	vsel vm0, $0x3F800000, v1  }
0x1aa: {  	vm0 =	vgt.f32 v19, v18;
	v29 =	vld [tilespmem:s18+$0x0];
	[tilespmem:s10+$0xFFFFFFF0] =	vst v15  }
0x1ab: {  	v32 =	vor.u32 v4, v9;
	v19 =	vor.u32 v2, v13;
	v31 =	vsel vm0, $0x3F800000, v1;
	v18 =	vld [tilespmem:s18+$0xFFFFFF80]  }
0x1ac: {  	v22 =	vld.idx.msk [tilespmem:v22+s19+$0x0], $0xffff  }
0x1ad: {  	vm0 =	vgt.f32 v27, v30;
	vm1 =	vgt.f32 v26, v21;
	v25 =	vld.idx.msk [tilespmem:v25+s19+$0x0], $0xffff  }
0x1ae: {  	v21 =	vsel vm0, $0x3F800000, v1;
	v15 =	vshll.u32 v23, $0x7;
	v26 =	vsel vm1, $0x3F800000, v1;
	v23 =	vld.idx.msk [tilespmem:v28+s19+$0x0], $0xffff;
	[tilespmem:s14+$0x20] =	vst v31  }
0x1af: {  	v27 =	vld [tilespmem:s11+$0xFFFFFFC0];
	[tilespmem:s10+$0x70] =	vst v26;
	s10 =	smov.u32 s14;
	s14 =	smov.u32 s13  }
0x1b0: {  	vm0 =	vgt.f32 v18, v24;
	v18 =	vor.u32 v2, v16;
	v24 =	vld.idx.msk [tilespmem:v32+s19+$0x0], $0xffff  }
0x1b1: {  	v26 =	vor.u32 v2, v12;
	v28 =	vsel vm0, $0x3F800000, v1;
	v30 =	vld [tilespmem:s11+$0x30]  }
0x1b2: {  	vm0 =	vgt.f32 v20, v22;
	[tilespmem:s13+$0xFFFFFF80] =	vst v28;
	v20 =	vld [tilespmem:s11+$0xD0]  }
0x1b3: {  	v28 =	vsel vm0, $0x3F800000, v1;
	v22 =	vld [tilespmem:s18+$0xFFFFFF90]  }
0x1b4: {  	v19 =	vld.idx.msk [tilespmem:v19+s19+$0x0], $0xffff;
	[tilespmem:s13+$0x80] =	vst v28;
	vm0 =	vgt.f32 v27, v23;
	v23 =	vor.u32 v6, v10  }
0x1b5: {  	v27 =	vor.u32 v7, v14;
	[tilespmem:s13+$0xFFFFFF00] =	vst v21;
	v18 =	vld.idx.msk [tilespmem:v18+s19+$0x0], $0xffff;
	v21 =	vsel vm0, $0x3F800000, v1  }
0x1b6: {  	v28 =	vor.u32 v0, v15;
	v26 =	vld.idx.msk [tilespmem:v26+s19+$0x0], $0xffff;
	[tilespmem:s10+$0xFFFFFFC0] =	vst v21;
	vm0 =	vgt.f32 v30, v24  }
0x1b7: {  	v30 =	vor.u32 v5, v9;
	v21 =	vld [tilespmem:s18+$0xFFFFFF10];
	v24 =	vsel vm0, $0x3F800000, v1;
	vm0 =	vgt.f32 v20, v25  }
0x1b8: {  	v20 =	vor.u32 v3, v13;
	v25 =	vld [tilespmem:s18+$0x90];
	[tilespmem:s10+$0x30] =	vst v24;
	v24 =	vsel vm0, $0x3F800000, v1  }
0x1b9: {  	v31 =	vld.idx.msk [tilespmem:v23+s19+$0x0], $0xffff;
	[tilespmem:s10+$0xD0] =	vst v24  }
0x1ba: {  	vm0 =	vgt.f32 v22, v19;
	v19 =	vld.idx.msk [tilespmem:v27+s19+$0x0], $0xffff  }
0x1bb: {  	v24 =	vor.u32 v3, v16;
	v22 =	vsel vm0, $0x3F800000, v1;
	v23 =	vld.idx.msk [tilespmem:v28+s19+$0x0], $0xffff  }
0x1bc: {  	vm0 =	vgt.f32 v21, v26;
	v21 =	vld.idx.msk [tilespmem:v30+s19+$0x0], $0xffff  }
0x1bd: {  	v26 =	vor.u32 v3, v12;
	vm1 =	vgt.f32 v25, v18;
	v18 =	vld [tilespmem:s11+$0x40]  }
0x1be: {  	[tilespmem:s13+$0xFFFFFF90] =	vst v22;
	v22 =	vsel vm1, $0x3F800000, v1;
	v25 =	vld [tilespmem:s11+$0xE0]  }
0x1bf: {  	v27 =	vor.u32 v2, v15;
	v20 =	vld.idx.msk [tilespmem:v20+s19+$0x0], $0xffff;
	[tilespmem:s13+$0x90] =	vst v22  }
0x1c0: {  	v22 =	vsel vm0, $0x3F800000, v1;
	v28 =	vld [tilespmem:s18+$0xFFFFFFA0]  }
0x1c1: {  	vm0 =	vgt.f32 v29, v23;
	v23 =	vor.u32 v6, v9;
	[tilespmem:s13+$0xFFFFFF10] =	vst v22;
	v22 =	vld [tilespmem:s18+$0xA0]  }
0x1c2: {  	v29 =	vsel vm0, $0x3F800000, v1;
	v26 =	vld.idx.msk [tilespmem:v26+s19+$0x0], $0xffff;
	vm0 =	vgt.f32 v18, v21  }
0x1c3: {  	[tilespmem:s13+$0x0] =	vst v29;
	v18 =	vld.idx.msk [tilespmem:v24+s19+$0x0], $0xffff;
	v21 =	vsel vm0, $0x3F800000, v1;
	vm0 =	vgt.f32 v25, v19  }
0x1c4: {  	v19 =	vld.idx.msk [tilespmem:v27+s19+$0x0], $0xffff;
	v27 =	vor.u32 v4, v16;
	[tilespmem:s10+$0x40] =	vst v21;
	v21 =	vsel vm0, $0x3F800000, v1  }
0x1c5: {  	vm0 =	vgt.f32 v28, v20;
	v20 =	vld [tilespmem:s18+$0x10];
	[tilespmem:s10+$0xE0] =	vst v21  }
0x1c6: {  	v21 =	vsel vm0, $0x3F800000, v1;
	v28 =	vld.idx.msk [tilespmem:v23+s19+$0x0], $0xffff;
	v23 =	vor.u32 v8, v14;
	v14 =	vmov v16  }
0x1c7: {  	v24 =	vld [tilespmem:s18+$0xFFFFFF20];
	[tilespmem:s13+$0xFFFFFFA0] =	vst v21  }
0x1c8: {  	v25 =	vor.u32 v6, v11;
	v29 =	vld [tilespmem:s11+$0xFFFFFFD0]  }
0x1c9: {  	vm0 =	vgt.f32 v22, v18;
	v30 =	vld [tilespmem:s11+$0x50]  }
0x1ca: {  	v18 =	vld [tilespmem:s18+$0xFFFFFFB0];
	vm1 =	vgt.f32 v20, v19;
	v19 =	vsel vm0, $0x3F800000, v1  }
.Ltmp6:
0x1cb: {  	v20 =	vsel vm1, $0x3F800000, v1;
	v16 =	vld.idx.msk [tilespmem:v23+s19+$0x0], $0xffff;
	(pc) =	sbr.rel @p0 .LBB2_6-.Ltmp6, $4  }
0x1cc: {  	vm0 =	vgt.f32 v24, v26;
	v21 =	vld [tilespmem:s11+$0xFFFFFF50]  }
0x1cd: {  	v24 =	vsel vm0, $0x3F800000, v1;
	[tilespmem:s13+$0xA0] =	vst v19;
	v23 =	vld.idx.msk [tilespmem:v25+s19+$0x0], $0xffff;
	vm0 =	vgt.f32 v29, v31;
	v25 =	vor.u32 v7, v9  }
0x1ce: {  	[tilespmem:s13+$0x10] =	vst v20;
	v22 =	vld.idx.msk [tilespmem:v27+s19+$0x0], $0xffff;
	v20 =	vsel vm0, $0x3F800000, v1;
	vm0 =	vgt.f32 v30, v28  }
0x1cf: {  	s25 =	smov.u32 s0;
	v19 =	vld [tilespmem:s18+$0x20];
	[tilespmem:s10+$0xFFFFFFD0] =	vst v20;
	v26 =	vsel vm0, $0x3F800000, v1  }
0x1d0: {  	_ =	sdelay $0x1  }
0x1d1: {  	v20 =	vld [tilespmem:s12+$0xB0]  }
0x1d2: {  	[tilespmem:s10+$0x50] =	vst v26;
	v35 =	vor.u32 v3, v15;
	v27 =	vld [tilespmem:s11+$0xFFFFFFE0]  }
0x1d3: {  	[tilespmem:s13+$0xFFFFFF20] =	vst v24;
	v25 =	vld.idx.msk [tilespmem:v25+s19+$0x0], $0xffff  }
0x1d4: {  	v36 =	vor.u32 v7, v11;
	v17 =	vld.idx.msk [tilespmem:v17+s19+$0x0], $0xffff  }
0x1d5: {  	v30 =	vor.u32 v7, v10;
	v37 =	vld [tilespmem:s12+$0xFFFFFF30];
	vm0 =	vgt.f32 v21, v23  }
0x1d6: {  	v39 =	vor.u32 v4, v13;
	v29 =	vld [tilespmem:s11+$0x60];
	v28 =	vsel vm0, $0x3F800000, v1  }
0x1d7: {  	v38 =	vor.u32 v5, v14;
	[tilespmem:s10+$0xFFFFFF50] =	vst v28;
	v40 =	vld.idx.msk [tilespmem:v35+s19+$0x0], $0xffff  }
0x1d8: {  	v28 =	vld [tilespmem:s11+$0xFFFFFF60]  }
0x1d9: {  	vm13 =	vgt.f32 v20, v22;
	v24 =	vld.idx.msk [tilespmem:v36+s19+$0x0], $0xffff  }
0x1da: {  	v44 =	vor.u32 v4, v15;
	v30 =	vld.idx.msk [tilespmem:v30+s19+$0x0], $0xffff;
	v41 =	vsel vm13, $0x3F800000, v1  }
0x1db: {  	v20 =	vld.idx.msk [tilespmem:v39+s19+$0x0], $0xffff;
	vm14 =	vgt.f32 v37, v17;
	[tilespmem:s13+$0xB0] =	vst v41  }
0x1dc: {  	v42 =	vor.u32 v5, v12;
	v45 =	vsel vm14, $0x3F800000, v1;
	v43 =	vld.idx.msk [tilespmem:v38+s19+$0x0], $0xffff;
	vm15 =	vgt.f32 v19, v40  }
0x1dd: {  	[tilespmem:s13+$0xFFFFFF30] =	vst v45;
	v50 =	vld [tilespmem:s12+$0xC0];
	v22 =	vsel vm15, $0x3F800000, v1  }
0x1de: {  	v9 =	vor.u32 v8, v9;
	v46 =	vld [tilespmem:s12+$0xFFFFFF40];
	[tilespmem:s14+$0x20] =	vst v22  }
0x1df: {  	v21 =	vld.idx.msk [tilespmem:v44+s19+$0x0], $0xffff  }
0x1e0: {  	v11 =	vor.u32 v8, v11;
	vm13 =	vgt.f32 v29, v25;
	v48 =	vld [tilespmem:s12+$0x30]  }
0x1e1: {  	v49 =	vor.u32 v5, v13;
	v45 =	vsel vm13, $0x3F800000, v1;
	v23 =	vld.idx.msk [tilespmem:v42+s19+$0x0], $0xffff;
	vm4 =	vgt.f32 v28, v24  }
0x1e2: {  	[tilespmem:s10+$0x60] =	vst v45;
	vm1 =	vgt.f32 v18, v20;
	v18 =	vld [tilespmem:s11+$0xF0];
	v47 =	vsel vm4, $0x3F800000, v1  }
0x1e3: {  	v52 =	vor.u32 v5, v15;
	v9 =	vld.idx.msk [tilespmem:v9+s19+$0x0], $0xffff;
	[tilespmem:s10+$0xFFFFFF60] =	vst v47  }
0x1e4: {  	v53 =	vsel vm1, $0x3F800000, v1;
	v24 =	vld [tilespmem:s11+$0xFFFFFF70]  }
0x1e5: {  	v10 =	vor.u32 v8, v10;
	[tilespmem:s13+$0xFFFFFFB0] =	vst v53;
	v11 =	vld.idx.msk [tilespmem:v11+s19+$0x0], $0xffff;
	vm6 =	vgt.f32 v48, v21  }
0x1e6: {  	v54 =	vor.u32 v6, v14;
	v55 =	vld.idx.msk [tilespmem:v49+s19+$0x0], $0xffff;
	v22 =	vsel vm6, $0x3F800000, v1  }
0x1e7: {  	vm5 =	vgt.f32 v27, v30;
	v56 =	vld [tilespmem:s12+$0xFFFFFFC0];
	[tilespmem:s14+$0x30] =	vst v22  }
0x1e8: {  	v51 =	vsel vm5, $0x3F800000, v1;
	vm7 =	vgt.f32 v50, v43;
	v20 =	vld.idx.msk [tilespmem:v52+s19+$0x0], $0xffff  }
0x1e9: {  	v58 =	vor.u32 v6, v12;
	[tilespmem:s10+$0xFFFFFFE0] =	vst v51;
	v57 =	vsel vm7, $0x3F800000, v1;
	v59 =	vld [tilespmem:s12+$0x40]  }
0x1ea: {  	v62 =	vor.u32 v6, v13;
	v10 =	vld.idx.msk [tilespmem:v10+s19+$0x0], $0xffff;
	vm8 =	vgt.f32 v46, v23;
	[tilespmem:s14+$0xC0] =	vst v57  }
0x1eb: {  	v60 =	vsel vm8, $0x3F800000, v1;
	v61 =	vld.idx.msk [tilespmem:v54+s19+$0x0], $0xffff  }
0x1ec: {  	v32 =	vor.u32 v6, v15;
	[tilespmem:s13+$0xFFFFFF40] =	vst v60;
	v63 =	vld [tilespmem:s12+$0xD0];
	vm9 =	vgt.f32 v56, v55  }
0x1ed: {  	v33 =	vld [tilespmem:s12+$0xFFFFFF50];
	v34 =	vsel vm9, $0x3F800000, v1  }
0x1ee: {  	v26 =	vld.idx.msk [tilespmem:v58+s19+$0x0], $0xffff;
	[tilespmem:s14+$0xFFFFFFC0] =	vst v34;
	vm10 =	vgt.f32 v59, v20  }
0x1ef: {  	v36 =	vor.u32 v7, v14;
	v37 =	vld.idx.msk [tilespmem:v62+s19+$0x0], $0xffff;
	v38 =	vsel vm10, $0x3F800000, v1  }
0x1f0: {  	v39 =	vld [tilespmem:s12+$0xFFFFFFD0];
	[tilespmem:s14+$0x40] =	vst v38  }
0x1f1: {  	vm11 =	vgt.f32 v63, v61;
	v17 =	vld.idx.msk [tilespmem:v32+s19+$0x0], $0xffff  }
0x1f2: {  	v40 =	vor.u32 v7, v12;
	v23 =	vsel vm11, $0x3F800000, v1;
	v41 =	vld [tilespmem:s12+$0x50]  }
0x1f3: {  	v35 =	vld [tilespmem:s11+$0xFFFFFFF0];
	vm12 =	vgt.f32 v33, v26;
	[tilespmem:s14+$0xD0] =	vst v23  }
0x1f4: {  	v44 =	vor.u32 v7, v13;
	v42 =	vsel vm12, $0x3F800000, v1;
	v19 =	vld.idx.msk [tilespmem:v36+s19+$0x0], $0xffff  }
0x1f5: {  	v46 =	vor.u32 v7, v15;
	v43 =	vld [tilespmem:s12+$0xE0];
	[tilespmem:s14+$0xFFFFFF50] =	vst v42;
	vm14 =	vgt.f32 v39, v37  }
0x1f6: {  	v47 =	vld [tilespmem:s12+$0xFFFFFF60];
	v48 =	vsel vm14, $0x3F800000, v1  }
0x1f7: {  	v27 =	vld.idx.msk [tilespmem:v40+s19+$0x0], $0xffff;
	[tilespmem:s14+$0xFFFFFFD0] =	vst v48;
	vm15 =	vgt.f32 v41, v17  }
0x1f8: {  	v50 =	vor.u32 v8, v14;
	v26 =	vld [tilespmem:s12+$0xFFFFFFE0];
	v21 =	vsel vm15, $0x3F800000, v1  }
0x1f9: {  	v51 =	vld.idx.msk [tilespmem:v44+s19+$0x0], $0xffff;
	[tilespmem:s14+$0x50] =	vst v21  }
0x1fa: {  	vm4 =	vgt.f32 v43, v19;
	v52 =	vld.idx.msk [tilespmem:v46+s19+$0x0], $0xffff  }
0x1fb: {  	v53 =	vor.u32 v8, v12;
	v54 =	vsel vm4, $0x3F800000, v1;
	v55 =	vld [tilespmem:s12+$0x60]  }
0x1fc: {  	v49 =	vld [tilespmem:s11+$0x70];
	v57 =	vor.u32 v8, v13;
	vm5 =	vgt.f32 v47, v27;
	[tilespmem:s14+$0xE0] =	vst v54  }
0x1fd: {  	v56 =	vsel vm5, $0x3F800000, v1;
	v14 =	vld.idx.msk [tilespmem:v50+s19+$0x0], $0xffff  }
0x1fe: {  	[tilespmem:s14+$0xFFFFFF60] =	vst v56;
	v59 =	vld [tilespmem:s12+$0xF0];
	vm6 =	vgt.f32 v26, v51  }
0x1ff: {  	v58 =	vor.u32 v8, v15;
	v20 =	vld [tilespmem:s12+$0xFFFFFF70];
	v21 =	vsel vm6, $0x3F800000, v1  }
0x200: {  	v12 =	vld.idx.msk [tilespmem:v53+s19+$0x0], $0xffff;
	[tilespmem:s14+$0xFFFFFFE0] =	vst v21;
	vm7 =	vgt.f32 v55, v52  }
0x201: {  	v13 =	vld.idx.msk [tilespmem:v57+s19+$0x0], $0xffff;
	v60 =	vsel vm7, $0x3F800000, v1  }
0x202: {  	vm8 =	vgt.f32 v18, v16;
	v61 =	vld [tilespmem:s12+$0xFFFFFFF0];
	[tilespmem:s14+$0x60] =	vst v60  }
0x203: {  	v18 =	vsel vm8, $0x3F800000, v1;
	vm9 =	vgt.f32 v24, v11;
	v11 =	vld [tilespmem:s12+$0x70]  }
0x204: {  	[tilespmem:s10+$0xF0] =	vst v18;
	v62 =	vsel vm9, $0x3F800000, v1;
	vm11 =	vgt.f32 v49, v9;
	vm10 =	vgt.f32 v35, v10;
	v10 =	vld.idx.msk [tilespmem:v58+s19+$0x0], $0xffff  }
0x205: {  	[tilespmem:s10+$0xFFFFFF70] =	vst v62;
	v9 =	vsel vm11, $0x3F800000, v1  }
0x206: {  	[tilespmem:s10+$0x70] =	vst v9;
	v63 =	vsel vm10, $0x3F800000, v1;
	vm12 =	vgt.f32 v59, v14  }
0x207: {  	[tilespmem:s10+$0xFFFFFFF0] =	vst v63;
	v9 =	vsel vm12, $0x3F800000, v1;
	vm13 =	vgt.f32 v20, v12  }
0x208: {  	[tilespmem:s14+$0xF0] =	vst v9;
	v9 =	vsel vm13, $0x3F800000, v1;
	vm14 =	vgt.f32 v61, v13  }
0x209: {  	s0 =	smul.u32 $0xA00, s9;
	p0 =	sgt.u32 s9, $0x210;
	[tilespmem:s14+$0xFFFFFF70] =	vst v9;
	v9 =	vsel vm14, $0x3F800000, v1;
	vm15 =	vgt.f32 v11, v10  }
0x20a: {  	s30 =	simm.s32 $0x14300;
	s7 =	sadd.s32 @!p0 $0x80, s8;
	[tilespmem:s14+$0xFFFFFFF0] =	vst v9;
	v9 =	vsel vm15, $0x3F800000, v1  }
0x20b: {  	s9 =	simm.s32 @!p0 $0x5000;
	s0 =	sadd.s32 s4, s0;
	s8 =	smul.u32 @!p0 $0xA00, s7;
	[tilespmem:s14+$0x70] =	vst v9  }
0x20c: {  	[hbm4b:s0+s6] =	stream.linear.scatter [tilespmem:s30], [sflag:$0x5], $0x5000, $0x38;
	[tilespmem:$0x19F00] =	vst v63  }
0x20d: {  	s7 =	smul.u32 @!p0 $0x14, s7;
	s0 =	sadd.s32 @!p0 s1, s8;
	s8 =	simm.s32 @!p0 $0x0  }
0x20e: {  	[tilespmem:s9], [sflag:$0x2] =	stream.linear.gather @!p0 [hbm4b:s0+s8], $0x5000, $0x38;
	[tilespmem:$0x19F00] =	vst v63  }
0x20f: {  	s0 =	sadd.s32 @!p0 s2, s7;
	s7 =	simm.s32 @!p0 $0xF100  }
0x210: {  	[tilespmem:s7], [sflag:$0x2] =	stream.linear.gather @!p0 [hbm4b:s0+s8], $0xA0, $0x38;
	[tilespmem:$0x19F00] =	vst v63  }
.LBB2_8:
0x211: {  	s8 =	sadd.s32 s15, s23  }
0x212: {  	p0 =	sgt.u32 s8, $0x270  }
.Ltmp7:
0x213: {  	_ = 	snop;
	(pc) =	sbr.rel @p0 .LBB2_12-.Ltmp7, $4  }
0x214: {  	_ = 	snop  }
0x215: {  	_ =	swait.ge [sflag:s31], $0x5000  }
0x216: {  	[sflag:s31] =	ssyncset.done $0x0  }
0x217: {  	[sflag:s31] =	ssyncadd.s32 $0xFFFFB000  }
0x218: {  	s0 =	simm.s32 $0x1  }
0x219: {  	v9 =	vmov s0  }
0x21a: {  	v9 =	vand.u32 $0xFFFFFFFD, v9  }
0x21b: {  	_ =	swait.ge [sflag:s3], $0x5000;
	s11 =	simm.s32 $0x0;
	v9 =	vbroadcast v9, $0x0  }
0x21c: {  	[sflag:s3] =	ssyncset.done $0x0;
	v10 =	vmov s11  }
0x21d: {  	s12 =	simm.s32 $0x3;
	[sflag:s3] =	ssyncadd.s32 $0xFFFFB000;
	v10 =	vand.u32 $0xFFFFFFFC, v10  }
0x21e: {  	v11 =	vmov s12;
	_ =	swait.ge [sflag:s3], $0xA0;
	v10 =	vbroadcast v10, $0x0  }
0x21f: {  	[sflag:s3] =	ssyncset.done $0x0  }
0x220: {  	[sflag:s3] =	ssyncadd.s32 $0xFFFFFF60  }
0x221: {  	v9 =	vld.idx.msk [tilespmem:v9+s24+$0x0], $0xffff;
	_ =	sdelay $0x1  }
0x222: {  	v11 =	vld.idx.msk [tilespmem:v11+s24+$0x0], $0xffff  }
0x223: {  	v12 =	vld.idx.msk [tilespmem:v10+s24+$0x0], $0xffff;
	_ =	sdelay $0x1  }
0x224: {  	v10 =	vshll.u32 v9, $0x7  }
0x225: {  	s13 =	simm.s32 $0x2;
	v9 =	vor.u32 v0, v10  }
0x226: {  	v16 =	vshll.u32 v11, $0x7;
	v11 =	vmov s13  }
0x227: {  	s10 =	simm.s32 $0xA100;
	v13 =	vor.u32 v0, v16;
	v14 =	vand.u32 $0xFFFFFFFE, v11;
	v11 =	vshll.u32 v12, $0x7  }
0x228: {  	v15 =	vld [tilespmem:s10+$0xFFFFFF80];
	v12 =	vbroadcast v14, $0x0;
	v14 =	vor.u32 v0, v11  }
0x229: {  	v17 =	vld [tilespmem:s10+$0x80]  }
0x22a: {  	v9 =	vld.idx.msk [tilespmem:v9+s19+$0x0], $0xffff  }
0x22b: {  	v18 =	vld [tilespmem:s10+$0xFFFFFF00]  }
0x22c: {  	v13 =	vld.idx.msk [tilespmem:v13+s19+$0x0], $0xffff  }
0x22d: {  	v14 =	vld.idx.msk [tilespmem:v14+s19+$0x0], $0xffff  }
0x22e: {  	v19 =	vor.u32 v2, v10;
	v12 =	vld.idx.msk [tilespmem:v12+s24+$0x0], $0xffff  }
0x22f: {  	vm0 =	vgt.f32 v15, v9;
	v15 =	vor.u32 v2, v16  }
0x230: {  	s9 =	simm.s32 $0xF400;
	v9 =	vsel vm0, $0x3F800000, v1  }
0x231: {  	vm7 =	vgt.f32 v17, v13;
	v13 =	vor.u32 v2, v11;
	[tilespmem:s9+$0xFFFFFF80] =	vst v9  }
0x232: {  	v9 =	vsel vm7, $0x3F800000, v1;
	v17 =	vld [tilespmem:s10+$0xFFFFFF90]  }
0x233: {  	vm8 =	vgt.f32 v18, v14;
	v19 =	vld.idx.msk [tilespmem:v19+s19+$0x0], $0xffff;
	[tilespmem:s9+$0x80] =	vst v9;
	v9 =	vshll.u32 v12, $0x7  }
0x234: {  	v14 =	vsel vm8, $0x3F800000, v1;
	v12 =	vld.idx.msk [tilespmem:v15+s19+$0x0], $0xffff;
	v15 =	vor.u32 v0, v9  }
0x235: {  	[tilespmem:s9+$0xFFFFFF00] =	vst v14;
	v18 =	vld [tilespmem:s10+$0x90]  }
0x236: {  	v14 =	vor.u32 v3, v10;
	v13 =	vld.idx.msk [tilespmem:v13+s19+$0x0], $0xffff  }
0x237: {  	v20 =	vld [tilespmem:s10+$0xFFFFFF10]  }
0x238: {  	v21 =	vld [tilespmem:s10+$0x0];
	vm9 =	vgt.f32 v17, v19  }
0x239: {  	v17 =	vor.u32 v3, v16;
	v19 =	vsel vm9, $0x3F800000, v1;
	v15 =	vld.idx.msk [tilespmem:v15+s19+$0x0], $0xffff  }
0x23a: {  	vm10 =	vgt.f32 v18, v12;
	[tilespmem:s9+$0xFFFFFF90] =	vst v19  }
0x23b: {  	v12 =	vor.u32 v3, v11;
	v18 =	vsel vm10, $0x3F800000, v1;
	v14 =	vld.idx.msk [tilespmem:v14+s19+$0x0], $0xffff  }
0x23c: {  	vm11 =	vgt.f32 v20, v13;
	v13 =	vor.u32 v2, v9;
	v20 =	vld [tilespmem:s10+$0xFFFFFFA0];
	[tilespmem:s9+$0x90] =	vst v18  }
0x23d: {  	v19 =	vsel vm11, $0x3F800000, v1;
	v18 =	vld [tilespmem:s10+$0xA0]  }
0x23e: {  	[tilespmem:s9+$0xFFFFFF10] =	vst v19;
	v17 =	vld.idx.msk [tilespmem:v17+s19+$0x0], $0xffff;
	vm12 =	vgt.f32 v21, v15  }
0x23f: {  	v19 =	vld [tilespmem:s10+$0xFFFFFF20];
	v15 =	vsel vm12, $0x3F800000, v1  }
0x240: {  	v12 =	vld.idx.msk [tilespmem:v12+s19+$0x0], $0xffff;
	[tilespmem:s9+$0x0] =	vst v15  }
0x241: {  	v15 =	vor.u32 v4, v16;
	v13 =	vld.idx.msk [tilespmem:v13+s19+$0x0], $0xffff  }
0x242: {  	vm1 =	vgt.f32 v20, v14;
	v22 =	vld [tilespmem:s10+$0x10]  }
0x243: {  	s14 =	simm.s32 $0x4;
	s11 =	simm.s32 $0xA300;
	v21 =	vor.u32 v4, v11;
	vm13 =	vgt.f32 v18, v17;
	v18 =	vsel vm1, $0x3F800000, v1  }
0x244: {  	v28 =	vld [tilespmem:s11+$0xFFFFFF00];
	v17 =	vmov s14;
	v14 =	vsel vm13, $0x3F800000, v1;
	[tilespmem:s9+$0xFFFFFFA0] =	vst v18  }
0x245: {  	s18 =	simm.s32 $0x5;
	v24 =	vor.u32 v3, v9;
	[tilespmem:s9+$0xA0] =	vst v14;
	v14 =	vand.u32 $0xFFFFFFFC, v17;
	vm14 =	vgt.f32 v19, v12;
	v19 =	vld [tilespmem:s10+$0xFFFFFFB0]  }
0x246: {  	v14 =	vbroadcast v14, $0x0;
	v17 =	vsel vm14, $0x3F800000, v1;
	v12 =	vld.idx.msk [tilespmem:v15+s19+$0x0], $0xffff;
	v15 =	vmov s18  }
0x247: {  	v18 =	vld [tilespmem:s10+$0xB0];
	[tilespmem:s9+$0xFFFFFF20] =	vst v17;
	v15 =	vand.u32 $0xFFFFFFFD, v15;
	vm15 =	vgt.f32 v22, v13  }
0x248: {  	v17 =	vld.idx.msk [tilespmem:v21+s19+$0x0], $0xffff;
	v13 =	vbroadcast v15, $0x0;
	v15 =	vsel vm15, $0x3F800000, v1  }
0x249: {  	v22 =	vor.u32 v4, v10;
	[tilespmem:s9+$0x10] =	vst v15;
	v15 =	vld [tilespmem:s10+$0xFFFFFF30]  }
0x24a: {  	v21 =	vld [tilespmem:s10+$0x20]  }
0x24b: {  	v20 =	vor.u32 v5, v16;
	v24 =	vld.idx.msk [tilespmem:v24+s19+$0x0], $0xffff  }
0x24c: {  	s25 =	simm.s32 $0x7;
	vm4 =	vgt.f32 v18, v12;
	v12 =	vld.idx.msk [tilespmem:v14+s24+$0x0], $0xffff  }
0x24d: {  	v14 =	vmov s25;
	v18 =	vld [tilespmem:s11+$0x80]  }
0x24e: {  	v23 =	vsel vm4, $0x3F800000, v1;
	v22 =	vld.idx.msk [tilespmem:v22+s19+$0x0], $0xffff  }
0x24f: {  	[tilespmem:s9+$0xB0] =	vst v23;
	v13 =	vld.idx.msk [tilespmem:v13+s24+$0x0], $0xffff  }
0x250: {  	v23 =	vor.u32 v5, v11;
	vm5 =	vgt.f32 v15, v17;
	v15 =	vld.idx.msk [tilespmem:v20+s19+$0x0], $0xffff  }
0x251: {  	v26 =	vld [tilespmem:s10+$0xC0];
	v20 =	vsel vm5, $0x3F800000, v1  }
0x252: {  	v31 =	vor.u32 v5, v10;
	[tilespmem:s9+$0xFFFFFF30] =	vst v20;
	v14 =	vld.idx.msk [tilespmem:v14+s24+$0x0], $0xffff  }
0x253: {  	vm8 =	vgt.f32 v21, v24;
	v20 =	vld [tilespmem:s10+$0xFFFFFF40]  }
0x254: {  	v24 =	vsel vm8, $0x3F800000, v1;
	vm7 =	vgt.f32 v19, v22;
	v19 =	vld [tilespmem:s11+$0xFFFFFF80]  }
0x255: {  	s30 =	simm.s32 $0x6;
	v22 =	vor.u32 v4, v9;
	[tilespmem:s9+$0x20] =	vst v24;
	v23 =	vld.idx.msk [tilespmem:v23+s19+$0x0], $0xffff;
	v32 =	vsel vm7, $0x3F800000, v1;
	v13 =	vshll.u32 v13, $0x7  }
0x256: {  	v17 =	vmov s30;
	v12 =	vshll.u32 v12, $0x7;
	v49 =	vld [tilespmem:s10+$0x30];
	[tilespmem:s9+$0xFFFFFFB0] =	vst v32;
	v27 =	vor.u32 v0, v13  }
0x257: {  	v17 =	vand.u32 $0xFFFFFFFE, v17;
	v25 =	vor.u32 v0, v12;
	v46 =	vld.idx.msk [tilespmem:v31+s19+$0x0], $0xffff;
	v14 =	vshll.u32 v14, $0x7  }
0x258: {  	v17 =	vbroadcast v17, $0x0;
	v24 =	vld [tilespmem:s10+$0xFFFFFFC0];
	v29 =	vor.u32 v0, v14  }
0x259: {  	vm6 =	vgt.f32 v26, v15;
	v26 =	vld [tilespmem:s11+$0x0]  }
0x25a: {  	v30 =	vor.u32 v6, v16;
	v22 =	vld.idx.msk [tilespmem:v22+s19+$0x0], $0xffff  }
0x25b: {  	v50 =	vor.u32 v6, v10;
	v27 =	vld.idx.msk [tilespmem:v27+s19+$0x0], $0xffff  }
0x25c: {  	v15 =	vsel vm6, $0x3F800000, v1;
	v25 =	vld.idx.msk [tilespmem:v25+s19+$0x0], $0xffff  }
0x25d: {  	[tilespmem:s9+$0xC0] =	vst v15;
	vm12 =	vgt.f32 v24, v46;
	v15 =	vld.idx.msk [tilespmem:v29+s19+$0x0], $0xffff  }
0x25e: {  	v17 =	vld.idx.msk [tilespmem:v17+s24+$0x0], $0xffff;
	v51 =	vsel vm12, $0x3F800000, v1  }
0x25f: {  	v47 =	vor.u32 v2, v13;
	v21 =	vld.idx.msk [tilespmem:v30+s19+$0x0], $0xffff;
	[tilespmem:s9+$0xFFFFFFC0] =	vst v51  }
0x260: {  	vm14 =	vgt.f32 v49, v22;
	v22 =	vld.idx.msk [tilespmem:v50+s19+$0x0], $0xffff;
	vm9 =	vgt.f32 v19, v27;
	v19 =	vor.u32 v2, v14  }
0x261: {  	s12 =	simm.s32 $0xF600;
	v62 =	vld [tilespmem:s10+$0xFFFFFFD0];
	v27 =	vor.u32 v2, v12;
	v48 =	vsel vm9, $0x3F800000, v1  }
0x262: {  	[tilespmem:s12+$0xFFFFFF80] =	vst v48;
	vm10 =	vgt.f32 v18, v15;
	v18 =	vld [tilespmem:s10+$0xD0]  }
0x263: {  	vm11 =	vgt.f32 v28, v25;
	v25 =	vld [tilespmem:s11+$0xFFFFFF90];
	v15 =	vsel vm10, $0x3F800000, v1  }
0x264: {  	v28 =	vsel vm11, $0x3F800000, v1;
	v30 =	vld.idx.msk [tilespmem:v47+s19+$0x0], $0xffff;
	[tilespmem:s12+$0x80] =	vst v15  }
0x265: {  	[tilespmem:s12+$0xFFFFFF00] =	vst v28;
	v15 =	vshll.u32 v17, $0x7;
	v17 =	vld.idx.msk [tilespmem:v19+s19+$0x0], $0xffff;
	v19 =	vor.u32 v7, v16  }
0x266: {  	v24 =	vld.idx.msk [tilespmem:v27+s19+$0x0], $0xffff;
	v27 =	vor.u32 v0, v15  }
0x267: {  	v55 =	vor.u32 v3, v13;
	v54 =	vsel vm14, $0x3F800000, v1;
	v52 =	vld [tilespmem:s11+$0xFFFFFF10];
	vm13 =	vgt.f32 v18, v21  }
0x268: {  	[tilespmem:s9+$0x30] =	vst v54;
	v21 =	vld [tilespmem:s11+$0x90];
	v53 =	vsel vm13, $0x3F800000, v1  }
0x269: {  	v57 =	vld [tilespmem:s10+$0x40];
	v18 =	vor.u32 v5, v9;
	vm15 =	vgt.f32 v25, v30;
	[tilespmem:s9+$0xD0] =	vst v53  }
0x26a: {  	v25 =	vsel vm15, $0x3F800000, v1;
	v19 =	vld.idx.msk [tilespmem:v19+s19+$0x0], $0xffff  }
0x26b: {  	v27 =	vld.idx.msk [tilespmem:v27+s19+$0x0], $0xffff;
	[tilespmem:s12+$0xFFFFFF90] =	vst v25  }
0x26c: {  	v56 =	vor.u32 v3, v12;
	v25 =	vld.idx.msk [tilespmem:v55+s19+$0x0], $0xffff  }
0x26d: {  	v59 =	vld [tilespmem:s11+$0xFFFFFFA0];
	vm4 =	vgt.f32 v21, v17  }
0x26e: {  	vm5 =	vgt.f32 v52, v24;
	v18 =	vld.idx.msk [tilespmem:v18+s19+$0x0], $0xffff;
	v17 =	vor.u32 v3, v14;
	v24 =	vsel vm4, $0x3F800000, v1  }
0x26f: {  	v58 =	vor.u32 v2, v15;
	v21 =	vld [tilespmem:s10+$0xE0];
	[tilespmem:s12+$0x90] =	vst v24;
	v24 =	vsel vm5, $0x3F800000, v1  }
0x270: {  	[tilespmem:s12+$0xFFFFFF10] =	vst v24;
	v24 =	vld [tilespmem:s11+$0xA0]  }
0x271: {  	vm6 =	vgt.f32 v26, v27;
	v26 =	vor.u32 v6, v9;
	v27 =	vld.idx.msk [tilespmem:v56+s19+$0x0], $0xffff  }
0x272: {  	v60 =	vsel vm6, $0x3F800000, v1;
	vm8 =	vgt.f32 v59, v25;
	v25 =	vld [tilespmem:s11+$0xFFFFFF20]  }
0x273: {  	vm7 =	vgt.f32 v57, v18;
	[tilespmem:s12+$0x0] =	vst v60;
	v17 =	vld.idx.msk [tilespmem:v17+s19+$0x0], $0xffff  }
0x274: {  	v16 =	vor.u32 v8, v16;
	v18 =	vsel vm7, $0x3F800000, v1;
	v28 =	vld.idx.msk [tilespmem:v58+s19+$0x0], $0xffff  }
0x275: {  	vm10 =	vgt.f32 v20, v23;
	v61 =	vld [tilespmem:s11+$0x10];
	[tilespmem:s9+$0x40] =	vst v18  }
0x276: {  	v23 =	vsel vm10, $0x3F800000, v1;
	vm9 =	vgt.f32 v21, v19;
	v19 =	vor.u32 v6, v11;
	v26 =	vld.idx.msk [tilespmem:v26+s19+$0x0], $0xffff  }
0x277: {  	v20 =	vor.u32 v4, v14;
	[tilespmem:s9+$0xFFFFFF40] =	vst v23;
	v21 =	vsel vm9, $0x3F800000, v1;
	v63 =	vld [tilespmem:s10+$0x50]  }
0x278: {  	v18 =	vsel vm8, $0x3F800000, v1;
	[tilespmem:s9+$0xE0] =	vst v21;
	v21 =	vld [tilespmem:s10+$0xFFFFFF50]  }
0x279: {  	[tilespmem:s12+$0xFFFFFFA0] =	vst v18;
	v16 =	vld.idx.msk [tilespmem:v16+s19+$0x0], $0xffff;
	vm11 =	vgt.f32 v24, v17  }
0x27a: {  	v18 =	vld [tilespmem:s11+$0xFFFFFFB0];
	vm12 =	vgt.f32 v61, v28;
	v23 =	vsel vm11, $0x3F800000, v1  }
0x27b: {  	vm13 =	vgt.f32 v62, v22;
	vm14 =	vgt.f32 v25, v27;
	v24 =	vsel vm12, $0x3F800000, v1;
	[tilespmem:s12+$0xA0] =	vst v23;
	v23 =	vld.idx.msk [tilespmem:v19+s19+$0x0], $0xffff  }
0x27c: {  	v25 =	vor.u32 v7, v9;
	[tilespmem:s12+$0x10] =	vst v24;
	v22 =	vld.idx.msk [tilespmem:v20+s19+$0x0], $0xffff;
	v20 =	vsel vm13, $0x3F800000, v1;
	vm15 =	vgt.f32 v63, v26  }
0x27d: {  	s0 =	simm.s32 $0x8;
	s13 =	simm.s32 $0xF600;
	s14 =	simm.s32 $0xA300;
	v17 =	vor.u32 v4, v12;
	v24 =	vsel vm14, $0x3F800000, v1;
	v19 =	vld [tilespmem:s11+$0x20];
	[tilespmem:s9+$0xFFFFFFD0] =	vst v20;
	v26 =	vsel vm15, $0x3F800000, v1  }
.LBB2_10:
0x27e: {  	s7 =	sadd.s32 $0x1, s0  }
0x27f: {  	v20 =	vmov s0;
	v27 =	vld [tilespmem:s11+$0xB0];
	s14 =	sadd.s32 $0x200, s14;
	s25 =	smov.u32 s0;
	s18 =	sadd.s32 $0x4, s0  }
0x280: {  	p0 =	slt.u32 s0, $0x9C;
	v28 =	vand.u32 $0xFFFFFFFC, v20;
	v29 =	vmov s7;
	s7 =	sadd.s32 $0x2, s25;
	s25 =	sadd.s32 $0x3, s25;
	v20 =	vld [tilespmem:s14+$0x80];
	[tilespmem:s9+$0x50] =	vst v26  }
0x281: {  	v26 =	vbroadcast v28, $0x0;
	v28 =	vand.u32 $0xFFFFFFFD, v29;
	v29 =	vor.u32 v7, v11;
	v25 =	vld.idx.msk [tilespmem:v25+s19+$0x0], $0xffff  }
0x282: {  	v30 =	vmov s7;
	vm0 =	vgt.f32 v21, v23;
	v28 =	vbroadcast v28, $0x0;
	v21 =	vld [tilespmem:s10+$0xFFFFFFE0]  }
0x283: {  	v23 =	vand.u32 $0xFFFFFFFE, v30;
	[tilespmem:s12+$0xFFFFFF20] =	vst v24;
	v24 =	vsel vm0, $0x3F800000, v1;
	v30 =	vld [tilespmem:s10+$0x60]  }
0x284: {  	v17 =	vld.idx.msk [tilespmem:v17+s19+$0x0], $0xffff;
	vm0 =	vgt.f32 v27, v22;
	[tilespmem:s9+$0xFFFFFF50] =	vst v24  }
0x285: {  	v27 =	vor.u32 v5, v14;
	v22 =	vld [tilespmem:s11+$0xFFFFFF30];
	v24 =	vsel vm0, $0x3F800000, v1  }
0x286: {  	v31 =	vor.u32 v7, v10;
	[tilespmem:s12+$0xB0] =	vst v24;
	v24 =	vld [tilespmem:s10+$0xFFFFFF60]  }
0x287: {  	v32 =	vor.u32 v4, v13;
	v29 =	vld.idx.msk [tilespmem:v29+s19+$0x0], $0xffff  }
0x288: {  	v28 =	vld.idx.msk [tilespmem:v28+s24+$0x0], $0xffff;
	vm0 =	vgt.f32 v30, v25  }
0x289: {  	v30 =	vor.u32 v5, v12;
	v25 =	vld.idx.msk [tilespmem:v26+s24+$0x0], $0xffff;
	v26 =	vmov s25;
	v33 =	vsel vm0, $0x3F800000, v1  }
0x28a: {  	v23 =	vbroadcast v23, $0x0;
	vm0 =	vgt.f32 v22, v17;
	v22 =	vld.idx.msk [tilespmem:v27+s19+$0x0], $0xffff;
	[tilespmem:s9+$0x60] =	vst v33  }
0x28b: {  	v17 =	vsel vm0, $0x3F800000, v1;
	v27 =	vld.idx.msk [tilespmem:v31+s19+$0x0], $0xffff  }
0x28c: {  	[tilespmem:s12+$0xFFFFFF30] =	vst v17;
	v31 =	vld.idx.msk [tilespmem:v32+s19+$0x0], $0xffff;
	v32 =	vor.u32 v8, v11;
	v11 =	vmov v12  }
0x28d: {  	vm0 =	vgt.f32 v24, v29;
	v33 =	vld [tilespmem:s11+$0xFFFFFF40]  }
0x28e: {  	v17 =	vsel vm0, $0x3F800000, v1;
	v24 =	vld.idx.msk [tilespmem:v30+s19+$0x0], $0xffff  }
0x28f: {  	v12 =	vshll.u32 v25, $0x7;
	v25 =	vld.idx.msk [tilespmem:v26+s24+$0x0], $0xffff;
	[tilespmem:s9+$0xFFFFFF60] =	vst v17;
	v26 =	vor.u32 v8, v10;
	v10 =	vmov v13  }
0x290: {  	v17 =	vor.u32 v4, v12;
	v29 =	vld [tilespmem:s10+$0xFFFFFF70]  }
0x291: {  	v30 =	vor.u32 v0, v12;
	vm0 =	vgt.f32 v21, v27;
	v32 =	vld.idx.msk [tilespmem:v32+s19+$0x0], $0xffff  }
0x292: {  	vm1 =	vgt.f32 v18, v31;
	v18 =	vor.u32 v3, v15;
	v21 =	vsel vm0, $0x3F800000, v1;
	v27 =	vld [tilespmem:s10+$0xF0]  }
0x293: {  	v13 =	vshll.u32 v28, $0x7;
	v28 =	vsel vm1, $0x3F800000, v1;
	v31 =	vld [tilespmem:s11+$0xC0];
	[tilespmem:s9+$0xFFFFFFE0] =	vst v21;
	v21 =	vor.u32 v8, v9;
	v9 =	vmovc v15  }
0x294: {  	v15 =	vor.u32 v0, v13;
	vm0 =	vgt.f32 v33, v24;
	[tilespmem:s12+$0xFFFFFFB0] =	vst v28;
	v24 =	vld.idx.msk [tilespmem:v26+s19+$0x0], $0xffff  }
0x295: {  	v26 =	vsel vm0, $0x3F800000, v1;
	v28 =	vld [tilespmem:s10+$0xFFFFFFF0]  }
0x296: {  	[tilespmem:s12+$0xFFFFFF40] =	vst v26;
	v26 =	vld [tilespmem:s10+$0x70];
	s10 =	smov.u32 s11;
	s11 =	smov.u32 s14  }
0x297: {  	v18 =	vld.idx.msk [tilespmem:v18+s19+$0x0], $0xffff;
	vm0 =	vgt.f32 v27, v16  }
0x298: {  	v27 =	vld [tilespmem:s14+$0xFFFFFF00];
	vm1 =	vgt.f32 v31, v22;
	v22 =	vsel vm0, $0x3F800000, v1  }
0x299: {  	v16 =	vshll.u32 v25, $0x7;
	v30 =	vld.idx.msk [tilespmem:v30+s19+$0x0], $0xffff;
	v25 =	vsel vm1, $0x3F800000, v1;
	[tilespmem:s9+$0xF0] =	vst v22  }
0x29a: {  	s12 =	sadd.s32 $0x200, s12;
	vm0 =	vgt.f32 v29, v32;
	v22 =	vor.u32 v0, v16;
	[tilespmem:s13+$0xC0] =	vst v25;
	v21 =	vld.idx.msk [tilespmem:v21+s19+$0x0], $0xffff  }
0x29b: {  	v29 =	vsel vm0, $0x3F800000, v1;
	v25 =	vor.u32 v6, v14;
	vm0 =	vgt.f32 v28, v24;
	v23 =	vld.idx.msk [tilespmem:v23+s24+$0x0], $0xffff  }
0x29c: {  	v28 =	vor.u32 v5, v10;
	v24 =	vld.idx.msk [tilespmem:v15+s19+$0x0], $0xffff;
	[tilespmem:s9+$0xFFFFFF70] =	vst v29;
	v15 =	vsel vm0, $0x3F800000, v1  }
0x29d: {  	vm0 =	vgt.f32 v19, v18;
	v29 =	vld [tilespmem:s14+$0x0];
	[tilespmem:s9+$0xFFFFFFF0] =	vst v15  }
0x29e: {  	v32 =	vor.u32 v4, v9;
	v19 =	vor.u32 v2, v13;
	v31 =	vsel vm0, $0x3F800000, v1;
	v18 =	vld [tilespmem:s14+$0xFFFFFF80]  }
0x29f: {  	v22 =	vld.idx.msk [tilespmem:v22+s19+$0x0], $0xffff  }
0x2a0: {  	vm0 =	vgt.f32 v27, v30;
	vm1 =	vgt.f32 v26, v21;
	v25 =	vld.idx.msk [tilespmem:v25+s19+$0x0], $0xffff  }
0x2a1: {  	v21 =	vsel vm0, $0x3F800000, v1;
	v15 =	vshll.u32 v23, $0x7;
	v26 =	vsel vm1, $0x3F800000, v1;
	v23 =	vld.idx.msk [tilespmem:v28+s19+$0x0], $0xffff;
	[tilespmem:s13+$0x20] =	vst v31  }
0x2a2: {  	v27 =	vld [tilespmem:s10+$0xFFFFFFC0];
	[tilespmem:s9+$0x70] =	vst v26;
	s9 =	smov.u32 s13;
	s13 =	smov.u32 s12  }
0x2a3: {  	vm0 =	vgt.f32 v18, v24;
	v18 =	vor.u32 v2, v16;
	v24 =	vld.idx.msk [tilespmem:v32+s19+$0x0], $0xffff  }
0x2a4: {  	v26 =	vor.u32 v2, v12;
	v28 =	vsel vm0, $0x3F800000, v1;
	v30 =	vld [tilespmem:s10+$0x30]  }
0x2a5: {  	vm0 =	vgt.f32 v20, v22;
	[tilespmem:s12+$0xFFFFFF80] =	vst v28;
	v20 =	vld [tilespmem:s10+$0xD0]  }
0x2a6: {  	v28 =	vsel vm0, $0x3F800000, v1;
	v22 =	vld [tilespmem:s14+$0xFFFFFF90]  }
0x2a7: {  	v19 =	vld.idx.msk [tilespmem:v19+s19+$0x0], $0xffff;
	[tilespmem:s12+$0x80] =	vst v28;
	vm0 =	vgt.f32 v27, v23;
	v23 =	vor.u32 v6, v10  }
0x2a8: {  	v27 =	vor.u32 v7, v14;
	[tilespmem:s12+$0xFFFFFF00] =	vst v21;
	v18 =	vld.idx.msk [tilespmem:v18+s19+$0x0], $0xffff;
	v21 =	vsel vm0, $0x3F800000, v1  }
0x2a9: {  	v28 =	vor.u32 v0, v15;
	v26 =	vld.idx.msk [tilespmem:v26+s19+$0x0], $0xffff;
	[tilespmem:s9+$0xFFFFFFC0] =	vst v21;
	vm0 =	vgt.f32 v30, v24  }
0x2aa: {  	v30 =	vor.u32 v5, v9;
	v21 =	vld [tilespmem:s14+$0xFFFFFF10];
	v24 =	vsel vm0, $0x3F800000, v1;
	vm0 =	vgt.f32 v20, v25  }
0x2ab: {  	v20 =	vor.u32 v3, v13;
	v25 =	vld [tilespmem:s14+$0x90];
	[tilespmem:s9+$0x30] =	vst v24;
	v24 =	vsel vm0, $0x3F800000, v1  }
0x2ac: {  	v31 =	vld.idx.msk [tilespmem:v23+s19+$0x0], $0xffff;
	[tilespmem:s9+$0xD0] =	vst v24  }
0x2ad: {  	vm0 =	vgt.f32 v22, v19;
	v19 =	vld.idx.msk [tilespmem:v27+s19+$0x0], $0xffff  }
0x2ae: {  	v24 =	vor.u32 v3, v16;
	v22 =	vsel vm0, $0x3F800000, v1;
	v23 =	vld.idx.msk [tilespmem:v28+s19+$0x0], $0xffff  }
0x2af: {  	vm0 =	vgt.f32 v21, v26;
	v21 =	vld.idx.msk [tilespmem:v30+s19+$0x0], $0xffff  }
0x2b0: {  	v26 =	vor.u32 v3, v12;
	vm1 =	vgt.f32 v25, v18;
	v18 =	vld [tilespmem:s10+$0x40]  }
0x2b1: {  	[tilespmem:s12+$0xFFFFFF90] =	vst v22;
	v22 =	vsel vm1, $0x3F800000, v1;
	v25 =	vld [tilespmem:s10+$0xE0]  }
0x2b2: {  	v27 =	vor.u32 v2, v15;
	v20 =	vld.idx.msk [tilespmem:v20+s19+$0x0], $0xffff;
	[tilespmem:s12+$0x90] =	vst v22  }
0x2b3: {  	v22 =	vsel vm0, $0x3F800000, v1;
	v28 =	vld [tilespmem:s14+$0xFFFFFFA0]  }
0x2b4: {  	vm0 =	vgt.f32 v29, v23;
	v23 =	vor.u32 v6, v9;
	[tilespmem:s12+$0xFFFFFF10] =	vst v22;
	v22 =	vld [tilespmem:s14+$0xA0]  }
0x2b5: {  	v29 =	vsel vm0, $0x3F800000, v1;
	v26 =	vld.idx.msk [tilespmem:v26+s19+$0x0], $0xffff;
	vm0 =	vgt.f32 v18, v21  }
0x2b6: {  	[tilespmem:s12+$0x0] =	vst v29;
	v18 =	vld.idx.msk [tilespmem:v24+s19+$0x0], $0xffff;
	v21 =	vsel vm0, $0x3F800000, v1;
	vm0 =	vgt.f32 v25, v19  }
0x2b7: {  	v19 =	vld.idx.msk [tilespmem:v27+s19+$0x0], $0xffff;
	v27 =	vor.u32 v4, v16;
	[tilespmem:s9+$0x40] =	vst v21;
	v21 =	vsel vm0, $0x3F800000, v1  }
0x2b8: {  	vm0 =	vgt.f32 v28, v20;
	v20 =	vld [tilespmem:s14+$0x10];
	[tilespmem:s9+$0xE0] =	vst v21  }
0x2b9: {  	v21 =	vsel vm0, $0x3F800000, v1;
	v28 =	vld.idx.msk [tilespmem:v23+s19+$0x0], $0xffff;
	v23 =	vor.u32 v8, v14;
	v14 =	vmov v16  }
0x2ba: {  	v24 =	vld [tilespmem:s14+$0xFFFFFF20];
	[tilespmem:s12+$0xFFFFFFA0] =	vst v21  }
0x2bb: {  	v25 =	vor.u32 v6, v11;
	v29 =	vld [tilespmem:s10+$0xFFFFFFD0]  }
0x2bc: {  	vm0 =	vgt.f32 v22, v18;
	v30 =	vld [tilespmem:s10+$0x50]  }
0x2bd: {  	v18 =	vld [tilespmem:s14+$0xFFFFFFB0];
	vm1 =	vgt.f32 v20, v19;
	v19 =	vsel vm0, $0x3F800000, v1  }
.Ltmp8:
0x2be: {  	v20 =	vsel vm1, $0x3F800000, v1;
	v16 =	vld.idx.msk [tilespmem:v23+s19+$0x0], $0xffff;
	(pc) =	sbr.rel @p0 .LBB2_10-.Ltmp8, $4  }
0x2bf: {  	vm0 =	vgt.f32 v24, v26;
	v21 =	vld [tilespmem:s10+$0xFFFFFF50]  }
0x2c0: {  	v24 =	vsel vm0, $0x3F800000, v1;
	[tilespmem:s12+$0xA0] =	vst v19;
	v23 =	vld.idx.msk [tilespmem:v25+s19+$0x0], $0xffff;
	vm0 =	vgt.f32 v29, v31;
	v25 =	vor.u32 v7, v9  }
0x2c1: {  	[tilespmem:s12+$0x10] =	vst v20;
	v22 =	vld.idx.msk [tilespmem:v27+s19+$0x0], $0xffff;
	v20 =	vsel vm0, $0x3F800000, v1;
	vm0 =	vgt.f32 v30, v28  }
0x2c2: {  	s0 =	smov.u32 s18;
	v19 =	vld [tilespmem:s14+$0x20];
	[tilespmem:s9+$0xFFFFFFD0] =	vst v20;
	v26 =	vsel vm0, $0x3F800000, v1  }
0x2c3: {  	_ =	sdelay $0x1  }
0x2c4: {  	v20 =	vld [tilespmem:s11+$0xB0]  }
0x2c5: {  	[tilespmem:s9+$0x50] =	vst v26;
	v35 =	vor.u32 v3, v15;
	v27 =	vld [tilespmem:s10+$0xFFFFFFE0]  }
0x2c6: {  	[tilespmem:s12+$0xFFFFFF20] =	vst v24;
	v25 =	vld.idx.msk [tilespmem:v25+s19+$0x0], $0xffff  }
0x2c7: {  	v36 =	vor.u32 v7, v11;
	v17 =	vld.idx.msk [tilespmem:v17+s19+$0x0], $0xffff  }
0x2c8: {  	v30 =	vor.u32 v7, v10;
	v37 =	vld [tilespmem:s11+$0xFFFFFF30];
	vm0 =	vgt.f32 v21, v23  }
0x2c9: {  	v39 =	vor.u32 v4, v13;
	v29 =	vld [tilespmem:s10+$0x60];
	v28 =	vsel vm0, $0x3F800000, v1  }
0x2ca: {  	v38 =	vor.u32 v5, v14;
	[tilespmem:s9+$0xFFFFFF50] =	vst v28;
	v40 =	vld.idx.msk [tilespmem:v35+s19+$0x0], $0xffff  }
0x2cb: {  	v28 =	vld [tilespmem:s10+$0xFFFFFF60]  }
0x2cc: {  	vm13 =	vgt.f32 v20, v22;
	v24 =	vld.idx.msk [tilespmem:v36+s19+$0x0], $0xffff  }
0x2cd: {  	v44 =	vor.u32 v4, v15;
	v30 =	vld.idx.msk [tilespmem:v30+s19+$0x0], $0xffff;
	v41 =	vsel vm13, $0x3F800000, v1  }
0x2ce: {  	v20 =	vld.idx.msk [tilespmem:v39+s19+$0x0], $0xffff;
	vm14 =	vgt.f32 v37, v17;
	[tilespmem:s12+$0xB0] =	vst v41  }
0x2cf: {  	v42 =	vor.u32 v5, v12;
	v45 =	vsel vm14, $0x3F800000, v1;
	v43 =	vld.idx.msk [tilespmem:v38+s19+$0x0], $0xffff;
	vm15 =	vgt.f32 v19, v40  }
0x2d0: {  	[tilespmem:s12+$0xFFFFFF30] =	vst v45;
	v50 =	vld [tilespmem:s11+$0xC0];
	v22 =	vsel vm15, $0x3F800000, v1  }
0x2d1: {  	v9 =	vor.u32 v8, v9;
	v46 =	vld [tilespmem:s11+$0xFFFFFF40];
	[tilespmem:s13+$0x20] =	vst v22  }
0x2d2: {  	v21 =	vld.idx.msk [tilespmem:v44+s19+$0x0], $0xffff  }
0x2d3: {  	v11 =	vor.u32 v8, v11;
	vm13 =	vgt.f32 v29, v25;
	v48 =	vld [tilespmem:s11+$0x30]  }
0x2d4: {  	v49 =	vor.u32 v5, v13;
	v45 =	vsel vm13, $0x3F800000, v1;
	v23 =	vld.idx.msk [tilespmem:v42+s19+$0x0], $0xffff;
	vm4 =	vgt.f32 v28, v24  }
0x2d5: {  	[tilespmem:s9+$0x60] =	vst v45;
	vm1 =	vgt.f32 v18, v20;
	v18 =	vld [tilespmem:s10+$0xF0];
	v47 =	vsel vm4, $0x3F800000, v1  }
0x2d6: {  	v52 =	vor.u32 v5, v15;
	v9 =	vld.idx.msk [tilespmem:v9+s19+$0x0], $0xffff;
	[tilespmem:s9+$0xFFFFFF60] =	vst v47  }
0x2d7: {  	v53 =	vsel vm1, $0x3F800000, v1;
	v24 =	vld [tilespmem:s10+$0xFFFFFF70]  }
0x2d8: {  	v10 =	vor.u32 v8, v10;
	[tilespmem:s12+$0xFFFFFFB0] =	vst v53;
	v11 =	vld.idx.msk [tilespmem:v11+s19+$0x0], $0xffff;
	vm6 =	vgt.f32 v48, v21  }
0x2d9: {  	v54 =	vor.u32 v6, v14;
	v55 =	vld.idx.msk [tilespmem:v49+s19+$0x0], $0xffff;
	v22 =	vsel vm6, $0x3F800000, v1  }
0x2da: {  	vm5 =	vgt.f32 v27, v30;
	v56 =	vld [tilespmem:s11+$0xFFFFFFC0];
	[tilespmem:s13+$0x30] =	vst v22  }
0x2db: {  	v51 =	vsel vm5, $0x3F800000, v1;
	vm7 =	vgt.f32 v50, v43;
	v20 =	vld.idx.msk [tilespmem:v52+s19+$0x0], $0xffff  }
0x2dc: {  	v58 =	vor.u32 v6, v12;
	[tilespmem:s9+$0xFFFFFFE0] =	vst v51;
	v57 =	vsel vm7, $0x3F800000, v1;
	v59 =	vld [tilespmem:s11+$0x40]  }
0x2dd: {  	v62 =	vor.u32 v6, v13;
	v10 =	vld.idx.msk [tilespmem:v10+s19+$0x0], $0xffff;
	vm8 =	vgt.f32 v46, v23;
	[tilespmem:s13+$0xC0] =	vst v57  }
0x2de: {  	v60 =	vsel vm8, $0x3F800000, v1;
	v61 =	vld.idx.msk [tilespmem:v54+s19+$0x0], $0xffff  }
0x2df: {  	v32 =	vor.u32 v6, v15;
	[tilespmem:s12+$0xFFFFFF40] =	vst v60;
	v63 =	vld [tilespmem:s11+$0xD0];
	vm9 =	vgt.f32 v56, v55  }
0x2e0: {  	v33 =	vld [tilespmem:s11+$0xFFFFFF50];
	v34 =	vsel vm9, $0x3F800000, v1  }
0x2e1: {  	v26 =	vld.idx.msk [tilespmem:v58+s19+$0x0], $0xffff;
	[tilespmem:s13+$0xFFFFFFC0] =	vst v34;
	vm10 =	vgt.f32 v59, v20  }
0x2e2: {  	v36 =	vor.u32 v7, v14;
	v37 =	vld.idx.msk [tilespmem:v62+s19+$0x0], $0xffff;
	v38 =	vsel vm10, $0x3F800000, v1  }
0x2e3: {  	v39 =	vld [tilespmem:s11+$0xFFFFFFD0];
	[tilespmem:s13+$0x40] =	vst v38  }
0x2e4: {  	vm11 =	vgt.f32 v63, v61;
	v17 =	vld.idx.msk [tilespmem:v32+s19+$0x0], $0xffff  }
0x2e5: {  	v40 =	vor.u32 v7, v12;
	v23 =	vsel vm11, $0x3F800000, v1;
	v41 =	vld [tilespmem:s11+$0x50]  }
0x2e6: {  	v35 =	vld [tilespmem:s10+$0xFFFFFFF0];
	vm12 =	vgt.f32 v33, v26;
	[tilespmem:s13+$0xD0] =	vst v23  }
0x2e7: {  	v44 =	vor.u32 v7, v13;
	v42 =	vsel vm12, $0x3F800000, v1;
	v19 =	vld.idx.msk [tilespmem:v36+s19+$0x0], $0xffff  }
0x2e8: {  	v46 =	vor.u32 v7, v15;
	v43 =	vld [tilespmem:s11+$0xE0];
	[tilespmem:s13+$0xFFFFFF50] =	vst v42;
	vm14 =	vgt.f32 v39, v37  }
0x2e9: {  	v47 =	vld [tilespmem:s11+$0xFFFFFF60];
	v48 =	vsel vm14, $0x3F800000, v1  }
0x2ea: {  	v27 =	vld.idx.msk [tilespmem:v40+s19+$0x0], $0xffff;
	[tilespmem:s13+$0xFFFFFFD0] =	vst v48;
	vm15 =	vgt.f32 v41, v17  }
0x2eb: {  	v50 =	vor.u32 v8, v14;
	v26 =	vld [tilespmem:s11+$0xFFFFFFE0];
	v21 =	vsel vm15, $0x3F800000, v1  }
0x2ec: {  	v51 =	vld.idx.msk [tilespmem:v44+s19+$0x0], $0xffff;
	[tilespmem:s13+$0x50] =	vst v21  }
0x2ed: {  	vm4 =	vgt.f32 v43, v19;
	v52 =	vld.idx.msk [tilespmem:v46+s19+$0x0], $0xffff  }
0x2ee: {  	v53 =	vor.u32 v8, v12;
	v54 =	vsel vm4, $0x3F800000, v1;
	v55 =	vld [tilespmem:s11+$0x60]  }
0x2ef: {  	v49 =	vld [tilespmem:s10+$0x70];
	v57 =	vor.u32 v8, v13;
	vm5 =	vgt.f32 v47, v27;
	[tilespmem:s13+$0xE0] =	vst v54  }
0x2f0: {  	v56 =	vsel vm5, $0x3F800000, v1;
	v14 =	vld.idx.msk [tilespmem:v50+s19+$0x0], $0xffff  }
0x2f1: {  	[tilespmem:s13+$0xFFFFFF60] =	vst v56;
	v59 =	vld [tilespmem:s11+$0xF0];
	vm6 =	vgt.f32 v26, v51  }
0x2f2: {  	v58 =	vor.u32 v8, v15;
	v20 =	vld [tilespmem:s11+$0xFFFFFF70];
	v21 =	vsel vm6, $0x3F800000, v1  }
0x2f3: {  	v12 =	vld.idx.msk [tilespmem:v53+s19+$0x0], $0xffff;
	[tilespmem:s13+$0xFFFFFFE0] =	vst v21;
	vm7 =	vgt.f32 v55, v52  }
0x2f4: {  	v13 =	vld.idx.msk [tilespmem:v57+s19+$0x0], $0xffff;
	v60 =	vsel vm7, $0x3F800000, v1  }
0x2f5: {  	vm8 =	vgt.f32 v18, v16;
	v61 =	vld [tilespmem:s11+$0xFFFFFFF0];
	[tilespmem:s13+$0x60] =	vst v60  }
0x2f6: {  	v18 =	vsel vm8, $0x3F800000, v1;
	vm9 =	vgt.f32 v24, v11;
	v11 =	vld [tilespmem:s11+$0x70]  }
0x2f7: {  	[tilespmem:s9+$0xF0] =	vst v18;
	v62 =	vsel vm9, $0x3F800000, v1;
	vm11 =	vgt.f32 v49, v9;
	vm10 =	vgt.f32 v35, v10;
	v10 =	vld.idx.msk [tilespmem:v58+s19+$0x0], $0xffff  }
0x2f8: {  	[tilespmem:s9+$0xFFFFFF70] =	vst v62;
	v9 =	vsel vm11, $0x3F800000, v1  }
0x2f9: {  	[tilespmem:s9+$0x70] =	vst v9;
	v63 =	vsel vm10, $0x3F800000, v1;
	vm12 =	vgt.f32 v59, v14  }
0x2fa: {  	[tilespmem:s9+$0xFFFFFFF0] =	vst v63;
	v9 =	vsel vm12, $0x3F800000, v1;
	vm13 =	vgt.f32 v20, v12  }
0x2fb: {  	p0 =	sgt.u32 s8, $0x210;
	[tilespmem:s13+$0xF0] =	vst v9;
	v9 =	vsel vm13, $0x3F800000, v1;
	vm14 =	vgt.f32 v61, v13  }
0x2fc: {  	s0 =	smul.u32 $0xA00, s8;
	s7 =	sadd.s32 @!p0 $0x60, s8;
	[tilespmem:s13+$0xFFFFFF70] =	vst v9;
	v9 =	vsel vm14, $0x3F800000, v1;
	vm15 =	vgt.f32 v11, v10  }
0x2fd: {  	s8 =	smul.u32 @!p0 $0xA00, s7;
	[tilespmem:s13+$0xFFFFFFF0] =	vst v9;
	v9 =	vsel vm15, $0x3F800000, v1  }
0x2fe: {  	s0 =	sadd.s32 s4, s0;
	s7 =	smul.u32 @!p0 $0x14, s7;
	[tilespmem:s13+$0x70] =	vst v9  }
0x2ff: {  	[hbm4b:s0+s6] =	stream.linear.scatter [tilespmem:s28], [sflag:$0x4], $0x5000, $0x38;
	[tilespmem:$0x19F00] =	vst v63  }
0x300: {  	s9 =	simm.s32 @!p0 $0xA000;
	s0 =	sadd.s32 @!p0 s1, s8;
	s8 =	simm.s32 @!p0 $0x0  }
0x301: {  	[tilespmem:s9], [sflag:$0x3] =	stream.linear.gather @!p0 [hbm4b:s0+s8], $0x5000, $0x38;
	[tilespmem:$0x19F00] =	vst v63  }
0x302: {  	s0 =	sadd.s32 @!p0 s2, s7;
	s7 =	simm.s32 @!p0 $0xF200  }
0x303: {  	[tilespmem:s7], [sflag:$0x3] =	stream.linear.gather @!p0 [hbm4b:s0+s8], $0xA0, $0x38;
	[tilespmem:$0x19F00] =	vst v63  }
.LBB2_12:
0x304: {  	s0 =	rddreg [dreg:$0xc]  }
0x305: {  	s8 =	sadd.s32 s0, s23  }
0x306: {  	p0 =	sgt.u32 s8, $0x2B0  }
0x307: {  	p1 =	sgt.u32 @!p0 s8, $0x270  }
0x308: {  	p1 =	por p0, p1  }
.Ltmp9:
0x309: {  	_ = 	snop;
	(pc) =	sbr.rel @p1 .LBB2_16-.Ltmp9, $4  }
0x30a: {  	s0 =	simm.s32 @!p0 $0x5  }
0x30b: {  	_ =	swait.ge @!p0 [sflag:s0], $0x5000  }
0x30c: {  	[sflag:s0] =	ssyncset.done @!p0 $0x0  }
0x30d: {  	[sflag:s0] =	ssyncadd.s32 @!p0 $0xFFFFB000  }
0x30e: {  	s0 =	simm.s32 $0x1  }
0x30f: {  	v9 =	vmov s0  }
0x310: {  	v9 =	vand.u32 $0xFFFFFFFD, v9  }
0x311: {  	_ =	swait.ge [sflag:s26], $0x5000;
	s11 =	simm.s32 $0x0;
	v9 =	vbroadcast v9, $0x0  }
0x312: {  	[sflag:s26] =	ssyncset.done $0x0;
	v10 =	vmov s11  }
0x313: {  	s12 =	simm.s32 $0x3;
	[sflag:s26] =	ssyncadd.s32 $0xFFFFB000;
	v10 =	vand.u32 $0xFFFFFFFC, v10  }
0x314: {  	v11 =	vmov s12;
	_ =	swait.ge [sflag:s26], $0xA0;
	v10 =	vbroadcast v10, $0x0  }
0x315: {  	[sflag:s26] =	ssyncset.done $0x0  }
0x316: {  	[sflag:s26] =	ssyncadd.s32 $0xFFFFFF60  }
0x317: {  	v9 =	vld.idx.msk [tilespmem:v9+s20+$0x0], $0xffff;
	_ =	sdelay $0x1  }
0x318: {  	v11 =	vld.idx.msk [tilespmem:v11+s20+$0x0], $0xffff  }
0x319: {  	v12 =	vld.idx.msk [tilespmem:v10+s20+$0x0], $0xffff;
	_ =	sdelay $0x1  }
0x31a: {  	v10 =	vshll.u32 v9, $0x7  }
0x31b: {  	s13 =	simm.s32 $0x2;
	v9 =	vor.u32 v0, v10  }
0x31c: {  	v16 =	vshll.u32 v11, $0x7;
	v11 =	vmov s13  }
0x31d: {  	s10 =	simm.s32 $0x100;
	v13 =	vor.u32 v0, v16;
	v14 =	vand.u32 $0xFFFFFFFE, v11;
	v11 =	vshll.u32 v12, $0x7  }
0x31e: {  	v15 =	vld [tilespmem:s10+$0xFFFFFF80];
	v12 =	vbroadcast v14, $0x0;
	v14 =	vor.u32 v0, v11  }
0x31f: {  	v17 =	vld [tilespmem:s10+$0x80]  }
0x320: {  	v9 =	vld.idx.msk [tilespmem:v9+s19+$0x0], $0xffff  }
0x321: {  	v18 =	vld [tilespmem:s10+$0xFFFFFF00]  }
0x322: {  	v13 =	vld.idx.msk [tilespmem:v13+s19+$0x0], $0xffff  }
0x323: {  	v14 =	vld.idx.msk [tilespmem:v14+s19+$0x0], $0xffff  }
0x324: {  	v19 =	vor.u32 v2, v10;
	v12 =	vld.idx.msk [tilespmem:v12+s20+$0x0], $0xffff  }
0x325: {  	vm0 =	vgt.f32 v15, v9;
	v15 =	vor.u32 v2, v16  }
0x326: {  	s9 =	simm.s32 $0x14400;
	v9 =	vsel vm0, $0x3F800000, v1  }
0x327: {  	vm7 =	vgt.f32 v17, v13;
	v13 =	vor.u32 v2, v11;
	[tilespmem:s9+$0xFFFFFF80] =	vst v9  }
0x328: {  	v9 =	vsel vm7, $0x3F800000, v1;
	v17 =	vld [tilespmem:s10+$0xFFFFFF90]  }
0x329: {  	vm8 =	vgt.f32 v18, v14;
	v19 =	vld.idx.msk [tilespmem:v19+s19+$0x0], $0xffff;
	[tilespmem:s9+$0x80] =	vst v9;
	v9 =	vshll.u32 v12, $0x7  }
0x32a: {  	v14 =	vsel vm8, $0x3F800000, v1;
	v12 =	vld.idx.msk [tilespmem:v15+s19+$0x0], $0xffff;
	v15 =	vor.u32 v0, v9  }
0x32b: {  	[tilespmem:s9+$0xFFFFFF00] =	vst v14;
	v18 =	vld [tilespmem:s10+$0x90]  }
0x32c: {  	v14 =	vor.u32 v3, v10;
	v13 =	vld.idx.msk [tilespmem:v13+s19+$0x0], $0xffff  }
0x32d: {  	v20 =	vld [tilespmem:s10+$0xFFFFFF10]  }
0x32e: {  	v21 =	vld [tilespmem:s10+$0x0];
	vm9 =	vgt.f32 v17, v19  }
0x32f: {  	v17 =	vor.u32 v3, v16;
	v19 =	vsel vm9, $0x3F800000, v1;
	v15 =	vld.idx.msk [tilespmem:v15+s19+$0x0], $0xffff  }
0x330: {  	vm10 =	vgt.f32 v18, v12;
	[tilespmem:s9+$0xFFFFFF90] =	vst v19  }
0x331: {  	v12 =	vor.u32 v3, v11;
	v18 =	vsel vm10, $0x3F800000, v1;
	v14 =	vld.idx.msk [tilespmem:v14+s19+$0x0], $0xffff  }
0x332: {  	vm11 =	vgt.f32 v20, v13;
	v13 =	vor.u32 v2, v9;
	v20 =	vld [tilespmem:s10+$0xFFFFFFA0];
	[tilespmem:s9+$0x90] =	vst v18  }
0x333: {  	v19 =	vsel vm11, $0x3F800000, v1;
	v18 =	vld [tilespmem:s10+$0xA0]  }
0x334: {  	[tilespmem:s9+$0xFFFFFF10] =	vst v19;
	v17 =	vld.idx.msk [tilespmem:v17+s19+$0x0], $0xffff;
	vm12 =	vgt.f32 v21, v15  }
0x335: {  	v19 =	vld [tilespmem:s10+$0xFFFFFF20];
	v15 =	vsel vm12, $0x3F800000, v1  }
0x336: {  	v12 =	vld.idx.msk [tilespmem:v12+s19+$0x0], $0xffff;
	[tilespmem:s9+$0x0] =	vst v15  }
0x337: {  	v15 =	vor.u32 v4, v16;
	v13 =	vld.idx.msk [tilespmem:v13+s19+$0x0], $0xffff  }
0x338: {  	vm1 =	vgt.f32 v20, v14;
	v22 =	vld [tilespmem:s10+$0x10]  }
0x339: {  	s14 =	simm.s32 $0x4;
	s11 =	simm.s32 $0x300;
	v21 =	vor.u32 v4, v11;
	vm13 =	vgt.f32 v18, v17;
	v18 =	vsel vm1, $0x3F800000, v1  }
0x33a: {  	v28 =	vld [tilespmem:s11+$0xFFFFFF00];
	v17 =	vmov s14;
	v14 =	vsel vm13, $0x3F800000, v1;
	[tilespmem:s9+$0xFFFFFFA0] =	vst v18  }
0x33b: {  	s18 =	simm.s32 $0x5;
	v24 =	vor.u32 v3, v9;
	[tilespmem:s9+$0xA0] =	vst v14;
	v14 =	vand.u32 $0xFFFFFFFC, v17;
	vm14 =	vgt.f32 v19, v12;
	v19 =	vld [tilespmem:s10+$0xFFFFFFB0]  }
0x33c: {  	v14 =	vbroadcast v14, $0x0;
	v17 =	vsel vm14, $0x3F800000, v1;
	v12 =	vld.idx.msk [tilespmem:v15+s19+$0x0], $0xffff;
	v15 =	vmov s18  }
0x33d: {  	v18 =	vld [tilespmem:s10+$0xB0];
	[tilespmem:s9+$0xFFFFFF20] =	vst v17;
	v15 =	vand.u32 $0xFFFFFFFD, v15;
	vm15 =	vgt.f32 v22, v13  }
0x33e: {  	v17 =	vld.idx.msk [tilespmem:v21+s19+$0x0], $0xffff;
	v13 =	vbroadcast v15, $0x0;
	v15 =	vsel vm15, $0x3F800000, v1  }
0x33f: {  	v22 =	vor.u32 v4, v10;
	[tilespmem:s9+$0x10] =	vst v15;
	v15 =	vld [tilespmem:s10+$0xFFFFFF30]  }
0x340: {  	v21 =	vld [tilespmem:s10+$0x20]  }
0x341: {  	v20 =	vor.u32 v5, v16;
	v24 =	vld.idx.msk [tilespmem:v24+s19+$0x0], $0xffff  }
0x342: {  	s25 =	simm.s32 $0x7;
	vm4 =	vgt.f32 v18, v12;
	v12 =	vld.idx.msk [tilespmem:v14+s20+$0x0], $0xffff  }
0x343: {  	v14 =	vmov s25;
	v18 =	vld [tilespmem:s11+$0x80]  }
0x344: {  	v23 =	vsel vm4, $0x3F800000, v1;
	v22 =	vld.idx.msk [tilespmem:v22+s19+$0x0], $0xffff  }
0x345: {  	[tilespmem:s9+$0xB0] =	vst v23;
	v13 =	vld.idx.msk [tilespmem:v13+s20+$0x0], $0xffff  }
0x346: {  	v23 =	vor.u32 v5, v11;
	vm5 =	vgt.f32 v15, v17;
	v15 =	vld.idx.msk [tilespmem:v20+s19+$0x0], $0xffff  }
0x347: {  	v26 =	vld [tilespmem:s10+$0xC0];
	v20 =	vsel vm5, $0x3F800000, v1  }
0x348: {  	v31 =	vor.u32 v5, v10;
	[tilespmem:s9+$0xFFFFFF30] =	vst v20;
	v14 =	vld.idx.msk [tilespmem:v14+s20+$0x0], $0xffff  }
0x349: {  	vm8 =	vgt.f32 v21, v24;
	v20 =	vld [tilespmem:s10+$0xFFFFFF40]  }
0x34a: {  	v24 =	vsel vm8, $0x3F800000, v1;
	vm7 =	vgt.f32 v19, v22;
	v19 =	vld [tilespmem:s11+$0xFFFFFF80]  }
0x34b: {  	s30 =	simm.s32 $0x6;
	v22 =	vor.u32 v4, v9;
	[tilespmem:s9+$0x20] =	vst v24;
	v23 =	vld.idx.msk [tilespmem:v23+s19+$0x0], $0xffff;
	v32 =	vsel vm7, $0x3F800000, v1;
	v13 =	vshll.u32 v13, $0x7  }
0x34c: {  	v17 =	vmov s30;
	v12 =	vshll.u32 v12, $0x7;
	v49 =	vld [tilespmem:s10+$0x30];
	[tilespmem:s9+$0xFFFFFFB0] =	vst v32;
	v27 =	vor.u32 v0, v13  }
0x34d: {  	v17 =	vand.u32 $0xFFFFFFFE, v17;
	v25 =	vor.u32 v0, v12;
	v46 =	vld.idx.msk [tilespmem:v31+s19+$0x0], $0xffff;
	v14 =	vshll.u32 v14, $0x7  }
0x34e: {  	v17 =	vbroadcast v17, $0x0;
	v24 =	vld [tilespmem:s10+$0xFFFFFFC0];
	v29 =	vor.u32 v0, v14  }
0x34f: {  	vm6 =	vgt.f32 v26, v15;
	v26 =	vld [tilespmem:s11+$0x0]  }
0x350: {  	v30 =	vor.u32 v6, v16;
	v22 =	vld.idx.msk [tilespmem:v22+s19+$0x0], $0xffff  }
0x351: {  	v50 =	vor.u32 v6, v10;
	v27 =	vld.idx.msk [tilespmem:v27+s19+$0x0], $0xffff  }
0x352: {  	v15 =	vsel vm6, $0x3F800000, v1;
	v25 =	vld.idx.msk [tilespmem:v25+s19+$0x0], $0xffff  }
0x353: {  	[tilespmem:s9+$0xC0] =	vst v15;
	vm12 =	vgt.f32 v24, v46;
	v15 =	vld.idx.msk [tilespmem:v29+s19+$0x0], $0xffff  }
0x354: {  	v17 =	vld.idx.msk [tilespmem:v17+s20+$0x0], $0xffff;
	v51 =	vsel vm12, $0x3F800000, v1  }
0x355: {  	v47 =	vor.u32 v2, v13;
	v21 =	vld.idx.msk [tilespmem:v30+s19+$0x0], $0xffff;
	[tilespmem:s9+$0xFFFFFFC0] =	vst v51  }
0x356: {  	vm14 =	vgt.f32 v49, v22;
	v22 =	vld.idx.msk [tilespmem:v50+s19+$0x0], $0xffff;
	vm9 =	vgt.f32 v19, v27;
	v19 =	vor.u32 v2, v14  }
0x357: {  	s12 =	simm.s32 $0x14600;
	v62 =	vld [tilespmem:s10+$0xFFFFFFD0];
	v27 =	vor.u32 v2, v12;
	v48 =	vsel vm9, $0x3F800000, v1  }
0x358: {  	[tilespmem:s12+$0xFFFFFF80] =	vst v48;
	vm10 =	vgt.f32 v18, v15;
	v18 =	vld [tilespmem:s10+$0xD0]  }
0x359: {  	vm11 =	vgt.f32 v28, v25;
	v25 =	vld [tilespmem:s11+$0xFFFFFF90];
	v15 =	vsel vm10, $0x3F800000, v1  }
0x35a: {  	v28 =	vsel vm11, $0x3F800000, v1;
	v30 =	vld.idx.msk [tilespmem:v47+s19+$0x0], $0xffff;
	[tilespmem:s12+$0x80] =	vst v15  }
0x35b: {  	[tilespmem:s12+$0xFFFFFF00] =	vst v28;
	v15 =	vshll.u32 v17, $0x7;
	v17 =	vld.idx.msk [tilespmem:v19+s19+$0x0], $0xffff;
	v19 =	vor.u32 v7, v16  }
0x35c: {  	v24 =	vld.idx.msk [tilespmem:v27+s19+$0x0], $0xffff;
	v27 =	vor.u32 v0, v15  }
0x35d: {  	v55 =	vor.u32 v3, v13;
	v54 =	vsel vm14, $0x3F800000, v1;
	v52 =	vld [tilespmem:s11+$0xFFFFFF10];
	vm13 =	vgt.f32 v18, v21  }
0x35e: {  	[tilespmem:s9+$0x30] =	vst v54;
	v21 =	vld [tilespmem:s11+$0x90];
	v53 =	vsel vm13, $0x3F800000, v1  }
0x35f: {  	v57 =	vld [tilespmem:s10+$0x40];
	v18 =	vor.u32 v5, v9;
	vm15 =	vgt.f32 v25, v30;
	[tilespmem:s9+$0xD0] =	vst v53  }
0x360: {  	v25 =	vsel vm15, $0x3F800000, v1;
	v19 =	vld.idx.msk [tilespmem:v19+s19+$0x0], $0xffff  }
0x361: {  	v27 =	vld.idx.msk [tilespmem:v27+s19+$0x0], $0xffff;
	[tilespmem:s12+$0xFFFFFF90] =	vst v25  }
0x362: {  	v56 =	vor.u32 v3, v12;
	v25 =	vld.idx.msk [tilespmem:v55+s19+$0x0], $0xffff  }
0x363: {  	v59 =	vld [tilespmem:s11+$0xFFFFFFA0];
	vm4 =	vgt.f32 v21, v17  }
0x364: {  	vm5 =	vgt.f32 v52, v24;
	v18 =	vld.idx.msk [tilespmem:v18+s19+$0x0], $0xffff;
	v17 =	vor.u32 v3, v14;
	v24 =	vsel vm4, $0x3F800000, v1  }
0x365: {  	v58 =	vor.u32 v2, v15;
	v21 =	vld [tilespmem:s10+$0xE0];
	[tilespmem:s12+$0x90] =	vst v24;
	v24 =	vsel vm5, $0x3F800000, v1  }
0x366: {  	[tilespmem:s12+$0xFFFFFF10] =	vst v24;
	v24 =	vld [tilespmem:s11+$0xA0]  }
0x367: {  	vm6 =	vgt.f32 v26, v27;
	v26 =	vor.u32 v6, v9;
	v27 =	vld.idx.msk [tilespmem:v56+s19+$0x0], $0xffff  }
0x368: {  	v60 =	vsel vm6, $0x3F800000, v1;
	vm8 =	vgt.f32 v59, v25;
	v25 =	vld [tilespmem:s11+$0xFFFFFF20]  }
0x369: {  	vm7 =	vgt.f32 v57, v18;
	[tilespmem:s12+$0x0] =	vst v60;
	v17 =	vld.idx.msk [tilespmem:v17+s19+$0x0], $0xffff  }
0x36a: {  	v16 =	vor.u32 v8, v16;
	v18 =	vsel vm7, $0x3F800000, v1;
	v28 =	vld.idx.msk [tilespmem:v58+s19+$0x0], $0xffff  }
0x36b: {  	vm10 =	vgt.f32 v20, v23;
	v61 =	vld [tilespmem:s11+$0x10];
	[tilespmem:s9+$0x40] =	vst v18  }
0x36c: {  	v23 =	vsel vm10, $0x3F800000, v1;
	vm9 =	vgt.f32 v21, v19;
	v19 =	vor.u32 v6, v11;
	v26 =	vld.idx.msk [tilespmem:v26+s19+$0x0], $0xffff  }
0x36d: {  	v20 =	vor.u32 v4, v14;
	[tilespmem:s9+$0xFFFFFF40] =	vst v23;
	v21 =	vsel vm9, $0x3F800000, v1;
	v63 =	vld [tilespmem:s10+$0x50]  }
0x36e: {  	v18 =	vsel vm8, $0x3F800000, v1;
	[tilespmem:s9+$0xE0] =	vst v21;
	v21 =	vld [tilespmem:s10+$0xFFFFFF50]  }
0x36f: {  	[tilespmem:s12+$0xFFFFFFA0] =	vst v18;
	v16 =	vld.idx.msk [tilespmem:v16+s19+$0x0], $0xffff;
	vm11 =	vgt.f32 v24, v17  }
0x370: {  	v18 =	vld [tilespmem:s11+$0xFFFFFFB0];
	vm12 =	vgt.f32 v61, v28;
	v23 =	vsel vm11, $0x3F800000, v1  }
0x371: {  	vm13 =	vgt.f32 v62, v22;
	vm14 =	vgt.f32 v25, v27;
	v24 =	vsel vm12, $0x3F800000, v1;
	[tilespmem:s12+$0xA0] =	vst v23;
	v23 =	vld.idx.msk [tilespmem:v19+s19+$0x0], $0xffff  }
0x372: {  	v25 =	vor.u32 v7, v9;
	[tilespmem:s12+$0x10] =	vst v24;
	v22 =	vld.idx.msk [tilespmem:v20+s19+$0x0], $0xffff;
	v20 =	vsel vm13, $0x3F800000, v1;
	vm15 =	vgt.f32 v63, v26  }
0x373: {  	s0 =	simm.s32 $0x8;
	s13 =	simm.s32 $0x14600;
	s14 =	simm.s32 $0x300;
	v17 =	vor.u32 v4, v12;
	v24 =	vsel vm14, $0x3F800000, v1;
	v19 =	vld [tilespmem:s11+$0x20];
	[tilespmem:s9+$0xFFFFFFD0] =	vst v20;
	v26 =	vsel vm15, $0x3F800000, v1  }
.LBB2_14:
0x374: {  	s7 =	sadd.s32 $0x1, s0  }
0x375: {  	v20 =	vmov s0;
	v27 =	vld [tilespmem:s11+$0xB0];
	s14 =	sadd.s32 $0x200, s14;
	s25 =	smov.u32 s0;
	s18 =	sadd.s32 $0x4, s0  }
0x376: {  	p0 =	slt.u32 s0, $0x9C;
	v28 =	vand.u32 $0xFFFFFFFC, v20;
	v29 =	vmov s7;
	s7 =	sadd.s32 $0x2, s25;
	s25 =	sadd.s32 $0x3, s25;
	v20 =	vld [tilespmem:s14+$0x80];
	[tilespmem:s9+$0x50] =	vst v26  }
0x377: {  	v26 =	vbroadcast v28, $0x0;
	v28 =	vand.u32 $0xFFFFFFFD, v29;
	v29 =	vor.u32 v7, v11;
	v25 =	vld.idx.msk [tilespmem:v25+s19+$0x0], $0xffff  }
0x378: {  	v30 =	vmov s7;
	vm0 =	vgt.f32 v21, v23;
	v28 =	vbroadcast v28, $0x0;
	v21 =	vld [tilespmem:s10+$0xFFFFFFE0]  }
0x379: {  	v23 =	vand.u32 $0xFFFFFFFE, v30;
	[tilespmem:s12+$0xFFFFFF20] =	vst v24;
	v24 =	vsel vm0, $0x3F800000, v1;
	v30 =	vld [tilespmem:s10+$0x60]  }
0x37a: {  	v17 =	vld.idx.msk [tilespmem:v17+s19+$0x0], $0xffff;
	vm0 =	vgt.f32 v27, v22;
	[tilespmem:s9+$0xFFFFFF50] =	vst v24  }
0x37b: {  	v27 =	vor.u32 v5, v14;
	v22 =	vld [tilespmem:s11+$0xFFFFFF30];
	v24 =	vsel vm0, $0x3F800000, v1  }
0x37c: {  	v31 =	vor.u32 v7, v10;
	[tilespmem:s12+$0xB0] =	vst v24;
	v24 =	vld [tilespmem:s10+$0xFFFFFF60]  }
0x37d: {  	v32 =	vor.u32 v4, v13;
	v29 =	vld.idx.msk [tilespmem:v29+s19+$0x0], $0xffff  }
0x37e: {  	v28 =	vld.idx.msk [tilespmem:v28+s20+$0x0], $0xffff;
	vm0 =	vgt.f32 v30, v25  }
0x37f: {  	v30 =	vor.u32 v5, v12;
	v25 =	vld.idx.msk [tilespmem:v26+s20+$0x0], $0xffff;
	v26 =	vmov s25;
	v33 =	vsel vm0, $0x3F800000, v1  }
0x380: {  	v23 =	vbroadcast v23, $0x0;
	vm0 =	vgt.f32 v22, v17;
	v22 =	vld.idx.msk [tilespmem:v27+s19+$0x0], $0xffff;
	[tilespmem:s9+$0x60] =	vst v33  }
0x381: {  	v17 =	vsel vm0, $0x3F800000, v1;
	v27 =	vld.idx.msk [tilespmem:v31+s19+$0x0], $0xffff  }
0x382: {  	[tilespmem:s12+$0xFFFFFF30] =	vst v17;
	v31 =	vld.idx.msk [tilespmem:v32+s19+$0x0], $0xffff;
	v32 =	vor.u32 v8, v11;
	v11 =	vmov v12  }
0x383: {  	vm0 =	vgt.f32 v24, v29;
	v33 =	vld [tilespmem:s11+$0xFFFFFF40]  }
0x384: {  	v17 =	vsel vm0, $0x3F800000, v1;
	v24 =	vld.idx.msk [tilespmem:v30+s19+$0x0], $0xffff  }
0x385: {  	v12 =	vshll.u32 v25, $0x7;
	v25 =	vld.idx.msk [tilespmem:v26+s20+$0x0], $0xffff;
	[tilespmem:s9+$0xFFFFFF60] =	vst v17;
	v26 =	vor.u32 v8, v10;
	v10 =	vmov v13  }
0x386: {  	v17 =	vor.u32 v4, v12;
	v29 =	vld [tilespmem:s10+$0xFFFFFF70]  }
0x387: {  	v30 =	vor.u32 v0, v12;
	vm0 =	vgt.f32 v21, v27;
	v32 =	vld.idx.msk [tilespmem:v32+s19+$0x0], $0xffff  }
0x388: {  	vm1 =	vgt.f32 v18, v31;
	v18 =	vor.u32 v3, v15;
	v21 =	vsel vm0, $0x3F800000, v1;
	v27 =	vld [tilespmem:s10+$0xF0]  }
0x389: {  	v13 =	vshll.u32 v28, $0x7;
	v28 =	vsel vm1, $0x3F800000, v1;
	v31 =	vld [tilespmem:s11+$0xC0];
	[tilespmem:s9+$0xFFFFFFE0] =	vst v21;
	v21 =	vor.u32 v8, v9;
	v9 =	vmovc v15  }
0x38a: {  	v15 =	vor.u32 v0, v13;
	vm0 =	vgt.f32 v33, v24;
	[tilespmem:s12+$0xFFFFFFB0] =	vst v28;
	v24 =	vld.idx.msk [tilespmem:v26+s19+$0x0], $0xffff  }
0x38b: {  	v26 =	vsel vm0, $0x3F800000, v1;
	v28 =	vld [tilespmem:s10+$0xFFFFFFF0]  }
0x38c: {  	[tilespmem:s12+$0xFFFFFF40] =	vst v26;
	v26 =	vld [tilespmem:s10+$0x70];
	s10 =	smov.u32 s11;
	s11 =	smov.u32 s14  }
0x38d: {  	v18 =	vld.idx.msk [tilespmem:v18+s19+$0x0], $0xffff;
	vm0 =	vgt.f32 v27, v16  }
0x38e: {  	v27 =	vld [tilespmem:s14+$0xFFFFFF00];
	vm1 =	vgt.f32 v31, v22;
	v22 =	vsel vm0, $0x3F800000, v1  }
0x38f: {  	v16 =	vshll.u32 v25, $0x7;
	v30 =	vld.idx.msk [tilespmem:v30+s19+$0x0], $0xffff;
	v25 =	vsel vm1, $0x3F800000, v1;
	[tilespmem:s9+$0xF0] =	vst v22  }
0x390: {  	s12 =	sadd.s32 $0x200, s12;
	vm0 =	vgt.f32 v29, v32;
	v22 =	vor.u32 v0, v16;
	[tilespmem:s13+$0xC0] =	vst v25;
	v21 =	vld.idx.msk [tilespmem:v21+s19+$0x0], $0xffff  }
0x391: {  	v29 =	vsel vm0, $0x3F800000, v1;
	v25 =	vor.u32 v6, v14;
	vm0 =	vgt.f32 v28, v24;
	v23 =	vld.idx.msk [tilespmem:v23+s20+$0x0], $0xffff  }
0x392: {  	v28 =	vor.u32 v5, v10;
	v24 =	vld.idx.msk [tilespmem:v15+s19+$0x0], $0xffff;
	[tilespmem:s9+$0xFFFFFF70] =	vst v29;
	v15 =	vsel vm0, $0x3F800000, v1  }
0x393: {  	vm0 =	vgt.f32 v19, v18;
	v29 =	vld [tilespmem:s14+$0x0];
	[tilespmem:s9+$0xFFFFFFF0] =	vst v15  }
0x394: {  	v32 =	vor.u32 v4, v9;
	v19 =	vor.u32 v2, v13;
	v31 =	vsel vm0, $0x3F800000, v1;
	v18 =	vld [tilespmem:s14+$0xFFFFFF80]  }
0x395: {  	v22 =	vld.idx.msk [tilespmem:v22+s19+$0x0], $0xffff  }
0x396: {  	vm0 =	vgt.f32 v27, v30;
	vm1 =	vgt.f32 v26, v21;
	v25 =	vld.idx.msk [tilespmem:v25+s19+$0x0], $0xffff  }
0x397: {  	v21 =	vsel vm0, $0x3F800000, v1;
	v15 =	vshll.u32 v23, $0x7;
	v26 =	vsel vm1, $0x3F800000, v1;
	v23 =	vld.idx.msk [tilespmem:v28+s19+$0x0], $0xffff;
	[tilespmem:s13+$0x20] =	vst v31  }
0x398: {  	v27 =	vld [tilespmem:s10+$0xFFFFFFC0];
	[tilespmem:s9+$0x70] =	vst v26;
	s9 =	smov.u32 s13;
	s13 =	smov.u32 s12  }
0x399: {  	vm0 =	vgt.f32 v18, v24;
	v18 =	vor.u32 v2, v16;
	v24 =	vld.idx.msk [tilespmem:v32+s19+$0x0], $0xffff  }
0x39a: {  	v26 =	vor.u32 v2, v12;
	v28 =	vsel vm0, $0x3F800000, v1;
	v30 =	vld [tilespmem:s10+$0x30]  }
0x39b: {  	vm0 =	vgt.f32 v20, v22;
	[tilespmem:s12+$0xFFFFFF80] =	vst v28;
	v20 =	vld [tilespmem:s10+$0xD0]  }
0x39c: {  	v28 =	vsel vm0, $0x3F800000, v1;
	v22 =	vld [tilespmem:s14+$0xFFFFFF90]  }
0x39d: {  	v19 =	vld.idx.msk [tilespmem:v19+s19+$0x0], $0xffff;
	[tilespmem:s12+$0x80] =	vst v28;
	vm0 =	vgt.f32 v27, v23;
	v23 =	vor.u32 v6, v10  }
0x39e: {  	v27 =	vor.u32 v7, v14;
	[tilespmem:s12+$0xFFFFFF00] =	vst v21;
	v18 =	vld.idx.msk [tilespmem:v18+s19+$0x0], $0xffff;
	v21 =	vsel vm0, $0x3F800000, v1  }
0x39f: {  	v28 =	vor.u32 v0, v15;
	v26 =	vld.idx.msk [tilespmem:v26+s19+$0x0], $0xffff;
	[tilespmem:s9+$0xFFFFFFC0] =	vst v21;
	vm0 =	vgt.f32 v30, v24  }
0x3a0: {  	v30 =	vor.u32 v5, v9;
	v21 =	vld [tilespmem:s14+$0xFFFFFF10];
	v24 =	vsel vm0, $0x3F800000, v1;
	vm0 =	vgt.f32 v20, v25  }
0x3a1: {  	v20 =	vor.u32 v3, v13;
	v25 =	vld [tilespmem:s14+$0x90];
	[tilespmem:s9+$0x30] =	vst v24;
	v24 =	vsel vm0, $0x3F800000, v1  }
0x3a2: {  	v31 =	vld.idx.msk [tilespmem:v23+s19+$0x0], $0xffff;
	[tilespmem:s9+$0xD0] =	vst v24  }
0x3a3: {  	vm0 =	vgt.f32 v22, v19;
	v19 =	vld.idx.msk [tilespmem:v27+s19+$0x0], $0xffff  }
0x3a4: {  	v24 =	vor.u32 v3, v16;
	v22 =	vsel vm0, $0x3F800000, v1;
	v23 =	vld.idx.msk [tilespmem:v28+s19+$0x0], $0xffff  }
0x3a5: {  	vm0 =	vgt.f32 v21, v26;
	v21 =	vld.idx.msk [tilespmem:v30+s19+$0x0], $0xffff  }
0x3a6: {  	v26 =	vor.u32 v3, v12;
	vm1 =	vgt.f32 v25, v18;
	v18 =	vld [tilespmem:s10+$0x40]  }
0x3a7: {  	[tilespmem:s12+$0xFFFFFF90] =	vst v22;
	v22 =	vsel vm1, $0x3F800000, v1;
	v25 =	vld [tilespmem:s10+$0xE0]  }
0x3a8: {  	v27 =	vor.u32 v2, v15;
	v20 =	vld.idx.msk [tilespmem:v20+s19+$0x0], $0xffff;
	[tilespmem:s12+$0x90] =	vst v22  }
0x3a9: {  	v22 =	vsel vm0, $0x3F800000, v1;
	v28 =	vld [tilespmem:s14+$0xFFFFFFA0]  }
0x3aa: {  	vm0 =	vgt.f32 v29, v23;
	v23 =	vor.u32 v6, v9;
	[tilespmem:s12+$0xFFFFFF10] =	vst v22;
	v22 =	vld [tilespmem:s14+$0xA0]  }
0x3ab: {  	v29 =	vsel vm0, $0x3F800000, v1;
	v26 =	vld.idx.msk [tilespmem:v26+s19+$0x0], $0xffff;
	vm0 =	vgt.f32 v18, v21  }
0x3ac: {  	[tilespmem:s12+$0x0] =	vst v29;
	v18 =	vld.idx.msk [tilespmem:v24+s19+$0x0], $0xffff;
	v21 =	vsel vm0, $0x3F800000, v1;
	vm0 =	vgt.f32 v25, v19  }
0x3ad: {  	v19 =	vld.idx.msk [tilespmem:v27+s19+$0x0], $0xffff;
	v27 =	vor.u32 v4, v16;
	[tilespmem:s9+$0x40] =	vst v21;
	v21 =	vsel vm0, $0x3F800000, v1  }
0x3ae: {  	vm0 =	vgt.f32 v28, v20;
	v20 =	vld [tilespmem:s14+$0x10];
	[tilespmem:s9+$0xE0] =	vst v21  }
0x3af: {  	v21 =	vsel vm0, $0x3F800000, v1;
	v28 =	vld.idx.msk [tilespmem:v23+s19+$0x0], $0xffff;
	v23 =	vor.u32 v8, v14;
	v14 =	vmov v16  }
0x3b0: {  	v24 =	vld [tilespmem:s14+$0xFFFFFF20];
	[tilespmem:s12+$0xFFFFFFA0] =	vst v21  }
0x3b1: {  	v25 =	vor.u32 v6, v11;
	v29 =	vld [tilespmem:s10+$0xFFFFFFD0]  }
0x3b2: {  	vm0 =	vgt.f32 v22, v18;
	v30 =	vld [tilespmem:s10+$0x50]  }
0x3b3: {  	v18 =	vld [tilespmem:s14+$0xFFFFFFB0];
	vm1 =	vgt.f32 v20, v19;
	v19 =	vsel vm0, $0x3F800000, v1  }
.Ltmp10:
0x3b4: {  	v20 =	vsel vm1, $0x3F800000, v1;
	v16 =	vld.idx.msk [tilespmem:v23+s19+$0x0], $0xffff;
	(pc) =	sbr.rel @p0 .LBB2_14-.Ltmp10, $4  }
0x3b5: {  	vm0 =	vgt.f32 v24, v26;
	v21 =	vld [tilespmem:s10+$0xFFFFFF50]  }
0x3b6: {  	v24 =	vsel vm0, $0x3F800000, v1;
	[tilespmem:s12+$0xA0] =	vst v19;
	v23 =	vld.idx.msk [tilespmem:v25+s19+$0x0], $0xffff;
	vm0 =	vgt.f32 v29, v31;
	v25 =	vor.u32 v7, v9  }
0x3b7: {  	[tilespmem:s12+$0x10] =	vst v20;
	v22 =	vld.idx.msk [tilespmem:v27+s19+$0x0], $0xffff;
	v20 =	vsel vm0, $0x3F800000, v1;
	vm0 =	vgt.f32 v30, v28  }
0x3b8: {  	s0 =	smov.u32 s18;
	v19 =	vld [tilespmem:s14+$0x20];
	[tilespmem:s9+$0xFFFFFFD0] =	vst v20;
	v26 =	vsel vm0, $0x3F800000, v1  }
0x3b9: {  	_ =	sdelay $0x1  }
0x3ba: {  	v20 =	vld [tilespmem:s11+$0xB0]  }
0x3bb: {  	[tilespmem:s9+$0x50] =	vst v26;
	v35 =	vor.u32 v3, v15;
	v27 =	vld [tilespmem:s10+$0xFFFFFFE0]  }
0x3bc: {  	[tilespmem:s12+$0xFFFFFF20] =	vst v24;
	v25 =	vld.idx.msk [tilespmem:v25+s19+$0x0], $0xffff  }
0x3bd: {  	v36 =	vor.u32 v7, v11;
	v17 =	vld.idx.msk [tilespmem:v17+s19+$0x0], $0xffff  }
0x3be: {  	v30 =	vor.u32 v7, v10;
	v37 =	vld [tilespmem:s11+$0xFFFFFF30];
	vm0 =	vgt.f32 v21, v23  }
0x3bf: {  	v39 =	vor.u32 v4, v13;
	v29 =	vld [tilespmem:s10+$0x60];
	v28 =	vsel vm0, $0x3F800000, v1  }
0x3c0: {  	v38 =	vor.u32 v5, v14;
	[tilespmem:s9+$0xFFFFFF50] =	vst v28;
	v40 =	vld.idx.msk [tilespmem:v35+s19+$0x0], $0xffff  }
0x3c1: {  	v28 =	vld [tilespmem:s10+$0xFFFFFF60]  }
0x3c2: {  	vm13 =	vgt.f32 v20, v22;
	v24 =	vld.idx.msk [tilespmem:v36+s19+$0x0], $0xffff  }
0x3c3: {  	v44 =	vor.u32 v4, v15;
	v30 =	vld.idx.msk [tilespmem:v30+s19+$0x0], $0xffff;
	v41 =	vsel vm13, $0x3F800000, v1  }
0x3c4: {  	v20 =	vld.idx.msk [tilespmem:v39+s19+$0x0], $0xffff;
	vm14 =	vgt.f32 v37, v17;
	[tilespmem:s12+$0xB0] =	vst v41  }
0x3c5: {  	v42 =	vor.u32 v5, v12;
	v45 =	vsel vm14, $0x3F800000, v1;
	v43 =	vld.idx.msk [tilespmem:v38+s19+$0x0], $0xffff;
	vm15 =	vgt.f32 v19, v40  }
0x3c6: {  	[tilespmem:s12+$0xFFFFFF30] =	vst v45;
	v50 =	vld [tilespmem:s11+$0xC0];
	v22 =	vsel vm15, $0x3F800000, v1  }
0x3c7: {  	v9 =	vor.u32 v8, v9;
	v46 =	vld [tilespmem:s11+$0xFFFFFF40];
	[tilespmem:s13+$0x20] =	vst v22  }
0x3c8: {  	v21 =	vld.idx.msk [tilespmem:v44+s19+$0x0], $0xffff  }
0x3c9: {  	v11 =	vor.u32 v8, v11;
	vm13 =	vgt.f32 v29, v25;
	v48 =	vld [tilespmem:s11+$0x30]  }
0x3ca: {  	v49 =	vor.u32 v5, v13;
	v45 =	vsel vm13, $0x3F800000, v1;
	v23 =	vld.idx.msk [tilespmem:v42+s19+$0x0], $0xffff;
	vm4 =	vgt.f32 v28, v24  }
0x3cb: {  	[tilespmem:s9+$0x60] =	vst v45;
	vm1 =	vgt.f32 v18, v20;
	v18 =	vld [tilespmem:s10+$0xF0];
	v47 =	vsel vm4, $0x3F800000, v1  }
0x3cc: {  	v52 =	vor.u32 v5, v15;
	v9 =	vld.idx.msk [tilespmem:v9+s19+$0x0], $0xffff;
	[tilespmem:s9+$0xFFFFFF60] =	vst v47  }
0x3cd: {  	v53 =	vsel vm1, $0x3F800000, v1;
	v24 =	vld [tilespmem:s10+$0xFFFFFF70]  }
0x3ce: {  	v10 =	vor.u32 v8, v10;
	[tilespmem:s12+$0xFFFFFFB0] =	vst v53;
	v11 =	vld.idx.msk [tilespmem:v11+s19+$0x0], $0xffff;
	vm6 =	vgt.f32 v48, v21  }
0x3cf: {  	v54 =	vor.u32 v6, v14;
	v55 =	vld.idx.msk [tilespmem:v49+s19+$0x0], $0xffff;
	v22 =	vsel vm6, $0x3F800000, v1  }
0x3d0: {  	vm5 =	vgt.f32 v27, v30;
	v56 =	vld [tilespmem:s11+$0xFFFFFFC0];
	[tilespmem:s13+$0x30] =	vst v22  }
0x3d1: {  	v51 =	vsel vm5, $0x3F800000, v1;
	vm7 =	vgt.f32 v50, v43;
	v20 =	vld.idx.msk [tilespmem:v52+s19+$0x0], $0xffff  }
0x3d2: {  	v58 =	vor.u32 v6, v12;
	[tilespmem:s9+$0xFFFFFFE0] =	vst v51;
	v57 =	vsel vm7, $0x3F800000, v1;
	v59 =	vld [tilespmem:s11+$0x40]  }
0x3d3: {  	v62 =	vor.u32 v6, v13;
	v10 =	vld.idx.msk [tilespmem:v10+s19+$0x0], $0xffff;
	vm8 =	vgt.f32 v46, v23;
	[tilespmem:s13+$0xC0] =	vst v57  }
0x3d4: {  	v60 =	vsel vm8, $0x3F800000, v1;
	v61 =	vld.idx.msk [tilespmem:v54+s19+$0x0], $0xffff  }
0x3d5: {  	v32 =	vor.u32 v6, v15;
	[tilespmem:s12+$0xFFFFFF40] =	vst v60;
	v63 =	vld [tilespmem:s11+$0xD0];
	vm9 =	vgt.f32 v56, v55  }
0x3d6: {  	v33 =	vld [tilespmem:s11+$0xFFFFFF50];
	v34 =	vsel vm9, $0x3F800000, v1  }
0x3d7: {  	v26 =	vld.idx.msk [tilespmem:v58+s19+$0x0], $0xffff;
	[tilespmem:s13+$0xFFFFFFC0] =	vst v34;
	vm10 =	vgt.f32 v59, v20  }
0x3d8: {  	v36 =	vor.u32 v7, v14;
	v37 =	vld.idx.msk [tilespmem:v62+s19+$0x0], $0xffff;
	v38 =	vsel vm10, $0x3F800000, v1  }
0x3d9: {  	v39 =	vld [tilespmem:s11+$0xFFFFFFD0];
	[tilespmem:s13+$0x40] =	vst v38  }
0x3da: {  	vm11 =	vgt.f32 v63, v61;
	v17 =	vld.idx.msk [tilespmem:v32+s19+$0x0], $0xffff  }
0x3db: {  	v40 =	vor.u32 v7, v12;
	v23 =	vsel vm11, $0x3F800000, v1;
	v41 =	vld [tilespmem:s11+$0x50]  }
0x3dc: {  	v35 =	vld [tilespmem:s10+$0xFFFFFFF0];
	vm12 =	vgt.f32 v33, v26;
	[tilespmem:s13+$0xD0] =	vst v23  }
0x3dd: {  	v44 =	vor.u32 v7, v13;
	v42 =	vsel vm12, $0x3F800000, v1;
	v19 =	vld.idx.msk [tilespmem:v36+s19+$0x0], $0xffff  }
0x3de: {  	v46 =	vor.u32 v7, v15;
	v43 =	vld [tilespmem:s11+$0xE0];
	[tilespmem:s13+$0xFFFFFF50] =	vst v42;
	vm14 =	vgt.f32 v39, v37  }
0x3df: {  	v47 =	vld [tilespmem:s11+$0xFFFFFF60];
	v48 =	vsel vm14, $0x3F800000, v1  }
0x3e0: {  	v27 =	vld.idx.msk [tilespmem:v40+s19+$0x0], $0xffff;
	[tilespmem:s13+$0xFFFFFFD0] =	vst v48;
	vm15 =	vgt.f32 v41, v17  }
0x3e1: {  	v50 =	vor.u32 v8, v14;
	v26 =	vld [tilespmem:s11+$0xFFFFFFE0];
	v21 =	vsel vm15, $0x3F800000, v1  }
0x3e2: {  	v51 =	vld.idx.msk [tilespmem:v44+s19+$0x0], $0xffff;
	[tilespmem:s13+$0x50] =	vst v21  }
0x3e3: {  	vm4 =	vgt.f32 v43, v19;
	v52 =	vld.idx.msk [tilespmem:v46+s19+$0x0], $0xffff  }
0x3e4: {  	v53 =	vor.u32 v8, v12;
	v54 =	vsel vm4, $0x3F800000, v1;
	v55 =	vld [tilespmem:s11+$0x60]  }
0x3e5: {  	v49 =	vld [tilespmem:s10+$0x70];
	v57 =	vor.u32 v8, v13;
	vm5 =	vgt.f32 v47, v27;
	[tilespmem:s13+$0xE0] =	vst v54  }
0x3e6: {  	v56 =	vsel vm5, $0x3F800000, v1;
	v14 =	vld.idx.msk [tilespmem:v50+s19+$0x0], $0xffff  }
0x3e7: {  	[tilespmem:s13+$0xFFFFFF60] =	vst v56;
	v59 =	vld [tilespmem:s11+$0xF0];
	vm6 =	vgt.f32 v26, v51  }
0x3e8: {  	v58 =	vor.u32 v8, v15;
	v20 =	vld [tilespmem:s11+$0xFFFFFF70];
	v21 =	vsel vm6, $0x3F800000, v1  }
0x3e9: {  	v12 =	vld.idx.msk [tilespmem:v53+s19+$0x0], $0xffff;
	[tilespmem:s13+$0xFFFFFFE0] =	vst v21;
	vm7 =	vgt.f32 v55, v52  }
0x3ea: {  	v13 =	vld.idx.msk [tilespmem:v57+s19+$0x0], $0xffff;
	v60 =	vsel vm7, $0x3F800000, v1  }
0x3eb: {  	vm8 =	vgt.f32 v18, v16;
	v61 =	vld [tilespmem:s11+$0xFFFFFFF0];
	[tilespmem:s13+$0x60] =	vst v60  }
0x3ec: {  	v18 =	vsel vm8, $0x3F800000, v1;
	vm9 =	vgt.f32 v24, v11;
	v11 =	vld [tilespmem:s11+$0x70]  }
0x3ed: {  	[tilespmem:s9+$0xF0] =	vst v18;
	v62 =	vsel vm9, $0x3F800000, v1;
	vm11 =	vgt.f32 v49, v9;
	vm10 =	vgt.f32 v35, v10;
	v10 =	vld.idx.msk [tilespmem:v58+s19+$0x0], $0xffff  }
0x3ee: {  	[tilespmem:s9+$0xFFFFFF70] =	vst v62;
	v9 =	vsel vm11, $0x3F800000, v1  }
0x3ef: {  	[tilespmem:s9+$0x70] =	vst v9;
	v63 =	vsel vm10, $0x3F800000, v1;
	vm12 =	vgt.f32 v59, v14  }
0x3f0: {  	[tilespmem:s9+$0xFFFFFFF0] =	vst v63;
	v9 =	vsel vm12, $0x3F800000, v1;
	vm13 =	vgt.f32 v20, v12  }
0x3f1: {  	[tilespmem:s13+$0xF0] =	vst v9;
	v9 =	vsel vm13, $0x3F800000, v1;
	vm14 =	vgt.f32 v61, v13  }
0x3f2: {  	s0 =	smul.u32 $0xA00, s8;
	p0 =	sgt.u32 s8, $0x210;
	[tilespmem:s13+$0xFFFFFF70] =	vst v9;
	v9 =	vsel vm14, $0x3F800000, v1;
	vm15 =	vgt.f32 v11, v10  }
0x3f3: {  	s7 =	sadd.s32 @!p0 $0x60, s8;
	[tilespmem:s13+$0xFFFFFFF0] =	vst v9;
	v9 =	vsel vm15, $0x3F800000, v1  }
0x3f4: {  	s30 =	simm.s32 $0x14300;
	s0 =	sadd.s32 s4, s0;
	s8 =	smul.u32 @!p0 $0xA00, s7;
	[tilespmem:s13+$0x70] =	vst v9  }
0x3f5: {  	[hbm4b:s0+s6] =	stream.linear.scatter [tilespmem:s30], [sflag:$0x5], $0x5000, $0x38;
	[tilespmem:$0x19F00] =	vst v63  }
0x3f6: {  	s7 =	smul.u32 @!p0 $0x14, s7;
	s0 =	sadd.s32 @!p0 s1, s8;
	s8 =	simm.s32 @!p0 $0x0  }
0x3f7: {  	[tilespmem:s8], [sflag:$0x1] =	stream.linear.gather @!p0 [hbm4b:s0+s8], $0x5000, $0x38;
	[tilespmem:$0x19F00] =	vst v63  }
0x3f8: {  	s0 =	sadd.s32 @!p0 s2, s7;
	s7 =	simm.s32 @!p0 $0xF000  }
0x3f9: {  	[tilespmem:s7], [sflag:$0x1] =	stream.linear.gather @!p0 [hbm4b:s0+s8], $0xA0, $0x38;
	[tilespmem:$0x19F00] =	vst v63  }
.LBB2_16:
0x3fa: {  	s8 =	sadd.s32 s16, s23  }
0x3fb: {  	p0 =	sgt.u32 s8, $0x2B0  }
0x3fc: {  	p1 =	sgt.u32 @!p0 s8, $0x270  }
0x3fd: {  	p1 =	por p0, p1  }
.Ltmp11:
0x3fe: {  	_ = 	snop;
	(pc) =	sbr.rel @p1 .LBB2_20-.Ltmp11, $4  }
0x3ff: {  	s0 =	simm.s32 @!p0 $0x4  }
0x400: {  	_ =	swait.ge @!p0 [sflag:s0], $0x5000  }
0x401: {  	[sflag:s0] =	ssyncset.done @!p0 $0x0  }
0x402: {  	[sflag:s0] =	ssyncadd.s32 @!p0 $0xFFFFB000  }
0x403: {  	s0 =	simm.s32 $0x1  }
0x404: {  	v9 =	vmov s0  }
0x405: {  	v9 =	vand.u32 $0xFFFFFFFD, v9  }
0x406: {  	_ =	swait.ge [sflag:s29], $0x5000;
	s11 =	simm.s32 $0x0;
	v9 =	vbroadcast v9, $0x0  }
0x407: {  	[sflag:s29] =	ssyncset.done $0x0;
	v10 =	vmov s11  }
0x408: {  	s12 =	simm.s32 $0x3;
	[sflag:s29] =	ssyncadd.s32 $0xFFFFB000;
	v10 =	vand.u32 $0xFFFFFFFC, v10  }
0x409: {  	v11 =	vmov s12;
	_ =	swait.ge [sflag:s29], $0xA0;
	v10 =	vbroadcast v10, $0x0  }
0x40a: {  	[sflag:s29] =	ssyncset.done $0x0  }
0x40b: {  	[sflag:s29] =	ssyncadd.s32 $0xFFFFFF60  }
0x40c: {  	v9 =	vld.idx.msk [tilespmem:v9+s22+$0x0], $0xffff;
	_ =	sdelay $0x1  }
0x40d: {  	v11 =	vld.idx.msk [tilespmem:v11+s22+$0x0], $0xffff  }
0x40e: {  	v12 =	vld.idx.msk [tilespmem:v10+s22+$0x0], $0xffff;
	_ =	sdelay $0x1  }
0x40f: {  	v10 =	vshll.u32 v9, $0x7  }
0x410: {  	s13 =	simm.s32 $0x2;
	v9 =	vor.u32 v0, v10  }
0x411: {  	v16 =	vshll.u32 v11, $0x7;
	v11 =	vmov s13  }
0x412: {  	s10 =	simm.s32 $0x5100;
	v13 =	vor.u32 v0, v16;
	v14 =	vand.u32 $0xFFFFFFFE, v11;
	v11 =	vshll.u32 v12, $0x7  }
0x413: {  	v15 =	vld [tilespmem:s10+$0xFFFFFF80];
	v12 =	vbroadcast v14, $0x0;
	v14 =	vor.u32 v0, v11  }
0x414: {  	v17 =	vld [tilespmem:s10+$0x80]  }
0x415: {  	v9 =	vld.idx.msk [tilespmem:v9+s19+$0x0], $0xffff  }
0x416: {  	v18 =	vld [tilespmem:s10+$0xFFFFFF00]  }
0x417: {  	v13 =	vld.idx.msk [tilespmem:v13+s19+$0x0], $0xffff  }
0x418: {  	v14 =	vld.idx.msk [tilespmem:v14+s19+$0x0], $0xffff  }
0x419: {  	v19 =	vor.u32 v2, v10;
	v12 =	vld.idx.msk [tilespmem:v12+s22+$0x0], $0xffff  }
0x41a: {  	vm0 =	vgt.f32 v15, v9;
	v15 =	vor.u32 v2, v16  }
0x41b: {  	s9 =	simm.s32 $0xF400;
	v9 =	vsel vm0, $0x3F800000, v1  }
0x41c: {  	vm7 =	vgt.f32 v17, v13;
	v13 =	vor.u32 v2, v11;
	[tilespmem:s9+$0xFFFFFF80] =	vst v9  }
0x41d: {  	v9 =	vsel vm7, $0x3F800000, v1;
	v17 =	vld [tilespmem:s10+$0xFFFFFF90]  }
0x41e: {  	vm8 =	vgt.f32 v18, v14;
	v19 =	vld.idx.msk [tilespmem:v19+s19+$0x0], $0xffff;
	[tilespmem:s9+$0x80] =	vst v9;
	v9 =	vshll.u32 v12, $0x7  }
0x41f: {  	v14 =	vsel vm8, $0x3F800000, v1;
	v12 =	vld.idx.msk [tilespmem:v15+s19+$0x0], $0xffff;
	v15 =	vor.u32 v0, v9  }
0x420: {  	[tilespmem:s9+$0xFFFFFF00] =	vst v14;
	v18 =	vld [tilespmem:s10+$0x90]  }
0x421: {  	v14 =	vor.u32 v3, v10;
	v13 =	vld.idx.msk [tilespmem:v13+s19+$0x0], $0xffff  }
0x422: {  	v20 =	vld [tilespmem:s10+$0xFFFFFF10]  }
0x423: {  	v21 =	vld [tilespmem:s10+$0x0];
	vm9 =	vgt.f32 v17, v19  }
0x424: {  	v17 =	vor.u32 v3, v16;
	v19 =	vsel vm9, $0x3F800000, v1;
	v15 =	vld.idx.msk [tilespmem:v15+s19+$0x0], $0xffff  }
0x425: {  	vm10 =	vgt.f32 v18, v12;
	[tilespmem:s9+$0xFFFFFF90] =	vst v19  }
0x426: {  	v12 =	vor.u32 v3, v11;
	v18 =	vsel vm10, $0x3F800000, v1;
	v14 =	vld.idx.msk [tilespmem:v14+s19+$0x0], $0xffff  }
0x427: {  	vm11 =	vgt.f32 v20, v13;
	v13 =	vor.u32 v2, v9;
	v20 =	vld [tilespmem:s10+$0xFFFFFFA0];
	[tilespmem:s9+$0x90] =	vst v18  }
0x428: {  	v19 =	vsel vm11, $0x3F800000, v1;
	v18 =	vld [tilespmem:s10+$0xA0]  }
0x429: {  	[tilespmem:s9+$0xFFFFFF10] =	vst v19;
	v17 =	vld.idx.msk [tilespmem:v17+s19+$0x0], $0xffff;
	vm12 =	vgt.f32 v21, v15  }
0x42a: {  	v19 =	vld [tilespmem:s10+$0xFFFFFF20];
	v15 =	vsel vm12, $0x3F800000, v1  }
0x42b: {  	v12 =	vld.idx.msk [tilespmem:v12+s19+$0x0], $0xffff;
	[tilespmem:s9+$0x0] =	vst v15  }
0x42c: {  	v15 =	vor.u32 v4, v16;
	v13 =	vld.idx.msk [tilespmem:v13+s19+$0x0], $0xffff  }
0x42d: {  	vm1 =	vgt.f32 v20, v14;
	v22 =	vld [tilespmem:s10+$0x10]  }
0x42e: {  	s14 =	simm.s32 $0x4;
	s11 =	simm.s32 $0x5300;
	v21 =	vor.u32 v4, v11;
	vm13 =	vgt.f32 v18, v17;
	v18 =	vsel vm1, $0x3F800000, v1  }
0x42f: {  	v28 =	vld [tilespmem:s11+$0xFFFFFF00];
	v17 =	vmov s14;
	v14 =	vsel vm13, $0x3F800000, v1;
	[tilespmem:s9+$0xFFFFFFA0] =	vst v18  }
0x430: {  	s18 =	simm.s32 $0x5;
	v24 =	vor.u32 v3, v9;
	[tilespmem:s9+$0xA0] =	vst v14;
	v14 =	vand.u32 $0xFFFFFFFC, v17;
	vm14 =	vgt.f32 v19, v12;
	v19 =	vld [tilespmem:s10+$0xFFFFFFB0]  }
0x431: {  	v14 =	vbroadcast v14, $0x0;
	v17 =	vsel vm14, $0x3F800000, v1;
	v12 =	vld.idx.msk [tilespmem:v15+s19+$0x0], $0xffff;
	v15 =	vmov s18  }
0x432: {  	v18 =	vld [tilespmem:s10+$0xB0];
	[tilespmem:s9+$0xFFFFFF20] =	vst v17;
	v15 =	vand.u32 $0xFFFFFFFD, v15;
	vm15 =	vgt.f32 v22, v13  }
0x433: {  	v17 =	vld.idx.msk [tilespmem:v21+s19+$0x0], $0xffff;
	v13 =	vbroadcast v15, $0x0;
	v15 =	vsel vm15, $0x3F800000, v1  }
0x434: {  	v22 =	vor.u32 v4, v10;
	[tilespmem:s9+$0x10] =	vst v15;
	v15 =	vld [tilespmem:s10+$0xFFFFFF30]  }
0x435: {  	v21 =	vld [tilespmem:s10+$0x20]  }
0x436: {  	v20 =	vor.u32 v5, v16;
	v24 =	vld.idx.msk [tilespmem:v24+s19+$0x0], $0xffff  }
0x437: {  	s25 =	simm.s32 $0x7;
	vm4 =	vgt.f32 v18, v12;
	v12 =	vld.idx.msk [tilespmem:v14+s22+$0x0], $0xffff  }
0x438: {  	v14 =	vmov s25;
	v18 =	vld [tilespmem:s11+$0x80]  }
0x439: {  	v23 =	vsel vm4, $0x3F800000, v1;
	v22 =	vld.idx.msk [tilespmem:v22+s19+$0x0], $0xffff  }
0x43a: {  	[tilespmem:s9+$0xB0] =	vst v23;
	v13 =	vld.idx.msk [tilespmem:v13+s22+$0x0], $0xffff  }
0x43b: {  	v23 =	vor.u32 v5, v11;
	vm5 =	vgt.f32 v15, v17;
	v15 =	vld.idx.msk [tilespmem:v20+s19+$0x0], $0xffff  }
0x43c: {  	v26 =	vld [tilespmem:s10+$0xC0];
	v20 =	vsel vm5, $0x3F800000, v1  }
0x43d: {  	v31 =	vor.u32 v5, v10;
	[tilespmem:s9+$0xFFFFFF30] =	vst v20;
	v14 =	vld.idx.msk [tilespmem:v14+s22+$0x0], $0xffff  }
0x43e: {  	vm8 =	vgt.f32 v21, v24;
	v20 =	vld [tilespmem:s10+$0xFFFFFF40]  }
0x43f: {  	v24 =	vsel vm8, $0x3F800000, v1;
	vm7 =	vgt.f32 v19, v22;
	v19 =	vld [tilespmem:s11+$0xFFFFFF80]  }
0x440: {  	s30 =	simm.s32 $0x6;
	v22 =	vor.u32 v4, v9;
	[tilespmem:s9+$0x20] =	vst v24;
	v23 =	vld.idx.msk [tilespmem:v23+s19+$0x0], $0xffff;
	v32 =	vsel vm7, $0x3F800000, v1;
	v13 =	vshll.u32 v13, $0x7  }
0x441: {  	v17 =	vmov s30;
	v12 =	vshll.u32 v12, $0x7;
	v49 =	vld [tilespmem:s10+$0x30];
	[tilespmem:s9+$0xFFFFFFB0] =	vst v32;
	v27 =	vor.u32 v0, v13  }
0x442: {  	v17 =	vand.u32 $0xFFFFFFFE, v17;
	v25 =	vor.u32 v0, v12;
	v46 =	vld.idx.msk [tilespmem:v31+s19+$0x0], $0xffff;
	v14 =	vshll.u32 v14, $0x7  }
0x443: {  	v17 =	vbroadcast v17, $0x0;
	v24 =	vld [tilespmem:s10+$0xFFFFFFC0];
	v29 =	vor.u32 v0, v14  }
0x444: {  	vm6 =	vgt.f32 v26, v15;
	v26 =	vld [tilespmem:s11+$0x0]  }
0x445: {  	v30 =	vor.u32 v6, v16;
	v22 =	vld.idx.msk [tilespmem:v22+s19+$0x0], $0xffff  }
0x446: {  	v50 =	vor.u32 v6, v10;
	v27 =	vld.idx.msk [tilespmem:v27+s19+$0x0], $0xffff  }
0x447: {  	v15 =	vsel vm6, $0x3F800000, v1;
	v25 =	vld.idx.msk [tilespmem:v25+s19+$0x0], $0xffff  }
0x448: {  	[tilespmem:s9+$0xC0] =	vst v15;
	vm12 =	vgt.f32 v24, v46;
	v15 =	vld.idx.msk [tilespmem:v29+s19+$0x0], $0xffff  }
0x449: {  	v17 =	vld.idx.msk [tilespmem:v17+s22+$0x0], $0xffff;
	v51 =	vsel vm12, $0x3F800000, v1  }
0x44a: {  	v47 =	vor.u32 v2, v13;
	v21 =	vld.idx.msk [tilespmem:v30+s19+$0x0], $0xffff;
	[tilespmem:s9+$0xFFFFFFC0] =	vst v51  }
0x44b: {  	vm14 =	vgt.f32 v49, v22;
	v22 =	vld.idx.msk [tilespmem:v50+s19+$0x0], $0xffff;
	vm9 =	vgt.f32 v19, v27;
	v19 =	vor.u32 v2, v14  }
0x44c: {  	s12 =	simm.s32 $0xF600;
	v62 =	vld [tilespmem:s10+$0xFFFFFFD0];
	v27 =	vor.u32 v2, v12;
	v48 =	vsel vm9, $0x3F800000, v1  }
0x44d: {  	[tilespmem:s12+$0xFFFFFF80] =	vst v48;
	vm10 =	vgt.f32 v18, v15;
	v18 =	vld [tilespmem:s10+$0xD0]  }
0x44e: {  	vm11 =	vgt.f32 v28, v25;
	v25 =	vld [tilespmem:s11+$0xFFFFFF90];
	v15 =	vsel vm10, $0x3F800000, v1  }
0x44f: {  	v28 =	vsel vm11, $0x3F800000, v1;
	v30 =	vld.idx.msk [tilespmem:v47+s19+$0x0], $0xffff;
	[tilespmem:s12+$0x80] =	vst v15  }
0x450: {  	[tilespmem:s12+$0xFFFFFF00] =	vst v28;
	v15 =	vshll.u32 v17, $0x7;
	v17 =	vld.idx.msk [tilespmem:v19+s19+$0x0], $0xffff;
	v19 =	vor.u32 v7, v16  }
0x451: {  	v24 =	vld.idx.msk [tilespmem:v27+s19+$0x0], $0xffff;
	v27 =	vor.u32 v0, v15  }
0x452: {  	v55 =	vor.u32 v3, v13;
	v54 =	vsel vm14, $0x3F800000, v1;
	v52 =	vld [tilespmem:s11+$0xFFFFFF10];
	vm13 =	vgt.f32 v18, v21  }
0x453: {  	[tilespmem:s9+$0x30] =	vst v54;
	v21 =	vld [tilespmem:s11+$0x90];
	v53 =	vsel vm13, $0x3F800000, v1  }
0x454: {  	v57 =	vld [tilespmem:s10+$0x40];
	v18 =	vor.u32 v5, v9;
	vm15 =	vgt.f32 v25, v30;
	[tilespmem:s9+$0xD0] =	vst v53  }
0x455: {  	v25 =	vsel vm15, $0x3F800000, v1;
	v19 =	vld.idx.msk [tilespmem:v19+s19+$0x0], $0xffff  }
0x456: {  	v27 =	vld.idx.msk [tilespmem:v27+s19+$0x0], $0xffff;
	[tilespmem:s12+$0xFFFFFF90] =	vst v25  }
0x457: {  	v56 =	vor.u32 v3, v12;
	v25 =	vld.idx.msk [tilespmem:v55+s19+$0x0], $0xffff  }
0x458: {  	v59 =	vld [tilespmem:s11+$0xFFFFFFA0];
	vm4 =	vgt.f32 v21, v17  }
0x459: {  	vm5 =	vgt.f32 v52, v24;
	v18 =	vld.idx.msk [tilespmem:v18+s19+$0x0], $0xffff;
	v17 =	vor.u32 v3, v14;
	v24 =	vsel vm4, $0x3F800000, v1  }
0x45a: {  	v58 =	vor.u32 v2, v15;
	v21 =	vld [tilespmem:s10+$0xE0];
	[tilespmem:s12+$0x90] =	vst v24;
	v24 =	vsel vm5, $0x3F800000, v1  }
0x45b: {  	[tilespmem:s12+$0xFFFFFF10] =	vst v24;
	v24 =	vld [tilespmem:s11+$0xA0]  }
0x45c: {  	vm6 =	vgt.f32 v26, v27;
	v26 =	vor.u32 v6, v9;
	v27 =	vld.idx.msk [tilespmem:v56+s19+$0x0], $0xffff  }
0x45d: {  	v60 =	vsel vm6, $0x3F800000, v1;
	vm8 =	vgt.f32 v59, v25;
	v25 =	vld [tilespmem:s11+$0xFFFFFF20]  }
0x45e: {  	vm7 =	vgt.f32 v57, v18;
	[tilespmem:s12+$0x0] =	vst v60;
	v17 =	vld.idx.msk [tilespmem:v17+s19+$0x0], $0xffff  }
0x45f: {  	v16 =	vor.u32 v8, v16;
	v18 =	vsel vm7, $0x3F800000, v1;
	v28 =	vld.idx.msk [tilespmem:v58+s19+$0x0], $0xffff  }
0x460: {  	vm10 =	vgt.f32 v20, v23;
	v61 =	vld [tilespmem:s11+$0x10];
	[tilespmem:s9+$0x40] =	vst v18  }
0x461: {  	v23 =	vsel vm10, $0x3F800000, v1;
	vm9 =	vgt.f32 v21, v19;
	v19 =	vor.u32 v6, v11;
	v26 =	vld.idx.msk [tilespmem:v26+s19+$0x0], $0xffff  }
0x462: {  	v20 =	vor.u32 v4, v14;
	[tilespmem:s9+$0xFFFFFF40] =	vst v23;
	v21 =	vsel vm9, $0x3F800000, v1;
	v63 =	vld [tilespmem:s10+$0x50]  }
0x463: {  	v18 =	vsel vm8, $0x3F800000, v1;
	[tilespmem:s9+$0xE0] =	vst v21;
	v21 =	vld [tilespmem:s10+$0xFFFFFF50]  }
0x464: {  	[tilespmem:s12+$0xFFFFFFA0] =	vst v18;
	v16 =	vld.idx.msk [tilespmem:v16+s19+$0x0], $0xffff;
	vm11 =	vgt.f32 v24, v17  }
0x465: {  	v18 =	vld [tilespmem:s11+$0xFFFFFFB0];
	vm12 =	vgt.f32 v61, v28;
	v23 =	vsel vm11, $0x3F800000, v1  }
0x466: {  	vm13 =	vgt.f32 v62, v22;
	vm14 =	vgt.f32 v25, v27;
	v24 =	vsel vm12, $0x3F800000, v1;
	[tilespmem:s12+$0xA0] =	vst v23;
	v23 =	vld.idx.msk [tilespmem:v19+s19+$0x0], $0xffff  }
0x467: {  	v25 =	vor.u32 v7, v9;
	[tilespmem:s12+$0x10] =	vst v24;
	v22 =	vld.idx.msk [tilespmem:v20+s19+$0x0], $0xffff;
	v20 =	vsel vm13, $0x3F800000, v1;
	vm15 =	vgt.f32 v63, v26  }
0x468: {  	s0 =	simm.s32 $0x8;
	s13 =	simm.s32 $0xF600;
	s14 =	simm.s32 $0x5300;
	v17 =	vor.u32 v4, v12;
	v24 =	vsel vm14, $0x3F800000, v1;
	v19 =	vld [tilespmem:s11+$0x20];
	[tilespmem:s9+$0xFFFFFFD0] =	vst v20;
	v26 =	vsel vm15, $0x3F800000, v1  }
.LBB2_18:
0x469: {  	s7 =	sadd.s32 $0x1, s0  }
0x46a: {  	v20 =	vmov s0;
	v27 =	vld [tilespmem:s11+$0xB0];
	s14 =	sadd.s32 $0x200, s14;
	s25 =	smov.u32 s0;
	s18 =	sadd.s32 $0x4, s0  }
0x46b: {  	p0 =	slt.u32 s0, $0x9C;
	v28 =	vand.u32 $0xFFFFFFFC, v20;
	v29 =	vmov s7;
	s7 =	sadd.s32 $0x2, s25;
	s25 =	sadd.s32 $0x3, s25;
	v20 =	vld [tilespmem:s14+$0x80];
	[tilespmem:s9+$0x50] =	vst v26  }
0x46c: {  	v26 =	vbroadcast v28, $0x0;
	v28 =	vand.u32 $0xFFFFFFFD, v29;
	v29 =	vor.u32 v7, v11;
	v25 =	vld.idx.msk [tilespmem:v25+s19+$0x0], $0xffff  }
0x46d: {  	v30 =	vmov s7;
	vm0 =	vgt.f32 v21, v23;
	v28 =	vbroadcast v28, $0x0;
	v21 =	vld [tilespmem:s10+$0xFFFFFFE0]  }
0x46e: {  	v23 =	vand.u32 $0xFFFFFFFE, v30;
	[tilespmem:s12+$0xFFFFFF20] =	vst v24;
	v24 =	vsel vm0, $0x3F800000, v1;
	v30 =	vld [tilespmem:s10+$0x60]  }
0x46f: {  	v17 =	vld.idx.msk [tilespmem:v17+s19+$0x0], $0xffff;
	vm0 =	vgt.f32 v27, v22;
	[tilespmem:s9+$0xFFFFFF50] =	vst v24  }
0x470: {  	v27 =	vor.u32 v5, v14;
	v22 =	vld [tilespmem:s11+$0xFFFFFF30];
	v24 =	vsel vm0, $0x3F800000, v1  }
0x471: {  	v31 =	vor.u32 v7, v10;
	[tilespmem:s12+$0xB0] =	vst v24;
	v24 =	vld [tilespmem:s10+$0xFFFFFF60]  }
0x472: {  	v32 =	vor.u32 v4, v13;
	v29 =	vld.idx.msk [tilespmem:v29+s19+$0x0], $0xffff  }
0x473: {  	v28 =	vld.idx.msk [tilespmem:v28+s22+$0x0], $0xffff;
	vm0 =	vgt.f32 v30, v25  }
0x474: {  	v30 =	vor.u32 v5, v12;
	v25 =	vld.idx.msk [tilespmem:v26+s22+$0x0], $0xffff;
	v26 =	vmov s25;
	v33 =	vsel vm0, $0x3F800000, v1  }
0x475: {  	v23 =	vbroadcast v23, $0x0;
	vm0 =	vgt.f32 v22, v17;
	v22 =	vld.idx.msk [tilespmem:v27+s19+$0x0], $0xffff;
	[tilespmem:s9+$0x60] =	vst v33  }
0x476: {  	v17 =	vsel vm0, $0x3F800000, v1;
	v27 =	vld.idx.msk [tilespmem:v31+s19+$0x0], $0xffff  }
0x477: {  	[tilespmem:s12+$0xFFFFFF30] =	vst v17;
	v31 =	vld.idx.msk [tilespmem:v32+s19+$0x0], $0xffff;
	v32 =	vor.u32 v8, v11;
	v11 =	vmov v12  }
0x478: {  	vm0 =	vgt.f32 v24, v29;
	v33 =	vld [tilespmem:s11+$0xFFFFFF40]  }
0x479: {  	v17 =	vsel vm0, $0x3F800000, v1;
	v24 =	vld.idx.msk [tilespmem:v30+s19+$0x0], $0xffff  }
0x47a: {  	v12 =	vshll.u32 v25, $0x7;
	v25 =	vld.idx.msk [tilespmem:v26+s22+$0x0], $0xffff;
	[tilespmem:s9+$0xFFFFFF60] =	vst v17;
	v26 =	vor.u32 v8, v10;
	v10 =	vmov v13  }
0x47b: {  	v17 =	vor.u32 v4, v12;
	v29 =	vld [tilespmem:s10+$0xFFFFFF70]  }
0x47c: {  	v30 =	vor.u32 v0, v12;
	vm0 =	vgt.f32 v21, v27;
	v32 =	vld.idx.msk [tilespmem:v32+s19+$0x0], $0xffff  }
0x47d: {  	vm1 =	vgt.f32 v18, v31;
	v18 =	vor.u32 v3, v15;
	v21 =	vsel vm0, $0x3F800000, v1;
	v27 =	vld [tilespmem:s10+$0xF0]  }
0x47e: {  	v13 =	vshll.u32 v28, $0x7;
	v28 =	vsel vm1, $0x3F800000, v1;
	v31 =	vld [tilespmem:s11+$0xC0];
	[tilespmem:s9+$0xFFFFFFE0] =	vst v21;
	v21 =	vor.u32 v8, v9;
	v9 =	vmovc v15  }
0x47f: {  	v15 =	vor.u32 v0, v13;
	vm0 =	vgt.f32 v33, v24;
	[tilespmem:s12+$0xFFFFFFB0] =	vst v28;
	v24 =	vld.idx.msk [tilespmem:v26+s19+$0x0], $0xffff  }
0x480: {  	v26 =	vsel vm0, $0x3F800000, v1;
	v28 =	vld [tilespmem:s10+$0xFFFFFFF0]  }
0x481: {  	[tilespmem:s12+$0xFFFFFF40] =	vst v26;
	v26 =	vld [tilespmem:s10+$0x70];
	s10 =	smov.u32 s11;
	s11 =	smov.u32 s14  }
0x482: {  	v18 =	vld.idx.msk [tilespmem:v18+s19+$0x0], $0xffff;
	vm0 =	vgt.f32 v27, v16  }
0x483: {  	v27 =	vld [tilespmem:s14+$0xFFFFFF00];
	vm1 =	vgt.f32 v31, v22;
	v22 =	vsel vm0, $0x3F800000, v1  }
0x484: {  	v16 =	vshll.u32 v25, $0x7;
	v30 =	vld.idx.msk [tilespmem:v30+s19+$0x0], $0xffff;
	v25 =	vsel vm1, $0x3F800000, v1;
	[tilespmem:s9+$0xF0] =	vst v22  }
0x485: {  	s12 =	sadd.s32 $0x200, s12;
	vm0 =	vgt.f32 v29, v32;
	v22 =	vor.u32 v0, v16;
	[tilespmem:s13+$0xC0] =	vst v25;
	v21 =	vld.idx.msk [tilespmem:v21+s19+$0x0], $0xffff  }
0x486: {  	v29 =	vsel vm0, $0x3F800000, v1;
	v25 =	vor.u32 v6, v14;
	vm0 =	vgt.f32 v28, v24;
	v23 =	vld.idx.msk [tilespmem:v23+s22+$0x0], $0xffff  }
0x487: {  	v28 =	vor.u32 v5, v10;
	v24 =	vld.idx.msk [tilespmem:v15+s19+$0x0], $0xffff;
	[tilespmem:s9+$0xFFFFFF70] =	vst v29;
	v15 =	vsel vm0, $0x3F800000, v1  }
0x488: {  	vm0 =	vgt.f32 v19, v18;
	v29 =	vld [tilespmem:s14+$0x0];
	[tilespmem:s9+$0xFFFFFFF0] =	vst v15  }
0x489: {  	v32 =	vor.u32 v4, v9;
	v19 =	vor.u32 v2, v13;
	v31 =	vsel vm0, $0x3F800000, v1;
	v18 =	vld [tilespmem:s14+$0xFFFFFF80]  }
0x48a: {  	v22 =	vld.idx.msk [tilespmem:v22+s19+$0x0], $0xffff  }
0x48b: {  	vm0 =	vgt.f32 v27, v30;
	vm1 =	vgt.f32 v26, v21;
	v25 =	vld.idx.msk [tilespmem:v25+s19+$0x0], $0xffff  }
0x48c: {  	v21 =	vsel vm0, $0x3F800000, v1;
	v15 =	vshll.u32 v23, $0x7;
	v26 =	vsel vm1, $0x3F800000, v1;
	v23 =	vld.idx.msk [tilespmem:v28+s19+$0x0], $0xffff;
	[tilespmem:s13+$0x20] =	vst v31  }
0x48d: {  	v27 =	vld [tilespmem:s10+$0xFFFFFFC0];
	[tilespmem:s9+$0x70] =	vst v26;
	s9 =	smov.u32 s13;
	s13 =	smov.u32 s12  }
0x48e: {  	vm0 =	vgt.f32 v18, v24;
	v18 =	vor.u32 v2, v16;
	v24 =	vld.idx.msk [tilespmem:v32+s19+$0x0], $0xffff  }
0x48f: {  	v26 =	vor.u32 v2, v12;
	v28 =	vsel vm0, $0x3F800000, v1;
	v30 =	vld [tilespmem:s10+$0x30]  }
0x490: {  	vm0 =	vgt.f32 v20, v22;
	[tilespmem:s12+$0xFFFFFF80] =	vst v28;
	v20 =	vld [tilespmem:s10+$0xD0]  }
0x491: {  	v28 =	vsel vm0, $0x3F800000, v1;
	v22 =	vld [tilespmem:s14+$0xFFFFFF90]  }
0x492: {  	v19 =	vld.idx.msk [tilespmem:v19+s19+$0x0], $0xffff;
	[tilespmem:s12+$0x80] =	vst v28;
	vm0 =	vgt.f32 v27, v23;
	v23 =	vor.u32 v6, v10  }
0x493: {  	v27 =	vor.u32 v7, v14;
	[tilespmem:s12+$0xFFFFFF00] =	vst v21;
	v18 =	vld.idx.msk [tilespmem:v18+s19+$0x0], $0xffff;
	v21 =	vsel vm0, $0x3F800000, v1  }
0x494: {  	v28 =	vor.u32 v0, v15;
	v26 =	vld.idx.msk [tilespmem:v26+s19+$0x0], $0xffff;
	[tilespmem:s9+$0xFFFFFFC0] =	vst v21;
	vm0 =	vgt.f32 v30, v24  }
0x495: {  	v30 =	vor.u32 v5, v9;
	v21 =	vld [tilespmem:s14+$0xFFFFFF10];
	v24 =	vsel vm0, $0x3F800000, v1;
	vm0 =	vgt.f32 v20, v25  }
0x496: {  	v20 =	vor.u32 v3, v13;
	v25 =	vld [tilespmem:s14+$0x90];
	[tilespmem:s9+$0x30] =	vst v24;
	v24 =	vsel vm0, $0x3F800000, v1  }
0x497: {  	v31 =	vld.idx.msk [tilespmem:v23+s19+$0x0], $0xffff;
	[tilespmem:s9+$0xD0] =	vst v24  }
0x498: {  	vm0 =	vgt.f32 v22, v19;
	v19 =	vld.idx.msk [tilespmem:v27+s19+$0x0], $0xffff  }
0x499: {  	v24 =	vor.u32 v3, v16;
	v22 =	vsel vm0, $0x3F800000, v1;
	v23 =	vld.idx.msk [tilespmem:v28+s19+$0x0], $0xffff  }
0x49a: {  	vm0 =	vgt.f32 v21, v26;
	v21 =	vld.idx.msk [tilespmem:v30+s19+$0x0], $0xffff  }
0x49b: {  	v26 =	vor.u32 v3, v12;
	vm1 =	vgt.f32 v25, v18;
	v18 =	vld [tilespmem:s10+$0x40]  }
0x49c: {  	[tilespmem:s12+$0xFFFFFF90] =	vst v22;
	v22 =	vsel vm1, $0x3F800000, v1;
	v25 =	vld [tilespmem:s10+$0xE0]  }
0x49d: {  	v27 =	vor.u32 v2, v15;
	v20 =	vld.idx.msk [tilespmem:v20+s19+$0x0], $0xffff;
	[tilespmem:s12+$0x90] =	vst v22  }
0x49e: {  	v22 =	vsel vm0, $0x3F800000, v1;
	v28 =	vld [tilespmem:s14+$0xFFFFFFA0]  }
0x49f: {  	vm0 =	vgt.f32 v29, v23;
	v23 =	vor.u32 v6, v9;
	[tilespmem:s12+$0xFFFFFF10] =	vst v22;
	v22 =	vld [tilespmem:s14+$0xA0]  }
0x4a0: {  	v29 =	vsel vm0, $0x3F800000, v1;
	v26 =	vld.idx.msk [tilespmem:v26+s19+$0x0], $0xffff;
	vm0 =	vgt.f32 v18, v21  }
0x4a1: {  	[tilespmem:s12+$0x0] =	vst v29;
	v18 =	vld.idx.msk [tilespmem:v24+s19+$0x0], $0xffff;
	v21 =	vsel vm0, $0x3F800000, v1;
	vm0 =	vgt.f32 v25, v19  }
0x4a2: {  	v19 =	vld.idx.msk [tilespmem:v27+s19+$0x0], $0xffff;
	v27 =	vor.u32 v4, v16;
	[tilespmem:s9+$0x40] =	vst v21;
	v21 =	vsel vm0, $0x3F800000, v1  }
0x4a3: {  	vm0 =	vgt.f32 v28, v20;
	v20 =	vld [tilespmem:s14+$0x10];
	[tilespmem:s9+$0xE0] =	vst v21  }
0x4a4: {  	v21 =	vsel vm0, $0x3F800000, v1;
	v28 =	vld.idx.msk [tilespmem:v23+s19+$0x0], $0xffff;
	v23 =	vor.u32 v8, v14;
	v14 =	vmov v16  }
0x4a5: {  	v24 =	vld [tilespmem:s14+$0xFFFFFF20];
	[tilespmem:s12+$0xFFFFFFA0] =	vst v21  }
0x4a6: {  	v25 =	vor.u32 v6, v11;
	v29 =	vld [tilespmem:s10+$0xFFFFFFD0]  }
0x4a7: {  	vm0 =	vgt.f32 v22, v18;
	v30 =	vld [tilespmem:s10+$0x50]  }
0x4a8: {  	v18 =	vld [tilespmem:s14+$0xFFFFFFB0];
	vm1 =	vgt.f32 v20, v19;
	v19 =	vsel vm0, $0x3F800000, v1  }
.Ltmp12:
0x4a9: {  	v20 =	vsel vm1, $0x3F800000, v1;
	v16 =	vld.idx.msk [tilespmem:v23+s19+$0x0], $0xffff;
	(pc) =	sbr.rel @p0 .LBB2_18-.Ltmp12, $4  }
0x4aa: {  	vm0 =	vgt.f32 v24, v26;
	v21 =	vld [tilespmem:s10+$0xFFFFFF50]  }
0x4ab: {  	v24 =	vsel vm0, $0x3F800000, v1;
	[tilespmem:s12+$0xA0] =	vst v19;
	v23 =	vld.idx.msk [tilespmem:v25+s19+$0x0], $0xffff;
	vm0 =	vgt.f32 v29, v31;
	v25 =	vor.u32 v7, v9  }
0x4ac: {  	[tilespmem:s12+$0x10] =	vst v20;
	v22 =	vld.idx.msk [tilespmem:v27+s19+$0x0], $0xffff;
	v20 =	vsel vm0, $0x3F800000, v1;
	vm0 =	vgt.f32 v30, v28  }
0x4ad: {  	s0 =	smov.u32 s18;
	v19 =	vld [tilespmem:s14+$0x20];
	[tilespmem:s9+$0xFFFFFFD0] =	vst v20;
	v26 =	vsel vm0, $0x3F800000, v1  }
0x4ae: {  	_ =	sdelay $0x1  }
0x4af: {  	v20 =	vld [tilespmem:s11+$0xB0]  }
0x4b0: {  	[tilespmem:s9+$0x50] =	vst v26;
	v35 =	vor.u32 v3, v15;
	v27 =	vld [tilespmem:s10+$0xFFFFFFE0]  }
0x4b1: {  	[tilespmem:s12+$0xFFFFFF20] =	vst v24;
	v25 =	vld.idx.msk [tilespmem:v25+s19+$0x0], $0xffff  }
0x4b2: {  	v36 =	vor.u32 v7, v11;
	v17 =	vld.idx.msk [tilespmem:v17+s19+$0x0], $0xffff  }
0x4b3: {  	v30 =	vor.u32 v7, v10;
	v37 =	vld [tilespmem:s11+$0xFFFFFF30];
	vm0 =	vgt.f32 v21, v23  }
0x4b4: {  	v39 =	vor.u32 v4, v13;
	v29 =	vld [tilespmem:s10+$0x60];
	v28 =	vsel vm0, $0x3F800000, v1  }
0x4b5: {  	v38 =	vor.u32 v5, v14;
	[tilespmem:s9+$0xFFFFFF50] =	vst v28;
	v40 =	vld.idx.msk [tilespmem:v35+s19+$0x0], $0xffff  }
0x4b6: {  	v28 =	vld [tilespmem:s10+$0xFFFFFF60]  }
0x4b7: {  	vm13 =	vgt.f32 v20, v22;
	v24 =	vld.idx.msk [tilespmem:v36+s19+$0x0], $0xffff  }
0x4b8: {  	v44 =	vor.u32 v4, v15;
	v30 =	vld.idx.msk [tilespmem:v30+s19+$0x0], $0xffff;
	v41 =	vsel vm13, $0x3F800000, v1  }
0x4b9: {  	v20 =	vld.idx.msk [tilespmem:v39+s19+$0x0], $0xffff;
	vm14 =	vgt.f32 v37, v17;
	[tilespmem:s12+$0xB0] =	vst v41  }
0x4ba: {  	v42 =	vor.u32 v5, v12;
	v45 =	vsel vm14, $0x3F800000, v1;
	v43 =	vld.idx.msk [tilespmem:v38+s19+$0x0], $0xffff;
	vm15 =	vgt.f32 v19, v40  }
0x4bb: {  	[tilespmem:s12+$0xFFFFFF30] =	vst v45;
	v50 =	vld [tilespmem:s11+$0xC0];
	v22 =	vsel vm15, $0x3F800000, v1  }
0x4bc: {  	v9 =	vor.u32 v8, v9;
	v46 =	vld [tilespmem:s11+$0xFFFFFF40];
	[tilespmem:s13+$0x20] =	vst v22  }
0x4bd: {  	v21 =	vld.idx.msk [tilespmem:v44+s19+$0x0], $0xffff  }
0x4be: {  	v11 =	vor.u32 v8, v11;
	vm13 =	vgt.f32 v29, v25;
	v48 =	vld [tilespmem:s11+$0x30]  }
0x4bf: {  	v49 =	vor.u32 v5, v13;
	v45 =	vsel vm13, $0x3F800000, v1;
	v23 =	vld.idx.msk [tilespmem:v42+s19+$0x0], $0xffff;
	vm4 =	vgt.f32 v28, v24  }
0x4c0: {  	[tilespmem:s9+$0x60] =	vst v45;
	vm1 =	vgt.f32 v18, v20;
	v18 =	vld [tilespmem:s10+$0xF0];
	v47 =	vsel vm4, $0x3F800000, v1  }
0x4c1: {  	v52 =	vor.u32 v5, v15;
	v9 =	vld.idx.msk [tilespmem:v9+s19+$0x0], $0xffff;
	[tilespmem:s9+$0xFFFFFF60] =	vst v47  }
0x4c2: {  	v53 =	vsel vm1, $0x3F800000, v1;
	v24 =	vld [tilespmem:s10+$0xFFFFFF70]  }
0x4c3: {  	v10 =	vor.u32 v8, v10;
	[tilespmem:s12+$0xFFFFFFB0] =	vst v53;
	v11 =	vld.idx.msk [tilespmem:v11+s19+$0x0], $0xffff;
	vm6 =	vgt.f32 v48, v21  }
0x4c4: {  	v54 =	vor.u32 v6, v14;
	v55 =	vld.idx.msk [tilespmem:v49+s19+$0x0], $0xffff;
	v22 =	vsel vm6, $0x3F800000, v1  }
0x4c5: {  	vm5 =	vgt.f32 v27, v30;
	v56 =	vld [tilespmem:s11+$0xFFFFFFC0];
	[tilespmem:s13+$0x30] =	vst v22  }
0x4c6: {  	v51 =	vsel vm5, $0x3F800000, v1;
	vm7 =	vgt.f32 v50, v43;
	v20 =	vld.idx.msk [tilespmem:v52+s19+$0x0], $0xffff  }
0x4c7: {  	v58 =	vor.u32 v6, v12;
	[tilespmem:s9+$0xFFFFFFE0] =	vst v51;
	v57 =	vsel vm7, $0x3F800000, v1;
	v59 =	vld [tilespmem:s11+$0x40]  }
0x4c8: {  	v62 =	vor.u32 v6, v13;
	v10 =	vld.idx.msk [tilespmem:v10+s19+$0x0], $0xffff;
	vm8 =	vgt.f32 v46, v23;
	[tilespmem:s13+$0xC0] =	vst v57  }
0x4c9: {  	v60 =	vsel vm8, $0x3F800000, v1;
	v61 =	vld.idx.msk [tilespmem:v54+s19+$0x0], $0xffff  }
0x4ca: {  	v32 =	vor.u32 v6, v15;
	[tilespmem:s12+$0xFFFFFF40] =	vst v60;
	v63 =	vld [tilespmem:s11+$0xD0];
	vm9 =	vgt.f32 v56, v55  }
0x4cb: {  	v33 =	vld [tilespmem:s11+$0xFFFFFF50];
	v34 =	vsel vm9, $0x3F800000, v1  }
0x4cc: {  	v26 =	vld.idx.msk [tilespmem:v58+s19+$0x0], $0xffff;
	[tilespmem:s13+$0xFFFFFFC0] =	vst v34;
	vm10 =	vgt.f32 v59, v20  }
0x4cd: {  	v36 =	vor.u32 v7, v14;
	v37 =	vld.idx.msk [tilespmem:v62+s19+$0x0], $0xffff;
	v38 =	vsel vm10, $0x3F800000, v1  }
0x4ce: {  	v39 =	vld [tilespmem:s11+$0xFFFFFFD0];
	[tilespmem:s13+$0x40] =	vst v38  }
0x4cf: {  	vm11 =	vgt.f32 v63, v61;
	v17 =	vld.idx.msk [tilespmem:v32+s19+$0x0], $0xffff  }
0x4d0: {  	v40 =	vor.u32 v7, v12;
	v23 =	vsel vm11, $0x3F800000, v1;
	v41 =	vld [tilespmem:s11+$0x50]  }
0x4d1: {  	v35 =	vld [tilespmem:s10+$0xFFFFFFF0];
	vm12 =	vgt.f32 v33, v26;
	[tilespmem:s13+$0xD0] =	vst v23  }
0x4d2: {  	v44 =	vor.u32 v7, v13;
	v42 =	vsel vm12, $0x3F800000, v1;
	v19 =	vld.idx.msk [tilespmem:v36+s19+$0x0], $0xffff  }
0x4d3: {  	v46 =	vor.u32 v7, v15;
	v43 =	vld [tilespmem:s11+$0xE0];
	[tilespmem:s13+$0xFFFFFF50] =	vst v42;
	vm14 =	vgt.f32 v39, v37  }
0x4d4: {  	v47 =	vld [tilespmem:s11+$0xFFFFFF60];
	v48 =	vsel vm14, $0x3F800000, v1  }
0x4d5: {  	v27 =	vld.idx.msk [tilespmem:v40+s19+$0x0], $0xffff;
	[tilespmem:s13+$0xFFFFFFD0] =	vst v48;
	vm15 =	vgt.f32 v41, v17  }
0x4d6: {  	v50 =	vor.u32 v8, v14;
	v26 =	vld [tilespmem:s11+$0xFFFFFFE0];
	v21 =	vsel vm15, $0x3F800000, v1  }
0x4d7: {  	v51 =	vld.idx.msk [tilespmem:v44+s19+$0x0], $0xffff;
	[tilespmem:s13+$0x50] =	vst v21  }
0x4d8: {  	vm4 =	vgt.f32 v43, v19;
	v52 =	vld.idx.msk [tilespmem:v46+s19+$0x0], $0xffff  }
0x4d9: {  	v53 =	vor.u32 v8, v12;
	v54 =	vsel vm4, $0x3F800000, v1;
	v55 =	vld [tilespmem:s11+$0x60]  }
0x4da: {  	v49 =	vld [tilespmem:s10+$0x70];
	v57 =	vor.u32 v8, v13;
	vm5 =	vgt.f32 v47, v27;
	[tilespmem:s13+$0xE0] =	vst v54  }
0x4db: {  	v56 =	vsel vm5, $0x3F800000, v1;
	v14 =	vld.idx.msk [tilespmem:v50+s19+$0x0], $0xffff  }
0x4dc: {  	[tilespmem:s13+$0xFFFFFF60] =	vst v56;
	v59 =	vld [tilespmem:s11+$0xF0];
	vm6 =	vgt.f32 v26, v51  }
0x4dd: {  	v58 =	vor.u32 v8, v15;
	v20 =	vld [tilespmem:s11+$0xFFFFFF70];
	v21 =	vsel vm6, $0x3F800000, v1  }
0x4de: {  	v12 =	vld.idx.msk [tilespmem:v53+s19+$0x0], $0xffff;
	[tilespmem:s13+$0xFFFFFFE0] =	vst v21;
	vm7 =	vgt.f32 v55, v52  }
0x4df: {  	v13 =	vld.idx.msk [tilespmem:v57+s19+$0x0], $0xffff;
	v60 =	vsel vm7, $0x3F800000, v1  }
0x4e0: {  	vm8 =	vgt.f32 v18, v16;
	v61 =	vld [tilespmem:s11+$0xFFFFFFF0];
	[tilespmem:s13+$0x60] =	vst v60  }
0x4e1: {  	v18 =	vsel vm8, $0x3F800000, v1;
	vm9 =	vgt.f32 v24, v11;
	v11 =	vld [tilespmem:s11+$0x70]  }
0x4e2: {  	[tilespmem:s9+$0xF0] =	vst v18;
	v62 =	vsel vm9, $0x3F800000, v1;
	vm11 =	vgt.f32 v49, v9;
	vm10 =	vgt.f32 v35, v10;
	v10 =	vld.idx.msk [tilespmem:v58+s19+$0x0], $0xffff  }
0x4e3: {  	[tilespmem:s9+$0xFFFFFF70] =	vst v62;
	v9 =	vsel vm11, $0x3F800000, v1  }
0x4e4: {  	[tilespmem:s9+$0x70] =	vst v9;
	v63 =	vsel vm10, $0x3F800000, v1;
	vm12 =	vgt.f32 v59, v14  }
0x4e5: {  	[tilespmem:s9+$0xFFFFFFF0] =	vst v63;
	v9 =	vsel vm12, $0x3F800000, v1;
	vm13 =	vgt.f32 v20, v12  }
0x4e6: {  	p0 =	sgt.u32 s8, $0x210;
	[tilespmem:s13+$0xF0] =	vst v9;
	v9 =	vsel vm13, $0x3F800000, v1;
	vm14 =	vgt.f32 v61, v13  }
0x4e7: {  	s0 =	smul.u32 $0xA00, s8;
	s7 =	sadd.s32 @!p0 $0x60, s8;
	[tilespmem:s13+$0xFFFFFF70] =	vst v9;
	v9 =	vsel vm14, $0x3F800000, v1;
	vm15 =	vgt.f32 v11, v10  }
0x4e8: {  	s8 =	smul.u32 @!p0 $0xA00, s7;
	[tilespmem:s13+$0xFFFFFFF0] =	vst v9;
	v9 =	vsel vm15, $0x3F800000, v1  }
0x4e9: {  	s0 =	sadd.s32 s4, s0;
	s7 =	smul.u32 @!p0 $0x14, s7;
	[tilespmem:s13+$0x70] =	vst v9  }
0x4ea: {  	[hbm4b:s0+s6] =	stream.linear.scatter [tilespmem:s28], [sflag:$0x4], $0x5000, $0x38;
	[tilespmem:$0x19F00] =	vst v63  }
0x4eb: {  	s9 =	simm.s32 @!p0 $0x5000;
	s0 =	sadd.s32 @!p0 s1, s8;
	s8 =	simm.s32 @!p0 $0x0  }
0x4ec: {  	[tilespmem:s9], [sflag:$0x2] =	stream.linear.gather @!p0 [hbm4b:s0+s8], $0x5000, $0x38;
	[tilespmem:$0x19F00] =	vst v63  }
0x4ed: {  	s0 =	sadd.s32 @!p0 s2, s7;
	s7 =	simm.s32 @!p0 $0xF100  }
0x4ee: {  	[tilespmem:s7], [sflag:$0x2] =	stream.linear.gather @!p0 [hbm4b:s0+s8], $0xA0, $0x38;
	[tilespmem:$0x19F00] =	vst v63  }
.LBB2_20:
0x4ef: {  	s8 =	sadd.s32 s17, s23  }
0x4f0: {  	p0 =	sgt.u32 s8, $0x2B0  }
0x4f1: {  	p1 =	sgt.u32 @!p0 s8, $0x270  }
0x4f2: {  	p1 =	por p0, p1  }
.Ltmp13:
0x4f3: {  	_ = 	snop;
	(pc) =	sbr.rel @p1 .LBB2_24-.Ltmp13, $4  }
0x4f4: {  	s0 =	simm.s32 @!p0 $0x5  }
0x4f5: {  	_ =	swait.ge @!p0 [sflag:s0], $0x5000  }
0x4f6: {  	[sflag:s0] =	ssyncset.done @!p0 $0x0  }
0x4f7: {  	[sflag:s0] =	ssyncadd.s32 @!p0 $0xFFFFB000  }
0x4f8: {  	s0 =	simm.s32 $0x1  }
0x4f9: {  	v9 =	vmov s0  }
0x4fa: {  	v9 =	vand.u32 $0xFFFFFFFD, v9  }
0x4fb: {  	_ =	swait.ge [sflag:s3], $0x5000;
	s12 =	simm.s32 $0x0;
	v9 =	vbroadcast v9, $0x0  }
0x4fc: {  	[sflag:s3] =	ssyncset.done $0x0;
	v10 =	vmov s12  }
0x4fd: {  	s13 =	simm.s32 $0x3;
	[sflag:s3] =	ssyncadd.s32 $0xFFFFB000;
	v10 =	vand.u32 $0xFFFFFFFC, v10  }
0x4fe: {  	v11 =	vmov s13;
	_ =	swait.ge [sflag:s3], $0xA0;
	v10 =	vbroadcast v10, $0x0  }
0x4ff: {  	[sflag:s3] =	ssyncset.done $0x0  }
0x500: {  	[sflag:s3] =	ssyncadd.s32 $0xFFFFFF60  }
0x501: {  	v9 =	vld.idx.msk [tilespmem:v9+s24+$0x0], $0xffff;
	_ =	sdelay $0x1  }
0x502: {  	v11 =	vld.idx.msk [tilespmem:v11+s24+$0x0], $0xffff  }
0x503: {  	v12 =	vld.idx.msk [tilespmem:v10+s24+$0x0], $0xffff;
	_ =	sdelay $0x1  }
0x504: {  	v10 =	vshll.u32 v9, $0x7  }
0x505: {  	s14 =	simm.s32 $0x2;
	v9 =	vor.u32 v0, v10  }
0x506: {  	v16 =	vshll.u32 v11, $0x7;
	v11 =	vmov s14  }
0x507: {  	s10 =	simm.s32 $0xA100;
	v13 =	vor.u32 v0, v16;
	v14 =	vand.u32 $0xFFFFFFFE, v11;
	v11 =	vshll.u32 v12, $0x7  }
0x508: {  	v15 =	vld [tilespmem:s10+$0xFFFFFF80];
	v12 =	vbroadcast v14, $0x0;
	v14 =	vor.u32 v0, v11  }
0x509: {  	v17 =	vld [tilespmem:s10+$0x80]  }
0x50a: {  	v9 =	vld.idx.msk [tilespmem:v9+s19+$0x0], $0xffff  }
0x50b: {  	v18 =	vld [tilespmem:s10+$0xFFFFFF00]  }
0x50c: {  	v13 =	vld.idx.msk [tilespmem:v13+s19+$0x0], $0xffff  }
0x50d: {  	v14 =	vld.idx.msk [tilespmem:v14+s19+$0x0], $0xffff  }
0x50e: {  	v19 =	vor.u32 v2, v10;
	v12 =	vld.idx.msk [tilespmem:v12+s24+$0x0], $0xffff  }
0x50f: {  	vm0 =	vgt.f32 v15, v9;
	v15 =	vor.u32 v2, v16  }
0x510: {  	s9 =	simm.s32 $0x14400;
	v9 =	vsel vm0, $0x3F800000, v1  }
0x511: {  	vm7 =	vgt.f32 v17, v13;
	v13 =	vor.u32 v2, v11;
	[tilespmem:s9+$0xFFFFFF80] =	vst v9  }
0x512: {  	v9 =	vsel vm7, $0x3F800000, v1;
	v17 =	vld [tilespmem:s10+$0xFFFFFF90]  }
0x513: {  	vm8 =	vgt.f32 v18, v14;
	v19 =	vld.idx.msk [tilespmem:v19+s19+$0x0], $0xffff;
	[tilespmem:s9+$0x80] =	vst v9;
	v9 =	vshll.u32 v12, $0x7  }
0x514: {  	v14 =	vsel vm8, $0x3F800000, v1;
	v12 =	vld.idx.msk [tilespmem:v15+s19+$0x0], $0xffff;
	v15 =	vor.u32 v0, v9  }
0x515: {  	[tilespmem:s9+$0xFFFFFF00] =	vst v14;
	v18 =	vld [tilespmem:s10+$0x90]  }
0x516: {  	v14 =	vor.u32 v3, v10;
	v13 =	vld.idx.msk [tilespmem:v13+s19+$0x0], $0xffff  }
0x517: {  	v20 =	vld [tilespmem:s10+$0xFFFFFF10]  }
0x518: {  	v21 =	vld [tilespmem:s10+$0x0];
	vm9 =	vgt.f32 v17, v19  }
0x519: {  	v17 =	vor.u32 v3, v16;
	v19 =	vsel vm9, $0x3F800000, v1;
	v15 =	vld.idx.msk [tilespmem:v15+s19+$0x0], $0xffff  }
0x51a: {  	vm10 =	vgt.f32 v18, v12;
	[tilespmem:s9+$0xFFFFFF90] =	vst v19  }
0x51b: {  	v12 =	vor.u32 v3, v11;
	v18 =	vsel vm10, $0x3F800000, v1;
	v14 =	vld.idx.msk [tilespmem:v14+s19+$0x0], $0xffff  }
0x51c: {  	vm11 =	vgt.f32 v20, v13;
	v13 =	vor.u32 v2, v9;
	v20 =	vld [tilespmem:s10+$0xFFFFFFA0];
	[tilespmem:s9+$0x90] =	vst v18  }
0x51d: {  	v19 =	vsel vm11, $0x3F800000, v1;
	v18 =	vld [tilespmem:s10+$0xA0]  }
0x51e: {  	[tilespmem:s9+$0xFFFFFF10] =	vst v19;
	v17 =	vld.idx.msk [tilespmem:v17+s19+$0x0], $0xffff;
	vm12 =	vgt.f32 v21, v15  }
0x51f: {  	v19 =	vld [tilespmem:s10+$0xFFFFFF20];
	v15 =	vsel vm12, $0x3F800000, v1  }
0x520: {  	v12 =	vld.idx.msk [tilespmem:v12+s19+$0x0], $0xffff;
	[tilespmem:s9+$0x0] =	vst v15  }
0x521: {  	v15 =	vor.u32 v4, v16;
	v13 =	vld.idx.msk [tilespmem:v13+s19+$0x0], $0xffff  }
0x522: {  	vm1 =	vgt.f32 v20, v14;
	v22 =	vld [tilespmem:s10+$0x10]  }
0x523: {  	s18 =	simm.s32 $0x4;
	s11 =	simm.s32 $0xA300;
	v21 =	vor.u32 v4, v11;
	vm13 =	vgt.f32 v18, v17;
	v18 =	vsel vm1, $0x3F800000, v1  }
0x524: {  	v28 =	vld [tilespmem:s11+$0xFFFFFF00];
	v17 =	vmov s18;
	v14 =	vsel vm13, $0x3F800000, v1;
	[tilespmem:s9+$0xFFFFFFA0] =	vst v18  }
0x525: {  	s23 =	simm.s32 $0x5;
	v24 =	vor.u32 v3, v9;
	[tilespmem:s9+$0xA0] =	vst v14;
	v14 =	vand.u32 $0xFFFFFFFC, v17;
	vm14 =	vgt.f32 v19, v12;
	v19 =	vld [tilespmem:s10+$0xFFFFFFB0]  }
0x526: {  	v14 =	vbroadcast v14, $0x0;
	v17 =	vsel vm14, $0x3F800000, v1;
	v12 =	vld.idx.msk [tilespmem:v15+s19+$0x0], $0xffff;
	v15 =	vmov s23  }
0x527: {  	v18 =	vld [tilespmem:s10+$0xB0];
	[tilespmem:s9+$0xFFFFFF20] =	vst v17;
	v15 =	vand.u32 $0xFFFFFFFD, v15;
	vm15 =	vgt.f32 v22, v13  }
0x528: {  	v17 =	vld.idx.msk [tilespmem:v21+s19+$0x0], $0xffff;
	v13 =	vbroadcast v15, $0x0;
	v15 =	vsel vm15, $0x3F800000, v1  }
0x529: {  	v22 =	vor.u32 v4, v10;
	[tilespmem:s9+$0x10] =	vst v15;
	v15 =	vld [tilespmem:s10+$0xFFFFFF30]  }
0x52a: {  	v21 =	vld [tilespmem:s10+$0x20]  }
0x52b: {  	v20 =	vor.u32 v5, v16;
	v24 =	vld.idx.msk [tilespmem:v24+s19+$0x0], $0xffff  }
0x52c: {  	s25 =	simm.s32 $0x7;
	vm4 =	vgt.f32 v18, v12;
	v12 =	vld.idx.msk [tilespmem:v14+s24+$0x0], $0xffff  }
0x52d: {  	v14 =	vmov s25;
	v18 =	vld [tilespmem:s11+$0x80]  }
0x52e: {  	v23 =	vsel vm4, $0x3F800000, v1;
	v22 =	vld.idx.msk [tilespmem:v22+s19+$0x0], $0xffff  }
0x52f: {  	[tilespmem:s9+$0xB0] =	vst v23;
	v13 =	vld.idx.msk [tilespmem:v13+s24+$0x0], $0xffff  }
0x530: {  	v23 =	vor.u32 v5, v11;
	vm5 =	vgt.f32 v15, v17;
	v15 =	vld.idx.msk [tilespmem:v20+s19+$0x0], $0xffff  }
0x531: {  	v26 =	vld [tilespmem:s10+$0xC0];
	v20 =	vsel vm5, $0x3F800000, v1  }
0x532: {  	v31 =	vor.u32 v5, v10;
	[tilespmem:s9+$0xFFFFFF30] =	vst v20;
	v14 =	vld.idx.msk [tilespmem:v14+s24+$0x0], $0xffff  }
0x533: {  	vm8 =	vgt.f32 v21, v24;
	v20 =	vld [tilespmem:s10+$0xFFFFFF40]  }
0x534: {  	v24 =	vsel vm8, $0x3F800000, v1;
	vm7 =	vgt.f32 v19, v22;
	v19 =	vld [tilespmem:s11+$0xFFFFFF80]  }
0x535: {  	s30 =	simm.s32 $0x6;
	v22 =	vor.u32 v4, v9;
	[tilespmem:s9+$0x20] =	vst v24;
	v23 =	vld.idx.msk [tilespmem:v23+s19+$0x0], $0xffff;
	v32 =	vsel vm7, $0x3F800000, v1;
	v13 =	vshll.u32 v13, $0x7  }
0x536: {  	v17 =	vmov s30;
	v12 =	vshll.u32 v12, $0x7;
	v49 =	vld [tilespmem:s10+$0x30];
	[tilespmem:s9+$0xFFFFFFB0] =	vst v32;
	v27 =	vor.u32 v0, v13  }
0x537: {  	v17 =	vand.u32 $0xFFFFFFFE, v17;
	v25 =	vor.u32 v0, v12;
	v46 =	vld.idx.msk [tilespmem:v31+s19+$0x0], $0xffff;
	v14 =	vshll.u32 v14, $0x7  }
0x538: {  	v17 =	vbroadcast v17, $0x0;
	v24 =	vld [tilespmem:s10+$0xFFFFFFC0];
	v29 =	vor.u32 v0, v14  }
0x539: {  	vm6 =	vgt.f32 v26, v15;
	v26 =	vld [tilespmem:s11+$0x0]  }
0x53a: {  	v30 =	vor.u32 v6, v16;
	v22 =	vld.idx.msk [tilespmem:v22+s19+$0x0], $0xffff  }
0x53b: {  	v50 =	vor.u32 v6, v10;
	v27 =	vld.idx.msk [tilespmem:v27+s19+$0x0], $0xffff  }
0x53c: {  	v15 =	vsel vm6, $0x3F800000, v1;
	v25 =	vld.idx.msk [tilespmem:v25+s19+$0x0], $0xffff  }
0x53d: {  	[tilespmem:s9+$0xC0] =	vst v15;
	vm12 =	vgt.f32 v24, v46;
	v15 =	vld.idx.msk [tilespmem:v29+s19+$0x0], $0xffff  }
0x53e: {  	v17 =	vld.idx.msk [tilespmem:v17+s24+$0x0], $0xffff;
	v51 =	vsel vm12, $0x3F800000, v1  }
0x53f: {  	v47 =	vor.u32 v2, v13;
	v21 =	vld.idx.msk [tilespmem:v30+s19+$0x0], $0xffff;
	[tilespmem:s9+$0xFFFFFFC0] =	vst v51  }
0x540: {  	vm14 =	vgt.f32 v49, v22;
	v22 =	vld.idx.msk [tilespmem:v50+s19+$0x0], $0xffff;
	vm9 =	vgt.f32 v19, v27;
	v19 =	vor.u32 v2, v14  }
0x541: {  	s12 =	simm.s32 $0x14600;
	v62 =	vld [tilespmem:s10+$0xFFFFFFD0];
	v27 =	vor.u32 v2, v12;
	v48 =	vsel vm9, $0x3F800000, v1  }
0x542: {  	[tilespmem:s12+$0xFFFFFF80] =	vst v48;
	vm10 =	vgt.f32 v18, v15;
	v18 =	vld [tilespmem:s10+$0xD0]  }
0x543: {  	vm11 =	vgt.f32 v28, v25;
	v25 =	vld [tilespmem:s11+$0xFFFFFF90];
	v15 =	vsel vm10, $0x3F800000, v1  }
0x544: {  	v28 =	vsel vm11, $0x3F800000, v1;
	v30 =	vld.idx.msk [tilespmem:v47+s19+$0x0], $0xffff;
	[tilespmem:s12+$0x80] =	vst v15  }
0x545: {  	[tilespmem:s12+$0xFFFFFF00] =	vst v28;
	v15 =	vshll.u32 v17, $0x7;
	v17 =	vld.idx.msk [tilespmem:v19+s19+$0x0], $0xffff;
	v19 =	vor.u32 v7, v16  }
0x546: {  	v24 =	vld.idx.msk [tilespmem:v27+s19+$0x0], $0xffff;
	v27 =	vor.u32 v0, v15  }
0x547: {  	v55 =	vor.u32 v3, v13;
	v54 =	vsel vm14, $0x3F800000, v1;
	v52 =	vld [tilespmem:s11+$0xFFFFFF10];
	vm13 =	vgt.f32 v18, v21  }
0x548: {  	[tilespmem:s9+$0x30] =	vst v54;
	v21 =	vld [tilespmem:s11+$0x90];
	v53 =	vsel vm13, $0x3F800000, v1  }
0x549: {  	v57 =	vld [tilespmem:s10+$0x40];
	v18 =	vor.u32 v5, v9;
	vm15 =	vgt.f32 v25, v30;
	[tilespmem:s9+$0xD0] =	vst v53  }
0x54a: {  	v25 =	vsel vm15, $0x3F800000, v1;
	v19 =	vld.idx.msk [tilespmem:v19+s19+$0x0], $0xffff  }
0x54b: {  	v27 =	vld.idx.msk [tilespmem:v27+s19+$0x0], $0xffff;
	[tilespmem:s12+$0xFFFFFF90] =	vst v25  }
0x54c: {  	v56 =	vor.u32 v3, v12;
	v25 =	vld.idx.msk [tilespmem:v55+s19+$0x0], $0xffff  }
0x54d: {  	v59 =	vld [tilespmem:s11+$0xFFFFFFA0];
	vm4 =	vgt.f32 v21, v17  }
0x54e: {  	vm5 =	vgt.f32 v52, v24;
	v18 =	vld.idx.msk [tilespmem:v18+s19+$0x0], $0xffff;
	v17 =	vor.u32 v3, v14;
	v24 =	vsel vm4, $0x3F800000, v1  }
0x54f: {  	v58 =	vor.u32 v2, v15;
	v21 =	vld [tilespmem:s10+$0xE0];
	[tilespmem:s12+$0x90] =	vst v24;
	v24 =	vsel vm5, $0x3F800000, v1  }
0x550: {  	[tilespmem:s12+$0xFFFFFF10] =	vst v24;
	v24 =	vld [tilespmem:s11+$0xA0]  }
0x551: {  	vm6 =	vgt.f32 v26, v27;
	v26 =	vor.u32 v6, v9;
	v27 =	vld.idx.msk [tilespmem:v56+s19+$0x0], $0xffff  }
0x552: {  	v60 =	vsel vm6, $0x3F800000, v1;
	vm8 =	vgt.f32 v59, v25;
	v25 =	vld [tilespmem:s11+$0xFFFFFF20]  }
0x553: {  	vm7 =	vgt.f32 v57, v18;
	[tilespmem:s12+$0x0] =	vst v60;
	v17 =	vld.idx.msk [tilespmem:v17+s19+$0x0], $0xffff  }
0x554: {  	v16 =	vor.u32 v8, v16;
	v18 =	vsel vm7, $0x3F800000, v1;
	v28 =	vld.idx.msk [tilespmem:v58+s19+$0x0], $0xffff  }
0x555: {  	vm10 =	vgt.f32 v20, v23;
	v61 =	vld [tilespmem:s11+$0x10];
	[tilespmem:s9+$0x40] =	vst v18  }
0x556: {  	v23 =	vsel vm10, $0x3F800000, v1;
	vm9 =	vgt.f32 v21, v19;
	v19 =	vor.u32 v6, v11;
	v26 =	vld.idx.msk [tilespmem:v26+s19+$0x0], $0xffff  }
0x557: {  	v20 =	vor.u32 v4, v14;
	[tilespmem:s9+$0xFFFFFF40] =	vst v23;
	v21 =	vsel vm9, $0x3F800000, v1;
	v63 =	vld [tilespmem:s10+$0x50]  }
0x558: {  	v18 =	vsel vm8, $0x3F800000, v1;
	[tilespmem:s9+$0xE0] =	vst v21;
	v21 =	vld [tilespmem:s10+$0xFFFFFF50]  }
0x559: {  	[tilespmem:s12+$0xFFFFFFA0] =	vst v18;
	v16 =	vld.idx.msk [tilespmem:v16+s19+$0x0], $0xffff;
	vm11 =	vgt.f32 v24, v17  }
0x55a: {  	v18 =	vld [tilespmem:s11+$0xFFFFFFB0];
	vm12 =	vgt.f32 v61, v28;
	v23 =	vsel vm11, $0x3F800000, v1  }
0x55b: {  	vm13 =	vgt.f32 v62, v22;
	vm14 =	vgt.f32 v25, v27;
	v24 =	vsel vm12, $0x3F800000, v1;
	[tilespmem:s12+$0xA0] =	vst v23;
	v23 =	vld.idx.msk [tilespmem:v19+s19+$0x0], $0xffff  }
0x55c: {  	v25 =	vor.u32 v7, v9;
	[tilespmem:s12+$0x10] =	vst v24;
	v22 =	vld.idx.msk [tilespmem:v20+s19+$0x0], $0xffff;
	v20 =	vsel vm13, $0x3F800000, v1;
	vm15 =	vgt.f32 v63, v26  }
0x55d: {  	s0 =	simm.s32 $0x8;
	s13 =	simm.s32 $0x14600;
	s14 =	simm.s32 $0xA300;
	v17 =	vor.u32 v4, v12;
	v24 =	vsel vm14, $0x3F800000, v1;
	v19 =	vld [tilespmem:s11+$0x20];
	[tilespmem:s9+$0xFFFFFFD0] =	vst v20;
	v26 =	vsel vm15, $0x3F800000, v1  }
.LBB2_22:
0x55e: {  	s7 =	sadd.s32 $0x1, s0  }
0x55f: {  	v20 =	vmov s0;
	v27 =	vld [tilespmem:s11+$0xB0];
	s14 =	sadd.s32 $0x200, s14;
	s23 =	smov.u32 s0;
	s18 =	sadd.s32 $0x4, s0  }
0x560: {  	p0 =	slt.u32 s0, $0x9C;
	v28 =	vand.u32 $0xFFFFFFFC, v20;
	v29 =	vmov s7;
	s7 =	sadd.s32 $0x2, s23;
	s23 =	sadd.s32 $0x3, s23;
	v20 =	vld [tilespmem:s14+$0x80];
	[tilespmem:s9+$0x50] =	vst v26  }
0x561: {  	v26 =	vbroadcast v28, $0x0;
	v28 =	vand.u32 $0xFFFFFFFD, v29;
	v29 =	vor.u32 v7, v11;
	v25 =	vld.idx.msk [tilespmem:v25+s19+$0x0], $0xffff  }
0x562: {  	v30 =	vmov s7;
	vm0 =	vgt.f32 v21, v23;
	v28 =	vbroadcast v28, $0x0;
	v21 =	vld [tilespmem:s10+$0xFFFFFFE0]  }
0x563: {  	v23 =	vand.u32 $0xFFFFFFFE, v30;
	[tilespmem:s12+$0xFFFFFF20] =	vst v24;
	v24 =	vsel vm0, $0x3F800000, v1;
	v30 =	vld [tilespmem:s10+$0x60]  }
0x564: {  	v17 =	vld.idx.msk [tilespmem:v17+s19+$0x0], $0xffff;
	vm0 =	vgt.f32 v27, v22;
	[tilespmem:s9+$0xFFFFFF50] =	vst v24  }
0x565: {  	v27 =	vor.u32 v5, v14;
	v22 =	vld [tilespmem:s11+$0xFFFFFF30];
	v24 =	vsel vm0, $0x3F800000, v1  }
0x566: {  	v31 =	vor.u32 v7, v10;
	[tilespmem:s12+$0xB0] =	vst v24;
	v24 =	vld [tilespmem:s10+$0xFFFFFF60]  }
0x567: {  	v32 =	vor.u32 v4, v13;
	v29 =	vld.idx.msk [tilespmem:v29+s19+$0x0], $0xffff  }
0x568: {  	v28 =	vld.idx.msk [tilespmem:v28+s24+$0x0], $0xffff;
	vm0 =	vgt.f32 v30, v25  }
0x569: {  	v30 =	vor.u32 v5, v12;
	v25 =	vld.idx.msk [tilespmem:v26+s24+$0x0], $0xffff;
	v26 =	vmov s23;
	v33 =	vsel vm0, $0x3F800000, v1  }
0x56a: {  	v23 =	vbroadcast v23, $0x0;
	vm0 =	vgt.f32 v22, v17;
	v22 =	vld.idx.msk [tilespmem:v27+s19+$0x0], $0xffff;
	[tilespmem:s9+$0x60] =	vst v33  }
0x56b: {  	v17 =	vsel vm0, $0x3F800000, v1;
	v27 =	vld.idx.msk [tilespmem:v31+s19+$0x0], $0xffff  }
0x56c: {  	[tilespmem:s12+$0xFFFFFF30] =	vst v17;
	v31 =	vld.idx.msk [tilespmem:v32+s19+$0x0], $0xffff;
	v32 =	vor.u32 v8, v11;
	v11 =	vmov v12  }
0x56d: {  	vm0 =	vgt.f32 v24, v29;
	v33 =	vld [tilespmem:s11+$0xFFFFFF40]  }
0x56e: {  	v17 =	vsel vm0, $0x3F800000, v1;
	v24 =	vld.idx.msk [tilespmem:v30+s19+$0x0], $0xffff  }
0x56f: {  	v12 =	vshll.u32 v25, $0x7;
	v25 =	vld.idx.msk [tilespmem:v26+s24+$0x0], $0xffff;
	[tilespmem:s9+$0xFFFFFF60] =	vst v17;
	v26 =	vor.u32 v8, v10;
	v10 =	vmov v13  }
0x570: {  	v17 =	vor.u32 v4, v12;
	v29 =	vld [tilespmem:s10+$0xFFFFFF70]  }
0x571: {  	v30 =	vor.u32 v0, v12;
	vm0 =	vgt.f32 v21, v27;
	v32 =	vld.idx.msk [tilespmem:v32+s19+$0x0], $0xffff  }
0x572: {  	vm1 =	vgt.f32 v18, v31;
	v18 =	vor.u32 v3, v15;
	v21 =	vsel vm0, $0x3F800000, v1;
	v27 =	vld [tilespmem:s10+$0xF0]  }
0x573: {  	v13 =	vshll.u32 v28, $0x7;
	v28 =	vsel vm1, $0x3F800000, v1;
	v31 =	vld [tilespmem:s11+$0xC0];
	[tilespmem:s9+$0xFFFFFFE0] =	vst v21;
	v21 =	vor.u32 v8, v9;
	v9 =	vmovc v15  }
0x574: {  	v15 =	vor.u32 v0, v13;
	vm0 =	vgt.f32 v33, v24;
	[tilespmem:s12+$0xFFFFFFB0] =	vst v28;
	v24 =	vld.idx.msk [tilespmem:v26+s19+$0x0], $0xffff  }
0x575: {  	v26 =	vsel vm0, $0x3F800000, v1;
	v28 =	vld [tilespmem:s10+$0xFFFFFFF0]  }
0x576: {  	[tilespmem:s12+$0xFFFFFF40] =	vst v26;
	v26 =	vld [tilespmem:s10+$0x70];
	s10 =	smov.u32 s11;
	s11 =	smov.u32 s14  }
0x577: {  	v18 =	vld.idx.msk [tilespmem:v18+s19+$0x0], $0xffff;
	vm0 =	vgt.f32 v27, v16  }
0x578: {  	v27 =	vld [tilespmem:s14+$0xFFFFFF00];
	vm1 =	vgt.f32 v31, v22;
	v22 =	vsel vm0, $0x3F800000, v1  }
0x579: {  	v16 =	vshll.u32 v25, $0x7;
	v30 =	vld.idx.msk [tilespmem:v30+s19+$0x0], $0xffff;
	v25 =	vsel vm1, $0x3F800000, v1;
	[tilespmem:s9+$0xF0] =	vst v22  }
0x57a: {  	s12 =	sadd.s32 $0x200, s12;
	vm0 =	vgt.f32 v29, v32;
	v22 =	vor.u32 v0, v16;
	[tilespmem:s13+$0xC0] =	vst v25;
	v21 =	vld.idx.msk [tilespmem:v21+s19+$0x0], $0xffff  }
0x57b: {  	v29 =	vsel vm0, $0x3F800000, v1;
	v25 =	vor.u32 v6, v14;
	vm0 =	vgt.f32 v28, v24;
	v23 =	vld.idx.msk [tilespmem:v23+s24+$0x0], $0xffff  }
0x57c: {  	v28 =	vor.u32 v5, v10;
	v24 =	vld.idx.msk [tilespmem:v15+s19+$0x0], $0xffff;
	[tilespmem:s9+$0xFFFFFF70] =	vst v29;
	v15 =	vsel vm0, $0x3F800000, v1  }
0x57d: {  	vm0 =	vgt.f32 v19, v18;
	v29 =	vld [tilespmem:s14+$0x0];
	[tilespmem:s9+$0xFFFFFFF0] =	vst v15  }
0x57e: {  	v32 =	vor.u32 v4, v9;
	v19 =	vor.u32 v2, v13;
	v31 =	vsel vm0, $0x3F800000, v1;
	v18 =	vld [tilespmem:s14+$0xFFFFFF80]  }
0x57f: {  	v22 =	vld.idx.msk [tilespmem:v22+s19+$0x0], $0xffff  }
0x580: {  	vm0 =	vgt.f32 v27, v30;
	vm1 =	vgt.f32 v26, v21;
	v25 =	vld.idx.msk [tilespmem:v25+s19+$0x0], $0xffff  }
0x581: {  	v21 =	vsel vm0, $0x3F800000, v1;
	v15 =	vshll.u32 v23, $0x7;
	v26 =	vsel vm1, $0x3F800000, v1;
	v23 =	vld.idx.msk [tilespmem:v28+s19+$0x0], $0xffff;
	[tilespmem:s13+$0x20] =	vst v31  }
0x582: {  	v27 =	vld [tilespmem:s10+$0xFFFFFFC0];
	[tilespmem:s9+$0x70] =	vst v26;
	s9 =	smov.u32 s13;
	s13 =	smov.u32 s12  }
0x583: {  	vm0 =	vgt.f32 v18, v24;
	v18 =	vor.u32 v2, v16;
	v24 =	vld.idx.msk [tilespmem:v32+s19+$0x0], $0xffff  }
0x584: {  	v26 =	vor.u32 v2, v12;
	v28 =	vsel vm0, $0x3F800000, v1;
	v30 =	vld [tilespmem:s10+$0x30]  }
0x585: {  	vm0 =	vgt.f32 v20, v22;
	[tilespmem:s12+$0xFFFFFF80] =	vst v28;
	v20 =	vld [tilespmem:s10+$0xD0]  }
0x586: {  	v28 =	vsel vm0, $0x3F800000, v1;
	v22 =	vld [tilespmem:s14+$0xFFFFFF90]  }
0x587: {  	v19 =	vld.idx.msk [tilespmem:v19+s19+$0x0], $0xffff;
	[tilespmem:s12+$0x80] =	vst v28;
	vm0 =	vgt.f32 v27, v23;
	v23 =	vor.u32 v6, v10  }
0x588: {  	v27 =	vor.u32 v7, v14;
	[tilespmem:s12+$0xFFFFFF00] =	vst v21;
	v18 =	vld.idx.msk [tilespmem:v18+s19+$0x0], $0xffff;
	v21 =	vsel vm0, $0x3F800000, v1  }
0x589: {  	v28 =	vor.u32 v0, v15;
	v26 =	vld.idx.msk [tilespmem:v26+s19+$0x0], $0xffff;
	[tilespmem:s9+$0xFFFFFFC0] =	vst v21;
	vm0 =	vgt.f32 v30, v24  }
0x58a: {  	v30 =	vor.u32 v5, v9;
	v21 =	vld [tilespmem:s14+$0xFFFFFF10];
	v24 =	vsel vm0, $0x3F800000, v1;
	vm0 =	vgt.f32 v20, v25  }
0x58b: {  	v20 =	vor.u32 v3, v13;
	v25 =	vld [tilespmem:s14+$0x90];
	[tilespmem:s9+$0x30] =	vst v24;
	v24 =	vsel vm0, $0x3F800000, v1  }
0x58c: {  	v31 =	vld.idx.msk [tilespmem:v23+s19+$0x0], $0xffff;
	[tilespmem:s9+$0xD0] =	vst v24  }
0x58d: {  	vm0 =	vgt.f32 v22, v19;
	v19 =	vld.idx.msk [tilespmem:v27+s19+$0x0], $0xffff  }
0x58e: {  	v24 =	vor.u32 v3, v16;
	v22 =	vsel vm0, $0x3F800000, v1;
	v23 =	vld.idx.msk [tilespmem:v28+s19+$0x0], $0xffff  }
0x58f: {  	vm0 =	vgt.f32 v21, v26;
	v21 =	vld.idx.msk [tilespmem:v30+s19+$0x0], $0xffff  }
0x590: {  	v26 =	vor.u32 v3, v12;
	vm1 =	vgt.f32 v25, v18;
	v18 =	vld [tilespmem:s10+$0x40]  }
0x591: {  	[tilespmem:s12+$0xFFFFFF90] =	vst v22;
	v22 =	vsel vm1, $0x3F800000, v1;
	v25 =	vld [tilespmem:s10+$0xE0]  }
0x592: {  	v27 =	vor.u32 v2, v15;
	v20 =	vld.idx.msk [tilespmem:v20+s19+$0x0], $0xffff;
	[tilespmem:s12+$0x90] =	vst v22  }
0x593: {  	v22 =	vsel vm0, $0x3F800000, v1;
	v28 =	vld [tilespmem:s14+$0xFFFFFFA0]  }
0x594: {  	vm0 =	vgt.f32 v29, v23;
	v23 =	vor.u32 v6, v9;
	[tilespmem:s12+$0xFFFFFF10] =	vst v22;
	v22 =	vld [tilespmem:s14+$0xA0]  }
0x595: {  	v29 =	vsel vm0, $0x3F800000, v1;
	v26 =	vld.idx.msk [tilespmem:v26+s19+$0x0], $0xffff;
	vm0 =	vgt.f32 v18, v21  }
0x596: {  	[tilespmem:s12+$0x0] =	vst v29;
	v18 =	vld.idx.msk [tilespmem:v24+s19+$0x0], $0xffff;
	v21 =	vsel vm0, $0x3F800000, v1;
	vm0 =	vgt.f32 v25, v19  }
0x597: {  	v19 =	vld.idx.msk [tilespmem:v27+s19+$0x0], $0xffff;
	v27 =	vor.u32 v4, v16;
	[tilespmem:s9+$0x40] =	vst v21;
	v21 =	vsel vm0, $0x3F800000, v1  }
0x598: {  	vm0 =	vgt.f32 v28, v20;
	v20 =	vld [tilespmem:s14+$0x10];
	[tilespmem:s9+$0xE0] =	vst v21  }
0x599: {  	v21 =	vsel vm0, $0x3F800000, v1;
	v28 =	vld.idx.msk [tilespmem:v23+s19+$0x0], $0xffff;
	v23 =	vor.u32 v8, v14;
	v14 =	vmov v16  }
0x59a: {  	v24 =	vld [tilespmem:s14+$0xFFFFFF20];
	[tilespmem:s12+$0xFFFFFFA0] =	vst v21  }
0x59b: {  	v25 =	vor.u32 v6, v11;
	v29 =	vld [tilespmem:s10+$0xFFFFFFD0]  }
0x59c: {  	vm0 =	vgt.f32 v22, v18;
	v30 =	vld [tilespmem:s10+$0x50]  }
0x59d: {  	v18 =	vld [tilespmem:s14+$0xFFFFFFB0];
	vm1 =	vgt.f32 v20, v19;
	v19 =	vsel vm0, $0x3F800000, v1  }
.Ltmp14:
0x59e: {  	v20 =	vsel vm1, $0x3F800000, v1;
	v16 =	vld.idx.msk [tilespmem:v23+s19+$0x0], $0xffff;
	(pc) =	sbr.rel @p0 .LBB2_22-.Ltmp14, $4  }
0x59f: {  	vm0 =	vgt.f32 v24, v26;
	v21 =	vld [tilespmem:s10+$0xFFFFFF50]  }
0x5a0: {  	v24 =	vsel vm0, $0x3F800000, v1;
	[tilespmem:s12+$0xA0] =	vst v19;
	v23 =	vld.idx.msk [tilespmem:v25+s19+$0x0], $0xffff;
	vm0 =	vgt.f32 v29, v31;
	v25 =	vor.u32 v7, v9  }
0x5a1: {  	[tilespmem:s12+$0x10] =	vst v20;
	v22 =	vld.idx.msk [tilespmem:v27+s19+$0x0], $0xffff;
	v20 =	vsel vm0, $0x3F800000, v1;
	vm0 =	vgt.f32 v30, v28  }
0x5a2: {  	s0 =	smov.u32 s18;
	v19 =	vld [tilespmem:s14+$0x20];
	[tilespmem:s9+$0xFFFFFFD0] =	vst v20;
	v26 =	vsel vm0, $0x3F800000, v1  }
0x5a3: {  	_ =	sdelay $0x1  }
0x5a4: {  	v20 =	vld [tilespmem:s11+$0xB0]  }
0x5a5: {  	[tilespmem:s9+$0x50] =	vst v26;
	v35 =	vor.u32 v3, v15;
	v27 =	vld [tilespmem:s10+$0xFFFFFFE0]  }
0x5a6: {  	[tilespmem:s12+$0xFFFFFF20] =	vst v24;
	v25 =	vld.idx.msk [tilespmem:v25+s19+$0x0], $0xffff  }
0x5a7: {  	v36 =	vor.u32 v7, v11;
	v17 =	vld.idx.msk [tilespmem:v17+s19+$0x0], $0xffff  }
0x5a8: {  	v30 =	vor.u32 v7, v10;
	v37 =	vld [tilespmem:s11+$0xFFFFFF30];
	vm0 =	vgt.f32 v21, v23  }
0x5a9: {  	v39 =	vor.u32 v4, v13;
	v29 =	vld [tilespmem:s10+$0x60];
	v28 =	vsel vm0, $0x3F800000, v1  }
0x5aa: {  	v38 =	vor.u32 v5, v14;
	[tilespmem:s9+$0xFFFFFF50] =	vst v28;
	v40 =	vld.idx.msk [tilespmem:v35+s19+$0x0], $0xffff  }
0x5ab: {  	v28 =	vld [tilespmem:s10+$0xFFFFFF60]  }
0x5ac: {  	vm13 =	vgt.f32 v20, v22;
	v24 =	vld.idx.msk [tilespmem:v36+s19+$0x0], $0xffff  }
0x5ad: {  	v44 =	vor.u32 v4, v15;
	v30 =	vld.idx.msk [tilespmem:v30+s19+$0x0], $0xffff;
	v41 =	vsel vm13, $0x3F800000, v1  }
0x5ae: {  	v20 =	vld.idx.msk [tilespmem:v39+s19+$0x0], $0xffff;
	vm14 =	vgt.f32 v37, v17;
	[tilespmem:s12+$0xB0] =	vst v41  }
0x5af: {  	v42 =	vor.u32 v5, v12;
	v45 =	vsel vm14, $0x3F800000, v1;
	v43 =	vld.idx.msk [tilespmem:v38+s19+$0x0], $0xffff;
	vm15 =	vgt.f32 v19, v40  }
0x5b0: {  	[tilespmem:s12+$0xFFFFFF30] =	vst v45;
	v50 =	vld [tilespmem:s11+$0xC0];
	v22 =	vsel vm15, $0x3F800000, v1  }
0x5b1: {  	v9 =	vor.u32 v8, v9;
	v46 =	vld [tilespmem:s11+$0xFFFFFF40];
	[tilespmem:s13+$0x20] =	vst v22  }
0x5b2: {  	v21 =	vld.idx.msk [tilespmem:v44+s19+$0x0], $0xffff  }
0x5b3: {  	v11 =	vor.u32 v8, v11;
	vm13 =	vgt.f32 v29, v25;
	v48 =	vld [tilespmem:s11+$0x30]  }
0x5b4: {  	v49 =	vor.u32 v5, v13;
	v45 =	vsel vm13, $0x3F800000, v1;
	v23 =	vld.idx.msk [tilespmem:v42+s19+$0x0], $0xffff;
	vm4 =	vgt.f32 v28, v24  }
0x5b5: {  	[tilespmem:s9+$0x60] =	vst v45;
	vm1 =	vgt.f32 v18, v20;
	v18 =	vld [tilespmem:s10+$0xF0];
	v47 =	vsel vm4, $0x3F800000, v1  }
0x5b6: {  	v52 =	vor.u32 v5, v15;
	v9 =	vld.idx.msk [tilespmem:v9+s19+$0x0], $0xffff;
	[tilespmem:s9+$0xFFFFFF60] =	vst v47  }
0x5b7: {  	v53 =	vsel vm1, $0x3F800000, v1;
	v24 =	vld [tilespmem:s10+$0xFFFFFF70]  }
0x5b8: {  	v10 =	vor.u32 v8, v10;
	[tilespmem:s12+$0xFFFFFFB0] =	vst v53;
	v11 =	vld.idx.msk [tilespmem:v11+s19+$0x0], $0xffff;
	vm6 =	vgt.f32 v48, v21  }
0x5b9: {  	v54 =	vor.u32 v6, v14;
	v55 =	vld.idx.msk [tilespmem:v49+s19+$0x0], $0xffff;
	v22 =	vsel vm6, $0x3F800000, v1  }
0x5ba: {  	vm5 =	vgt.f32 v27, v30;
	v56 =	vld [tilespmem:s11+$0xFFFFFFC0];
	[tilespmem:s13+$0x30] =	vst v22  }
0x5bb: {  	v51 =	vsel vm5, $0x3F800000, v1;
	vm7 =	vgt.f32 v50, v43;
	v20 =	vld.idx.msk [tilespmem:v52+s19+$0x0], $0xffff  }
0x5bc: {  	v58 =	vor.u32 v6, v12;
	[tilespmem:s9+$0xFFFFFFE0] =	vst v51;
	v57 =	vsel vm7, $0x3F800000, v1;
	v59 =	vld [tilespmem:s11+$0x40]  }
0x5bd: {  	v62 =	vor.u32 v6, v13;
	v10 =	vld.idx.msk [tilespmem:v10+s19+$0x0], $0xffff;
	vm8 =	vgt.f32 v46, v23;
	[tilespmem:s13+$0xC0] =	vst v57  }
0x5be: {  	v60 =	vsel vm8, $0x3F800000, v1;
	v61 =	vld.idx.msk [tilespmem:v54+s19+$0x0], $0xffff  }
0x5bf: {  	v32 =	vor.u32 v6, v15;
	[tilespmem:s12+$0xFFFFFF40] =	vst v60;
	v63 =	vld [tilespmem:s11+$0xD0];
	vm9 =	vgt.f32 v56, v55  }
0x5c0: {  	v33 =	vld [tilespmem:s11+$0xFFFFFF50];
	v34 =	vsel vm9, $0x3F800000, v1  }
0x5c1: {  	v26 =	vld.idx.msk [tilespmem:v58+s19+$0x0], $0xffff;
	[tilespmem:s13+$0xFFFFFFC0] =	vst v34;
	vm10 =	vgt.f32 v59, v20  }
0x5c2: {  	v36 =	vor.u32 v7, v14;
	v37 =	vld.idx.msk [tilespmem:v62+s19+$0x0], $0xffff;
	v38 =	vsel vm10, $0x3F800000, v1  }
0x5c3: {  	v39 =	vld [tilespmem:s11+$0xFFFFFFD0];
	[tilespmem:s13+$0x40] =	vst v38  }
0x5c4: {  	vm11 =	vgt.f32 v63, v61;
	v17 =	vld.idx.msk [tilespmem:v32+s19+$0x0], $0xffff  }
0x5c5: {  	v40 =	vor.u32 v7, v12;
	v23 =	vsel vm11, $0x3F800000, v1;
	v41 =	vld [tilespmem:s11+$0x50]  }
0x5c6: {  	v35 =	vld [tilespmem:s10+$0xFFFFFFF0];
	vm12 =	vgt.f32 v33, v26;
	[tilespmem:s13+$0xD0] =	vst v23  }
0x5c7: {  	v44 =	vor.u32 v7, v13;
	v42 =	vsel vm12, $0x3F800000, v1;
	v19 =	vld.idx.msk [tilespmem:v36+s19+$0x0], $0xffff  }
0x5c8: {  	v46 =	vor.u32 v7, v15;
	v43 =	vld [tilespmem:s11+$0xE0];
	[tilespmem:s13+$0xFFFFFF50] =	vst v42;
	vm14 =	vgt.f32 v39, v37  }
0x5c9: {  	v47 =	vld [tilespmem:s11+$0xFFFFFF60];
	v48 =	vsel vm14, $0x3F800000, v1  }
0x5ca: {  	v27 =	vld.idx.msk [tilespmem:v40+s19+$0x0], $0xffff;
	[tilespmem:s13+$0xFFFFFFD0] =	vst v48;
	vm15 =	vgt.f32 v41, v17  }
0x5cb: {  	v50 =	vor.u32 v8, v14;
	v26 =	vld [tilespmem:s11+$0xFFFFFFE0];
	v21 =	vsel vm15, $0x3F800000, v1  }
0x5cc: {  	v51 =	vld.idx.msk [tilespmem:v44+s19+$0x0], $0xffff;
	[tilespmem:s13+$0x50] =	vst v21  }
0x5cd: {  	vm4 =	vgt.f32 v43, v19;
	v52 =	vld.idx.msk [tilespmem:v46+s19+$0x0], $0xffff  }
0x5ce: {  	v53 =	vor.u32 v8, v12;
	v54 =	vsel vm4, $0x3F800000, v1;
	v55 =	vld [tilespmem:s11+$0x60]  }
0x5cf: {  	v49 =	vld [tilespmem:s10+$0x70];
	v57 =	vor.u32 v8, v13;
	vm5 =	vgt.f32 v47, v27;
	[tilespmem:s13+$0xE0] =	vst v54  }
0x5d0: {  	v56 =	vsel vm5, $0x3F800000, v1;
	v14 =	vld.idx.msk [tilespmem:v50+s19+$0x0], $0xffff  }
0x5d1: {  	[tilespmem:s13+$0xFFFFFF60] =	vst v56;
	v59 =	vld [tilespmem:s11+$0xF0];
	vm6 =	vgt.f32 v26, v51  }
0x5d2: {  	v58 =	vor.u32 v8, v15;
	v20 =	vld [tilespmem:s11+$0xFFFFFF70];
	v21 =	vsel vm6, $0x3F800000, v1  }
0x5d3: {  	v12 =	vld.idx.msk [tilespmem:v53+s19+$0x0], $0xffff;
	[tilespmem:s13+$0xFFFFFFE0] =	vst v21;
	vm7 =	vgt.f32 v55, v52  }
0x5d4: {  	v13 =	vld.idx.msk [tilespmem:v57+s19+$0x0], $0xffff;
	v60 =	vsel vm7, $0x3F800000, v1  }
0x5d5: {  	vm8 =	vgt.f32 v18, v16;
	v61 =	vld [tilespmem:s11+$0xFFFFFFF0];
	[tilespmem:s13+$0x60] =	vst v60  }
0x5d6: {  	v18 =	vsel vm8, $0x3F800000, v1;
	vm9 =	vgt.f32 v24, v11;
	v11 =	vld [tilespmem:s11+$0x70]  }
0x5d7: {  	[tilespmem:s9+$0xF0] =	vst v18;
	v62 =	vsel vm9, $0x3F800000, v1;
	vm11 =	vgt.f32 v49, v9;
	vm10 =	vgt.f32 v35, v10;
	v10 =	vld.idx.msk [tilespmem:v58+s19+$0x0], $0xffff  }
0x5d8: {  	[tilespmem:s9+$0xFFFFFF70] =	vst v62;
	v9 =	vsel vm11, $0x3F800000, v1  }
0x5d9: {  	[tilespmem:s9+$0x70] =	vst v9;
	v63 =	vsel vm10, $0x3F800000, v1;
	vm12 =	vgt.f32 v59, v14  }
0x5da: {  	[tilespmem:s9+$0xFFFFFFF0] =	vst v63;
	v9 =	vsel vm12, $0x3F800000, v1;
	vm13 =	vgt.f32 v20, v12  }
0x5db: {  	p0 =	sgt.u32 s8, $0x210;
	[tilespmem:s13+$0xF0] =	vst v9;
	v9 =	vsel vm13, $0x3F800000, v1;
	vm14 =	vgt.f32 v61, v13  }
0x5dc: {  	s0 =	smul.u32 $0xA00, s8;
	s7 =	sadd.s32 @!p0 $0x60, s8;
	[tilespmem:s13+$0xFFFFFF70] =	vst v9;
	v9 =	vsel vm14, $0x3F800000, v1;
	vm15 =	vgt.f32 v11, v10  }
0x5dd: {  	s8 =	smul.u32 @!p0 $0xA00, s7;
	[tilespmem:s13+$0xFFFFFFF0] =	vst v9;
	v9 =	vsel vm15, $0x3F800000, v1  }
0x5de: {  	s30 =	simm.s32 $0x14300;
	s0 =	sadd.s32 s4, s0;
	s7 =	smul.u32 @!p0 $0x14, s7;
	[tilespmem:s13+$0x70] =	vst v9  }
0x5df: {  	[hbm4b:s0+s6] =	stream.linear.scatter [tilespmem:s30], [sflag:$0x5], $0x5000, $0x38;
	[tilespmem:$0x19F00] =	vst v63  }
.Ltmp15:
0x5e0: {  	_ = 	snop;
	(pc) =	sbr.rel .LBB2_24-.Ltmp15, $4  }
0x5e1: {  	s9 =	simm.s32 @!p0 $0xA000;
	s0 =	sadd.s32 @!p0 s1, s8;
	s8 =	simm.s32 @!p0 $0x0  }
0x5e2: {  	[tilespmem:s9], [sflag:$0x3] =	stream.linear.gather @!p0 [hbm4b:s0+s8], $0x5000, $0x38;
	[tilespmem:$0x19F00] =	vst v63  }
0x5e3: {  	s0 =	sadd.s32 @!p0 s2, s7;
	s7 =	simm.s32 @!p0 $0xF200  }
0x5e4: {  	[tilespmem:s7], [sflag:$0x3] =	stream.linear.gather @!p0 [hbm4b:s0+s8], $0xA0, $0x38;
	[tilespmem:$0x19F00] =	vst v63  }
.LBB2_26:
0x5e5: {  	_ =	sfence.sel $0x180000  }
0x5e6: {  	[bflag:$0x0] =	sbarrier.arrive $0xFFFF  }
0x5e7: {  	_ =	strace $0x90000047  }
0x5e8: {  	s0 =	stileid.u32;
	[bflag:$0x2] =	sbarrier.arrive $0xFFFF  }
0x5e9: {  	p0 =	sne.s32 s0, $0x0;
	s0 =	rddreg [dreg:$0x4]  }
0x5ea: {  	s0 =	sadd.s32 @!p0 $0x100000, s0  }
0x5eb: {  	[sflag:s0] =	ssyncadd.tile.s32 @!p0 $0x1;
	_ =	shalt  }
.Lfunc_end2:
_tile_overlayer_lowered:
.L_overlay_start_2:
0x5ec: {  	(tag) =	ssettag $0x2  }
0x5ed: {  	s0 =	rddreg [dreg:$0x0];
	s2 =	stileid.u32  }
0x5ee: {  	s1 =	rddreg [dreg:$0x1];
	p0 =	sne.s32 s2, $0x0  }
0x5ef: {  	s3 =	rddreg [dreg:$0x2];
	[bflag:$0x3] =	sbarrier.arrive $0xFFFF;
	s2 =	simm.s32 @!p0 $0x1C07  }
0x5f0: {  	[timem:s3], [sflag:s2] =	dma.local @!p0 [hbm:s0], s1  }
0x5f1: {  	s0 =	simm.s32 @!p0 $0x7  }
0x5f2: {  	_ =	swait.ge @!p0 [sflag:s0], s1  }
0x5f3: {  	s1 =	ssub.s32 @!p0 $0x0, s1;
	[sflag:s0] =	ssyncset.done @!p0 $0x0  }
0x5f4: {  	[sflag:s0] =	ssyncadd.s32 @!p0 s1  }
0x5f5: {  	[bflag:$0x3] =	sbarrier.arrive $0xFFFF  }
0x5f6: {  	_ =	shalt  }

</sc_bundles>
